<compile_context>
chip_gen: v7x
topology: tpu7x:2x2x1
jax: 0.10.2.dev20260603
libtpu: 0.0.44.dev20260713+nightly
codegen_flags: <defaults>
</compile_context>

<pallas_src>
import math

import jax
import jax.numpy as jnp
from jax import lax
from jax.experimental import pallas as pl
from jax.experimental.pallas import tpu as pltpu
from jax.experimental.pallas import tpu_sc as plsc

_S = 8
_B = 256
_N = 16384
_BLOCK_N = 1024
_N_SC = 1024
_N_TC = _N - _N_SC
_NW = 32
_RW = _N_SC // _NW
_LN2 = 0.6931471805599453
_LOG1P = (2.2117031200142952e-05, 0.9990104466294587, -0.4891568472023034,
          0.2833043245174043, -0.130119415391255, 0.03010262501166993)


def _tc_body(bin_ref, h_ref, out_ref):
    bn = h_ref.shape[1]
    acc = jnp.zeros((bn,), jnp.float32)
    col = jax.lax.broadcasted_iota(jnp.int32, (bn, _B), 1)
    ones = jnp.ones((_B, 1), jnp.float32)
    for s in range(_S):
        x = h_ref[s]
        e = jnp.exp(jnp.minimum(x, 80.0))
        se = jax.lax.dot_general(
            e, ones, (((1,), (0,)), ((), ())),
            preferred_element_type=jnp.float32,
        )
        lse = jnp.log(se[:, 0])
        idx = bin_ref[s]
        mx = jnp.where(col == idx[:, None], x, 0.0)
        sel = jax.lax.dot_general(
            mx, ones, (((1,), (0,)), ((), ())),
            preferred_element_type=jnp.float32,
        )[:, 0]
        acc = acc + sel - lse
    out_ref[...] = acc + _S * math.log(_B)


def _vlog(y):
    bits = plsc.bitcast(y, jnp.int32)
    ex = ((bits >> 23) & 0xFF) - 127
    m = plsc.bitcast((bits & 0x7FFFFF) | 0x3F800000, jnp.float32)
    t = m - 1.0
    p = jnp.full((16,), _LOG1P[-1], jnp.float32)
    for c in _LOG1P[-2::-1]:
        p = p * t + c
    return ex.astype(jnp.float32) * _LN2 + p


def _sc_kern(bin_hbm, h_hbm, out_hbm, xa, xb, binv, outv, sema, semb):
    wid = lax.axis_index("s") * 2 + lax.axis_index("c")
    base = wid * _RW
    hbase = _N_TC + base
    pltpu.sync_copy(bin_hbm.at[wid], binv)
    bufs = (xa, xb)
    sems = (sema, semb)
    iota = lax.iota(jnp.int32, 16)
    ngroups = _RW // 16
    copies = [pltpu.async_copy(h_hbm.at[0, pl.ds(hbase, _RW), :], xa, sema)]
    for s in range(_S):
        buf = bufs[s % 2]
        if s + 1 < _S:
            copies.append(pltpu.async_copy(
                h_hbm.at[s + 1, pl.ds(hbase, _RW), :],
                bufs[(s + 1) % 2], sems[(s + 1) % 2]))
        copies[s].wait()

        def colstep(i, accs, buf=buf):
            accs = list(accs)
            cvec = (iota + i) & (_B - 1)
            for g in range(ngroups):
                v = plsc.load_gather(buf, [iota + g * 16, cvec])
                accs[g] = accs[g] + jnp.exp(jnp.minimum(v, 80.0))
            return tuple(accs)

        accs = plsc.parallel_loop(
            0, _B, 1, unroll=8,
            carry=tuple(jnp.zeros((16,), jnp.float32) for _ in range(ngroups)),
        )(colstep)
        for g in range(ngroups):
            lsev = _vlog(accs[g])
            binvec = binv[s, pl.ds(g * 16, 16)]
            selv = plsc.load_gather(buf, [iota + g * 16, binvec])
            sl = pl.ds(g * 16, 16)
            if s == 0:
                outv[sl] = selv - lsev + _S * math.log(_B)
            else:
                outv[sl] = outv[sl] + selv - lsev
    pltpu.sync_copy(outv, out_hbm.at[pl.ds(base, _RW)])


def _sc_call(bin_sc, h):
    mesh = plsc.VectorSubcoreMesh(core_axis_name="c", subcore_axis_name="s")
    return pl.kernel(
        _sc_kern,
        mesh=mesh,
        compiler_params=pltpu.CompilerParams(needs_layout_passes=False),
        out_type=jax.ShapeDtypeStruct((_N_SC,), jnp.float32),
        scratch_types=[
            pltpu.VMEM((_RW, _B), jnp.float32),
            pltpu.VMEM((_RW, _B), jnp.float32),
            pltpu.VMEM((_S, _RW), jnp.int32),
            pltpu.VMEM((_RW,), jnp.float32),
            pltpu.SemaphoreType.DMA,
            pltpu.SemaphoreType.DMA,
        ],
    )(bin_sc, h)


def kernel(bin_ixs, unnormalized_heights):
    bin_i = bin_ixs.astype(jnp.int32)
    bin_t = jnp.transpose(bin_i)
    bin_sc = bin_t[:, _N_TC:].reshape(_S, _NW, _RW).transpose(1, 0, 2)
    out_sc = _sc_call(bin_sc, unnormalized_heights)
    out_tc = pl.pallas_call(
        _tc_body,
        grid=(_N_TC // _BLOCK_N,),
        in_specs=[
            pl.BlockSpec((_S, _BLOCK_N), lambda i: (0, i)),
            pl.BlockSpec((_S, _BLOCK_N, _B), lambda i: (0, i, 0)),
        ],
        out_specs=pl.BlockSpec((_BLOCK_N,), lambda i: (i,)),
        out_shape=jax.ShapeDtypeStruct((_N_TC,), jnp.float32),
    )(bin_t[:, :_N_TC], unnormalized_heights)
    return jnp.concatenate([out_tc, out_sc])

# --- scband reference (transcript-rebuilt; emitter-appended) ---
"""Pipeline reference for scband-window-stack-36292473651620 (READ-ONLY COPY).

The authoritative reference and input builder live on the scoring server;
editing this copy changes nothing except your own understanding.
"""

import jax, jax.numpy as jnp
import numpy as np
import math

N = 16384
S = 8
B = 256

def setup_inputs(seed: int = 0) -> dict:
    key = jax.random.key(seed)
    k1, k2 = jax.random.split(key)
    bin_ixs = jax.random.randint(k1, (N, S), 0, B, dtype=jnp.int64)
    unnormalized_heights = jax.random.normal(k2, (S, N, B), dtype=jnp.float32)
    return {"bin_ixs": bin_ixs, "unnormalized_heights": unnormalized_heights}

def reference(bin_ixs, unnormalized_heights):
    # torch: for each scale i, log_softmax(heights_i, dim=1) + log(num_bins), then gather bin_ixs[:, i]
    num_bins = unnormalized_heights.shape[2]
    heights = jax.nn.log_softmax(unnormalized_heights, axis=2) + math.log(num_bins)  # [S, N, B]
    idx = jnp.transpose(bin_ixs)[:, :, None]  # [S, N, 1]
    gathered = jnp.take_along_axis(heights, idx, axis=2)  # [S, N, 1]
    logprob = jnp.sum(gathered[:, :, 0], axis=0)  # [N]
    return logprob

if __name__ == "__main__":
    import jax
    _d = setup_inputs()
    print(jax.jit(kernel)(*tuple(_d.values())))

</pallas_src>

<mosaic_0001>
#map = affine_map<(d0, d1) -> (0, 0, 0)>
#map1 = affine_map<(d0, d1) -> (0)>
module attributes {stable_mosaic.version = 14 : i64} {
  func.func @_sc_kern(%arg0: i32, %arg1: i32, %arg2: memref<32x8x32xi32, #tpu.memory_space<hbm>>, %arg3: memref<8x16384x256xf32, #tpu.memory_space<hbm>>, %arg4: memref<1024xf32, #tpu.memory_space<hbm>>, %arg5: memref<32x256xf32, #tpu.memory_space<vmem>>, %arg6: memref<32x256xf32, #tpu.memory_space<vmem>>, %arg7: memref<8x32xi32, #tpu.memory_space<vmem>>, %arg8: memref<32xf32, #tpu.memory_space<vmem>>, %arg9: memref<!tpu.dma_semaphore, #tpu.memory_space<semaphore_mem>>, %arg10: memref<!tpu.dma_semaphore, #tpu.memory_space<semaphore_mem>>) attributes {dimension_semantics = [#tpu.dimension_semantics<core_parallel>, #tpu.dimension_semantics<subcore_parallel>], iteration_bounds = array<i64: 2, 16>, scalar_prefetch = 0 : i64, scratch_operands = 6 : i64, tpu.core_type = #tpu.core_type<sc_vector_subcore>, window_params = [{transform_indices = #map}, {transform_indices = #map}, {transform_indices = #map1}]} {
    %mul3A = arith.constant 2 : i32
    %mul3A_0 = arith.muli %arg1, %mul3A : i32
    %add3A = arith.addi %mul3A_0, %arg0 : i32
    %mul3A_1 = arith.constant 32 : i32
    %mul3A_2 = arith.muli %add3A, %mul3A_1 : i32
    %add3A_3 = arith.constant 15360 : i32
    %add3A_4 = arith.addi %add3A_3, %mul3A_2 : i32
    "tpu.region"() ({
      %run_scoped3A = tpu.sem_alloc : memref<!tpu.dma_semaphore, #tpu.memory_space<semaphore_mem>>
      %dma_start3A_1144 = arith.constant 0 : i32
      %dma_start3A_1145 = arith.constant 0 : i32
      %dma_start3A_1146 = tpu.memref_slice %arg2[%add3A, %dma_start3A_1144, %dma_start3A_1145] : memref<32x8x32xi32, #tpu.memory_space<hbm>> -> memref<1x8x32xi32, #tpu.memory_space<hbm>>
      %dma_start3A_1147 = tpu.memref_squeeze %dma_start3A_1146 : memref<1x8x32xi32, #tpu.memory_space<hbm>> -> memref<8x32xi32, #tpu.memory_space<hbm>>
      %dma_start3A_1148 = arith.constant 0 : i32
      %dma_start3A_1149 = arith.constant 0 : i32
      %dma_start3A_1150 = tpu.memref_slice %arg2[%add3A, %dma_start3A_1148, %dma_start3A_1149] : memref<32x8x32xi32, #tpu.memory_space<hbm>> -> memref<1x8x32xi32, #tpu.memory_space<hbm>>
      %dma_start3A_1151 = tpu.memref_squeeze %dma_start3A_1150 : memref<1x8x32xi32, #tpu.memory_space<hbm>> -> memref<8x32xi32, #tpu.memory_space<hbm>>
      tpu.enqueue_dma source(%dma_start3A_1151 : memref<8x32xi32, #tpu.memory_space<hbm>>) target(%arg7 : memref<8x32xi32, #tpu.memory_space<vmem>>) target_semaphore(%run_scoped3A : memref<!tpu.dma_semaphore, #tpu.memory_space<semaphore_mem>>)
      %dma_wait3A_1152 = arith.constant 0 : i32
      %dma_wait3A_1153 = arith.constant 0 : i32
      %dma_wait3A_1154 = tpu.memref_slice %arg2[%add3A, %dma_wait3A_1152, %dma_wait3A_1153] : memref<32x8x32xi32, #tpu.memory_space<hbm>> -> memref<1x8x32xi32, #tpu.memory_space<hbm>>
      %dma_wait3A_1155 = tpu.memref_squeeze %dma_wait3A_1154 : memref<1x8x32xi32, #tpu.memory_space<hbm>> -> memref<8x32xi32, #tpu.memory_space<hbm>>
      %dma_wait3A_1156 = arith.constant 0 : i32
      %dma_wait3A_1157 = arith.constant 0 : i32
      %dma_wait3A_1158 = tpu.memref_slice %arg2[%add3A, %dma_wait3A_1156, %dma_wait3A_1157] : memref<32x8x32xi32, #tpu.memory_space<hbm>> -> memref<1x8x32xi32, #tpu.memory_space<hbm>>
      %dma_wait3A_1159 = tpu.memref_squeeze %dma_wait3A_1158 : memref<1x8x32xi32, #tpu.memory_space<hbm>> -> memref<8x32xi32, #tpu.memory_space<hbm>>
      tpu.wait_dma2 semaphore(%run_scoped3A : memref<!tpu.dma_semaphore, #tpu.memory_space<semaphore_mem>>) src(%dma_wait3A_1159 : memref<8x32xi32, #tpu.memory_space<hbm>>) dst(%arg7 : memref<8x32xi32, #tpu.memory_space<vmem>>)
      tpu.yield
    }) : () -> ()
    %iota3A = tpu.iota {dimensions = array<i32: 0>} : vector<16xi32>
    %dma_start3A = arith.constant 0 : i32
    %dma_start3A_5 = arith.constant 0 : i32
    %dma_start3A_6 = tpu.memref_slice %arg3[%dma_start3A, %add3A_4, %dma_start3A_5] : memref<8x16384x256xf32, #tpu.memory_space<hbm>> -> memref<1x32x256xf32, #tpu.memory_space<hbm>>
    %dma_start3A_7 = tpu.memref_squeeze %dma_start3A_6 : memref<1x32x256xf32, #tpu.memory_space<hbm>> -> memref<32x256xf32, #tpu.memory_space<hbm>>
    %dma_start3A_8 = arith.constant 0 : i32
    %dma_start3A_9 = tpu.memref_slice %arg3[%dma_start3A, %add3A_4, %dma_start3A_8] : memref<8x16384x256xf32, #tpu.memory_space<hbm>> -> memref<1x32x256xf32, #tpu.memory_space<hbm>>
    %dma_start3A_10 = tpu.memref_squeeze %dma_start3A_9 : memref<1x32x256xf32, #tpu.memory_space<hbm>> -> memref<32x256xf32, #tpu.memory_space<hbm>>
    tpu.enqueue_dma source(%dma_start3A_10 : memref<32x256xf32, #tpu.memory_space<hbm>>) target(%arg5 : memref<32x256xf32, #tpu.memory_space<vmem>>) target_semaphore(%arg9 : memref<!tpu.dma_semaphore, #tpu.memory_space<semaphore_mem>>)
    %dma_start3A_11 = arith.constant 1 : i32
    %dma_start3A_12 = arith.constant 0 : i32
    %dma_start3A_13 = tpu.memref_slice %arg3[%dma_start3A_11, %add3A_4, %dma_start3A_12] : memref<8x16384x256xf32, #tpu.memory_space<hbm>> -> memref<1x32x256xf32, #tpu.memory_space<hbm>>
    %dma_start3A_14 = tpu.memref_squeeze %dma_start3A_13 : memref<1x32x256xf32, #tpu.memory_space<hbm>> -> memref<32x256xf32, #tpu.memory_space<hbm>>
    %dma_start3A_15 = arith.constant 0 : i32
    %dma_start3A_16 = tpu.memref_slice %arg3[%dma_start3A_11, %add3A_4, %dma_start3A_15] : memref<8x16384x256xf32, #tpu.memory_space<hbm>> -> memref<1x32x256xf32, #tpu.memory_space<hbm>>
    %dma_start3A_17 = tpu.memref_squeeze %dma_start3A_16 : memref<1x32x256xf32, #tpu.memory_space<hbm>> -> memref<32x256xf32, #tpu.memory_space<hbm>>
    tpu.enqueue_dma source(%dma_start3A_17 : memref<32x256xf32, #tpu.memory_space<hbm>>) target(%arg6 : memref<32x256xf32, #tpu.memory_space<vmem>>) target_semaphore(%arg10 : memref<!tpu.dma_semaphore, #tpu.memory_space<semaphore_mem>>)
    %dma_wait3A = arith.constant 0 : i32
    %dma_wait3A_18 = arith.constant 0 : i32
    %dma_wait3A_19 = tpu.memref_slice %arg3[%dma_wait3A, %add3A_4, %dma_wait3A_18] : memref<8x16384x256xf32, #tpu.memory_space<hbm>> -> memref<1x32x256xf32, #tpu.memory_space<hbm>>
    %dma_wait3A_20 = tpu.memref_squeeze %dma_wait3A_19 : memref<1x32x256xf32, #tpu.memory_space<hbm>> -> memref<32x256xf32, #tpu.memory_space<hbm>>
    %dma_wait3A_21 = arith.constant 0 : i32
    %dma_wait3A_22 = tpu.memref_slice %arg3[%dma_wait3A, %add3A_4, %dma_wait3A_21] : memref<8x16384x256xf32, #tpu.memory_space<hbm>> -> memref<1x32x256xf32, #tpu.memory_space<hbm>>
    %dma_wait3A_23 = tpu.memref_squeeze %dma_wait3A_22 : memref<1x32x256xf32, #tpu.memory_space<hbm>> -> memref<32x256xf32, #tpu.memory_space<hbm>>
    tpu.wait_dma2 semaphore(%arg9 : memref<!tpu.dma_semaphore, #tpu.memory_space<semaphore_mem>>) src(%dma_wait3A_23 : memref<32x256xf32, #tpu.memory_space<hbm>>) dst(%arg5 : memref<32x256xf32, #tpu.memory_space<vmem>>)
    %broadcast_in_dim3A = arith.constant 0.000000e+00 : f32
    %broadcast_in_dim3A_24 = vector.broadcast %broadcast_in_dim3A : f32 to vector<16xf32>
    %broadcast_in_dim3A_25 = arith.constant 0.000000e+00 : f32
    %broadcast_in_dim3A_26 = vector.broadcast %broadcast_in_dim3A_25 : f32 to vector<16xf32>
    %parallel_loop3A = arith.constant 0 : i32
    %parallel_loop3A_27 = arith.constant 256 : i32
    %parallel_loop3A_28 = arith.constant 1 : i32
    %parallel_loop3A_29:2 = scf.for %parallel_loop3A_1144 = %parallel_loop3A to %parallel_loop3A_27 step %parallel_loop3A_28 iter_args(%parallel_loop3A_1145 = %broadcast_in_dim3A_24, %parallel_loop3A_1146 = %broadcast_in_dim3A_26) -> (vector<16xf32>, vector<16xf32>)  : i32 {
      %parallel_loop3A_1147 = vector.broadcast %parallel_loop3A_1144 : i32 to vector<16xi32>
      %parallel_loop3A_1148 = arith.addi %iota3A, %parallel_loop3A_1147 : vector<16xi32>
      %parallel_loop3A_1149 = arith.constant 255 : i32
      %parallel_loop3A_1150 = vector.broadcast %parallel_loop3A_1149 : i32 to vector<16xi32>
      %parallel_loop3A_1151 = arith.andi %parallel_loop3A_1148, %parallel_loop3A_1150 : vector<16xi32>
      %parallel_loop3A_1152 = arith.constant 0 : i32
      %parallel_loop3A_1153 = vector.broadcast %parallel_loop3A_1152 : i32 to vector<16xi32>
      %parallel_loop3A_1154 = arith.addi %iota3A, %parallel_loop3A_1153 : vector<16xi32>
      %parallel_loop3A_1155 = tpu.vector_load_idx %arg5[%parallel_loop3A_1154, %parallel_loop3A_1151] : memref<32x256xf32, #tpu.memory_space<vmem>>[vector<16xi32>, vector<16xi32>], vector<16xf32>,
      %parallel_loop3A_1156 = arith.constant 8.000000e+01 : f32
      %parallel_loop3A_1157 = vector.broadcast %parallel_loop3A_1156 : f32 to vector<16xf32>
      %parallel_loop3A_1158 = arith.minimumf %parallel_loop3A_1155, %parallel_loop3A_1157 : vector<16xf32>
      %parallel_loop3A_1159 = math.exp %parallel_loop3A_1158 : vector<16xf32>
      %parallel_loop3A_1160 = arith.addf %parallel_loop3A_1145, %parallel_loop3A_1159 : vector<16xf32>
      %parallel_loop3A_1161 = arith.constant 16 : i32
      %parallel_loop3A_1162 = vector.broadcast %parallel_loop3A_1161 : i32 to vector<16xi32>
      %parallel_loop3A_1163 = arith.addi %iota3A, %parallel_loop3A_1162 : vector<16xi32>
      %parallel_loop3A_1164 = tpu.vector_load_idx %arg5[%parallel_loop3A_1163, %parallel_loop3A_1151] : memref<32x256xf32, #tpu.memory_space<vmem>>[vector<16xi32>, vector<16xi32>], vector<16xf32>,
      %parallel_loop3A_1165 = arith.constant 8.000000e+01 : f32
      %parallel_loop3A_1166 = vector.broadcast %parallel_loop3A_1165 : f32 to vector<16xf32>
      %parallel_loop3A_1167 = arith.minimumf %parallel_loop3A_1164, %parallel_loop3A_1166 : vector<16xf32>
      %parallel_loop3A_1168 = math.exp %parallel_loop3A_1167 : vector<16xf32>
      %parallel_loop3A_1169 = arith.addf %parallel_loop3A_1146, %parallel_loop3A_1168 : vector<16xf32>
      scf.yield %parallel_loop3A_1160, %parallel_loop3A_1169 : vector<16xf32>, vector<16xf32>
    } {sc.loop_unroll_factor = 8 : i64, sc.parallel_access}
    %bitcast3A = vector.bitcast %parallel_loop3A_29#0 : vector<16xf32> to vector<16xi32>
    %shift_right_arithmetic3A = arith.constant 23 : i32
    %shift_right_arithmetic3A_30 = vector.broadcast %shift_right_arithmetic3A : i32 to vector<16xi32>
    %shift_right_arithmetic3A_31 = arith.shrsi %bitcast3A, %shift_right_arithmetic3A_30 : vector<16xi32>
    %and3A = arith.constant 255 : i32
    %and3A_32 = vector.broadcast %and3A : i32 to vector<16xi32>
    %and3A_33 = arith.andi %shift_right_arithmetic3A_31, %and3A_32 : vector<16xi32>
    %sub3A = arith.constant 127 : i32
    %sub3A_34 = vector.broadcast %sub3A : i32 to vector<16xi32>
    %sub3A_35 = arith.subi %and3A_33, %sub3A_34 : vector<16xi32>
    %and3A_36 = arith.constant 8388607 : i32
    %and3A_37 = vector.broadcast %and3A_36 : i32 to vector<16xi32>
    %and3A_38 = arith.andi %bitcast3A, %and3A_37 : vector<16xi32>
    %or3A = arith.constant 1065353216 : i32
    %or3A_39 = vector.broadcast %or3A : i32 to vector<16xi32>
    %or3A_40 = arith.ori %and3A_38, %or3A_39 : vector<16xi32>
    %bitcast3A_41 = vector.bitcast %or3A_40 : vector<16xi32> to vector<16xf32>
    %sub3A_42 = arith.constant 1.000000e+00 : f32
    %sub3A_43 = vector.broadcast %sub3A_42 : f32 to vector<16xf32>
    %sub3A_44 = arith.subf %bitcast3A_41, %sub3A_43 : vector<16xf32>
    %broadcast_in_dim3A_45 = arith.constant 0.0301026255 : f32
    %broadcast_in_dim3A_46 = vector.broadcast %broadcast_in_dim3A_45 : f32 to vector<16xf32>
    %mul3A_47 = arith.mulf %broadcast_in_dim3A_46, %sub3A_44 : vector<16xf32>
    %add3A_48 = arith.constant -0.130119413 : f32
    %add3A_49 = vector.broadcast %add3A_48 : f32 to vector<16xf32>
    %add3A_50 = arith.addf %mul3A_47, %add3A_49 : vector<16xf32>
    %mul3A_51 = arith.mulf %add3A_50, %sub3A_44 : vector<16xf32>
    %add3A_52 = arith.constant 0.283304334 : f32
    %add3A_53 = vector.broadcast %add3A_52 : f32 to vector<16xf32>
    %add3A_54 = arith.addf %mul3A_51, %add3A_53 : vector<16xf32>
    %mul3A_55 = arith.mulf %add3A_54, %sub3A_44 : vector<16xf32>
    %add3A_56 = arith.constant -0.489156842 : f32
    %add3A_57 = vector.broadcast %add3A_56 : f32 to vector<16xf32>
    %add3A_58 = arith.addf %mul3A_55, %add3A_57 : vector<16xf32>
    %mul3A_59 = arith.mulf %add3A_58, %sub3A_44 : vector<16xf32>
    %add3A_60 = arith.constant 0.999010443 : f32
    %add3A_61 = vector.broadcast %add3A_60 : f32 to vector<16xf32>
    %add3A_62 = arith.addf %mul3A_59, %add3A_61 : vector<16xf32>
    %mul3A_63 = arith.mulf %add3A_62, %sub3A_44 : vector<16xf32>
    %add3A_64 = arith.constant 2.21170303E-5 : f32
    %add3A_65 = vector.broadcast %add3A_64 : f32 to vector<16xf32>
    %add3A_66 = arith.addf %mul3A_63, %add3A_65 : vector<16xf32>
    %convert_element_type3A = arith.sitofp %sub3A_35 : vector<16xi32> to vector<16xf32>
    %mul3A_67 = arith.constant 0.693147182 : f32
    %mul3A_68 = vector.broadcast %mul3A_67 : f32 to vector<16xf32>
    %mul3A_69 = arith.mulf %convert_element_type3A, %mul3A_68 : vector<16xf32>
    %add3A_70 = arith.addf %mul3A_69, %add3A_66 : vector<16xf32>
    %get3A = arith.constant 0 : i32
    %get3A_71 = arith.index_cast %get3A : i32 to index
    %get3A_72 = arith.constant 0 : index
    %get3A_73 = tpu.vector_load %arg7[%get3A_71, %get3A_72] {strides = array<i32>} : memref<8x32xi32, #tpu.memory_space<vmem>>, vector<16xi32>,
    %add3A_74 = arith.constant 0 : i32
    %add3A_75 = vector.broadcast %add3A_74 : i32 to vector<16xi32>
    %add3A_76 = arith.addi %iota3A, %add3A_75 : vector<16xi32>
    %gather3A = tpu.vector_load_idx %arg5[%add3A_76, %get3A_73] : memref<32x256xf32, #tpu.memory_space<vmem>>[vector<16xi32>, vector<16xi32>], vector<16xf32>,
    %sub3A_77 = arith.subf %gather3A, %add3A_70 : vector<16xf32>
    %add3A_78 = arith.constant 44.3614197 : f32
    %add3A_79 = vector.broadcast %add3A_78 : f32 to vector<16xf32>
    %add3A_80 = arith.addf %sub3A_77, %add3A_79 : vector<16xf32>
    %swap3A = arith.constant 0 : index
    %swap3A_81 = tpu.vector_load %arg8[%swap3A] {strides = array<i32>} : memref<32xf32, #tpu.memory_space<vmem>>, vector<16xf32>,
    tpu.vector_store %arg8[%swap3A], %add3A_80 {strides = array<i32>} : memref<32xf32, #tpu.memory_space<vmem>>, vector<16xf32>,
    %bitcast3A_82 = vector.bitcast %parallel_loop3A_29#1 : vector<16xf32> to vector<16xi32>
    %shift_right_arithmetic3A_83 = arith.constant 23 : i32
    %shift_right_arithmetic3A_84 = vector.broadcast %shift_right_arithmetic3A_83 : i32 to vector<16xi32>
    %shift_right_arithmetic3A_85 = arith.shrsi %bitcast3A_82, %shift_right_arithmetic3A_84 : vector<16xi32>
    %and3A_86 = arith.constant 255 : i32
    %and3A_87 = vector.broadcast %and3A_86 : i32 to vector<16xi32>
    %and3A_88 = arith.andi %shift_right_arithmetic3A_85, %and3A_87 : vector<16xi32>
    %sub3A_89 = arith.constant 127 : i32
    %sub3A_90 = vector.broadcast %sub3A_89 : i32 to vector<16xi32>
    %sub3A_91 = arith.subi %and3A_88, %sub3A_90 : vector<16xi32>
    %and3A_92 = arith.constant 8388607 : i32
    %and3A_93 = vector.broadcast %and3A_92 : i32 to vector<16xi32>
    %and3A_94 = arith.andi %bitcast3A_82, %and3A_93 : vector<16xi32>
    %or3A_95 = arith.constant 1065353216 : i32
    %or3A_96 = vector.broadcast %or3A_95 : i32 to vector<16xi32>
    %or3A_97 = arith.ori %and3A_94, %or3A_96 : vector<16xi32>
    %bitcast3A_98 = vector.bitcast %or3A_97 : vector<16xi32> to vector<16xf32>
    %sub3A_99 = arith.constant 1.000000e+00 : f32
    %sub3A_100 = vector.broadcast %sub3A_99 : f32 to vector<16xf32>
    %sub3A_101 = arith.subf %bitcast3A_98, %sub3A_100 : vector<16xf32>
    %broadcast_in_dim3A_102 = arith.constant 0.0301026255 : f32
    %broadcast_in_dim3A_103 = vector.broadcast %broadcast_in_dim3A_102 : f32 to vector<16xf32>
    %mul3A_104 = arith.mulf %broadcast_in_dim3A_103, %sub3A_101 : vector<16xf32>
    %add3A_105 = arith.constant -0.130119413 : f32
    %add3A_106 = vector.broadcast %add3A_105 : f32 to vector<16xf32>
    %add3A_107 = arith.addf %mul3A_104, %add3A_106 : vector<16xf32>
    %mul3A_108 = arith.mulf %add3A_107, %sub3A_101 : vector<16xf32>
    %add3A_109 = arith.constant 0.283304334 : f32
    %add3A_110 = vector.broadcast %add3A_109 : f32 to vector<16xf32>
    %add3A_111 = arith.addf %mul3A_108, %add3A_110 : vector<16xf32>
    %mul3A_112 = arith.mulf %add3A_111, %sub3A_101 : vector<16xf32>
    %add3A_113 = arith.constant -0.489156842 : f32
    %add3A_114 = vector.broadcast %add3A_113 : f32 to vector<16xf32>
    %add3A_115 = arith.addf %mul3A_112, %add3A_114 : vector<16xf32>
    %mul3A_116 = arith.mulf %add3A_115, %sub3A_101 : vector<16xf32>
    %add3A_117 = arith.constant 0.999010443 : f32
    %add3A_118 = vector.broadcast %add3A_117 : f32 to vector<16xf32>
    %add3A_119 = arith.addf %mul3A_116, %add3A_118 : vector<16xf32>
    %mul3A_120 = arith.mulf %add3A_119, %sub3A_101 : vector<16xf32>
    %add3A_121 = arith.constant 2.21170303E-5 : f32
    %add3A_122 = vector.broadcast %add3A_121 : f32 to vector<16xf32>
    %add3A_123 = arith.addf %mul3A_120, %add3A_122 : vector<16xf32>
    %convert_element_type3A_124 = arith.sitofp %sub3A_91 : vector<16xi32> to vector<16xf32>
    %mul3A_125 = arith.constant 0.693147182 : f32
    %mul3A_126 = vector.broadcast %mul3A_125 : f32 to vector<16xf32>
    %mul3A_127 = arith.mulf %convert_element_type3A_124, %mul3A_126 : vector<16xf32>
    %add3A_128 = arith.addf %mul3A_127, %add3A_123 : vector<16xf32>
    %get3A_129 = arith.constant 0 : i32
    %get3A_130 = arith.index_cast %get3A_129 : i32 to index
    %get3A_131 = arith.constant 16 : index
    %get3A_132 = tpu.vector_load %arg7[%get3A_130, %get3A_131] {strides = array<i32>} : memref<8x32xi32, #tpu.memory_space<vmem>>, vector<16xi32>,
    %add3A_133 = arith.constant 16 : i32
    %add3A_134 = vector.broadcast %add3A_133 : i32 to vector<16xi32>
    %add3A_135 = arith.addi %iota3A, %add3A_134 : vector<16xi32>
    %gather3A_136 = tpu.vector_load_idx %arg5[%add3A_135, %get3A_132] : memref<32x256xf32, #tpu.memory_space<vmem>>[vector<16xi32>, vector<16xi32>], vector<16xf32>,
    %sub3A_137 = arith.subf %gather3A_136, %add3A_128 : vector<16xf32>
    %add3A_138 = arith.constant 44.3614197 : f32
    %add3A_139 = vector.broadcast %add3A_138 : f32 to vector<16xf32>
    %add3A_140 = arith.addf %sub3A_137, %add3A_139 : vector<16xf32>
    %swap3A_141 = arith.constant 16 : index
    %swap3A_142 = tpu.vector_load %arg8[%swap3A_141] {strides = array<i32>} : memref<32xf32, #tpu.memory_space<vmem>>, vector<16xf32>,
    tpu.vector_store %arg8[%swap3A_141], %add3A_140 {strides = array<i32>} : memref<32xf32, #tpu.memory_space<vmem>>, vector<16xf32>,
    %dma_start3A_143 = arith.constant 2 : i32
    %dma_start3A_144 = arith.constant 0 : i32
    %dma_start3A_145 = tpu.memref_slice %arg3[%dma_start3A_143, %add3A_4, %dma_start3A_144] : memref<8x16384x256xf32, #tpu.memory_space<hbm>> -> memref<1x32x256xf32, #tpu.memory_space<hbm>>
    %dma_start3A_146 = tpu.memref_squeeze %dma_start3A_145 : memref<1x32x256xf32, #tpu.memory_space<hbm>> -> memref<32x256xf32, #tpu.memory_space<hbm>>
    %dma_start3A_147 = arith.constant 0 : i32
    %dma_start3A_148 = tpu.memref_slice %arg3[%dma_start3A_143, %add3A_4, %dma_start3A_147] : memref<8x16384x256xf32, #tpu.memory_space<hbm>> -> memref<1x32x256xf32, #tpu.memory_space<hbm>>
    %dma_start3A_149 = tpu.memref_squeeze %dma_start3A_148 : memref<1x32x256xf32, #tpu.memory_space<hbm>> -> memref<32x256xf32, #tpu.memory_space<hbm>>
    tpu.enqueue_dma source(%dma_start3A_149 : memref<32x256xf32, #tpu.memory_space<hbm>>) target(%arg5 : memref<32x256xf32, #tpu.memory_space<vmem>>) target_semaphore(%arg9 : memref<!tpu.dma_semaphore, #tpu.memory_space<semaphore_mem>>)
    %dma_wait3A_150 = arith.constant 1 : i32
    %dma_wait3A_151 = arith.constant 0 : i32
    %dma_wait3A_152 = tpu.memref_slice %arg3[%dma_wait3A_150, %add3A_4, %dma_wait3A_151] : memref<8x16384x256xf32, #tpu.memory_space<hbm>> -> memref<1x32x256xf32, #tpu.memory_space<hbm>>
    %dma_wait3A_153 = tpu.memref_squeeze %dma_wait3A_152 : memref<1x32x256xf32, #tpu.memory_space<hbm>> -> memref<32x256xf32, #tpu.memory_space<hbm>>
    %dma_wait3A_154 = arith.constant 0 : i32
    %dma_wait3A_155 = tpu.memref_slice %arg3[%dma_wait3A_150, %add3A_4, %dma_wait3A_154] : memref<8x16384x256xf32, #tpu.memory_space<hbm>> -> memref<1x32x256xf32, #tpu.memory_space<hbm>>
    %dma_wait3A_156 = tpu.memref_squeeze %dma_wait3A_155 : memref<1x32x256xf32, #tpu.memory_space<hbm>> -> memref<32x256xf32, #tpu.memory_space<hbm>>
    tpu.wait_dma2 semaphore(%arg10 : memref<!tpu.dma_semaphore, #tpu.memory_space<semaphore_mem>>) src(%dma_wait3A_156 : memref<32x256xf32, #tpu.memory_space<hbm>>) dst(%arg6 : memref<32x256xf32, #tpu.memory_space<vmem>>)
    %broadcast_in_dim3A_157 = arith.constant 0.000000e+00 : f32
    %broadcast_in_dim3A_158 = vector.broadcast %broadcast_in_dim3A_157 : f32 to vector<16xf32>
    %broadcast_in_dim3A_159 = arith.constant 0.000000e+00 : f32
    %broadcast_in_dim3A_160 = vector.broadcast %broadcast_in_dim3A_159 : f32 to vector<16xf32>
    %parallel_loop3A_161 = arith.constant 0 : i32
    %parallel_loop3A_162 = arith.constant 256 : i32
    %parallel_loop3A_163 = arith.constant 1 : i32
    %parallel_loop3A_164:2 = scf.for %parallel_loop3A_1144 = %parallel_loop3A_161 to %parallel_loop3A_162 step %parallel_loop3A_163 iter_args(%parallel_loop3A_1145 = %broadcast_in_dim3A_158, %parallel_loop3A_1146 = %broadcast_in_dim3A_160) -> (vector<16xf32>, vector<16xf32>)  : i32 {
      %parallel_loop3A_1147 = vector.broadcast %parallel_loop3A_1144 : i32 to vector<16xi32>
      %parallel_loop3A_1148 = arith.addi %iota3A, %parallel_loop3A_1147 : vector<16xi32>
      %parallel_loop3A_1149 = arith.constant 255 : i32
      %parallel_loop3A_1150 = vector.broadcast %parallel_loop3A_1149 : i32 to vector<16xi32>
      %parallel_loop3A_1151 = arith.andi %parallel_loop3A_1148, %parallel_loop3A_1150 : vector<16xi32>
      %parallel_loop3A_1152 = arith.constant 0 : i32
      %parallel_loop3A_1153 = vector.broadcast %parallel_loop3A_1152 : i32 to vector<16xi32>
      %parallel_loop3A_1154 = arith.addi %iota3A, %parallel_loop3A_1153 : vector<16xi32>
      %parallel_loop3A_1155 = tpu.vector_load_idx %arg6[%parallel_loop3A_1154, %parallel_loop3A_1151] : memref<32x256xf32, #tpu.memory_space<vmem>>[vector<16xi32>, vector<16xi32>], vector<16xf32>,
      %parallel_loop3A_1156 = arith.constant 8.000000e+01 : f32
      %parallel_loop3A_1157 = vector.broadcast %parallel_loop3A_1156 : f32 to vector<16xf32>
      %parallel_loop3A_1158 = arith.minimumf %parallel_loop3A_1155, %parallel_loop3A_1157 : vector<16xf32>
      %parallel_loop3A_1159 = math.exp %parallel_loop3A_1158 : vector<16xf32>
      %parallel_loop3A_1160 = arith.addf %parallel_loop3A_1145, %parallel_loop3A_1159 : vector<16xf32>
      %parallel_loop3A_1161 = arith.constant 16 : i32
      %parallel_loop3A_1162 = vector.broadcast %parallel_loop3A_1161 : i32 to vector<16xi32>
      %parallel_loop3A_1163 = arith.addi %iota3A, %parallel_loop3A_1162 : vector<16xi32>
      %parallel_loop3A_1164 = tpu.vector_load_idx %arg6[%parallel_loop3A_1163, %parallel_loop3A_1151] : memref<32x256xf32, #tpu.memory_space<vmem>>[vector<16xi32>, vector<16xi32>], vector<16xf32>,
      %parallel_loop3A_1165 = arith.constant 8.000000e+01 : f32
      %parallel_loop3A_1166 = vector.broadcast %parallel_loop3A_1165 : f32 to vector<16xf32>
      %parallel_loop3A_1167 = arith.minimumf %parallel_loop3A_1164, %parallel_loop3A_1166 : vector<16xf32>
      %parallel_loop3A_1168 = math.exp %parallel_loop3A_1167 : vector<16xf32>
      %parallel_loop3A_1169 = arith.addf %parallel_loop3A_1146, %parallel_loop3A_1168 : vector<16xf32>
      scf.yield %parallel_loop3A_1160, %parallel_loop3A_1169 : vector<16xf32>, vector<16xf32>
    } {sc.loop_unroll_factor = 8 : i64, sc.parallel_access}
    %bitcast3A_165 = vector.bitcast %parallel_loop3A_164#0 : vector<16xf32> to vector<16xi32>
    %shift_right_arithmetic3A_166 = arith.constant 23 : i32
    %shift_right_arithmetic3A_167 = vector.broadcast %shift_right_arithmetic3A_166 : i32 to vector<16xi32>
    %shift_right_arithmetic3A_168 = arith.shrsi %bitcast3A_165, %shift_right_arithmetic3A_167 : vector<16xi32>
    %and3A_169 = arith.constant 255 : i32
    %and3A_170 = vector.broadcast %and3A_169 : i32 to vector<16xi32>
    %and3A_171 = arith.andi %shift_right_arithmetic3A_168, %and3A_170 : vector<16xi32>
    %sub3A_172 = arith.constant 127 : i32
    %sub3A_173 = vector.broadcast %sub3A_172 : i32 to vector<16xi32>
    %sub3A_174 = arith.subi %and3A_171, %sub3A_173 : vector<16xi32>
    %and3A_175 = arith.constant 8388607 : i32
    %and3A_176 = vector.broadcast %and3A_175 : i32 to vector<16xi32>
    %and3A_177 = arith.andi %bitcast3A_165, %and3A_176 : vector<16xi32>
    %or3A_178 = arith.constant 1065353216 : i32
    %or3A_179 = vector.broadcast %or3A_178 : i32 to vector<16xi32>
    %or3A_180 = arith.ori %and3A_177, %or3A_179 : vector<16xi32>
    %bitcast3A_181 = vector.bitcast %or3A_180 : vector<16xi32> to vector<16xf32>
    %sub3A_182 = arith.constant 1.000000e+00 : f32
    %sub3A_183 = vector.broadcast %sub3A_182 : f32 to vector<16xf32>
    %sub3A_184 = arith.subf %bitcast3A_181, %sub3A_183 : vector<16xf32>
    %broadcast_in_dim3A_185 = arith.constant 0.0301026255 : f32
    %broadcast_in_dim3A_186 = vector.broadcast %broadcast_in_dim3A_185 : f32 to vector<16xf32>
    %mul3A_187 = arith.mulf %broadcast_in_dim3A_186, %sub3A_184 : vector<16xf32>
    %add3A_188 = arith.constant -0.130119413 : f32
    %add3A_189 = vector.broadcast %add3A_188 : f32 to vector<16xf32>
    %add3A_190 = arith.addf %mul3A_187, %add3A_189 : vector<16xf32>
    %mul3A_191 = arith.mulf %add3A_190, %sub3A_184 : vector<16xf32>
    %add3A_192 = arith.constant 0.283304334 : f32
    %add3A_193 = vector.broadcast %add3A_192 : f32 to vector<16xf32>
    %add3A_194 = arith.addf %mul3A_191, %add3A_193 : vector<16xf32>
    %mul3A_195 = arith.mulf %add3A_194, %sub3A_184 : vector<16xf32>
    %add3A_196 = arith.constant -0.489156842 : f32
    %add3A_197 = vector.broadcast %add3A_196 : f32 to vector<16xf32>
    %add3A_198 = arith.addf %mul3A_195, %add3A_197 : vector<16xf32>
    %mul3A_199 = arith.mulf %add3A_198, %sub3A_184 : vector<16xf32>
    %add3A_200 = arith.constant 0.999010443 : f32
    %add3A_201 = vector.broadcast %add3A_200 : f32 to vector<16xf32>
    %add3A_202 = arith.addf %mul3A_199, %add3A_201 : vector<16xf32>
    %mul3A_203 = arith.mulf %add3A_202, %sub3A_184 : vector<16xf32>
    %add3A_204 = arith.constant 2.21170303E-5 : f32
    %add3A_205 = vector.broadcast %add3A_204 : f32 to vector<16xf32>
    %add3A_206 = arith.addf %mul3A_203, %add3A_205 : vector<16xf32>
    %convert_element_type3A_207 = arith.sitofp %sub3A_174 : vector<16xi32> to vector<16xf32>
    %mul3A_208 = arith.constant 0.693147182 : f32
    %mul3A_209 = vector.broadcast %mul3A_208 : f32 to vector<16xf32>
    %mul3A_210 = arith.mulf %convert_element_type3A_207, %mul3A_209 : vector<16xf32>
    %add3A_211 = arith.addf %mul3A_210, %add3A_206 : vector<16xf32>
    %get3A_212 = arith.constant 1 : i32
    %get3A_213 = arith.index_cast %get3A_212 : i32 to index
    %get3A_214 = arith.constant 0 : index
    %get3A_215 = tpu.vector_load %arg7[%get3A_213, %get3A_214] {strides = array<i32>} : memref<8x32xi32, #tpu.memory_space<vmem>>, vector<16xi32>,
    %add3A_216 = arith.constant 0 : i32
    %add3A_217 = vector.broadcast %add3A_216 : i32 to vector<16xi32>
    %add3A_218 = arith.addi %iota3A, %add3A_217 : vector<16xi32>
    %gather3A_219 = tpu.vector_load_idx %arg6[%add3A_218, %get3A_215] : memref<32x256xf32, #tpu.memory_space<vmem>>[vector<16xi32>, vector<16xi32>], vector<16xf32>,
    %get3A_220 = arith.constant 0 : index
    %get3A_221 = tpu.vector_load %arg8[%get3A_220] {strides = array<i32>} : memref<32xf32, #tpu.memory_space<vmem>>, vector<16xf32>,
    %add3A_222 = arith.addf %get3A_221, %gather3A_219 : vector<16xf32>
    %sub3A_223 = arith.subf %add3A_222, %add3A_211 : vector<16xf32>
    %swap3A_224 = arith.constant 0 : index
    %swap3A_225 = tpu.vector_load %arg8[%swap3A_224] {strides = array<i32>} : memref<32xf32, #tpu.memory_space<vmem>>, vector<16xf32>,
    tpu.vector_store %arg8[%swap3A_224], %sub3A_223 {strides = array<i32>} : memref<32xf32, #tpu.memory_space<vmem>>, vector<16xf32>,
    %bitcast3A_226 = vector.bitcast %parallel_loop3A_164#1 : vector<16xf32> to vector<16xi32>
    %shift_right_arithmetic3A_227 = arith.constant 23 : i32
    %shift_right_arithmetic3A_228 = vector.broadcast %shift_right_arithmetic3A_227 : i32 to vector<16xi32>
    %shift_right_arithmetic3A_229 = arith.shrsi %bitcast3A_226, %shift_right_arithmetic3A_228 : vector<16xi32>
    %and3A_230 = arith.constant 255 : i32
    %and3A_231 = vector.broadcast %and3A_230 : i32 to vector<16xi32>
    %and3A_232 = arith.andi %shift_right_arithmetic3A_229, %and3A_231 : vector<16xi32>
    %sub3A_233 = arith.constant 127 : i32
    %sub3A_234 = vector.broadcast %sub3A_233 : i32 to vector<16xi32>
    %sub3A_235 = arith.subi %and3A_232, %sub3A_234 : vector<16xi32>
    %and3A_236 = arith.constant 8388607 : i32
    %and3A_237 = vector.broadcast %and3A_236 : i32 to vector<16xi32>
    %and3A_238 = arith.andi %bitcast3A_226, %and3A_237 : vector<16xi32>
    %or3A_239 = arith.constant 1065353216 : i32
    %or3A_240 = vector.broadcast %or3A_239 : i32 to vector<16xi32>
    %or3A_241 = arith.ori %and3A_238, %or3A_240 : vector<16xi32>
    %bitcast3A_242 = vector.bitcast %or3A_241 : vector<16xi32> to vector<16xf32>
    %sub3A_243 = arith.constant 1.000000e+00 : f32
    %sub3A_244 = vector.broadcast %sub3A_243 : f32 to vector<16xf32>
    %sub3A_245 = arith.subf %bitcast3A_242, %sub3A_244 : vector<16xf32>
    %broadcast_in_dim3A_246 = arith.constant 0.0301026255 : f32
    %broadcast_in_dim3A_247 = vector.broadcast %broadcast_in_dim3A_246 : f32 to vector<16xf32>
    %mul3A_248 = arith.mulf %broadcast_in_dim3A_247, %sub3A_245 : vector<16xf32>
    %add3A_249 = arith.constant -0.130119413 : f32
    %add3A_250 = vector.broadcast %add3A_249 : f32 to vector<16xf32>
    %add3A_251 = arith.addf %mul3A_248, %add3A_250 : vector<16xf32>
    %mul3A_252 = arith.mulf %add3A_251, %sub3A_245 : vector<16xf32>
    %add3A_253 = arith.constant 0.283304334 : f32
    %add3A_254 = vector.broadcast %add3A_253 : f32 to vector<16xf32>
    %add3A_255 = arith.addf %mul3A_252, %add3A_254 : vector<16xf32>
    %mul3A_256 = arith.mulf %add3A_255, %sub3A_245 : vector<16xf32>
    %add3A_257 = arith.constant -0.489156842 : f32
    %add3A_258 = vector.broadcast %add3A_257 : f32 to vector<16xf32>
    %add3A_259 = arith.addf %mul3A_256, %add3A_258 : vector<16xf32>
    %mul3A_260 = arith.mulf %add3A_259, %sub3A_245 : vector<16xf32>
    %add3A_261 = arith.constant 0.999010443 : f32
    %add3A_262 = vector.broadcast %add3A_261 : f32 to vector<16xf32>
    %add3A_263 = arith.addf %mul3A_260, %add3A_262 : vector<16xf32>
    %mul3A_264 = arith.mulf %add3A_263, %sub3A_245 : vector<16xf32>
    %add3A_265 = arith.constant 2.21170303E-5 : f32
    %add3A_266 = vector.broadcast %add3A_265 : f32 to vector<16xf32>
    %add3A_267 = arith.addf %mul3A_264, %add3A_266 : vector<16xf32>
    %convert_element_type3A_268 = arith.sitofp %sub3A_235 : vector<16xi32> to vector<16xf32>
    %mul3A_269 = arith.constant 0.693147182 : f32
    %mul3A_270 = vector.broadcast %mul3A_269 : f32 to vector<16xf32>
    %mul3A_271 = arith.mulf %convert_element_type3A_268, %mul3A_270 : vector<16xf32>
    %add3A_272 = arith.addf %mul3A_271, %add3A_267 : vector<16xf32>
    %get3A_273 = arith.constant 1 : i32
    %get3A_274 = arith.index_cast %get3A_273 : i32 to index
    %get3A_275 = arith.constant 16 : index
    %get3A_276 = tpu.vector_load %arg7[%get3A_274, %get3A_275] {strides = array<i32>} : memref<8x32xi32, #tpu.memory_space<vmem>>, vector<16xi32>,
    %add3A_277 = arith.constant 16 : i32
    %add3A_278 = vector.broadcast %add3A_277 : i32 to vector<16xi32>
    %add3A_279 = arith.addi %iota3A, %add3A_278 : vector<16xi32>
    %gather3A_280 = tpu.vector_load_idx %arg6[%add3A_279, %get3A_276] : memref<32x256xf32, #tpu.memory_space<vmem>>[vector<16xi32>, vector<16xi32>], vector<16xf32>,
    %get3A_281 = arith.constant 16 : index
    %get3A_282 = tpu.vector_load %arg8[%get3A_281] {strides = array<i32>} : memref<32xf32, #tpu.memory_space<vmem>>, vector<16xf32>,
    %add3A_283 = arith.addf %get3A_282, %gather3A_280 : vector<16xf32>
    %sub3A_284 = arith.subf %add3A_283, %add3A_272 : vector<16xf32>
    %swap3A_285 = arith.constant 16 : index
    %swap3A_286 = tpu.vector_load %arg8[%swap3A_285] {strides = array<i32>} : memref<32xf32, #tpu.memory_space<vmem>>, vector<16xf32>,
    tpu.vector_store %arg8[%swap3A_285], %sub3A_284 {strides = array<i32>} : memref<32xf32, #tpu.memory_space<vmem>>, vector<16xf32>,
    %dma_start3A_287 = arith.constant 3 : i32
    %dma_start3A_288 = arith.constant 0 : i32
    %dma_start3A_289 = tpu.memref_slice %arg3[%dma_start3A_287, %add3A_4, %dma_start3A_288] : memref<8x16384x256xf32, #tpu.memory_space<hbm>> -> memref<1x32x256xf32, #tpu.memory_space<hbm>>
    %dma_start3A_290 = tpu.memref_squeeze %dma_start3A_289 : memref<1x32x256xf32, #tpu.memory_space<hbm>> -> memref<32x256xf32, #tpu.memory_space<hbm>>
    %dma_start3A_291 = arith.constant 0 : i32
    %dma_start3A_292 = tpu.memref_slice %arg3[%dma_start3A_287, %add3A_4, %dma_start3A_291] : memref<8x16384x256xf32, #tpu.memory_space<hbm>> -> memref<1x32x256xf32, #tpu.memory_space<hbm>>
    %dma_start3A_293 = tpu.memref_squeeze %dma_start3A_292 : memref<1x32x256xf32, #tpu.memory_space<hbm>> -> memref<32x256xf32, #tpu.memory_space<hbm>>
    tpu.enqueue_dma source(%dma_start3A_293 : memref<32x256xf32, #tpu.memory_space<hbm>>) target(%arg6 : memref<32x256xf32, #tpu.memory_space<vmem>>) target_semaphore(%arg10 : memref<!tpu.dma_semaphore, #tpu.memory_space<semaphore_mem>>)
    %dma_wait3A_294 = arith.constant 2 : i32
    %dma_wait3A_295 = arith.constant 0 : i32
    %dma_wait3A_296 = tpu.memref_slice %arg3[%dma_wait3A_294, %add3A_4, %dma_wait3A_295] : memref<8x16384x256xf32, #tpu.memory_space<hbm>> -> memref<1x32x256xf32, #tpu.memory_space<hbm>>
    %dma_wait3A_297 = tpu.memref_squeeze %dma_wait3A_296 : memref<1x32x256xf32, #tpu.memory_space<hbm>> -> memref<32x256xf32, #tpu.memory_space<hbm>>
    %dma_wait3A_298 = arith.constant 0 : i32
    %dma_wait3A_299 = tpu.memref_slice %arg3[%dma_wait3A_294, %add3A_4, %dma_wait3A_298] : memref<8x16384x256xf32, #tpu.memory_space<hbm>> -> memref<1x32x256xf32, #tpu.memory_space<hbm>>
    %dma_wait3A_300 = tpu.memref_squeeze %dma_wait3A_299 : memref<1x32x256xf32, #tpu.memory_space<hbm>> -> memref<32x256xf32, #tpu.memory_space<hbm>>
    tpu.wait_dma2 semaphore(%arg9 : memref<!tpu.dma_semaphore, #tpu.memory_space<semaphore_mem>>) src(%dma_wait3A_300 : memref<32x256xf32, #tpu.memory_space<hbm>>) dst(%arg5 : memref<32x256xf32, #tpu.memory_space<vmem>>)
    %broadcast_in_dim3A_301 = arith.constant 0.000000e+00 : f32
    %broadcast_in_dim3A_302 = vector.broadcast %broadcast_in_dim3A_301 : f32 to vector<16xf32>
    %broadcast_in_dim3A_303 = arith.constant 0.000000e+00 : f32
    %broadcast_in_dim3A_304 = vector.broadcast %broadcast_in_dim3A_303 : f32 to vector<16xf32>
    %parallel_loop3A_305 = arith.constant 0 : i32
    %parallel_loop3A_306 = arith.constant 256 : i32
    %parallel_loop3A_307 = arith.constant 1 : i32
    %parallel_loop3A_308:2 = scf.for %parallel_loop3A_1144 = %parallel_loop3A_305 to %parallel_loop3A_306 step %parallel_loop3A_307 iter_args(%parallel_loop3A_1145 = %broadcast_in_dim3A_302, %parallel_loop3A_1146 = %broadcast_in_dim3A_304) -> (vector<16xf32>, vector<16xf32>)  : i32 {
      %parallel_loop3A_1147 = vector.broadcast %parallel_loop3A_1144 : i32 to vector<16xi32>
      %parallel_loop3A_1148 = arith.addi %iota3A, %parallel_loop3A_1147 : vector<16xi32>
      %parallel_loop3A_1149 = arith.constant 255 : i32
      %parallel_loop3A_1150 = vector.broadcast %parallel_loop3A_1149 : i32 to vector<16xi32>
      %parallel_loop3A_1151 = arith.andi %parallel_loop3A_1148, %parallel_loop3A_1150 : vector<16xi32>
      %parallel_loop3A_1152 = arith.constant 0 : i32
      %parallel_loop3A_1153 = vector.broadcast %parallel_loop3A_1152 : i32 to vector<16xi32>
      %parallel_loop3A_1154 = arith.addi %iota3A, %parallel_loop3A_1153 : vector<16xi32>
      %parallel_loop3A_1155 = tpu.vector_load_idx %arg5[%parallel_loop3A_1154, %parallel_loop3A_1151] : memref<32x256xf32, #tpu.memory_space<vmem>>[vector<16xi32>, vector<16xi32>], vector<16xf32>,
      %parallel_loop3A_1156 = arith.constant 8.000000e+01 : f32
      %parallel_loop3A_1157 = vector.broadcast %parallel_loop3A_1156 : f32 to vector<16xf32>
      %parallel_loop3A_1158 = arith.minimumf %parallel_loop3A_1155, %parallel_loop3A_1157 : vector<16xf32>
      %parallel_loop3A_1159 = math.exp %parallel_loop3A_1158 : vector<16xf32>
      %parallel_loop3A_1160 = arith.addf %parallel_loop3A_1145, %parallel_loop3A_1159 : vector<16xf32>
      %parallel_loop3A_1161 = arith.constant 16 : i32
      %parallel_loop3A_1162 = vector.broadcast %parallel_loop3A_1161 : i32 to vector<16xi32>
      %parallel_loop3A_1163 = arith.addi %iota3A, %parallel_loop3A_1162 : vector<16xi32>
      %parallel_loop3A_1164 = tpu.vector_load_idx %arg5[%parallel_loop3A_1163, %parallel_loop3A_1151] : memref<32x256xf32, #tpu.memory_space<vmem>>[vector<16xi32>, vector<16xi32>], vector<16xf32>,
      %parallel_loop3A_1165 = arith.constant 8.000000e+01 : f32
      %parallel_loop3A_1166 = vector.broadcast %parallel_loop3A_1165 : f32 to vector<16xf32>
      %parallel_loop3A_1167 = arith.minimumf %parallel_loop3A_1164, %parallel_loop3A_1166 : vector<16xf32>
      %parallel_loop3A_1168 = math.exp %parallel_loop3A_1167 : vector<16xf32>
      %parallel_loop3A_1169 = arith.addf %parallel_loop3A_1146, %parallel_loop3A_1168 : vector<16xf32>
      scf.yield %parallel_loop3A_1160, %parallel_loop3A_1169 : vector<16xf32>, vector<16xf32>
    } {sc.loop_unroll_factor = 8 : i64, sc.parallel_access}
    %bitcast3A_309 = vector.bitcast %parallel_loop3A_308#0 : vector<16xf32> to vector<16xi32>
    %shift_right_arithmetic3A_310 = arith.constant 23 : i32
    %shift_right_arithmetic3A_311 = vector.broadcast %shift_right_arithmetic3A_310 : i32 to vector<16xi32>
    %shift_right_arithmetic3A_312 = arith.shrsi %bitcast3A_309, %shift_right_arithmetic3A_311 : vector<16xi32>
    %and3A_313 = arith.constant 255 : i32
    %and3A_314 = vector.broadcast %and3A_313 : i32 to vector<16xi32>
    %and3A_315 = arith.andi %shift_right_arithmetic3A_312, %and3A_314 : vector<16xi32>
    %sub3A_316 = arith.constant 127 : i32
    %sub3A_317 = vector.broadcast %sub3A_316 : i32 to vector<16xi32>
    %sub3A_318 = arith.subi %and3A_315, %sub3A_317 : vector<16xi32>
    %and3A_319 = arith.constant 8388607 : i32
    %and3A_320 = vector.broadcast %and3A_319 : i32 to vector<16xi32>
    %and3A_321 = arith.andi %bitcast3A_309, %and3A_320 : vector<16xi32>
    %or3A_322 = arith.constant 1065353216 : i32
    %or3A_323 = vector.broadcast %or3A_322 : i32 to vector<16xi32>
    %or3A_324 = arith.ori %and3A_321, %or3A_323 : vector<16xi32>
    %bitcast3A_325 = vector.bitcast %or3A_324 : vector<16xi32> to vector<16xf32>
    %sub3A_326 = arith.constant 1.000000e+00 : f32
    %sub3A_327 = vector.broadcast %sub3A_326 : f32 to vector<16xf32>
    %sub3A_328 = arith.subf %bitcast3A_325, %sub3A_327 : vector<16xf32>
    %broadcast_in_dim3A_329 = arith.constant 0.0301026255 : f32
    %broadcast_in_dim3A_330 = vector.broadcast %broadcast_in_dim3A_329 : f32 to vector<16xf32>
    %mul3A_331 = arith.mulf %broadcast_in_dim3A_330, %sub3A_328 : vector<16xf32>
    %add3A_332 = arith.constant -0.130119413 : f32
    %add3A_333 = vector.broadcast %add3A_332 : f32 to vector<16xf32>
    %add3A_334 = arith.addf %mul3A_331, %add3A_333 : vector<16xf32>
    %mul3A_335 = arith.mulf %add3A_334, %sub3A_328 : vector<16xf32>
    %add3A_336 = arith.constant 0.283304334 : f32
    %add3A_337 = vector.broadcast %add3A_336 : f32 to vector<16xf32>
    %add3A_338 = arith.addf %mul3A_335, %add3A_337 : vector<16xf32>
    %mul3A_339 = arith.mulf %add3A_338, %sub3A_328 : vector<16xf32>
    %add3A_340 = arith.constant -0.489156842 : f32
    %add3A_341 = vector.broadcast %add3A_340 : f32 to vector<16xf32>
    %add3A_342 = arith.addf %mul3A_339, %add3A_341 : vector<16xf32>
    %mul3A_343 = arith.mulf %add3A_342, %sub3A_328 : vector<16xf32>
    %add3A_344 = arith.constant 0.999010443 : f32
    %add3A_345 = vector.broadcast %add3A_344 : f32 to vector<16xf32>
    %add3A_346 = arith.addf %mul3A_343, %add3A_345 : vector<16xf32>
    %mul3A_347 = arith.mulf %add3A_346, %sub3A_328 : vector<16xf32>
    %add3A_348 = arith.constant 2.21170303E-5 : f32
    %add3A_349 = vector.broadcast %add3A_348 : f32 to vector<16xf32>
    %add3A_350 = arith.addf %mul3A_347, %add3A_349 : vector<16xf32>
    %convert_element_type3A_351 = arith.sitofp %sub3A_318 : vector<16xi32> to vector<16xf32>
    %mul3A_352 = arith.constant 0.693147182 : f32
    %mul3A_353 = vector.broadcast %mul3A_352 : f32 to vector<16xf32>
    %mul3A_354 = arith.mulf %convert_element_type3A_351, %mul3A_353 : vector<16xf32>
    %add3A_355 = arith.addf %mul3A_354, %add3A_350 : vector<16xf32>
    %get3A_356 = arith.constant 2 : i32
    %get3A_357 = arith.index_cast %get3A_356 : i32 to index
    %get3A_358 = arith.constant 0 : index
    %get3A_359 = tpu.vector_load %arg7[%get3A_357, %get3A_358] {strides = array<i32>} : memref<8x32xi32, #tpu.memory_space<vmem>>, vector<16xi32>,
    %add3A_360 = arith.constant 0 : i32
    %add3A_361 = vector.broadcast %add3A_360 : i32 to vector<16xi32>
    %add3A_362 = arith.addi %iota3A, %add3A_361 : vector<16xi32>
    %gather3A_363 = tpu.vector_load_idx %arg5[%add3A_362, %get3A_359] : memref<32x256xf32, #tpu.memory_space<vmem>>[vector<16xi32>, vector<16xi32>], vector<16xf32>,
    %get3A_364 = arith.constant 0 : index
    %get3A_365 = tpu.vector_load %arg8[%get3A_364] {strides = array<i32>} : memref<32xf32, #tpu.memory_space<vmem>>, vector<16xf32>,
    %add3A_366 = arith.addf %get3A_365, %gather3A_363 : vector<16xf32>
    %sub3A_367 = arith.subf %add3A_366, %add3A_355 : vector<16xf32>
    %swap3A_368 = arith.constant 0 : index
    %swap3A_369 = tpu.vector_load %arg8[%swap3A_368] {strides = array<i32>} : memref<32xf32, #tpu.memory_space<vmem>>, vector<16xf32>,
    tpu.vector_store %arg8[%swap3A_368], %sub3A_367 {strides = array<i32>} : memref<32xf32, #tpu.memory_space<vmem>>, vector<16xf32>,
    %bitcast3A_370 = vector.bitcast %parallel_loop3A_308#1 : vector<16xf32> to vector<16xi32>
    %shift_right_arithmetic3A_371 = arith.constant 23 : i32
    %shift_right_arithmetic3A_372 = vector.broadcast %shift_right_arithmetic3A_371 : i32 to vector<16xi32>
    %shift_right_arithmetic3A_373 = arith.shrsi %bitcast3A_370, %shift_right_arithmetic3A_372 : vector<16xi32>
    %and3A_374 = arith.constant 255 : i32
    %and3A_375 = vector.broadcast %and3A_374 : i32 to vector<16xi32>
    %and3A_376 = arith.andi %shift_right_arithmetic3A_373, %and3A_375 : vector<16xi32>
    %sub3A_377 = arith.constant 127 : i32
    %sub3A_378 = vector.broadcast %sub3A_377 : i32 to vector<16xi32>
    %sub3A_379 = arith.subi %and3A_376, %sub3A_378 : vector<16xi32>
    %and3A_380 = arith.constant 8388607 : i32
    %and3A_381 = vector.broadcast %and3A_380 : i32 to vector<16xi32>
    %and3A_382 = arith.andi %bitcast3A_370, %and3A_381 : vector<16xi32>
    %or3A_383 = arith.constant 1065353216 : i32
    %or3A_384 = vector.broadcast %or3A_383 : i32 to vector<16xi32>
    %or3A_385 = arith.ori %and3A_382, %or3A_384 : vector<16xi32>
    %bitcast3A_386 = vector.bitcast %or3A_385 : vector<16xi32> to vector<16xf32>
    %sub3A_387 = arith.constant 1.000000e+00 : f32
    %sub3A_388 = vector.broadcast %sub3A_387 : f32 to vector<16xf32>
    %sub3A_389 = arith.subf %bitcast3A_386, %sub3A_388 : vector<16xf32>
    %broadcast_in_dim3A_390 = arith.constant 0.0301026255 : f32
    %broadcast_in_dim3A_391 = vector.broadcast %broadcast_in_dim3A_390 : f32 to vector<16xf32>
    %mul3A_392 = arith.mulf %broadcast_in_dim3A_391, %sub3A_389 : vector<16xf32>
    %add3A_393 = arith.constant -0.130119413 : f32
    %add3A_394 = vector.broadcast %add3A_393 : f32 to vector<16xf32>
    %add3A_395 = arith.addf %mul3A_392, %add3A_394 : vector<16xf32>
    %mul3A_396 = arith.mulf %add3A_395, %sub3A_389 : vector<16xf32>
    %add3A_397 = arith.constant 0.283304334 : f32
    %add3A_398 = vector.broadcast %add3A_397 : f32 to vector<16xf32>
    %add3A_399 = arith.addf %mul3A_396, %add3A_398 : vector<16xf32>
    %mul3A_400 = arith.mulf %add3A_399, %sub3A_389 : vector<16xf32>
    %add3A_401 = arith.constant -0.489156842 : f32
    %add3A_402 = vector.broadcast %add3A_401 : f32 to vector<16xf32>
    %add3A_403 = arith.addf %mul3A_400, %add3A_402 : vector<16xf32>
    %mul3A_404 = arith.mulf %add3A_403, %sub3A_389 : vector<16xf32>
    %add3A_405 = arith.constant 0.999010443 : f32
    %add3A_406 = vector.broadcast %add3A_405 : f32 to vector<16xf32>
    %add3A_407 = arith.addf %mul3A_404, %add3A_406 : vector<16xf32>
    %mul3A_408 = arith.mulf %add3A_407, %sub3A_389 : vector<16xf32>
    %add3A_409 = arith.constant 2.21170303E-5 : f32
    %add3A_410 = vector.broadcast %add3A_409 : f32 to vector<16xf32>
    %add3A_411 = arith.addf %mul3A_408, %add3A_410 : vector<16xf32>
    %convert_element_type3A_412 = arith.sitofp %sub3A_379 : vector<16xi32> to vector<16xf32>
    %mul3A_413 = arith.constant 0.693147182 : f32
    %mul3A_414 = vector.broadcast %mul3A_413 : f32 to vector<16xf32>
    %mul3A_415 = arith.mulf %convert_element_type3A_412, %mul3A_414 : vector<16xf32>
    %add3A_416 = arith.addf %mul3A_415, %add3A_411 : vector<16xf32>
    %get3A_417 = arith.constant 2 : i32
    %get3A_418 = arith.index_cast %get3A_417 : i32 to index
    %get3A_419 = arith.constant 16 : index
    %get3A_420 = tpu.vector_load %arg7[%get3A_418, %get3A_419] {strides = array<i32>} : memref<8x32xi32, #tpu.memory_space<vmem>>, vector<16xi32>,
    %add3A_421 = arith.constant 16 : i32
    %add3A_422 = vector.broadcast %add3A_421 : i32 to vector<16xi32>
    %add3A_423 = arith.addi %iota3A, %add3A_422 : vector<16xi32>
    %gather3A_424 = tpu.vector_load_idx %arg5[%add3A_423, %get3A_420] : memref<32x256xf32, #tpu.memory_space<vmem>>[vector<16xi32>, vector<16xi32>], vector<16xf32>,
    %get3A_425 = arith.constant 16 : index
    %get3A_426 = tpu.vector_load %arg8[%get3A_425] {strides = array<i32>} : memref<32xf32, #tpu.memory_space<vmem>>, vector<16xf32>,
    %add3A_427 = arith.addf %get3A_426, %gather3A_424 : vector<16xf32>
    %sub3A_428 = arith.subf %add3A_427, %add3A_416 : vector<16xf32>
    %swap3A_429 = arith.constant 16 : index
    %swap3A_430 = tpu.vector_load %arg8[%swap3A_429] {strides = array<i32>} : memref<32xf32, #tpu.memory_space<vmem>>, vector<16xf32>,
    tpu.vector_store %arg8[%swap3A_429], %sub3A_428 {strides = array<i32>} : memref<32xf32, #tpu.memory_space<vmem>>, vector<16xf32>,
    %dma_start3A_431 = arith.constant 4 : i32
    %dma_start3A_432 = arith.constant 0 : i32
    %dma_start3A_433 = tpu.memref_slice %arg3[%dma_start3A_431, %add3A_4, %dma_start3A_432] : memref<8x16384x256xf32, #tpu.memory_space<hbm>> -> memref<1x32x256xf32, #tpu.memory_space<hbm>>
    %dma_start3A_434 = tpu.memref_squeeze %dma_start3A_433 : memref<1x32x256xf32, #tpu.memory_space<hbm>> -> memref<32x256xf32, #tpu.memory_space<hbm>>
    %dma_start3A_435 = arith.constant 0 : i32
    %dma_start3A_436 = tpu.memref_slice %arg3[%dma_start3A_431, %add3A_4, %dma_start3A_435] : memref<8x16384x256xf32, #tpu.memory_space<hbm>> -> memref<1x32x256xf32, #tpu.memory_space<hbm>>
    %dma_start3A_437 = tpu.memref_squeeze %dma_start3A_436 : memref<1x32x256xf32, #tpu.memory_space<hbm>> -> memref<32x256xf32, #tpu.memory_space<hbm>>
    tpu.enqueue_dma source(%dma_start3A_437 : memref<32x256xf32, #tpu.memory_space<hbm>>) target(%arg5 : memref<32x256xf32, #tpu.memory_space<vmem>>) target_semaphore(%arg9 : memref<!tpu.dma_semaphore, #tpu.memory_space<semaphore_mem>>)
    %dma_wait3A_438 = arith.constant 3 : i32
    %dma_wait3A_439 = arith.constant 0 : i32
    %dma_wait3A_440 = tpu.memref_slice %arg3[%dma_wait3A_438, %add3A_4, %dma_wait3A_439] : memref<8x16384x256xf32, #tpu.memory_space<hbm>> -> memref<1x32x256xf32, #tpu.memory_space<hbm>>
    %dma_wait3A_441 = tpu.memref_squeeze %dma_wait3A_440 : memref<1x32x256xf32, #tpu.memory_space<hbm>> -> memref<32x256xf32, #tpu.memory_space<hbm>>
    %dma_wait3A_442 = arith.constant 0 : i32
    %dma_wait3A_443 = tpu.memref_slice %arg3[%dma_wait3A_438, %add3A_4, %dma_wait3A_442] : memref<8x16384x256xf32, #tpu.memory_space<hbm>> -> memref<1x32x256xf32, #tpu.memory_space<hbm>>
    %dma_wait3A_444 = tpu.memref_squeeze %dma_wait3A_443 : memref<1x32x256xf32, #tpu.memory_space<hbm>> -> memref<32x256xf32, #tpu.memory_space<hbm>>
    tpu.wait_dma2 semaphore(%arg10 : memref<!tpu.dma_semaphore, #tpu.memory_space<semaphore_mem>>) src(%dma_wait3A_444 : memref<32x256xf32, #tpu.memory_space<hbm>>) dst(%arg6 : memref<32x256xf32, #tpu.memory_space<vmem>>)
    %broadcast_in_dim3A_445 = arith.constant 0.000000e+00 : f32
    %broadcast_in_dim3A_446 = vector.broadcast %broadcast_in_dim3A_445 : f32 to vector<16xf32>
    %broadcast_in_dim3A_447 = arith.constant 0.000000e+00 : f32
    %broadcast_in_dim3A_448 = vector.broadcast %broadcast_in_dim3A_447 : f32 to vector<16xf32>
    %parallel_loop3A_449 = arith.constant 0 : i32
    %parallel_loop3A_450 = arith.constant 256 : i32
    %parallel_loop3A_451 = arith.constant 1 : i32
    %parallel_loop3A_452:2 = scf.for %parallel_loop3A_1144 = %parallel_loop3A_449 to %parallel_loop3A_450 step %parallel_loop3A_451 iter_args(%parallel_loop3A_1145 = %broadcast_in_dim3A_446, %parallel_loop3A_1146 = %broadcast_in_dim3A_448) -> (vector<16xf32>, vector<16xf32>)  : i32 {
      %parallel_loop3A_1147 = vector.broadcast %parallel_loop3A_1144 : i32 to vector<16xi32>
      %parallel_loop3A_1148 = arith.addi %iota3A, %parallel_loop3A_1147 : vector<16xi32>
      %parallel_loop3A_1149 = arith.constant 255 : i32
      %parallel_loop3A_1150 = vector.broadcast %parallel_loop3A_1149 : i32 to vector<16xi32>
      %parallel_loop3A_1151 = arith.andi %parallel_loop3A_1148, %parallel_loop3A_1150 : vector<16xi32>
      %parallel_loop3A_1152 = arith.constant 0 : i32
      %parallel_loop3A_1153 = vector.broadcast %parallel_loop3A_1152 : i32 to vector<16xi32>
      %parallel_loop3A_1154 = arith.addi %iota3A, %parallel_loop3A_1153 : vector<16xi32>
      %parallel_loop3A_1155 = tpu.vector_load_idx %arg6[%parallel_loop3A_1154, %parallel_loop3A_1151] : memref<32x256xf32, #tpu.memory_space<vmem>>[vector<16xi32>, vector<16xi32>], vector<16xf32>,
      %parallel_loop3A_1156 = arith.constant 8.000000e+01 : f32
      %parallel_loop3A_1157 = vector.broadcast %parallel_loop3A_1156 : f32 to vector<16xf32>
      %parallel_loop3A_1158 = arith.minimumf %parallel_loop3A_1155, %parallel_loop3A_1157 : vector<16xf32>
      %parallel_loop3A_1159 = math.exp %parallel_loop3A_1158 : vector<16xf32>
      %parallel_loop3A_1160 = arith.addf %parallel_loop3A_1145, %parallel_loop3A_1159 : vector<16xf32>
      %parallel_loop3A_1161 = arith.constant 16 : i32
      %parallel_loop3A_1162 = vector.broadcast %parallel_loop3A_1161 : i32 to vector<16xi32>
      %parallel_loop3A_1163 = arith.addi %iota3A, %parallel_loop3A_1162 : vector<16xi32>
      %parallel_loop3A_1164 = tpu.vector_load_idx %arg6[%parallel_loop3A_1163, %parallel_loop3A_1151] : memref<32x256xf32, #tpu.memory_space<vmem>>[vector<16xi32>, vector<16xi32>], vector<16xf32>,
      %parallel_loop3A_1165 = arith.constant 8.000000e+01 : f32
      %parallel_loop3A_1166 = vector.broadcast %parallel_loop3A_1165 : f32 to vector<16xf32>
      %parallel_loop3A_1167 = arith.minimumf %parallel_loop3A_1164, %parallel_loop3A_1166 : vector<16xf32>
      %parallel_loop3A_1168 = math.exp %parallel_loop3A_1167 : vector<16xf32>
      %parallel_loop3A_1169 = arith.addf %parallel_loop3A_1146, %parallel_loop3A_1168 : vector<16xf32>
      scf.yield %parallel_loop3A_1160, %parallel_loop3A_1169 : vector<16xf32>, vector<16xf32>
    } {sc.loop_unroll_factor = 8 : i64, sc.parallel_access}
    %bitcast3A_453 = vector.bitcast %parallel_loop3A_452#0 : vector<16xf32> to vector<16xi32>
    %shift_right_arithmetic3A_454 = arith.constant 23 : i32
    %shift_right_arithmetic3A_455 = vector.broadcast %shift_right_arithmetic3A_454 : i32 to vector<16xi32>
    %shift_right_arithmetic3A_456 = arith.shrsi %bitcast3A_453, %shift_right_arithmetic3A_455 : vector<16xi32>
    %and3A_457 = arith.constant 255 : i32
    %and3A_458 = vector.broadcast %and3A_457 : i32 to vector<16xi32>
    %and3A_459 = arith.andi %shift_right_arithmetic3A_456, %and3A_458 : vector<16xi32>
    %sub3A_460 = arith.constant 127 : i32
    %sub3A_461 = vector.broadcast %sub3A_460 : i32 to vector<16xi32>
    %sub3A_462 = arith.subi %and3A_459, %sub3A_461 : vector<16xi32>
    %and3A_463 = arith.constant 8388607 : i32
    %and3A_464 = vector.broadcast %and3A_463 : i32 to vector<16xi32>
    %and3A_465 = arith.andi %bitcast3A_453, %and3A_464 : vector<16xi32>
    %or3A_466 = arith.constant 1065353216 : i32
    %or3A_467 = vector.broadcast %or3A_466 : i32 to vector<16xi32>
    %or3A_468 = arith.ori %and3A_465, %or3A_467 : vector<16xi32>
    %bitcast3A_469 = vector.bitcast %or3A_468 : vector<16xi32> to vector<16xf32>
    %sub3A_470 = arith.constant 1.000000e+00 : f32
    %sub3A_471 = vector.broadcast %sub3A_470 : f32 to vector<16xf32>
    %sub3A_472 = arith.subf %bitcast3A_469, %sub3A_471 : vector<16xf32>
    %broadcast_in_dim3A_473 = arith.constant 0.0301026255 : f32
    %broadcast_in_dim3A_474 = vector.broadcast %broadcast_in_dim3A_473 : f32 to vector<16xf32>
    %mul3A_475 = arith.mulf %broadcast_in_dim3A_474, %sub3A_472 : vector<16xf32>
    %add3A_476 = arith.constant -0.130119413 : f32
    %add3A_477 = vector.broadcast %add3A_476 : f32 to vector<16xf32>
    %add3A_478 = arith.addf %mul3A_475, %add3A_477 : vector<16xf32>
    %mul3A_479 = arith.mulf %add3A_478, %sub3A_472 : vector<16xf32>
    %add3A_480 = arith.constant 0.283304334 : f32
    %add3A_481 = vector.broadcast %add3A_480 : f32 to vector<16xf32>
    %add3A_482 = arith.addf %mul3A_479, %add3A_481 : vector<16xf32>
    %mul3A_483 = arith.mulf %add3A_482, %sub3A_472 : vector<16xf32>
    %add3A_484 = arith.constant -0.489156842 : f32
    %add3A_485 = vector.broadcast %add3A_484 : f32 to vector<16xf32>
    %add3A_486 = arith.addf %mul3A_483, %add3A_485 : vector<16xf32>
    %mul3A_487 = arith.mulf %add3A_486, %sub3A_472 : vector<16xf32>
    %add3A_488 = arith.constant 0.999010443 : f32
    %add3A_489 = vector.broadcast %add3A_488 : f32 to vector<16xf32>
    %add3A_490 = arith.addf %mul3A_487, %add3A_489 : vector<16xf32>
    %mul3A_491 = arith.mulf %add3A_490, %sub3A_472 : vector<16xf32>
    %add3A_492 = arith.constant 2.21170303E-5 : f32
    %add3A_493 = vector.broadcast %add3A_492 : f32 to vector<16xf32>
    %add3A_494 = arith.addf %mul3A_491, %add3A_493 : vector<16xf32>
    %convert_element_type3A_495 = arith.sitofp %sub3A_462 : vector<16xi32> to vector<16xf32>
    %mul3A_496 = arith.constant 0.693147182 : f32
    %mul3A_497 = vector.broadcast %mul3A_496 : f32 to vector<16xf32>
    %mul3A_498 = arith.mulf %convert_element_type3A_495, %mul3A_497 : vector<16xf32>
    %add3A_499 = arith.addf %mul3A_498, %add3A_494 : vector<16xf32>
    %get3A_500 = arith.constant 3 : i32
    %get3A_501 = arith.index_cast %get3A_500 : i32 to index
    %get3A_502 = arith.constant 0 : index
    %get3A_503 = tpu.vector_load %arg7[%get3A_501, %get3A_502] {strides = array<i32>} : memref<8x32xi32, #tpu.memory_space<vmem>>, vector<16xi32>,
    %add3A_504 = arith.constant 0 : i32
    %add3A_505 = vector.broadcast %add3A_504 : i32 to vector<16xi32>
    %add3A_506 = arith.addi %iota3A, %add3A_505 : vector<16xi32>
    %gather3A_507 = tpu.vector_load_idx %arg6[%add3A_506, %get3A_503] : memref<32x256xf32, #tpu.memory_space<vmem>>[vector<16xi32>, vector<16xi32>], vector<16xf32>,
    %get3A_508 = arith.constant 0 : index
    %get3A_509 = tpu.vector_load %arg8[%get3A_508] {strides = array<i32>} : memref<32xf32, #tpu.memory_space<vmem>>, vector<16xf32>,
    %add3A_510 = arith.addf %get3A_509, %gather3A_507 : vector<16xf32>
    %sub3A_511 = arith.subf %add3A_510, %add3A_499 : vector<16xf32>
    %swap3A_512 = arith.constant 0 : index
    %swap3A_513 = tpu.vector_load %arg8[%swap3A_512] {strides = array<i32>} : memref<32xf32, #tpu.memory_space<vmem>>, vector<16xf32>,
    tpu.vector_store %arg8[%swap3A_512], %sub3A_511 {strides = array<i32>} : memref<32xf32, #tpu.memory_space<vmem>>, vector<16xf32>,
    %bitcast3A_514 = vector.bitcast %parallel_loop3A_452#1 : vector<16xf32> to vector<16xi32>
    %shift_right_arithmetic3A_515 = arith.constant 23 : i32
    %shift_right_arithmetic3A_516 = vector.broadcast %shift_right_arithmetic3A_515 : i32 to vector<16xi32>
    %shift_right_arithmetic3A_517 = arith.shrsi %bitcast3A_514, %shift_right_arithmetic3A_516 : vector<16xi32>
    %and3A_518 = arith.constant 255 : i32
    %and3A_519 = vector.broadcast %and3A_518 : i32 to vector<16xi32>
    %and3A_520 = arith.andi %shift_right_arithmetic3A_517, %and3A_519 : vector<16xi32>
    %sub3A_521 = arith.constant 127 : i32
    %sub3A_522 = vector.broadcast %sub3A_521 : i32 to vector<16xi32>
    %sub3A_523 = arith.subi %and3A_520, %sub3A_522 : vector<16xi32>
    %and3A_524 = arith.constant 8388607 : i32
    %and3A_525 = vector.broadcast %and3A_524 : i32 to vector<16xi32>
    %and3A_526 = arith.andi %bitcast3A_514, %and3A_525 : vector<16xi32>
    %or3A_527 = arith.constant 1065353216 : i32
    %or3A_528 = vector.broadcast %or3A_527 : i32 to vector<16xi32>
    %or3A_529 = arith.ori %and3A_526, %or3A_528 : vector<16xi32>
    %bitcast3A_530 = vector.bitcast %or3A_529 : vector<16xi32> to vector<16xf32>
    %sub3A_531 = arith.constant 1.000000e+00 : f32
    %sub3A_532 = vector.broadcast %sub3A_531 : f32 to vector<16xf32>
    %sub3A_533 = arith.subf %bitcast3A_530, %sub3A_532 : vector<16xf32>
    %broadcast_in_dim3A_534 = arith.constant 0.0301026255 : f32
    %broadcast_in_dim3A_535 = vector.broadcast %broadcast_in_dim3A_534 : f32 to vector<16xf32>
    %mul3A_536 = arith.mulf %broadcast_in_dim3A_535, %sub3A_533 : vector<16xf32>
    %add3A_537 = arith.constant -0.130119413 : f32
    %add3A_538 = vector.broadcast %add3A_537 : f32 to vector<16xf32>
    %add3A_539 = arith.addf %mul3A_536, %add3A_538 : vector<16xf32>
    %mul3A_540 = arith.mulf %add3A_539, %sub3A_533 : vector<16xf32>
    %add3A_541 = arith.constant 0.283304334 : f32
    %add3A_542 = vector.broadcast %add3A_541 : f32 to vector<16xf32>
    %add3A_543 = arith.addf %mul3A_540, %add3A_542 : vector<16xf32>
    %mul3A_544 = arith.mulf %add3A_543, %sub3A_533 : vector<16xf32>
    %add3A_545 = arith.constant -0.489156842 : f32
    %add3A_546 = vector.broadcast %add3A_545 : f32 to vector<16xf32>
    %add3A_547 = arith.addf %mul3A_544, %add3A_546 : vector<16xf32>
    %mul3A_548 = arith.mulf %add3A_547, %sub3A_533 : vector<16xf32>
    %add3A_549 = arith.constant 0.999010443 : f32
    %add3A_550 = vector.broadcast %add3A_549 : f32 to vector<16xf32>
    %add3A_551 = arith.addf %mul3A_548, %add3A_550 : vector<16xf32>
    %mul3A_552 = arith.mulf %add3A_551, %sub3A_533 : vector<16xf32>
    %add3A_553 = arith.constant 2.21170303E-5 : f32
    %add3A_554 = vector.broadcast %add3A_553 : f32 to vector<16xf32>
    %add3A_555 = arith.addf %mul3A_552, %add3A_554 : vector<16xf32>
    %convert_element_type3A_556 = arith.sitofp %sub3A_523 : vector<16xi32> to vector<16xf32>
    %mul3A_557 = arith.constant 0.693147182 : f32
    %mul3A_558 = vector.broadcast %mul3A_557 : f32 to vector<16xf32>
    %mul3A_559 = arith.mulf %convert_element_type3A_556, %mul3A_558 : vector<16xf32>
    %add3A_560 = arith.addf %mul3A_559, %add3A_555 : vector<16xf32>
    %get3A_561 = arith.constant 3 : i32
    %get3A_562 = arith.index_cast %get3A_561 : i32 to index
    %get3A_563 = arith.constant 16 : index
    %get3A_564 = tpu.vector_load %arg7[%get3A_562, %get3A_563] {strides = array<i32>} : memref<8x32xi32, #tpu.memory_space<vmem>>, vector<16xi32>,
    %add3A_565 = arith.constant 16 : i32
    %add3A_566 = vector.broadcast %add3A_565 : i32 to vector<16xi32>
    %add3A_567 = arith.addi %iota3A, %add3A_566 : vector<16xi32>
    %gather3A_568 = tpu.vector_load_idx %arg6[%add3A_567, %get3A_564] : memref<32x256xf32, #tpu.memory_space<vmem>>[vector<16xi32>, vector<16xi32>], vector<16xf32>,
    %get3A_569 = arith.constant 16 : index
    %get3A_570 = tpu.vector_load %arg8[%get3A_569] {strides = array<i32>} : memref<32xf32, #tpu.memory_space<vmem>>, vector<16xf32>,
    %add3A_571 = arith.addf %get3A_570, %gather3A_568 : vector<16xf32>
    %sub3A_572 = arith.subf %add3A_571, %add3A_560 : vector<16xf32>
    %swap3A_573 = arith.constant 16 : index
    %swap3A_574 = tpu.vector_load %arg8[%swap3A_573] {strides = array<i32>} : memref<32xf32, #tpu.memory_space<vmem>>, vector<16xf32>,
    tpu.vector_store %arg8[%swap3A_573], %sub3A_572 {strides = array<i32>} : memref<32xf32, #tpu.memory_space<vmem>>, vector<16xf32>,
    %dma_start3A_575 = arith.constant 5 : i32
    %dma_start3A_576 = arith.constant 0 : i32
    %dma_start3A_577 = tpu.memref_slice %arg3[%dma_start3A_575, %add3A_4, %dma_start3A_576] : memref<8x16384x256xf32, #tpu.memory_space<hbm>> -> memref<1x32x256xf32, #tpu.memory_space<hbm>>
    %dma_start3A_578 = tpu.memref_squeeze %dma_start3A_577 : memref<1x32x256xf32, #tpu.memory_space<hbm>> -> memref<32x256xf32, #tpu.memory_space<hbm>>
    %dma_start3A_579 = arith.constant 0 : i32
    %dma_start3A_580 = tpu.memref_slice %arg3[%dma_start3A_575, %add3A_4, %dma_start3A_579] : memref<8x16384x256xf32, #tpu.memory_space<hbm>> -> memref<1x32x256xf32, #tpu.memory_space<hbm>>
    %dma_start3A_581 = tpu.memref_squeeze %dma_start3A_580 : memref<1x32x256xf32, #tpu.memory_space<hbm>> -> memref<32x256xf32, #tpu.memory_space<hbm>>
    tpu.enqueue_dma source(%dma_start3A_581 : memref<32x256xf32, #tpu.memory_space<hbm>>) target(%arg6 : memref<32x256xf32, #tpu.memory_space<vmem>>) target_semaphore(%arg10 : memref<!tpu.dma_semaphore, #tpu.memory_space<semaphore_mem>>)
    %dma_wait3A_582 = arith.constant 4 : i32
    %dma_wait3A_583 = arith.constant 0 : i32
    %dma_wait3A_584 = tpu.memref_slice %arg3[%dma_wait3A_582, %add3A_4, %dma_wait3A_583] : memref<8x16384x256xf32, #tpu.memory_space<hbm>> -> memref<1x32x256xf32, #tpu.memory_space<hbm>>
    %dma_wait3A_585 = tpu.memref_squeeze %dma_wait3A_584 : memref<1x32x256xf32, #tpu.memory_space<hbm>> -> memref<32x256xf32, #tpu.memory_space<hbm>>
    %dma_wait3A_586 = arith.constant 0 : i32
    %dma_wait3A_587 = tpu.memref_slice %arg3[%dma_wait3A_582, %add3A_4, %dma_wait3A_586] : memref<8x16384x256xf32, #tpu.memory_space<hbm>> -> memref<1x32x256xf32, #tpu.memory_space<hbm>>
    %dma_wait3A_588 = tpu.memref_squeeze %dma_wait3A_587 : memref<1x32x256xf32, #tpu.memory_space<hbm>> -> memref<32x256xf32, #tpu.memory_space<hbm>>
    tpu.wait_dma2 semaphore(%arg9 : memref<!tpu.dma_semaphore, #tpu.memory_space<semaphore_mem>>) src(%dma_wait3A_588 : memref<32x256xf32, #tpu.memory_space<hbm>>) dst(%arg5 : memref<32x256xf32, #tpu.memory_space<vmem>>)
    %broadcast_in_dim3A_589 = arith.constant 0.000000e+00 : f32
    %broadcast_in_dim3A_590 = vector.broadcast %broadcast_in_dim3A_589 : f32 to vector<16xf32>
    %broadcast_in_dim3A_591 = arith.constant 0.000000e+00 : f32
    %broadcast_in_dim3A_592 = vector.broadcast %broadcast_in_dim3A_591 : f32 to vector<16xf32>
    %parallel_loop3A_593 = arith.constant 0 : i32
    %parallel_loop3A_594 = arith.constant 256 : i32
    %parallel_loop3A_595 = arith.constant 1 : i32
    %parallel_loop3A_596:2 = scf.for %parallel_loop3A_1144 = %parallel_loop3A_593 to %parallel_loop3A_594 step %parallel_loop3A_595 iter_args(%parallel_loop3A_1145 = %broadcast_in_dim3A_590, %parallel_loop3A_1146 = %broadcast_in_dim3A_592) -> (vector<16xf32>, vector<16xf32>)  : i32 {
      %parallel_loop3A_1147 = vector.broadcast %parallel_loop3A_1144 : i32 to vector<16xi32>
      %parallel_loop3A_1148 = arith.addi %iota3A, %parallel_loop3A_1147 : vector<16xi32>
      %parallel_loop3A_1149 = arith.constant 255 : i32
      %parallel_loop3A_1150 = vector.broadcast %parallel_loop3A_1149 : i32 to vector<16xi32>
      %parallel_loop3A_1151 = arith.andi %parallel_loop3A_1148, %parallel_loop3A_1150 : vector<16xi32>
      %parallel_loop3A_1152 = arith.constant 0 : i32
      %parallel_loop3A_1153 = vector.broadcast %parallel_loop3A_1152 : i32 to vector<16xi32>
      %parallel_loop3A_1154 = arith.addi %iota3A, %parallel_loop3A_1153 : vector<16xi32>
      %parallel_loop3A_1155 = tpu.vector_load_idx %arg5[%parallel_loop3A_1154, %parallel_loop3A_1151] : memref<32x256xf32, #tpu.memory_space<vmem>>[vector<16xi32>, vector<16xi32>], vector<16xf32>,
      %parallel_loop3A_1156 = arith.constant 8.000000e+01 : f32
      %parallel_loop3A_1157 = vector.broadcast %parallel_loop3A_1156 : f32 to vector<16xf32>
      %parallel_loop3A_1158 = arith.minimumf %parallel_loop3A_1155, %parallel_loop3A_1157 : vector<16xf32>
      %parallel_loop3A_1159 = math.exp %parallel_loop3A_1158 : vector<16xf32>
      %parallel_loop3A_1160 = arith.addf %parallel_loop3A_1145, %parallel_loop3A_1159 : vector<16xf32>
      %parallel_loop3A_1161 = arith.constant 16 : i32
      %parallel_loop3A_1162 = vector.broadcast %parallel_loop3A_1161 : i32 to vector<16xi32>
      %parallel_loop3A_1163 = arith.addi %iota3A, %parallel_loop3A_1162 : vector<16xi32>
      %parallel_loop3A_1164 = tpu.vector_load_idx %arg5[%parallel_loop3A_1163, %parallel_loop3A_1151] : memref<32x256xf32, #tpu.memory_space<vmem>>[vector<16xi32>, vector<16xi32>], vector<16xf32>,
      %parallel_loop3A_1165 = arith.constant 8.000000e+01 : f32
      %parallel_loop3A_1166 = vector.broadcast %parallel_loop3A_1165 : f32 to vector<16xf32>
      %parallel_loop3A_1167 = arith.minimumf %parallel_loop3A_1164, %parallel_loop3A_1166 : vector<16xf32>
      %parallel_loop3A_1168 = math.exp %parallel_loop3A_1167 : vector<16xf32>
      %parallel_loop3A_1169 = arith.addf %parallel_loop3A_1146, %parallel_loop3A_1168 : vector<16xf32>
      scf.yield %parallel_loop3A_1160, %parallel_loop3A_1169 : vector<16xf32>, vector<16xf32>
    } {sc.loop_unroll_factor = 8 : i64, sc.parallel_access}
    %bitcast3A_597 = vector.bitcast %parallel_loop3A_596#0 : vector<16xf32> to vector<16xi32>
    %shift_right_arithmetic3A_598 = arith.constant 23 : i32
    %shift_right_arithmetic3A_599 = vector.broadcast %shift_right_arithmetic3A_598 : i32 to vector<16xi32>
    %shift_right_arithmetic3A_600 = arith.shrsi %bitcast3A_597, %shift_right_arithmetic3A_599 : vector<16xi32>
    %and3A_601 = arith.constant 255 : i32
    %and3A_602 = vector.broadcast %and3A_601 : i32 to vector<16xi32>
    %and3A_603 = arith.andi %shift_right_arithmetic3A_600, %and3A_602 : vector<16xi32>
    %sub3A_604 = arith.constant 127 : i32
    %sub3A_605 = vector.broadcast %sub3A_604 : i32 to vector<16xi32>
    %sub3A_606 = arith.subi %and3A_603, %sub3A_605 : vector<16xi32>
    %and3A_607 = arith.constant 8388607 : i32
    %and3A_608 = vector.broadcast %and3A_607 : i32 to vector<16xi32>
    %and3A_609 = arith.andi %bitcast3A_597, %and3A_608 : vector<16xi32>
    %or3A_610 = arith.constant 1065353216 : i32
    %or3A_611 = vector.broadcast %or3A_610 : i32 to vector<16xi32>
    %or3A_612 = arith.ori %and3A_609, %or3A_611 : vector<16xi32>
    %bitcast3A_613 = vector.bitcast %or3A_612 : vector<16xi32> to vector<16xf32>
    %sub3A_614 = arith.constant 1.000000e+00 : f32
    %sub3A_615 = vector.broadcast %sub3A_614 : f32 to vector<16xf32>
    %sub3A_616 = arith.subf %bitcast3A_613, %sub3A_615 : vector<16xf32>
    %broadcast_in_dim3A_617 = arith.constant 0.0301026255 : f32
    %broadcast_in_dim3A_618 = vector.broadcast %broadcast_in_dim3A_617 : f32 to vector<16xf32>
    %mul3A_619 = arith.mulf %broadcast_in_dim3A_618, %sub3A_616 : vector<16xf32>
    %add3A_620 = arith.constant -0.130119413 : f32
    %add3A_621 = vector.broadcast %add3A_620 : f32 to vector<16xf32>
    %add3A_622 = arith.addf %mul3A_619, %add3A_621 : vector<16xf32>
    %mul3A_623 = arith.mulf %add3A_622, %sub3A_616 : vector<16xf32>
    %add3A_624 = arith.constant 0.283304334 : f32
    %add3A_625 = vector.broadcast %add3A_624 : f32 to vector<16xf32>
    %add3A_626 = arith.addf %mul3A_623, %add3A_625 : vector<16xf32>
    %mul3A_627 = arith.mulf %add3A_626, %sub3A_616 : vector<16xf32>
    %add3A_628 = arith.constant -0.489156842 : f32
    %add3A_629 = vector.broadcast %add3A_628 : f32 to vector<16xf32>
    %add3A_630 = arith.addf %mul3A_627, %add3A_629 : vector<16xf32>
    %mul3A_631 = arith.mulf %add3A_630, %sub3A_616 : vector<16xf32>
    %add3A_632 = arith.constant 0.999010443 : f32
    %add3A_633 = vector.broadcast %add3A_632 : f32 to vector<16xf32>
    %add3A_634 = arith.addf %mul3A_631, %add3A_633 : vector<16xf32>
    %mul3A_635 = arith.mulf %add3A_634, %sub3A_616 : vector<16xf32>
    %add3A_636 = arith.constant 2.21170303E-5 : f32
    %add3A_637 = vector.broadcast %add3A_636 : f32 to vector<16xf32>
    %add3A_638 = arith.addf %mul3A_635, %add3A_637 : vector<16xf32>
    %convert_element_type3A_639 = arith.sitofp %sub3A_606 : vector<16xi32> to vector<16xf32>
    %mul3A_640 = arith.constant 0.693147182 : f32
    %mul3A_641 = vector.broadcast %mul3A_640 : f32 to vector<16xf32>
    %mul3A_642 = arith.mulf %convert_element_type3A_639, %mul3A_641 : vector<16xf32>
    %add3A_643 = arith.addf %mul3A_642, %add3A_638 : vector<16xf32>
    %get3A_644 = arith.constant 4 : i32
    %get3A_645 = arith.index_cast %get3A_644 : i32 to index
    %get3A_646 = arith.constant 0 : index
    %get3A_647 = tpu.vector_load %arg7[%get3A_645, %get3A_646] {strides = array<i32>} : memref<8x32xi32, #tpu.memory_space<vmem>>, vector<16xi32>,
    %add3A_648 = arith.constant 0 : i32
    %add3A_649 = vector.broadcast %add3A_648 : i32 to vector<16xi32>
    %add3A_650 = arith.addi %iota3A, %add3A_649 : vector<16xi32>
    %gather3A_651 = tpu.vector_load_idx %arg5[%add3A_650, %get3A_647] : memref<32x256xf32, #tpu.memory_space<vmem>>[vector<16xi32>, vector<16xi32>], vector<16xf32>,
    %get3A_652 = arith.constant 0 : index
    %get3A_653 = tpu.vector_load %arg8[%get3A_652] {strides = array<i32>} : memref<32xf32, #tpu.memory_space<vmem>>, vector<16xf32>,
    %add3A_654 = arith.addf %get3A_653, %gather3A_651 : vector<16xf32>
    %sub3A_655 = arith.subf %add3A_654, %add3A_643 : vector<16xf32>
    %swap3A_656 = arith.constant 0 : index
    %swap3A_657 = tpu.vector_load %arg8[%swap3A_656] {strides = array<i32>} : memref<32xf32, #tpu.memory_space<vmem>>, vector<16xf32>,
    tpu.vector_store %arg8[%swap3A_656], %sub3A_655 {strides = array<i32>} : memref<32xf32, #tpu.memory_space<vmem>>, vector<16xf32>,
    %bitcast3A_658 = vector.bitcast %parallel_loop3A_596#1 : vector<16xf32> to vector<16xi32>
    %shift_right_arithmetic3A_659 = arith.constant 23 : i32
    %shift_right_arithmetic3A_660 = vector.broadcast %shift_right_arithmetic3A_659 : i32 to vector<16xi32>
    %shift_right_arithmetic3A_661 = arith.shrsi %bitcast3A_658, %shift_right_arithmetic3A_660 : vector<16xi32>
    %and3A_662 = arith.constant 255 : i32
    %and3A_663 = vector.broadcast %and3A_662 : i32 to vector<16xi32>
    %and3A_664 = arith.andi %shift_right_arithmetic3A_661, %and3A_663 : vector<16xi32>
    %sub3A_665 = arith.constant 127 : i32
    %sub3A_666 = vector.broadcast %sub3A_665 : i32 to vector<16xi32>
    %sub3A_667 = arith.subi %and3A_664, %sub3A_666 : vector<16xi32>
    %and3A_668 = arith.constant 8388607 : i32
    %and3A_669 = vector.broadcast %and3A_668 : i32 to vector<16xi32>
    %and3A_670 = arith.andi %bitcast3A_658, %and3A_669 : vector<16xi32>
    %or3A_671 = arith.constant 1065353216 : i32
    %or3A_672 = vector.broadcast %or3A_671 : i32 to vector<16xi32>
    %or3A_673 = arith.ori %and3A_670, %or3A_672 : vector<16xi32>
    %bitcast3A_674 = vector.bitcast %or3A_673 : vector<16xi32> to vector<16xf32>
    %sub3A_675 = arith.constant 1.000000e+00 : f32
    %sub3A_676 = vector.broadcast %sub3A_675 : f32 to vector<16xf32>
    %sub3A_677 = arith.subf %bitcast3A_674, %sub3A_676 : vector<16xf32>
    %broadcast_in_dim3A_678 = arith.constant 0.0301026255 : f32
    %broadcast_in_dim3A_679 = vector.broadcast %broadcast_in_dim3A_678 : f32 to vector<16xf32>
    %mul3A_680 = arith.mulf %broadcast_in_dim3A_679, %sub3A_677 : vector<16xf32>
    %add3A_681 = arith.constant -0.130119413 : f32
    %add3A_682 = vector.broadcast %add3A_681 : f32 to vector<16xf32>
    %add3A_683 = arith.addf %mul3A_680, %add3A_682 : vector<16xf32>
    %mul3A_684 = arith.mulf %add3A_683, %sub3A_677 : vector<16xf32>
    %add3A_685 = arith.constant 0.283304334 : f32
    %add3A_686 = vector.broadcast %add3A_685 : f32 to vector<16xf32>
    %add3A_687 = arith.addf %mul3A_684, %add3A_686 : vector<16xf32>
    %mul3A_688 = arith.mulf %add3A_687, %sub3A_677 : vector<16xf32>
    %add3A_689 = arith.constant -0.489156842 : f32
    %add3A_690 = vector.broadcast %add3A_689 : f32 to vector<16xf32>
    %add3A_691 = arith.addf %mul3A_688, %add3A_690 : vector<16xf32>
    %mul3A_692 = arith.mulf %add3A_691, %sub3A_677 : vector<16xf32>
    %add3A_693 = arith.constant 0.999010443 : f32
    %add3A_694 = vector.broadcast %add3A_693 : f32 to vector<16xf32>
    %add3A_695 = arith.addf %mul3A_692, %add3A_694 : vector<16xf32>
    %mul3A_696 = arith.mulf %add3A_695, %sub3A_677 : vector<16xf32>
    %add3A_697 = arith.constant 2.21170303E-5 : f32
    %add3A_698 = vector.broadcast %add3A_697 : f32 to vector<16xf32>
    %add3A_699 = arith.addf %mul3A_696, %add3A_698 : vector<16xf32>
    %convert_element_type3A_700 = arith.sitofp %sub3A_667 : vector<16xi32> to vector<16xf32>
    %mul3A_701 = arith.constant 0.693147182 : f32
    %mul3A_702 = vector.broadcast %mul3A_701 : f32 to vector<16xf32>
    %mul3A_703 = arith.mulf %convert_element_type3A_700, %mul3A_702 : vector<16xf32>
    %add3A_704 = arith.addf %mul3A_703, %add3A_699 : vector<16xf32>
    %get3A_705 = arith.constant 4 : i32
    %get3A_706 = arith.index_cast %get3A_705 : i32 to index
    %get3A_707 = arith.constant 16 : index
    %get3A_708 = tpu.vector_load %arg7[%get3A_706, %get3A_707] {strides = array<i32>} : memref<8x32xi32, #tpu.memory_space<vmem>>, vector<16xi32>,
    %add3A_709 = arith.constant 16 : i32
    %add3A_710 = vector.broadcast %add3A_709 : i32 to vector<16xi32>
    %add3A_711 = arith.addi %iota3A, %add3A_710 : vector<16xi32>
    %gather3A_712 = tpu.vector_load_idx %arg5[%add3A_711, %get3A_708] : memref<32x256xf32, #tpu.memory_space<vmem>>[vector<16xi32>, vector<16xi32>], vector<16xf32>,
    %get3A_713 = arith.constant 16 : index
    %get3A_714 = tpu.vector_load %arg8[%get3A_713] {strides = array<i32>} : memref<32xf32, #tpu.memory_space<vmem>>, vector<16xf32>,
    %add3A_715 = arith.addf %get3A_714, %gather3A_712 : vector<16xf32>
    %sub3A_716 = arith.subf %add3A_715, %add3A_704 : vector<16xf32>
    %swap3A_717 = arith.constant 16 : index
    %swap3A_718 = tpu.vector_load %arg8[%swap3A_717] {strides = array<i32>} : memref<32xf32, #tpu.memory_space<vmem>>, vector<16xf32>,
    tpu.vector_store %arg8[%swap3A_717], %sub3A_716 {strides = array<i32>} : memref<32xf32, #tpu.memory_space<vmem>>, vector<16xf32>,
    %dma_start3A_719 = arith.constant 6 : i32
    %dma_start3A_720 = arith.constant 0 : i32
    %dma_start3A_721 = tpu.memref_slice %arg3[%dma_start3A_719, %add3A_4, %dma_start3A_720] : memref<8x16384x256xf32, #tpu.memory_space<hbm>> -> memref<1x32x256xf32, #tpu.memory_space<hbm>>
    %dma_start3A_722 = tpu.memref_squeeze %dma_start3A_721 : memref<1x32x256xf32, #tpu.memory_space<hbm>> -> memref<32x256xf32, #tpu.memory_space<hbm>>
    %dma_start3A_723 = arith.constant 0 : i32
    %dma_start3A_724 = tpu.memref_slice %arg3[%dma_start3A_719, %add3A_4, %dma_start3A_723] : memref<8x16384x256xf32, #tpu.memory_space<hbm>> -> memref<1x32x256xf32, #tpu.memory_space<hbm>>
    %dma_start3A_725 = tpu.memref_squeeze %dma_start3A_724 : memref<1x32x256xf32, #tpu.memory_space<hbm>> -> memref<32x256xf32, #tpu.memory_space<hbm>>
    tpu.enqueue_dma source(%dma_start3A_725 : memref<32x256xf32, #tpu.memory_space<hbm>>) target(%arg5 : memref<32x256xf32, #tpu.memory_space<vmem>>) target_semaphore(%arg9 : memref<!tpu.dma_semaphore, #tpu.memory_space<semaphore_mem>>)
    %dma_wait3A_726 = arith.constant 5 : i32
    %dma_wait3A_727 = arith.constant 0 : i32
    %dma_wait3A_728 = tpu.memref_slice %arg3[%dma_wait3A_726, %add3A_4, %dma_wait3A_727] : memref<8x16384x256xf32, #tpu.memory_space<hbm>> -> memref<1x32x256xf32, #tpu.memory_space<hbm>>
    %dma_wait3A_729 = tpu.memref_squeeze %dma_wait3A_728 : memref<1x32x256xf32, #tpu.memory_space<hbm>> -> memref<32x256xf32, #tpu.memory_space<hbm>>
    %dma_wait3A_730 = arith.constant 0 : i32
    %dma_wait3A_731 = tpu.memref_slice %arg3[%dma_wait3A_726, %add3A_4, %dma_wait3A_730] : memref<8x16384x256xf32, #tpu.memory_space<hbm>> -> memref<1x32x256xf32, #tpu.memory_space<hbm>>
    %dma_wait3A_732 = tpu.memref_squeeze %dma_wait3A_731 : memref<1x32x256xf32, #tpu.memory_space<hbm>> -> memref<32x256xf32, #tpu.memory_space<hbm>>
    tpu.wait_dma2 semaphore(%arg10 : memref<!tpu.dma_semaphore, #tpu.memory_space<semaphore_mem>>) src(%dma_wait3A_732 : memref<32x256xf32, #tpu.memory_space<hbm>>) dst(%arg6 : memref<32x256xf32, #tpu.memory_space<vmem>>)
    %broadcast_in_dim3A_733 = arith.constant 0.000000e+00 : f32
    %broadcast_in_dim3A_734 = vector.broadcast %broadcast_in_dim3A_733 : f32 to vector<16xf32>
    %broadcast_in_dim3A_735 = arith.constant 0.000000e+00 : f32
    %broadcast_in_dim3A_736 = vector.broadcast %broadcast_in_dim3A_735 : f32 to vector<16xf32>
    %parallel_loop3A_737 = arith.constant 0 : i32
    %parallel_loop3A_738 = arith.constant 256 : i32
    %parallel_loop3A_739 = arith.constant 1 : i32
    %parallel_loop3A_740:2 = scf.for %parallel_loop3A_1144 = %parallel_loop3A_737 to %parallel_loop3A_738 step %parallel_loop3A_739 iter_args(%parallel_loop3A_1145 = %broadcast_in_dim3A_734, %parallel_loop3A_1146 = %broadcast_in_dim3A_736) -> (vector<16xf32>, vector<16xf32>)  : i32 {
      %parallel_loop3A_1147 = vector.broadcast %parallel_loop3A_1144 : i32 to vector<16xi32>
      %parallel_loop3A_1148 = arith.addi %iota3A, %parallel_loop3A_1147 : vector<16xi32>
      %parallel_loop3A_1149 = arith.constant 255 : i32
      %parallel_loop3A_1150 = vector.broadcast %parallel_loop3A_1149 : i32 to vector<16xi32>
      %parallel_loop3A_1151 = arith.andi %parallel_loop3A_1148, %parallel_loop3A_1150 : vector<16xi32>
      %parallel_loop3A_1152 = arith.constant 0 : i32
      %parallel_loop3A_1153 = vector.broadcast %parallel_loop3A_1152 : i32 to vector<16xi32>
      %parallel_loop3A_1154 = arith.addi %iota3A, %parallel_loop3A_1153 : vector<16xi32>
      %parallel_loop3A_1155 = tpu.vector_load_idx %arg6[%parallel_loop3A_1154, %parallel_loop3A_1151] : memref<32x256xf32, #tpu.memory_space<vmem>>[vector<16xi32>, vector<16xi32>], vector<16xf32>,
      %parallel_loop3A_1156 = arith.constant 8.000000e+01 : f32
      %parallel_loop3A_1157 = vector.broadcast %parallel_loop3A_1156 : f32 to vector<16xf32>
      %parallel_loop3A_1158 = arith.minimumf %parallel_loop3A_1155, %parallel_loop3A_1157 : vector<16xf32>
      %parallel_loop3A_1159 = math.exp %parallel_loop3A_1158 : vector<16xf32>
      %parallel_loop3A_1160 = arith.addf %parallel_loop3A_1145, %parallel_loop3A_1159 : vector<16xf32>
      %parallel_loop3A_1161 = arith.constant 16 : i32
      %parallel_loop3A_1162 = vector.broadcast %parallel_loop3A_1161 : i32 to vector<16xi32>
      %parallel_loop3A_1163 = arith.addi %iota3A, %parallel_loop3A_1162 : vector<16xi32>
      %parallel_loop3A_1164 = tpu.vector_load_idx %arg6[%parallel_loop3A_1163, %parallel_loop3A_1151] : memref<32x256xf32, #tpu.memory_space<vmem>>[vector<16xi32>, vector<16xi32>], vector<16xf32>,
      %parallel_loop3A_1165 = arith.constant 8.000000e+01 : f32
      %parallel_loop3A_1166 = vector.broadcast %parallel_loop3A_1165 : f32 to vector<16xf32>
      %parallel_loop3A_1167 = arith.minimumf %parallel_loop3A_1164, %parallel_loop3A_1166 : vector<16xf32>
      %parallel_loop3A_1168 = math.exp %parallel_loop3A_1167 : vector<16xf32>
      %parallel_loop3A_1169 = arith.addf %parallel_loop3A_1146, %parallel_loop3A_1168 : vector<16xf32>
      scf.yield %parallel_loop3A_1160, %parallel_loop3A_1169 : vector<16xf32>, vector<16xf32>
    } {sc.loop_unroll_factor = 8 : i64, sc.parallel_access}
    %bitcast3A_741 = vector.bitcast %parallel_loop3A_740#0 : vector<16xf32> to vector<16xi32>
    %shift_right_arithmetic3A_742 = arith.constant 23 : i32
    %shift_right_arithmetic3A_743 = vector.broadcast %shift_right_arithmetic3A_742 : i32 to vector<16xi32>
    %shift_right_arithmetic3A_744 = arith.shrsi %bitcast3A_741, %shift_right_arithmetic3A_743 : vector<16xi32>
    %and3A_745 = arith.constant 255 : i32
    %and3A_746 = vector.broadcast %and3A_745 : i32 to vector<16xi32>
    %and3A_747 = arith.andi %shift_right_arithmetic3A_744, %and3A_746 : vector<16xi32>
    %sub3A_748 = arith.constant 127 : i32
    %sub3A_749 = vector.broadcast %sub3A_748 : i32 to vector<16xi32>
    %sub3A_750 = arith.subi %and3A_747, %sub3A_749 : vector<16xi32>
    %and3A_751 = arith.constant 8388607 : i32
    %and3A_752 = vector.broadcast %and3A_751 : i32 to vector<16xi32>
    %and3A_753 = arith.andi %bitcast3A_741, %and3A_752 : vector<16xi32>
    %or3A_754 = arith.constant 1065353216 : i32
    %or3A_755 = vector.broadcast %or3A_754 : i32 to vector<16xi32>
    %or3A_756 = arith.ori %and3A_753, %or3A_755 : vector<16xi32>
    %bitcast3A_757 = vector.bitcast %or3A_756 : vector<16xi32> to vector<16xf32>
    %sub3A_758 = arith.constant 1.000000e+00 : f32
    %sub3A_759 = vector.broadcast %sub3A_758 : f32 to vector<16xf32>
    %sub3A_760 = arith.subf %bitcast3A_757, %sub3A_759 : vector<16xf32>
    %broadcast_in_dim3A_761 = arith.constant 0.0301026255 : f32
    %broadcast_in_dim3A_762 = vector.broadcast %broadcast_in_dim3A_761 : f32 to vector<16xf32>
    %mul3A_763 = arith.mulf %broadcast_in_dim3A_762, %sub3A_760 : vector<16xf32>
    %add3A_764 = arith.constant -0.130119413 : f32
    %add3A_765 = vector.broadcast %add3A_764 : f32 to vector<16xf32>
    %add3A_766 = arith.addf %mul3A_763, %add3A_765 : vector<16xf32>
    %mul3A_767 = arith.mulf %add3A_766, %sub3A_760 : vector<16xf32>
    %add3A_768 = arith.constant 0.283304334 : f32
    %add3A_769 = vector.broadcast %add3A_768 : f32 to vector<16xf32>
    %add3A_770 = arith.addf %mul3A_767, %add3A_769 : vector<16xf32>
    %mul3A_771 = arith.mulf %add3A_770, %sub3A_760 : vector<16xf32>
    %add3A_772 = arith.constant -0.489156842 : f32
    %add3A_773 = vector.broadcast %add3A_772 : f32 to vector<16xf32>
    %add3A_774 = arith.addf %mul3A_771, %add3A_773 : vector<16xf32>
    %mul3A_775 = arith.mulf %add3A_774, %sub3A_760 : vector<16xf32>
    %add3A_776 = arith.constant 0.999010443 : f32
    %add3A_777 = vector.broadcast %add3A_776 : f32 to vector<16xf32>
    %add3A_778 = arith.addf %mul3A_775, %add3A_777 : vector<16xf32>
    %mul3A_779 = arith.mulf %add3A_778, %sub3A_760 : vector<16xf32>
    %add3A_780 = arith.constant 2.21170303E-5 : f32
    %add3A_781 = vector.broadcast %add3A_780 : f32 to vector<16xf32>
    %add3A_782 = arith.addf %mul3A_779, %add3A_781 : vector<16xf32>
    %convert_element_type3A_783 = arith.sitofp %sub3A_750 : vector<16xi32> to vector<16xf32>
    %mul3A_784 = arith.constant 0.693147182 : f32
    %mul3A_785 = vector.broadcast %mul3A_784 : f32 to vector<16xf32>
    %mul3A_786 = arith.mulf %convert_element_type3A_783, %mul3A_785 : vector<16xf32>
    %add3A_787 = arith.addf %mul3A_786, %add3A_782 : vector<16xf32>
    %get3A_788 = arith.constant 5 : i32
    %get3A_789 = arith.index_cast %get3A_788 : i32 to index
    %get3A_790 = arith.constant 0 : index
    %get3A_791 = tpu.vector_load %arg7[%get3A_789, %get3A_790] {strides = array<i32>} : memref<8x32xi32, #tpu.memory_space<vmem>>, vector<16xi32>,
    %add3A_792 = arith.constant 0 : i32
    %add3A_793 = vector.broadcast %add3A_792 : i32 to vector<16xi32>
    %add3A_794 = arith.addi %iota3A, %add3A_793 : vector<16xi32>
    %gather3A_795 = tpu.vector_load_idx %arg6[%add3A_794, %get3A_791] : memref<32x256xf32, #tpu.memory_space<vmem>>[vector<16xi32>, vector<16xi32>], vector<16xf32>,
    %get3A_796 = arith.constant 0 : index
    %get3A_797 = tpu.vector_load %arg8[%get3A_796] {strides = array<i32>} : memref<32xf32, #tpu.memory_space<vmem>>, vector<16xf32>,
    %add3A_798 = arith.addf %get3A_797, %gather3A_795 : vector<16xf32>
    %sub3A_799 = arith.subf %add3A_798, %add3A_787 : vector<16xf32>
    %swap3A_800 = arith.constant 0 : index
    %swap3A_801 = tpu.vector_load %arg8[%swap3A_800] {strides = array<i32>} : memref<32xf32, #tpu.memory_space<vmem>>, vector<16xf32>,
    tpu.vector_store %arg8[%swap3A_800], %sub3A_799 {strides = array<i32>} : memref<32xf32, #tpu.memory_space<vmem>>, vector<16xf32>,
    %bitcast3A_802 = vector.bitcast %parallel_loop3A_740#1 : vector<16xf32> to vector<16xi32>
    %shift_right_arithmetic3A_803 = arith.constant 23 : i32
    %shift_right_arithmetic3A_804 = vector.broadcast %shift_right_arithmetic3A_803 : i32 to vector<16xi32>
    %shift_right_arithmetic3A_805 = arith.shrsi %bitcast3A_802, %shift_right_arithmetic3A_804 : vector<16xi32>
    %and3A_806 = arith.constant 255 : i32
    %and3A_807 = vector.broadcast %and3A_806 : i32 to vector<16xi32>
    %and3A_808 = arith.andi %shift_right_arithmetic3A_805, %and3A_807 : vector<16xi32>
    %sub3A_809 = arith.constant 127 : i32
    %sub3A_810 = vector.broadcast %sub3A_809 : i32 to vector<16xi32>
    %sub3A_811 = arith.subi %and3A_808, %sub3A_810 : vector<16xi32>
    %and3A_812 = arith.constant 8388607 : i32
    %and3A_813 = vector.broadcast %and3A_812 : i32 to vector<16xi32>
    %and3A_814 = arith.andi %bitcast3A_802, %and3A_813 : vector<16xi32>
    %or3A_815 = arith.constant 1065353216 : i32
    %or3A_816 = vector.broadcast %or3A_815 : i32 to vector<16xi32>
    %or3A_817 = arith.ori %and3A_814, %or3A_816 : vector<16xi32>
    %bitcast3A_818 = vector.bitcast %or3A_817 : vector<16xi32> to vector<16xf32>
    %sub3A_819 = arith.constant 1.000000e+00 : f32
    %sub3A_820 = vector.broadcast %sub3A_819 : f32 to vector<16xf32>
    %sub3A_821 = arith.subf %bitcast3A_818, %sub3A_820 : vector<16xf32>
    %broadcast_in_dim3A_822 = arith.constant 0.0301026255 : f32
    %broadcast_in_dim3A_823 = vector.broadcast %broadcast_in_dim3A_822 : f32 to vector<16xf32>
    %mul3A_824 = arith.mulf %broadcast_in_dim3A_823, %sub3A_821 : vector<16xf32>
    %add3A_825 = arith.constant -0.130119413 : f32
    %add3A_826 = vector.broadcast %add3A_825 : f32 to vector<16xf32>
    %add3A_827 = arith.addf %mul3A_824, %add3A_826 : vector<16xf32>
    %mul3A_828 = arith.mulf %add3A_827, %sub3A_821 : vector<16xf32>
    %add3A_829 = arith.constant 0.283304334 : f32
    %add3A_830 = vector.broadcast %add3A_829 : f32 to vector<16xf32>
    %add3A_831 = arith.addf %mul3A_828, %add3A_830 : vector<16xf32>
    %mul3A_832 = arith.mulf %add3A_831, %sub3A_821 : vector<16xf32>
    %add3A_833 = arith.constant -0.489156842 : f32
    %add3A_834 = vector.broadcast %add3A_833 : f32 to vector<16xf32>
    %add3A_835 = arith.addf %mul3A_832, %add3A_834 : vector<16xf32>
    %mul3A_836 = arith.mulf %add3A_835, %sub3A_821 : vector<16xf32>
    %add3A_837 = arith.constant 0.999010443 : f32
    %add3A_838 = vector.broadcast %add3A_837 : f32 to vector<16xf32>
    %add3A_839 = arith.addf %mul3A_836, %add3A_838 : vector<16xf32>
    %mul3A_840 = arith.mulf %add3A_839, %sub3A_821 : vector<16xf32>
    %add3A_841 = arith.constant 2.21170303E-5 : f32
    %add3A_842 = vector.broadcast %add3A_841 : f32 to vector<16xf32>
    %add3A_843 = arith.addf %mul3A_840, %add3A_842 : vector<16xf32>
    %convert_element_type3A_844 = arith.sitofp %sub3A_811 : vector<16xi32> to vector<16xf32>
    %mul3A_845 = arith.constant 0.693147182 : f32
    %mul3A_846 = vector.broadcast %mul3A_845 : f32 to vector<16xf32>
    %mul3A_847 = arith.mulf %convert_element_type3A_844, %mul3A_846 : vector<16xf32>
    %add3A_848 = arith.addf %mul3A_847, %add3A_843 : vector<16xf32>
    %get3A_849 = arith.constant 5 : i32
    %get3A_850 = arith.index_cast %get3A_849 : i32 to index
    %get3A_851 = arith.constant 16 : index
    %get3A_852 = tpu.vector_load %arg7[%get3A_850, %get3A_851] {strides = array<i32>} : memref<8x32xi32, #tpu.memory_space<vmem>>, vector<16xi32>,
    %add3A_853 = arith.constant 16 : i32
    %add3A_854 = vector.broadcast %add3A_853 : i32 to vector<16xi32>
    %add3A_855 = arith.addi %iota3A, %add3A_854 : vector<16xi32>
    %gather3A_856 = tpu.vector_load_idx %arg6[%add3A_855, %get3A_852] : memref<32x256xf32, #tpu.memory_space<vmem>>[vector<16xi32>, vector<16xi32>], vector<16xf32>,
    %get3A_857 = arith.constant 16 : index
    %get3A_858 = tpu.vector_load %arg8[%get3A_857] {strides = array<i32>} : memref<32xf32, #tpu.memory_space<vmem>>, vector<16xf32>,
    %add3A_859 = arith.addf %get3A_858, %gather3A_856 : vector<16xf32>
    %sub3A_860 = arith.subf %add3A_859, %add3A_848 : vector<16xf32>
    %swap3A_861 = arith.constant 16 : index
    %swap3A_862 = tpu.vector_load %arg8[%swap3A_861] {strides = array<i32>} : memref<32xf32, #tpu.memory_space<vmem>>, vector<16xf32>,
    tpu.vector_store %arg8[%swap3A_861], %sub3A_860 {strides = array<i32>} : memref<32xf32, #tpu.memory_space<vmem>>, vector<16xf32>,
    %dma_start3A_863 = arith.constant 7 : i32
    %dma_start3A_864 = arith.constant 0 : i32
    %dma_start3A_865 = tpu.memref_slice %arg3[%dma_start3A_863, %add3A_4, %dma_start3A_864] : memref<8x16384x256xf32, #tpu.memory_space<hbm>> -> memref<1x32x256xf32, #tpu.memory_space<hbm>>
    %dma_start3A_866 = tpu.memref_squeeze %dma_start3A_865 : memref<1x32x256xf32, #tpu.memory_space<hbm>> -> memref<32x256xf32, #tpu.memory_space<hbm>>
    %dma_start3A_867 = arith.constant 0 : i32
    %dma_start3A_868 = tpu.memref_slice %arg3[%dma_start3A_863, %add3A_4, %dma_start3A_867] : memref<8x16384x256xf32, #tpu.memory_space<hbm>> -> memref<1x32x256xf32, #tpu.memory_space<hbm>>
    %dma_start3A_869 = tpu.memref_squeeze %dma_start3A_868 : memref<1x32x256xf32, #tpu.memory_space<hbm>> -> memref<32x256xf32, #tpu.memory_space<hbm>>
    tpu.enqueue_dma source(%dma_start3A_869 : memref<32x256xf32, #tpu.memory_space<hbm>>) target(%arg6 : memref<32x256xf32, #tpu.memory_space<vmem>>) target_semaphore(%arg10 : memref<!tpu.dma_semaphore, #tpu.memory_space<semaphore_mem>>)
    %dma_wait3A_870 = arith.constant 6 : i32
    %dma_wait3A_871 = arith.constant 0 : i32
    %dma_wait3A_872 = tpu.memref_slice %arg3[%dma_wait3A_870, %add3A_4, %dma_wait3A_871] : memref<8x16384x256xf32, #tpu.memory_space<hbm>> -> memref<1x32x256xf32, #tpu.memory_space<hbm>>
    %dma_wait3A_873 = tpu.memref_squeeze %dma_wait3A_872 : memref<1x32x256xf32, #tpu.memory_space<hbm>> -> memref<32x256xf32, #tpu.memory_space<hbm>>
    %dma_wait3A_874 = arith.constant 0 : i32
    %dma_wait3A_875 = tpu.memref_slice %arg3[%dma_wait3A_870, %add3A_4, %dma_wait3A_874] : memref<8x16384x256xf32, #tpu.memory_space<hbm>> -> memref<1x32x256xf32, #tpu.memory_space<hbm>>
    %dma_wait3A_876 = tpu.memref_squeeze %dma_wait3A_875 : memref<1x32x256xf32, #tpu.memory_space<hbm>> -> memref<32x256xf32, #tpu.memory_space<hbm>>
    tpu.wait_dma2 semaphore(%arg9 : memref<!tpu.dma_semaphore, #tpu.memory_space<semaphore_mem>>) src(%dma_wait3A_876 : memref<32x256xf32, #tpu.memory_space<hbm>>) dst(%arg5 : memref<32x256xf32, #tpu.memory_space<vmem>>)
    %broadcast_in_dim3A_877 = arith.constant 0.000000e+00 : f32
    %broadcast_in_dim3A_878 = vector.broadcast %broadcast_in_dim3A_877 : f32 to vector<16xf32>
    %broadcast_in_dim3A_879 = arith.constant 0.000000e+00 : f32
    %broadcast_in_dim3A_880 = vector.broadcast %broadcast_in_dim3A_879 : f32 to vector<16xf32>
    %parallel_loop3A_881 = arith.constant 0 : i32
    %parallel_loop3A_882 = arith.constant 256 : i32
    %parallel_loop3A_883 = arith.constant 1 : i32
    %parallel_loop3A_884:2 = scf.for %parallel_loop3A_1144 = %parallel_loop3A_881 to %parallel_loop3A_882 step %parallel_loop3A_883 iter_args(%parallel_loop3A_1145 = %broadcast_in_dim3A_878, %parallel_loop3A_1146 = %broadcast_in_dim3A_880) -> (vector<16xf32>, vector<16xf32>)  : i32 {
      %parallel_loop3A_1147 = vector.broadcast %parallel_loop3A_1144 : i32 to vector<16xi32>
      %parallel_loop3A_1148 = arith.addi %iota3A, %parallel_loop3A_1147 : vector<16xi32>
      %parallel_loop3A_1149 = arith.constant 255 : i32
      %parallel_loop3A_1150 = vector.broadcast %parallel_loop3A_1149 : i32 to vector<16xi32>
      %parallel_loop3A_1151 = arith.andi %parallel_loop3A_1148, %parallel_loop3A_1150 : vector<16xi32>
      %parallel_loop3A_1152 = arith.constant 0 : i32
      %parallel_loop3A_1153 = vector.broadcast %parallel_loop3A_1152 : i32 to vector<16xi32>
      %parallel_loop3A_1154 = arith.addi %iota3A, %parallel_loop3A_1153 : vector<16xi32>
      %parallel_loop3A_1155 = tpu.vector_load_idx %arg5[%parallel_loop3A_1154, %parallel_loop3A_1151] : memref<32x256xf32, #tpu.memory_space<vmem>>[vector<16xi32>, vector<16xi32>], vector<16xf32>,
      %parallel_loop3A_1156 = arith.constant 8.000000e+01 : f32
      %parallel_loop3A_1157 = vector.broadcast %parallel_loop3A_1156 : f32 to vector<16xf32>
      %parallel_loop3A_1158 = arith.minimumf %parallel_loop3A_1155, %parallel_loop3A_1157 : vector<16xf32>
      %parallel_loop3A_1159 = math.exp %parallel_loop3A_1158 : vector<16xf32>
      %parallel_loop3A_1160 = arith.addf %parallel_loop3A_1145, %parallel_loop3A_1159 : vector<16xf32>
      %parallel_loop3A_1161 = arith.constant 16 : i32
      %parallel_loop3A_1162 = vector.broadcast %parallel_loop3A_1161 : i32 to vector<16xi32>
      %parallel_loop3A_1163 = arith.addi %iota3A, %parallel_loop3A_1162 : vector<16xi32>
      %parallel_loop3A_1164 = tpu.vector_load_idx %arg5[%parallel_loop3A_1163, %parallel_loop3A_1151] : memref<32x256xf32, #tpu.memory_space<vmem>>[vector<16xi32>, vector<16xi32>], vector<16xf32>,
      %parallel_loop3A_1165 = arith.constant 8.000000e+01 : f32
      %parallel_loop3A_1166 = vector.broadcast %parallel_loop3A_1165 : f32 to vector<16xf32>
      %parallel_loop3A_1167 = arith.minimumf %parallel_loop3A_1164, %parallel_loop3A_1166 : vector<16xf32>
      %parallel_loop3A_1168 = math.exp %parallel_loop3A_1167 : vector<16xf32>
      %parallel_loop3A_1169 = arith.addf %parallel_loop3A_1146, %parallel_loop3A_1168 : vector<16xf32>
      scf.yield %parallel_loop3A_1160, %parallel_loop3A_1169 : vector<16xf32>, vector<16xf32>
    } {sc.loop_unroll_factor = 8 : i64, sc.parallel_access}
    %bitcast3A_885 = vector.bitcast %parallel_loop3A_884#0 : vector<16xf32> to vector<16xi32>
    %shift_right_arithmetic3A_886 = arith.constant 23 : i32
    %shift_right_arithmetic3A_887 = vector.broadcast %shift_right_arithmetic3A_886 : i32 to vector<16xi32>
    %shift_right_arithmetic3A_888 = arith.shrsi %bitcast3A_885, %shift_right_arithmetic3A_887 : vector<16xi32>
    %and3A_889 = arith.constant 255 : i32
    %and3A_890 = vector.broadcast %and3A_889 : i32 to vector<16xi32>
    %and3A_891 = arith.andi %shift_right_arithmetic3A_888, %and3A_890 : vector<16xi32>
    %sub3A_892 = arith.constant 127 : i32
    %sub3A_893 = vector.broadcast %sub3A_892 : i32 to vector<16xi32>
    %sub3A_894 = arith.subi %and3A_891, %sub3A_893 : vector<16xi32>
    %and3A_895 = arith.constant 8388607 : i32
    %and3A_896 = vector.broadcast %and3A_895 : i32 to vector<16xi32>
    %and3A_897 = arith.andi %bitcast3A_885, %and3A_896 : vector<16xi32>
    %or3A_898 = arith.constant 1065353216 : i32
    %or3A_899 = vector.broadcast %or3A_898 : i32 to vector<16xi32>
    %or3A_900 = arith.ori %and3A_897, %or3A_899 : vector<16xi32>
    %bitcast3A_901 = vector.bitcast %or3A_900 : vector<16xi32> to vector<16xf32>
    %sub3A_902 = arith.constant 1.000000e+00 : f32
    %sub3A_903 = vector.broadcast %sub3A_902 : f32 to vector<16xf32>
    %sub3A_904 = arith.subf %bitcast3A_901, %sub3A_903 : vector<16xf32>
    %broadcast_in_dim3A_905 = arith.constant 0.0301026255 : f32
    %broadcast_in_dim3A_906 = vector.broadcast %broadcast_in_dim3A_905 : f32 to vector<16xf32>
    %mul3A_907 = arith.mulf %broadcast_in_dim3A_906, %sub3A_904 : vector<16xf32>
    %add3A_908 = arith.constant -0.130119413 : f32
    %add3A_909 = vector.broadcast %add3A_908 : f32 to vector<16xf32>
    %add3A_910 = arith.addf %mul3A_907, %add3A_909 : vector<16xf32>
    %mul3A_911 = arith.mulf %add3A_910, %sub3A_904 : vector<16xf32>
    %add3A_912 = arith.constant 0.283304334 : f32
    %add3A_913 = vector.broadcast %add3A_912 : f32 to vector<16xf32>
    %add3A_914 = arith.addf %mul3A_911, %add3A_913 : vector<16xf32>
    %mul3A_915 = arith.mulf %add3A_914, %sub3A_904 : vector<16xf32>
    %add3A_916 = arith.constant -0.489156842 : f32
    %add3A_917 = vector.broadcast %add3A_916 : f32 to vector<16xf32>
    %add3A_918 = arith.addf %mul3A_915, %add3A_917 : vector<16xf32>
    %mul3A_919 = arith.mulf %add3A_918, %sub3A_904 : vector<16xf32>
    %add3A_920 = arith.constant 0.999010443 : f32
    %add3A_921 = vector.broadcast %add3A_920 : f32 to vector<16xf32>
    %add3A_922 = arith.addf %mul3A_919, %add3A_921 : vector<16xf32>
    %mul3A_923 = arith.mulf %add3A_922, %sub3A_904 : vector<16xf32>
    %add3A_924 = arith.constant 2.21170303E-5 : f32
    %add3A_925 = vector.broadcast %add3A_924 : f32 to vector<16xf32>
    %add3A_926 = arith.addf %mul3A_923, %add3A_925 : vector<16xf32>
    %convert_element_type3A_927 = arith.sitofp %sub3A_894 : vector<16xi32> to vector<16xf32>
    %mul3A_928 = arith.constant 0.693147182 : f32
    %mul3A_929 = vector.broadcast %mul3A_928 : f32 to vector<16xf32>
    %mul3A_930 = arith.mulf %convert_element_type3A_927, %mul3A_929 : vector<16xf32>
    %add3A_931 = arith.addf %mul3A_930, %add3A_926 : vector<16xf32>
    %get3A_932 = arith.constant 6 : i32
    %get3A_933 = arith.index_cast %get3A_932 : i32 to index
    %get3A_934 = arith.constant 0 : index
    %get3A_935 = tpu.vector_load %arg7[%get3A_933, %get3A_934] {strides = array<i32>} : memref<8x32xi32, #tpu.memory_space<vmem>>, vector<16xi32>,
    %add3A_936 = arith.constant 0 : i32
    %add3A_937 = vector.broadcast %add3A_936 : i32 to vector<16xi32>
    %add3A_938 = arith.addi %iota3A, %add3A_937 : vector<16xi32>
    %gather3A_939 = tpu.vector_load_idx %arg5[%add3A_938, %get3A_935] : memref<32x256xf32, #tpu.memory_space<vmem>>[vector<16xi32>, vector<16xi32>], vector<16xf32>,
    %get3A_940 = arith.constant 0 : index
    %get3A_941 = tpu.vector_load %arg8[%get3A_940] {strides = array<i32>} : memref<32xf32, #tpu.memory_space<vmem>>, vector<16xf32>,
    %add3A_942 = arith.addf %get3A_941, %gather3A_939 : vector<16xf32>
    %sub3A_943 = arith.subf %add3A_942, %add3A_931 : vector<16xf32>
    %swap3A_944 = arith.constant 0 : index
    %swap3A_945 = tpu.vector_load %arg8[%swap3A_944] {strides = array<i32>} : memref<32xf32, #tpu.memory_space<vmem>>, vector<16xf32>,
    tpu.vector_store %arg8[%swap3A_944], %sub3A_943 {strides = array<i32>} : memref<32xf32, #tpu.memory_space<vmem>>, vector<16xf32>,
    %bitcast3A_946 = vector.bitcast %parallel_loop3A_884#1 : vector<16xf32> to vector<16xi32>
    %shift_right_arithmetic3A_947 = arith.constant 23 : i32
    %shift_right_arithmetic3A_948 = vector.broadcast %shift_right_arithmetic3A_947 : i32 to vector<16xi32>
    %shift_right_arithmetic3A_949 = arith.shrsi %bitcast3A_946, %shift_right_arithmetic3A_948 : vector<16xi32>
    %and3A_950 = arith.constant 255 : i32
    %and3A_951 = vector.broadcast %and3A_950 : i32 to vector<16xi32>
    %and3A_952 = arith.andi %shift_right_arithmetic3A_949, %and3A_951 : vector<16xi32>
    %sub3A_953 = arith.constant 127 : i32
    %sub3A_954 = vector.broadcast %sub3A_953 : i32 to vector<16xi32>
    %sub3A_955 = arith.subi %and3A_952, %sub3A_954 : vector<16xi32>
    %and3A_956 = arith.constant 8388607 : i32
    %and3A_957 = vector.broadcast %and3A_956 : i32 to vector<16xi32>
    %and3A_958 = arith.andi %bitcast3A_946, %and3A_957 : vector<16xi32>
    %or3A_959 = arith.constant 1065353216 : i32
    %or3A_960 = vector.broadcast %or3A_959 : i32 to vector<16xi32>
    %or3A_961 = arith.ori %and3A_958, %or3A_960 : vector<16xi32>
    %bitcast3A_962 = vector.bitcast %or3A_961 : vector<16xi32> to vector<16xf32>
    %sub3A_963 = arith.constant 1.000000e+00 : f32
    %sub3A_964 = vector.broadcast %sub3A_963 : f32 to vector<16xf32>
    %sub3A_965 = arith.subf %bitcast3A_962, %sub3A_964 : vector<16xf32>
    %broadcast_in_dim3A_966 = arith.constant 0.0301026255 : f32
    %broadcast_in_dim3A_967 = vector.broadcast %broadcast_in_dim3A_966 : f32 to vector<16xf32>
    %mul3A_968 = arith.mulf %broadcast_in_dim3A_967, %sub3A_965 : vector<16xf32>
    %add3A_969 = arith.constant -0.130119413 : f32
    %add3A_970 = vector.broadcast %add3A_969 : f32 to vector<16xf32>
    %add3A_971 = arith.addf %mul3A_968, %add3A_970 : vector<16xf32>
    %mul3A_972 = arith.mulf %add3A_971, %sub3A_965 : vector<16xf32>
    %add3A_973 = arith.constant 0.283304334 : f32
    %add3A_974 = vector.broadcast %add3A_973 : f32 to vector<16xf32>
    %add3A_975 = arith.addf %mul3A_972, %add3A_974 : vector<16xf32>
    %mul3A_976 = arith.mulf %add3A_975, %sub3A_965 : vector<16xf32>
    %add3A_977 = arith.constant -0.489156842 : f32
    %add3A_978 = vector.broadcast %add3A_977 : f32 to vector<16xf32>
    %add3A_979 = arith.addf %mul3A_976, %add3A_978 : vector<16xf32>
    %mul3A_980 = arith.mulf %add3A_979, %sub3A_965 : vector<16xf32>
    %add3A_981 = arith.constant 0.999010443 : f32
    %add3A_982 = vector.broadcast %add3A_981 : f32 to vector<16xf32>
    %add3A_983 = arith.addf %mul3A_980, %add3A_982 : vector<16xf32>
    %mul3A_984 = arith.mulf %add3A_983, %sub3A_965 : vector<16xf32>
    %add3A_985 = arith.constant 2.21170303E-5 : f32
    %add3A_986 = vector.broadcast %add3A_985 : f32 to vector<16xf32>
    %add3A_987 = arith.addf %mul3A_984, %add3A_986 : vector<16xf32>
    %convert_element_type3A_988 = arith.sitofp %sub3A_955 : vector<16xi32> to vector<16xf32>
    %mul3A_989 = arith.constant 0.693147182 : f32
    %mul3A_990 = vector.broadcast %mul3A_989 : f32 to vector<16xf32>
    %mul3A_991 = arith.mulf %convert_element_type3A_988, %mul3A_990 : vector<16xf32>
    %add3A_992 = arith.addf %mul3A_991, %add3A_987 : vector<16xf32>
    %get3A_993 = arith.constant 6 : i32
    %get3A_994 = arith.index_cast %get3A_993 : i32 to index
    %get3A_995 = arith.constant 16 : index
    %get3A_996 = tpu.vector_load %arg7[%get3A_994, %get3A_995] {strides = array<i32>} : memref<8x32xi32, #tpu.memory_space<vmem>>, vector<16xi32>,
    %add3A_997 = arith.constant 16 : i32
    %add3A_998 = vector.broadcast %add3A_997 : i32 to vector<16xi32>
    %add3A_999 = arith.addi %iota3A, %add3A_998 : vector<16xi32>
    %gather3A_1000 = tpu.vector_load_idx %arg5[%add3A_999, %get3A_996] : memref<32x256xf32, #tpu.memory_space<vmem>>[vector<16xi32>, vector<16xi32>], vector<16xf32>,
    %get3A_1001 = arith.constant 16 : index
    %get3A_1002 = tpu.vector_load %arg8[%get3A_1001] {strides = array<i32>} : memref<32xf32, #tpu.memory_space<vmem>>, vector<16xf32>,
    %add3A_1003 = arith.addf %get3A_1002, %gather3A_1000 : vector<16xf32>
    %sub3A_1004 = arith.subf %add3A_1003, %add3A_992 : vector<16xf32>
    %swap3A_1005 = arith.constant 16 : index
    %swap3A_1006 = tpu.vector_load %arg8[%swap3A_1005] {strides = array<i32>} : memref<32xf32, #tpu.memory_space<vmem>>, vector<16xf32>,
    tpu.vector_store %arg8[%swap3A_1005], %sub3A_1004 {strides = array<i32>} : memref<32xf32, #tpu.memory_space<vmem>>, vector<16xf32>,
    %dma_wait3A_1007 = arith.constant 7 : i32
    %dma_wait3A_1008 = arith.constant 0 : i32
    %dma_wait3A_1009 = tpu.memref_slice %arg3[%dma_wait3A_1007, %add3A_4, %dma_wait3A_1008] : memref<8x16384x256xf32, #tpu.memory_space<hbm>> -> memref<1x32x256xf32, #tpu.memory_space<hbm>>
    %dma_wait3A_1010 = tpu.memref_squeeze %dma_wait3A_1009 : memref<1x32x256xf32, #tpu.memory_space<hbm>> -> memref<32x256xf32, #tpu.memory_space<hbm>>
    %dma_wait3A_1011 = arith.constant 0 : i32
    %dma_wait3A_1012 = tpu.memref_slice %arg3[%dma_wait3A_1007, %add3A_4, %dma_wait3A_1011] : memref<8x16384x256xf32, #tpu.memory_space<hbm>> -> memref<1x32x256xf32, #tpu.memory_space<hbm>>
    %dma_wait3A_1013 = tpu.memref_squeeze %dma_wait3A_1012 : memref<1x32x256xf32, #tpu.memory_space<hbm>> -> memref<32x256xf32, #tpu.memory_space<hbm>>
    tpu.wait_dma2 semaphore(%arg10 : memref<!tpu.dma_semaphore, #tpu.memory_space<semaphore_mem>>) src(%dma_wait3A_1013 : memref<32x256xf32, #tpu.memory_space<hbm>>) dst(%arg6 : memref<32x256xf32, #tpu.memory_space<vmem>>)
    %broadcast_in_dim3A_1014 = arith.constant 0.000000e+00 : f32
    %broadcast_in_dim3A_1015 = vector.broadcast %broadcast_in_dim3A_1014 : f32 to vector<16xf32>
    %broadcast_in_dim3A_1016 = arith.constant 0.000000e+00 : f32
    %broadcast_in_dim3A_1017 = vector.broadcast %broadcast_in_dim3A_1016 : f32 to vector<16xf32>
    %parallel_loop3A_1018 = arith.constant 0 : i32
    %parallel_loop3A_1019 = arith.constant 256 : i32
    %parallel_loop3A_1020 = arith.constant 1 : i32
    %parallel_loop3A_1021:2 = scf.for %parallel_loop3A_1144 = %parallel_loop3A_1018 to %parallel_loop3A_1019 step %parallel_loop3A_1020 iter_args(%parallel_loop3A_1145 = %broadcast_in_dim3A_1015, %parallel_loop3A_1146 = %broadcast_in_dim3A_1017) -> (vector<16xf32>, vector<16xf32>)  : i32 {
      %parallel_loop3A_1147 = vector.broadcast %parallel_loop3A_1144 : i32 to vector<16xi32>
      %parallel_loop3A_1148 = arith.addi %iota3A, %parallel_loop3A_1147 : vector<16xi32>
      %parallel_loop3A_1149 = arith.constant 255 : i32
      %parallel_loop3A_1150 = vector.broadcast %parallel_loop3A_1149 : i32 to vector<16xi32>
      %parallel_loop3A_1151 = arith.andi %parallel_loop3A_1148, %parallel_loop3A_1150 : vector<16xi32>
      %parallel_loop3A_1152 = arith.constant 0 : i32
      %parallel_loop3A_1153 = vector.broadcast %parallel_loop3A_1152 : i32 to vector<16xi32>
      %parallel_loop3A_1154 = arith.addi %iota3A, %parallel_loop3A_1153 : vector<16xi32>
      %parallel_loop3A_1155 = tpu.vector_load_idx %arg6[%parallel_loop3A_1154, %parallel_loop3A_1151] : memref<32x256xf32, #tpu.memory_space<vmem>>[vector<16xi32>, vector<16xi32>], vector<16xf32>,
      %parallel_loop3A_1156 = arith.constant 8.000000e+01 : f32
      %parallel_loop3A_1157 = vector.broadcast %parallel_loop3A_1156 : f32 to vector<16xf32>
      %parallel_loop3A_1158 = arith.minimumf %parallel_loop3A_1155, %parallel_loop3A_1157 : vector<16xf32>
      %parallel_loop3A_1159 = math.exp %parallel_loop3A_1158 : vector<16xf32>
      %parallel_loop3A_1160 = arith.addf %parallel_loop3A_1145, %parallel_loop3A_1159 : vector<16xf32>
      %parallel_loop3A_1161 = arith.constant 16 : i32
      %parallel_loop3A_1162 = vector.broadcast %parallel_loop3A_1161 : i32 to vector<16xi32>
      %parallel_loop3A_1163 = arith.addi %iota3A, %parallel_loop3A_1162 : vector<16xi32>
      %parallel_loop3A_1164 = tpu.vector_load_idx %arg6[%parallel_loop3A_1163, %parallel_loop3A_1151] : memref<32x256xf32, #tpu.memory_space<vmem>>[vector<16xi32>, vector<16xi32>], vector<16xf32>,
      %parallel_loop3A_1165 = arith.constant 8.000000e+01 : f32
      %parallel_loop3A_1166 = vector.broadcast %parallel_loop3A_1165 : f32 to vector<16xf32>
      %parallel_loop3A_1167 = arith.minimumf %parallel_loop3A_1164, %parallel_loop3A_1166 : vector<16xf32>
      %parallel_loop3A_1168 = math.exp %parallel_loop3A_1167 : vector<16xf32>
      %parallel_loop3A_1169 = arith.addf %parallel_loop3A_1146, %parallel_loop3A_1168 : vector<16xf32>
      scf.yield %parallel_loop3A_1160, %parallel_loop3A_1169 : vector<16xf32>, vector<16xf32>
    } {sc.loop_unroll_factor = 8 : i64, sc.parallel_access}
    %bitcast3A_1022 = vector.bitcast %parallel_loop3A_1021#0 : vector<16xf32> to vector<16xi32>
    %shift_right_arithmetic3A_1023 = arith.constant 23 : i32
    %shift_right_arithmetic3A_1024 = vector.broadcast %shift_right_arithmetic3A_1023 : i32 to vector<16xi32>
    %shift_right_arithmetic3A_1025 = arith.shrsi %bitcast3A_1022, %shift_right_arithmetic3A_1024 : vector<16xi32>
    %and3A_1026 = arith.constant 255 : i32
    %and3A_1027 = vector.broadcast %and3A_1026 : i32 to vector<16xi32>
    %and3A_1028 = arith.andi %shift_right_arithmetic3A_1025, %and3A_1027 : vector<16xi32>
    %sub3A_1029 = arith.constant 127 : i32
    %sub3A_1030 = vector.broadcast %sub3A_1029 : i32 to vector<16xi32>
    %sub3A_1031 = arith.subi %and3A_1028, %sub3A_1030 : vector<16xi32>
    %and3A_1032 = arith.constant 8388607 : i32
    %and3A_1033 = vector.broadcast %and3A_1032 : i32 to vector<16xi32>
    %and3A_1034 = arith.andi %bitcast3A_1022, %and3A_1033 : vector<16xi32>
    %or3A_1035 = arith.constant 1065353216 : i32
    %or3A_1036 = vector.broadcast %or3A_1035 : i32 to vector<16xi32>
    %or3A_1037 = arith.ori %and3A_1034, %or3A_1036 : vector<16xi32>
    %bitcast3A_1038 = vector.bitcast %or3A_1037 : vector<16xi32> to vector<16xf32>
    %sub3A_1039 = arith.constant 1.000000e+00 : f32
    %sub3A_1040 = vector.broadcast %sub3A_1039 : f32 to vector<16xf32>
    %sub3A_1041 = arith.subf %bitcast3A_1038, %sub3A_1040 : vector<16xf32>
    %broadcast_in_dim3A_1042 = arith.constant 0.0301026255 : f32
    %broadcast_in_dim3A_1043 = vector.broadcast %broadcast_in_dim3A_1042 : f32 to vector<16xf32>
    %mul3A_1044 = arith.mulf %broadcast_in_dim3A_1043, %sub3A_1041 : vector<16xf32>
    %add3A_1045 = arith.constant -0.130119413 : f32
    %add3A_1046 = vector.broadcast %add3A_1045 : f32 to vector<16xf32>
    %add3A_1047 = arith.addf %mul3A_1044, %add3A_1046 : vector<16xf32>
    %mul3A_1048 = arith.mulf %add3A_1047, %sub3A_1041 : vector<16xf32>
    %add3A_1049 = arith.constant 0.283304334 : f32
    %add3A_1050 = vector.broadcast %add3A_1049 : f32 to vector<16xf32>
    %add3A_1051 = arith.addf %mul3A_1048, %add3A_1050 : vector<16xf32>
    %mul3A_1052 = arith.mulf %add3A_1051, %sub3A_1041 : vector<16xf32>
    %add3A_1053 = arith.constant -0.489156842 : f32
    %add3A_1054 = vector.broadcast %add3A_1053 : f32 to vector<16xf32>
    %add3A_1055 = arith.addf %mul3A_1052, %add3A_1054 : vector<16xf32>
    %mul3A_1056 = arith.mulf %add3A_1055, %sub3A_1041 : vector<16xf32>
    %add3A_1057 = arith.constant 0.999010443 : f32
    %add3A_1058 = vector.broadcast %add3A_1057 : f32 to vector<16xf32>
    %add3A_1059 = arith.addf %mul3A_1056, %add3A_1058 : vector<16xf32>
    %mul3A_1060 = arith.mulf %add3A_1059, %sub3A_1041 : vector<16xf32>
    %add3A_1061 = arith.constant 2.21170303E-5 : f32
    %add3A_1062 = vector.broadcast %add3A_1061 : f32 to vector<16xf32>
    %add3A_1063 = arith.addf %mul3A_1060, %add3A_1062 : vector<16xf32>
    %convert_element_type3A_1064 = arith.sitofp %sub3A_1031 : vector<16xi32> to vector<16xf32>
    %mul3A_1065 = arith.constant 0.693147182 : f32
    %mul3A_1066 = vector.broadcast %mul3A_1065 : f32 to vector<16xf32>
    %mul3A_1067 = arith.mulf %convert_element_type3A_1064, %mul3A_1066 : vector<16xf32>
    %add3A_1068 = arith.addf %mul3A_1067, %add3A_1063 : vector<16xf32>
    %get3A_1069 = arith.constant 7 : i32
    %get3A_1070 = arith.index_cast %get3A_1069 : i32 to index
    %get3A_1071 = arith.constant 0 : index
    %get3A_1072 = tpu.vector_load %arg7[%get3A_1070, %get3A_1071] {strides = array<i32>} : memref<8x32xi32, #tpu.memory_space<vmem>>, vector<16xi32>,
    %add3A_1073 = arith.constant 0 : i32
    %add3A_1074 = vector.broadcast %add3A_1073 : i32 to vector<16xi32>
    %add3A_1075 = arith.addi %iota3A, %add3A_1074 : vector<16xi32>
    %gather3A_1076 = tpu.vector_load_idx %arg6[%add3A_1075, %get3A_1072] : memref<32x256xf32, #tpu.memory_space<vmem>>[vector<16xi32>, vector<16xi32>], vector<16xf32>,
    %get3A_1077 = arith.constant 0 : index
    %get3A_1078 = tpu.vector_load %arg8[%get3A_1077] {strides = array<i32>} : memref<32xf32, #tpu.memory_space<vmem>>, vector<16xf32>,
    %add3A_1079 = arith.addf %get3A_1078, %gather3A_1076 : vector<16xf32>
    %sub3A_1080 = arith.subf %add3A_1079, %add3A_1068 : vector<16xf32>
    %swap3A_1081 = arith.constant 0 : index
    %swap3A_1082 = tpu.vector_load %arg8[%swap3A_1081] {strides = array<i32>} : memref<32xf32, #tpu.memory_space<vmem>>, vector<16xf32>,
    tpu.vector_store %arg8[%swap3A_1081], %sub3A_1080 {strides = array<i32>} : memref<32xf32, #tpu.memory_space<vmem>>, vector<16xf32>,
    %bitcast3A_1083 = vector.bitcast %parallel_loop3A_1021#1 : vector<16xf32> to vector<16xi32>
    %shift_right_arithmetic3A_1084 = arith.constant 23 : i32
    %shift_right_arithmetic3A_1085 = vector.broadcast %shift_right_arithmetic3A_1084 : i32 to vector<16xi32>
    %shift_right_arithmetic3A_1086 = arith.shrsi %bitcast3A_1083, %shift_right_arithmetic3A_1085 : vector<16xi32>
    %and3A_1087 = arith.constant 255 : i32
    %and3A_1088 = vector.broadcast %and3A_1087 : i32 to vector<16xi32>
    %and3A_1089 = arith.andi %shift_right_arithmetic3A_1086, %and3A_1088 : vector<16xi32>
    %sub3A_1090 = arith.constant 127 : i32
    %sub3A_1091 = vector.broadcast %sub3A_1090 : i32 to vector<16xi32>
    %sub3A_1092 = arith.subi %and3A_1089, %sub3A_1091 : vector<16xi32>
    %and3A_1093 = arith.constant 8388607 : i32
    %and3A_1094 = vector.broadcast %and3A_1093 : i32 to vector<16xi32>
    %and3A_1095 = arith.andi %bitcast3A_1083, %and3A_1094 : vector<16xi32>
    %or3A_1096 = arith.constant 1065353216 : i32
    %or3A_1097 = vector.broadcast %or3A_1096 : i32 to vector<16xi32>
    %or3A_1098 = arith.ori %and3A_1095, %or3A_1097 : vector<16xi32>
    %bitcast3A_1099 = vector.bitcast %or3A_1098 : vector<16xi32> to vector<16xf32>
    %sub3A_1100 = arith.constant 1.000000e+00 : f32
    %sub3A_1101 = vector.broadcast %sub3A_1100 : f32 to vector<16xf32>
    %sub3A_1102 = arith.subf %bitcast3A_1099, %sub3A_1101 : vector<16xf32>
    %broadcast_in_dim3A_1103 = arith.constant 0.0301026255 : f32
    %broadcast_in_dim3A_1104 = vector.broadcast %broadcast_in_dim3A_1103 : f32 to vector<16xf32>
    %mul3A_1105 = arith.mulf %broadcast_in_dim3A_1104, %sub3A_1102 : vector<16xf32>
    %add3A_1106 = arith.constant -0.130119413 : f32
    %add3A_1107 = vector.broadcast %add3A_1106 : f32 to vector<16xf32>
    %add3A_1108 = arith.addf %mul3A_1105, %add3A_1107 : vector<16xf32>
    %mul3A_1109 = arith.mulf %add3A_1108, %sub3A_1102 : vector<16xf32>
    %add3A_1110 = arith.constant 0.283304334 : f32
    %add3A_1111 = vector.broadcast %add3A_1110 : f32 to vector<16xf32>
    %add3A_1112 = arith.addf %mul3A_1109, %add3A_1111 : vector<16xf32>
    %mul3A_1113 = arith.mulf %add3A_1112, %sub3A_1102 : vector<16xf32>
    %add3A_1114 = arith.constant -0.489156842 : f32
    %add3A_1115 = vector.broadcast %add3A_1114 : f32 to vector<16xf32>
    %add3A_1116 = arith.addf %mul3A_1113, %add3A_1115 : vector<16xf32>
    %mul3A_1117 = arith.mulf %add3A_1116, %sub3A_1102 : vector<16xf32>
    %add3A_1118 = arith.constant 0.999010443 : f32
    %add3A_1119 = vector.broadcast %add3A_1118 : f32 to vector<16xf32>
    %add3A_1120 = arith.addf %mul3A_1117, %add3A_1119 : vector<16xf32>
    %mul3A_1121 = arith.mulf %add3A_1120, %sub3A_1102 : vector<16xf32>
    %add3A_1122 = arith.constant 2.21170303E-5 : f32
    %add3A_1123 = vector.broadcast %add3A_1122 : f32 to vector<16xf32>
    %add3A_1124 = arith.addf %mul3A_1121, %add3A_1123 : vector<16xf32>
    %convert_element_type3A_1125 = arith.sitofp %sub3A_1092 : vector<16xi32> to vector<16xf32>
    %mul3A_1126 = arith.constant 0.693147182 : f32
    %mul3A_1127 = vector.broadcast %mul3A_1126 : f32 to vector<16xf32>
    %mul3A_1128 = arith.mulf %convert_element_type3A_1125, %mul3A_1127 : vector<16xf32>
    %add3A_1129 = arith.addf %mul3A_1128, %add3A_1124 : vector<16xf32>
    %get3A_1130 = arith.constant 7 : i32
    %get3A_1131 = arith.index_cast %get3A_1130 : i32 to index
    %get3A_1132 = arith.constant 16 : index
    %get3A_1133 = tpu.vector_load %arg7[%get3A_1131, %get3A_1132] {strides = array<i32>} : memref<8x32xi32, #tpu.memory_space<vmem>>, vector<16xi32>,
    %add3A_1134 = arith.constant 16 : i32
    %add3A_1135 = vector.broadcast %add3A_1134 : i32 to vector<16xi32>
    %add3A_1136 = arith.addi %iota3A, %add3A_1135 : vector<16xi32>
    %gather3A_1137 = tpu.vector_load_idx %arg6[%add3A_1136, %get3A_1133] : memref<32x256xf32, #tpu.memory_space<vmem>>[vector<16xi32>, vector<16xi32>], vector<16xf32>,
    %get3A_1138 = arith.constant 16 : index
    %get3A_1139 = tpu.vector_load %arg8[%get3A_1138] {strides = array<i32>} : memref<32xf32, #tpu.memory_space<vmem>>, vector<16xf32>,
    %add3A_1140 = arith.addf %get3A_1139, %gather3A_1137 : vector<16xf32>
    %sub3A_1141 = arith.subf %add3A_1140, %add3A_1129 : vector<16xf32>
    %swap3A_1142 = arith.constant 16 : index
    %swap3A_1143 = tpu.vector_load %arg8[%swap3A_1142] {strides = array<i32>} : memref<32xf32, #tpu.memory_space<vmem>>, vector<16xf32>,
    tpu.vector_store %arg8[%swap3A_1142], %sub3A_1141 {strides = array<i32>} : memref<32xf32, #tpu.memory_space<vmem>>, vector<16xf32>,
    "tpu.region"() ({
      %run_scoped3A = tpu.sem_alloc : memref<!tpu.dma_semaphore, #tpu.memory_space<semaphore_mem>>
      %dma_start3A_1144 = tpu.memref_slice %arg4[%mul3A_2] : memref<1024xf32, #tpu.memory_space<hbm>> -> memref<32xf32, #tpu.memory_space<hbm>>
      %dma_start3A_1145 = tpu.memref_slice %arg4[%mul3A_2] : memref<1024xf32, #tpu.memory_space<hbm>> -> memref<32xf32, #tpu.memory_space<hbm>>
      tpu.enqueue_dma source(%arg8 : memref<32xf32, #tpu.memory_space<vmem>>) target(%dma_start3A_1145 : memref<32xf32, #tpu.memory_space<hbm>>) target_semaphore(%run_scoped3A : memref<!tpu.dma_semaphore, #tpu.memory_space<semaphore_mem>>)
      %dma_wait3A_1146 = tpu.memref_slice %arg4[%mul3A_2] : memref<1024xf32, #tpu.memory_space<hbm>> -> memref<32xf32, #tpu.memory_space<hbm>>
      %dma_wait3A_1147 = tpu.memref_slice %arg4[%mul3A_2] : memref<1024xf32, #tpu.memory_space<hbm>> -> memref<32xf32, #tpu.memory_space<hbm>>
      tpu.wait_dma2 semaphore(%run_scoped3A : memref<!tpu.dma_semaphore, #tpu.memory_space<semaphore_mem>>) src(%arg8 : memref<32xf32, #tpu.memory_space<vmem>>) dst(%dma_wait3A_1147 : memref<32xf32, #tpu.memory_space<hbm>>)
      tpu.yield
    }) : () -> ()
    return
  }
}

module attributes {stable_mosaic.version = 14 : i64} {
  func.func @_tc_body(%arg0: i32, %arg1: memref<8x1024xi32, #tpu.memory_space<vmem>>, %arg2: memref<8x1024x256xf32, #tpu.memory_space<vmem>>, %arg3: memref<1024xf32, #tpu.memory_space<vmem>>) attributes {dimension_semantics = [#tpu.dimension_semantics<arbitrary>], iteration_bounds = array<i64: 15>, scalar_prefetch = 0 : i64, scratch_operands = 0 : i64, tpu.core_type = #tpu.core_type<tc>, window_params = [{transform_indices = @transform_0, window_bounds = array<i64: 8, 1024>}, {transform_indices = @transform_1, window_bounds = array<i64: 8, 1024, 256>}, {transform_indices = @transform_2, window_bounds = array<i64: 1024>}]} {
    %broadcast_in_dim3A = arith.constant 0.000000e+00 : f32
    %broadcast_in_dim3A_0 = vector.broadcast %broadcast_in_dim3A : f32 to vector<1024xf32>
    %iota3A = tpu.iota {dimensions = array<i32: 1>} : vector<1024x256xi32>
    %broadcast_in_dim3A_1 = arith.constant 1.000000e+00 : f32
    %broadcast_in_dim3A_2 = vector.broadcast %broadcast_in_dim3A_1 : f32 to vector<256x1xf32>
    %get3A = arith.constant 0 : index
    %get3A_3 = arith.constant 0 : index
    %get3A_4 = arith.constant 0 : index
    %get3A_5 = vector.load %arg2[%get3A, %get3A_3, %get3A_4] : memref<8x1024x256xf32, #tpu.memory_space<vmem>>, vector<1x1024x256xf32>
    %get3A_6 = vector.shape_cast %get3A_5 : vector<1x1024x256xf32> to vector<1024x256xf32>
    %min3A = arith.constant 8.000000e+01 : f32
    %min3A_7 = vector.broadcast %min3A : f32 to vector<1024x256xf32>
    %min3A_8 = arith.minimumf %get3A_6, %min3A_7 : vector<1024x256xf32>
    %exp3A = math.exp %min3A_8 : vector<1024x256xf32>
    %dot_general3A = arith.constant dense<0.000000e+00> : vector<1024x1xf32>
    %dot_general3A_9 = tpu.matmul %exp3A, %broadcast_in_dim3A_2, %dot_general3A {dimension_numbers = #tpu.dot_dimension_numbers<[1], [0], [0], [1], [0, 0, 1, 1], [], []>, transpose_lhs_hint = false} : vector<1024x256xf32>, vector<256x1xf32>, vector<1024x1xf32> -> vector<1024x1xf32>
    %squeeze3A = vector.shape_cast %dot_general3A_9 : vector<1024x1xf32> to vector<1024xf32>
    %log3A = math.log %squeeze3A : vector<1024xf32>
    %get3A_10 = arith.constant 0 : index
    %get3A_11 = arith.constant 0 : index
    %get3A_12 = vector.load %arg1[%get3A_10, %get3A_11] : memref<8x1024xi32, #tpu.memory_space<vmem>>, vector<1x1024xi32>
    %get3A_13 = vector.shape_cast %get3A_12 : vector<1x1024xi32> to vector<1024xi32>
    %broadcast_in_dim3A_14 = vector.shape_cast %get3A_13 : vector<1024xi32> to vector<1024x1xi32>
    %eq3A = vector.broadcast %broadcast_in_dim3A_14 : vector<1024x1xi32> to vector<1024x256xi32>
    %eq3A_15 = arith.cmpi eq, %iota3A, %eq3A : vector<1024x256xi32>
    %jit3A = arith.constant 0.000000e+00 : f32
    %broadcast_in_dim3A_16 = vector.broadcast %jit3A : f32 to vector<1024x256xf32>
    %select_n3A = arith.select %eq3A_15, %get3A_6, %broadcast_in_dim3A_16 : vector<1024x256xi1>, vector<1024x256xf32>
    %dot_general3A_17 = arith.constant dense<0.000000e+00> : vector<1024x1xf32>
    %dot_general3A_18 = tpu.matmul %select_n3A, %broadcast_in_dim3A_2, %dot_general3A_17 {dimension_numbers = #tpu.dot_dimension_numbers<[1], [0], [0], [1], [0, 0, 1, 1], [], []>, transpose_lhs_hint = false} : vector<1024x256xf32>, vector<256x1xf32>, vector<1024x1xf32> -> vector<1024x1xf32>
    %squeeze3A_19 = vector.shape_cast %dot_general3A_18 : vector<1024x1xf32> to vector<1024xf32>
    %add3A = arith.addf %broadcast_in_dim3A_0, %squeeze3A_19 : vector<1024xf32>
    %sub3A = arith.subf %add3A, %log3A : vector<1024xf32>
    %get3A_20 = arith.constant 1 : index
    %get3A_21 = arith.constant 0 : index
    %get3A_22 = arith.constant 0 : index
    %get3A_23 = vector.load %arg2[%get3A_20, %get3A_21, %get3A_22] : memref<8x1024x256xf32, #tpu.memory_space<vmem>>, vector<1x1024x256xf32>
    %get3A_24 = vector.shape_cast %get3A_23 : vector<1x1024x256xf32> to vector<1024x256xf32>
    %min3A_25 = arith.constant 8.000000e+01 : f32
    %min3A_26 = vector.broadcast %min3A_25 : f32 to vector<1024x256xf32>
    %min3A_27 = arith.minimumf %get3A_24, %min3A_26 : vector<1024x256xf32>
    %exp3A_28 = math.exp %min3A_27 : vector<1024x256xf32>
    %dot_general3A_29 = arith.constant dense<0.000000e+00> : vector<1024x1xf32>
    %dot_general3A_30 = tpu.matmul %exp3A_28, %broadcast_in_dim3A_2, %dot_general3A_29 {dimension_numbers = #tpu.dot_dimension_numbers<[1], [0], [0], [1], [0, 0, 1, 1], [], []>, transpose_lhs_hint = false} : vector<1024x256xf32>, vector<256x1xf32>, vector<1024x1xf32> -> vector<1024x1xf32>
    %squeeze3A_31 = vector.shape_cast %dot_general3A_30 : vector<1024x1xf32> to vector<1024xf32>
    %log3A_32 = math.log %squeeze3A_31 : vector<1024xf32>
    %get3A_33 = arith.constant 1 : index
    %get3A_34 = arith.constant 0 : index
    %get3A_35 = vector.load %arg1[%get3A_33, %get3A_34] : memref<8x1024xi32, #tpu.memory_space<vmem>>, vector<1x1024xi32>
    %get3A_36 = vector.shape_cast %get3A_35 : vector<1x1024xi32> to vector<1024xi32>
    %broadcast_in_dim3A_37 = vector.shape_cast %get3A_36 : vector<1024xi32> to vector<1024x1xi32>
    %eq3A_38 = vector.broadcast %broadcast_in_dim3A_37 : vector<1024x1xi32> to vector<1024x256xi32>
    %eq3A_39 = arith.cmpi eq, %iota3A, %eq3A_38 : vector<1024x256xi32>
    %jit3A_40 = arith.constant 0.000000e+00 : f32
    %broadcast_in_dim3A_41 = vector.broadcast %jit3A_40 : f32 to vector<1024x256xf32>
    %select_n3A_42 = arith.select %eq3A_39, %get3A_24, %broadcast_in_dim3A_41 : vector<1024x256xi1>, vector<1024x256xf32>
    %dot_general3A_43 = arith.constant dense<0.000000e+00> : vector<1024x1xf32>
    %dot_general3A_44 = tpu.matmul %select_n3A_42, %broadcast_in_dim3A_2, %dot_general3A_43 {dimension_numbers = #tpu.dot_dimension_numbers<[1], [0], [0], [1], [0, 0, 1, 1], [], []>, transpose_lhs_hint = false} : vector<1024x256xf32>, vector<256x1xf32>, vector<1024x1xf32> -> vector<1024x1xf32>
    %squeeze3A_45 = vector.shape_cast %dot_general3A_44 : vector<1024x1xf32> to vector<1024xf32>
    %add3A_46 = arith.addf %sub3A, %squeeze3A_45 : vector<1024xf32>
    %sub3A_47 = arith.subf %add3A_46, %log3A_32 : vector<1024xf32>
    %get3A_48 = arith.constant 2 : index
    %get3A_49 = arith.constant 0 : index
    %get3A_50 = arith.constant 0 : index
    %get3A_51 = vector.load %arg2[%get3A_48, %get3A_49, %get3A_50] : memref<8x1024x256xf32, #tpu.memory_space<vmem>>, vector<1x1024x256xf32>
    %get3A_52 = vector.shape_cast %get3A_51 : vector<1x1024x256xf32> to vector<1024x256xf32>
    %min3A_53 = arith.constant 8.000000e+01 : f32
    %min3A_54 = vector.broadcast %min3A_53 : f32 to vector<1024x256xf32>
    %min3A_55 = arith.minimumf %get3A_52, %min3A_54 : vector<1024x256xf32>
    %exp3A_56 = math.exp %min3A_55 : vector<1024x256xf32>
    %dot_general3A_57 = arith.constant dense<0.000000e+00> : vector<1024x1xf32>
    %dot_general3A_58 = tpu.matmul %exp3A_56, %broadcast_in_dim3A_2, %dot_general3A_57 {dimension_numbers = #tpu.dot_dimension_numbers<[1], [0], [0], [1], [0, 0, 1, 1], [], []>, transpose_lhs_hint = false} : vector<1024x256xf32>, vector<256x1xf32>, vector<1024x1xf32> -> vector<1024x1xf32>
    %squeeze3A_59 = vector.shape_cast %dot_general3A_58 : vector<1024x1xf32> to vector<1024xf32>
    %log3A_60 = math.log %squeeze3A_59 : vector<1024xf32>
    %get3A_61 = arith.constant 2 : index
    %get3A_62 = arith.constant 0 : index
    %get3A_63 = vector.load %arg1[%get3A_61, %get3A_62] : memref<8x1024xi32, #tpu.memory_space<vmem>>, vector<1x1024xi32>
    %get3A_64 = vector.shape_cast %get3A_63 : vector<1x1024xi32> to vector<1024xi32>
    %broadcast_in_dim3A_65 = vector.shape_cast %get3A_64 : vector<1024xi32> to vector<1024x1xi32>
    %eq3A_66 = vector.broadcast %broadcast_in_dim3A_65 : vector<1024x1xi32> to vector<1024x256xi32>
    %eq3A_67 = arith.cmpi eq, %iota3A, %eq3A_66 : vector<1024x256xi32>
    %jit3A_68 = arith.constant 0.000000e+00 : f32
    %broadcast_in_dim3A_69 = vector.broadcast %jit3A_68 : f32 to vector<1024x256xf32>
    %select_n3A_70 = arith.select %eq3A_67, %get3A_52, %broadcast_in_dim3A_69 : vector<1024x256xi1>, vector<1024x256xf32>
    %dot_general3A_71 = arith.constant dense<0.000000e+00> : vector<1024x1xf32>
    %dot_general3A_72 = tpu.matmul %select_n3A_70, %broadcast_in_dim3A_2, %dot_general3A_71 {dimension_numbers = #tpu.dot_dimension_numbers<[1], [0], [0], [1], [0, 0, 1, 1], [], []>, transpose_lhs_hint = false} : vector<1024x256xf32>, vector<256x1xf32>, vector<1024x1xf32> -> vector<1024x1xf32>
    %squeeze3A_73 = vector.shape_cast %dot_general3A_72 : vector<1024x1xf32> to vector<1024xf32>
    %add3A_74 = arith.addf %sub3A_47, %squeeze3A_73 : vector<1024xf32>
    %sub3A_75 = arith.subf %add3A_74, %log3A_60 : vector<1024xf32>
    %get3A_76 = arith.constant 3 : index
    %get3A_77 = arith.constant 0 : index
    %get3A_78 = arith.constant 0 : index
    %get3A_79 = vector.load %arg2[%get3A_76, %get3A_77, %get3A_78] : memref<8x1024x256xf32, #tpu.memory_space<vmem>>, vector<1x1024x256xf32>
    %get3A_80 = vector.shape_cast %get3A_79 : vector<1x1024x256xf32> to vector<1024x256xf32>
    %min3A_81 = arith.constant 8.000000e+01 : f32
    %min3A_82 = vector.broadcast %min3A_81 : f32 to vector<1024x256xf32>
    %min3A_83 = arith.minimumf %get3A_80, %min3A_82 : vector<1024x256xf32>
    %exp3A_84 = math.exp %min3A_83 : vector<1024x256xf32>
    %dot_general3A_85 = arith.constant dense<0.000000e+00> : vector<1024x1xf32>
    %dot_general3A_86 = tpu.matmul %exp3A_84, %broadcast_in_dim3A_2, %dot_general3A_85 {dimension_numbers = #tpu.dot_dimension_numbers<[1], [0], [0], [1], [0, 0, 1, 1], [], []>, transpose_lhs_hint = false} : vector<1024x256xf32>, vector<256x1xf32>, vector<1024x1xf32> -> vector<1024x1xf32>
    %squeeze3A_87 = vector.shape_cast %dot_general3A_86 : vector<1024x1xf32> to vector<1024xf32>
    %log3A_88 = math.log %squeeze3A_87 : vector<1024xf32>
    %get3A_89 = arith.constant 3 : index
    %get3A_90 = arith.constant 0 : index
    %get3A_91 = vector.load %arg1[%get3A_89, %get3A_90] : memref<8x1024xi32, #tpu.memory_space<vmem>>, vector<1x1024xi32>
    %get3A_92 = vector.shape_cast %get3A_91 : vector<1x1024xi32> to vector<1024xi32>
    %broadcast_in_dim3A_93 = vector.shape_cast %get3A_92 : vector<1024xi32> to vector<1024x1xi32>
    %eq3A_94 = vector.broadcast %broadcast_in_dim3A_93 : vector<1024x1xi32> to vector<1024x256xi32>
    %eq3A_95 = arith.cmpi eq, %iota3A, %eq3A_94 : vector<1024x256xi32>
    %jit3A_96 = arith.constant 0.000000e+00 : f32
    %broadcast_in_dim3A_97 = vector.broadcast %jit3A_96 : f32 to vector<1024x256xf32>
    %select_n3A_98 = arith.select %eq3A_95, %get3A_80, %broadcast_in_dim3A_97 : vector<1024x256xi1>, vector<1024x256xf32>
    %dot_general3A_99 = arith.constant dense<0.000000e+00> : vector<1024x1xf32>
    %dot_general3A_100 = tpu.matmul %select_n3A_98, %broadcast_in_dim3A_2, %dot_general3A_99 {dimension_numbers = #tpu.dot_dimension_numbers<[1], [0], [0], [1], [0, 0, 1, 1], [], []>, transpose_lhs_hint = false} : vector<1024x256xf32>, vector<256x1xf32>, vector<1024x1xf32> -> vector<1024x1xf32>
    %squeeze3A_101 = vector.shape_cast %dot_general3A_100 : vector<1024x1xf32> to vector<1024xf32>
    %add3A_102 = arith.addf %sub3A_75, %squeeze3A_101 : vector<1024xf32>
    %sub3A_103 = arith.subf %add3A_102, %log3A_88 : vector<1024xf32>
    %get3A_104 = arith.constant 4 : index
    %get3A_105 = arith.constant 0 : index
    %get3A_106 = arith.constant 0 : index
    %get3A_107 = vector.load %arg2[%get3A_104, %get3A_105, %get3A_106] : memref<8x1024x256xf32, #tpu.memory_space<vmem>>, vector<1x1024x256xf32>
    %get3A_108 = vector.shape_cast %get3A_107 : vector<1x1024x256xf32> to vector<1024x256xf32>
    %min3A_109 = arith.constant 8.000000e+01 : f32
    %min3A_110 = vector.broadcast %min3A_109 : f32 to vector<1024x256xf32>
    %min3A_111 = arith.minimumf %get3A_108, %min3A_110 : vector<1024x256xf32>
    %exp3A_112 = math.exp %min3A_111 : vector<1024x256xf32>
    %dot_general3A_113 = arith.constant dense<0.000000e+00> : vector<1024x1xf32>
    %dot_general3A_114 = tpu.matmul %exp3A_112, %broadcast_in_dim3A_2, %dot_general3A_113 {dimension_numbers = #tpu.dot_dimension_numbers<[1], [0], [0], [1], [0, 0, 1, 1], [], []>, transpose_lhs_hint = false} : vector<1024x256xf32>, vector<256x1xf32>, vector<1024x1xf32> -> vector<1024x1xf32>
    %squeeze3A_115 = vector.shape_cast %dot_general3A_114 : vector<1024x1xf32> to vector<1024xf32>
    %log3A_116 = math.log %squeeze3A_115 : vector<1024xf32>
    %get3A_117 = arith.constant 4 : index
    %get3A_118 = arith.constant 0 : index
    %get3A_119 = vector.load %arg1[%get3A_117, %get3A_118] : memref<8x1024xi32, #tpu.memory_space<vmem>>, vector<1x1024xi32>
    %get3A_120 = vector.shape_cast %get3A_119 : vector<1x1024xi32> to vector<1024xi32>
    %broadcast_in_dim3A_121 = vector.shape_cast %get3A_120 : vector<1024xi32> to vector<1024x1xi32>
    %eq3A_122 = vector.broadcast %broadcast_in_dim3A_121 : vector<1024x1xi32> to vector<1024x256xi32>
    %eq3A_123 = arith.cmpi eq, %iota3A, %eq3A_122 : vector<1024x256xi32>
    %jit3A_124 = arith.constant 0.000000e+00 : f32
    %broadcast_in_dim3A_125 = vector.broadcast %jit3A_124 : f32 to vector<1024x256xf32>
    %select_n3A_126 = arith.select %eq3A_123, %get3A_108, %broadcast_in_dim3A_125 : vector<1024x256xi1>, vector<1024x256xf32>
    %dot_general3A_127 = arith.constant dense<0.000000e+00> : vector<1024x1xf32>
    %dot_general3A_128 = tpu.matmul %select_n3A_126, %broadcast_in_dim3A_2, %dot_general3A_127 {dimension_numbers = #tpu.dot_dimension_numbers<[1], [0], [0], [1], [0, 0, 1, 1], [], []>, transpose_lhs_hint = false} : vector<1024x256xf32>, vector<256x1xf32>, vector<1024x1xf32> -> vector<1024x1xf32>
    %squeeze3A_129 = vector.shape_cast %dot_general3A_128 : vector<1024x1xf32> to vector<1024xf32>
    %add3A_130 = arith.addf %sub3A_103, %squeeze3A_129 : vector<1024xf32>
    %sub3A_131 = arith.subf %add3A_130, %log3A_116 : vector<1024xf32>
    %get3A_132 = arith.constant 5 : index
    %get3A_133 = arith.constant 0 : index
    %get3A_134 = arith.constant 0 : index
    %get3A_135 = vector.load %arg2[%get3A_132, %get3A_133, %get3A_134] : memref<8x1024x256xf32, #tpu.memory_space<vmem>>, vector<1x1024x256xf32>
    %get3A_136 = vector.shape_cast %get3A_135 : vector<1x1024x256xf32> to vector<1024x256xf32>
    %min3A_137 = arith.constant 8.000000e+01 : f32
    %min3A_138 = vector.broadcast %min3A_137 : f32 to vector<1024x256xf32>
    %min3A_139 = arith.minimumf %get3A_136, %min3A_138 : vector<1024x256xf32>
    %exp3A_140 = math.exp %min3A_139 : vector<1024x256xf32>
    %dot_general3A_141 = arith.constant dense<0.000000e+00> : vector<1024x1xf32>
    %dot_general3A_142 = tpu.matmul %exp3A_140, %broadcast_in_dim3A_2, %dot_general3A_141 {dimension_numbers = #tpu.dot_dimension_numbers<[1], [0], [0], [1], [0, 0, 1, 1], [], []>, transpose_lhs_hint = false} : vector<1024x256xf32>, vector<256x1xf32>, vector<1024x1xf32> -> vector<1024x1xf32>
    %squeeze3A_143 = vector.shape_cast %dot_general3A_142 : vector<1024x1xf32> to vector<1024xf32>
    %log3A_144 = math.log %squeeze3A_143 : vector<1024xf32>
    %get3A_145 = arith.constant 5 : index
    %get3A_146 = arith.constant 0 : index
    %get3A_147 = vector.load %arg1[%get3A_145, %get3A_146] : memref<8x1024xi32, #tpu.memory_space<vmem>>, vector<1x1024xi32>
    %get3A_148 = vector.shape_cast %get3A_147 : vector<1x1024xi32> to vector<1024xi32>
    %broadcast_in_dim3A_149 = vector.shape_cast %get3A_148 : vector<1024xi32> to vector<1024x1xi32>
    %eq3A_150 = vector.broadcast %broadcast_in_dim3A_149 : vector<1024x1xi32> to vector<1024x256xi32>
    %eq3A_151 = arith.cmpi eq, %iota3A, %eq3A_150 : vector<1024x256xi32>
    %jit3A_152 = arith.constant 0.000000e+00 : f32
    %broadcast_in_dim3A_153 = vector.broadcast %jit3A_152 : f32 to vector<1024x256xf32>
    %select_n3A_154 = arith.select %eq3A_151, %get3A_136, %broadcast_in_dim3A_153 : vector<1024x256xi1>, vector<1024x256xf32>
    %dot_general3A_155 = arith.constant dense<0.000000e+00> : vector<1024x1xf32>
    %dot_general3A_156 = tpu.matmul %select_n3A_154, %broadcast_in_dim3A_2, %dot_general3A_155 {dimension_numbers = #tpu.dot_dimension_numbers<[1], [0], [0], [1], [0, 0, 1, 1], [], []>, transpose_lhs_hint = false} : vector<1024x256xf32>, vector<256x1xf32>, vector<1024x1xf32> -> vector<1024x1xf32>
    %squeeze3A_157 = vector.shape_cast %dot_general3A_156 : vector<1024x1xf32> to vector<1024xf32>
    %add3A_158 = arith.addf %sub3A_131, %squeeze3A_157 : vector<1024xf32>
    %sub3A_159 = arith.subf %add3A_158, %log3A_144 : vector<1024xf32>
    %get3A_160 = arith.constant 6 : index
    %get3A_161 = arith.constant 0 : index
    %get3A_162 = arith.constant 0 : index
    %get3A_163 = vector.load %arg2[%get3A_160, %get3A_161, %get3A_162] : memref<8x1024x256xf32, #tpu.memory_space<vmem>>, vector<1x1024x256xf32>
    %get3A_164 = vector.shape_cast %get3A_163 : vector<1x1024x256xf32> to vector<1024x256xf32>
    %min3A_165 = arith.constant 8.000000e+01 : f32
    %min3A_166 = vector.broadcast %min3A_165 : f32 to vector<1024x256xf32>
    %min3A_167 = arith.minimumf %get3A_164, %min3A_166 : vector<1024x256xf32>
    %exp3A_168 = math.exp %min3A_167 : vector<1024x256xf32>
    %dot_general3A_169 = arith.constant dense<0.000000e+00> : vector<1024x1xf32>
    %dot_general3A_170 = tpu.matmul %exp3A_168, %broadcast_in_dim3A_2, %dot_general3A_169 {dimension_numbers = #tpu.dot_dimension_numbers<[1], [0], [0], [1], [0, 0, 1, 1], [], []>, transpose_lhs_hint = false} : vector<1024x256xf32>, vector<256x1xf32>, vector<1024x1xf32> -> vector<1024x1xf32>
    %squeeze3A_171 = vector.shape_cast %dot_general3A_170 : vector<1024x1xf32> to vector<1024xf32>
    %log3A_172 = math.log %squeeze3A_171 : vector<1024xf32>
    %get3A_173 = arith.constant 6 : index
    %get3A_174 = arith.constant 0 : index
    %get3A_175 = vector.load %arg1[%get3A_173, %get3A_174] : memref<8x1024xi32, #tpu.memory_space<vmem>>, vector<1x1024xi32>
    %get3A_176 = vector.shape_cast %get3A_175 : vector<1x1024xi32> to vector<1024xi32>
    %broadcast_in_dim3A_177 = vector.shape_cast %get3A_176 : vector<1024xi32> to vector<1024x1xi32>
    %eq3A_178 = vector.broadcast %broadcast_in_dim3A_177 : vector<1024x1xi32> to vector<1024x256xi32>
    %eq3A_179 = arith.cmpi eq, %iota3A, %eq3A_178 : vector<1024x256xi32>
    %jit3A_180 = arith.constant 0.000000e+00 : f32
    %broadcast_in_dim3A_181 = vector.broadcast %jit3A_180 : f32 to vector<1024x256xf32>
    %select_n3A_182 = arith.select %eq3A_179, %get3A_164, %broadcast_in_dim3A_181 : vector<1024x256xi1>, vector<1024x256xf32>
    %dot_general3A_183 = arith.constant dense<0.000000e+00> : vector<1024x1xf32>
    %dot_general3A_184 = tpu.matmul %select_n3A_182, %broadcast_in_dim3A_2, %dot_general3A_183 {dimension_numbers = #tpu.dot_dimension_numbers<[1], [0], [0], [1], [0, 0, 1, 1], [], []>, transpose_lhs_hint = false} : vector<1024x256xf32>, vector<256x1xf32>, vector<1024x1xf32> -> vector<1024x1xf32>
    %squeeze3A_185 = vector.shape_cast %dot_general3A_184 : vector<1024x1xf32> to vector<1024xf32>
    %add3A_186 = arith.addf %sub3A_159, %squeeze3A_185 : vector<1024xf32>
    %sub3A_187 = arith.subf %add3A_186, %log3A_172 : vector<1024xf32>
    %get3A_188 = arith.constant 7 : index
    %get3A_189 = arith.constant 0 : index
    %get3A_190 = arith.constant 0 : index
    %get3A_191 = vector.load %arg2[%get3A_188, %get3A_189, %get3A_190] : memref<8x1024x256xf32, #tpu.memory_space<vmem>>, vector<1x1024x256xf32>
    %get3A_192 = vector.shape_cast %get3A_191 : vector<1x1024x256xf32> to vector<1024x256xf32>
    %min3A_193 = arith.constant 8.000000e+01 : f32
    %min3A_194 = vector.broadcast %min3A_193 : f32 to vector<1024x256xf32>
    %min3A_195 = arith.minimumf %get3A_192, %min3A_194 : vector<1024x256xf32>
    %exp3A_196 = math.exp %min3A_195 : vector<1024x256xf32>
    %dot_general3A_197 = arith.constant dense<0.000000e+00> : vector<1024x1xf32>
    %dot_general3A_198 = tpu.matmul %exp3A_196, %broadcast_in_dim3A_2, %dot_general3A_197 {dimension_numbers = #tpu.dot_dimension_numbers<[1], [0], [0], [1], [0, 0, 1, 1], [], []>, transpose_lhs_hint = false} : vector<1024x256xf32>, vector<256x1xf32>, vector<1024x1xf32> -> vector<1024x1xf32>
    %squeeze3A_199 = vector.shape_cast %dot_general3A_198 : vector<1024x1xf32> to vector<1024xf32>
    %log3A_200 = math.log %squeeze3A_199 : vector<1024xf32>
    %get3A_201 = arith.constant 7 : index
    %get3A_202 = arith.constant 0 : index
    %get3A_203 = vector.load %arg1[%get3A_201, %get3A_202] : memref<8x1024xi32, #tpu.memory_space<vmem>>, vector<1x1024xi32>
    %get3A_204 = vector.shape_cast %get3A_203 : vector<1x1024xi32> to vector<1024xi32>
    %broadcast_in_dim3A_205 = vector.shape_cast %get3A_204 : vector<1024xi32> to vector<1024x1xi32>
    %eq3A_206 = vector.broadcast %broadcast_in_dim3A_205 : vector<1024x1xi32> to vector<1024x256xi32>
    %eq3A_207 = arith.cmpi eq, %iota3A, %eq3A_206 : vector<1024x256xi32>
    %jit3A_208 = arith.constant 0.000000e+00 : f32
    %broadcast_in_dim3A_209 = vector.broadcast %jit3A_208 : f32 to vector<1024x256xf32>
    %select_n3A_210 = arith.select %eq3A_207, %get3A_192, %broadcast_in_dim3A_209 : vector<1024x256xi1>, vector<1024x256xf32>
    %dot_general3A_211 = arith.constant dense<0.000000e+00> : vector<1024x1xf32>
    %dot_general3A_212 = tpu.matmul %select_n3A_210, %broadcast_in_dim3A_2, %dot_general3A_211 {dimension_numbers = #tpu.dot_dimension_numbers<[1], [0], [0], [1], [0, 0, 1, 1], [], []>, transpose_lhs_hint = false} : vector<1024x256xf32>, vector<256x1xf32>, vector<1024x1xf32> -> vector<1024x1xf32>
    %squeeze3A_213 = vector.shape_cast %dot_general3A_212 : vector<1024x1xf32> to vector<1024xf32>
    %add3A_214 = arith.addf %sub3A_187, %squeeze3A_213 : vector<1024xf32>
    %sub3A_215 = arith.subf %add3A_214, %log3A_200 : vector<1024xf32>
    %add3A_216 = arith.constant 44.3614197 : f32
    %add3A_217 = vector.broadcast %add3A_216 : f32 to vector<1024xf32>
    %add3A_218 = arith.addf %sub3A_215, %add3A_217 : vector<1024xf32>
    %swap3A = arith.constant 0 : index
    %swap3A_219 = vector.load %arg3[%swap3A] : memref<1024xf32, #tpu.memory_space<vmem>>, vector<1024xf32>
    tpu.vector_store %arg3[%swap3A], %add3A_218 {strides = array<i32>} : memref<1024xf32, #tpu.memory_space<vmem>>, vector<1024xf32>,
    return
  }
  func.func @transform_0(%arg0: i32) -> (i32, i32) {
    %c0_i32 = arith.constant 0 : i32
    %c0_i32_0 = arith.constant 0 : i32
    return %c0_i32, %arg0 : i32, i32
  }
  func.func @transform_1(%arg0: i32) -> (i32, i32, i32) {
    %c0_i32 = arith.constant 0 : i32
    %c0_i32_0 = arith.constant 0 : i32
    %c0_i32_1 = arith.constant 0 : i32
    return %c0_i32, %arg0, %c0_i32_0 : i32, i32, i32
  }
  func.func @transform_2(%arg0: i32) -> i32 {
    %c0_i32 = arith.constant 0 : i32
    return %arg0 : i32
  }
}

</mosaic_0001>

<sc_bundles>
// kernel: kernel.4.cloned.1.call-start
scs
__scs_entry_jumppad:
0x0: {  	(pc) =	sbr.rel $0x88, $3  }
0x1: {  	(tag) =	ssettag $0x0;
	lr =	simm.s32 $0x1  }
0x2: {  	[smem:$0x3F9F] =	sst lr;
	_ =	strace $0xD0000000  }
0x3: {  	_ = 	snop  }
0x4: {  	_ = 	snop  }
0x5: {  	_ = 	snop  }
0x6: {  	_ = 	snop  }
0x7: {  	_ = 	snop  }
__scs_overlays_trampoline_lowered:
0x8: {  	[smem:$0x3FAE] =	sst s0  }
0x9: {  	[smem:$0x3FAF] =	sst s1  }
0xa: {  	[smem:$0x3FB0] =	sst s2  }
0xb: {  	[smem:$0x3FB1] =	sst s3  }
0xc: {  	[smem:$0x3FB2] =	sst s4  }
0xd: {  	[smem:$0x3FB3] =	sst s5  }
0xe: {  	[smem:$0x3FB4] =	sst s6  }
0xf: {  	[smem:$0x3FB5] =	sst s7  }
0x10: {  	[smem:$0x3FB6] =	sst s8  }
0x11: {  	[smem:$0x3FB7] =	sst s9;
	s0 =	simm.s32 @!p0 $0x0  }
0x12: {  	s1 =	sld [smem:$0x3F9D];
	s0 =	simm.s32 @p0 $0x1  }
0x13: {  	[smem:$0x3FB8] =	sst s0;
	s0 =	simm.s32 @!p1 $0x0  }
0x14: {  	s2 =	sld [smem:$0x3F9C];
	s0 =	simm.s32 @p1 $0x1  }
0x15: {  	[smem:$0x3FB9] =	sst s0;
	s0 =	simm.s32 @!p2 $0x0  }
0x16: {  	s3 =	sld [smem:$0x3FDB];
	s0 =	simm.s32 @p2 $0x1  }
0x17: {  	s4 =	simm.s32 $0x1BF5;
	[smem:$0x3FBB] =	sst s0  }
0x18: {  	s0 =	sld [smem:$0x3F9E];
	_ =	swait.ge [sflag:s4], $0x0  }
0x19: {  	s7 =	sld [smem:$0x3F9F]  }
0x1a: {  	s8 =	sadd.s32 $0xFFFFE003, lr  }
0x1b: {  	s9 =	sadd.s32 $0xFFFFFEF7, lr;
	s5 =	simm.s32 $0xFFFFFFFF;
	p2 =	slt.u32 s8, $0xFFFFF086  }
0x1c: {  	p1 =	slt.u32 s9, $0xF7A;
	s5 =	simm.s32 @!p2 $0x0  }
0x1d: {  	s5 =	simm.s32 @p1 $0x1;
	p0 =	seq.s32 s7, s2  }
0x1e: {  	s7 =	smul.u32 @!p0 $0xF7A, s2;
	p2 =	seq.s32 @!p0 s5, $0x0  }
0x1f: {  	s9 =	smul.u32 $0xF7A, s1;
	s8 =	simm.s32 @!p0 $0x1BF5;
	p2 =	por !p2, p0  }
0x20: {  	[sflag:s8] =	ssyncset.s32 @!p0 $0xFFFFF086;
	s6 =	sadd.s32 @!p0 s3, s7;
	s7 =	simm.s32 @!p0 $0x108  }
0x21: {  	s3 =	sadd.s32 s3, s9;
	s6 =	sadd.s32 @!p0 $0x88, s6;
	s7 =	simm.s32 @p2 $0x1082  }
0x22: {  	[simem:s7], [sflag:s8] =	dma.local @!p0 [hbm:s6], $0xF7A  }
0x23: {  	s9 =	sor.u32 $0xD0000000, s2;
	s6 =	simm.s32 $0x108;
	_ =	swait.ge @!p0 [sflag:s8], $0x0  }
0x24: {  	s3 =	sadd.s32 $0x88, s3;
	s6 =	simm.s32 @!p1 $0x1082;
	[sflag:s4] =	ssyncset.s32 $0xFFFFF086  }
0x25: {  	[simem:s6], [sflag:s4] =	dma.local [hbm:s3], $0xF7A  }
0x26: {  	[smem:$0x3F9F] =	sst s1;
	(tag) =	ssettag s2;
	_ =	strace s9  }
0x27: {  	s1 =	sld [smem:$0x3FAF]  }
0x28: {  	s2 =	sld [smem:$0x3FB0]  }
0x29: {  	s4 =	sld [smem:$0x3FB2]  }
0x2a: {  	p0 =	seq.s32 s5, $0x0;
	s5 =	sld [smem:$0x3FB3]  }
0x2b: {  	s6 =	sld [smem:$0x3FB4]  }
0x2c: {  	s7 =	sld [smem:$0x3FB5]  }
0x2d: {  	s3 =	simm.s32 $0x108;
	s8 =	sld [smem:$0x3FB6]  }
0x2e: {  	s3 =	simm.s32 @!p0 $0x1082;
	s9 =	sld [smem:$0x3FB7]  }
0x2f: {  	lr =	sadd.s32 s0, s3;
	s0 =	sld [smem:$0x3FAE]  }
0x30: {  	s3 =	sld [smem:$0x3FB1]  }
0x31: {  	[smem:$0x3FBA] =	sst s10  }
0x32: {  	s10 =	sld [smem:$0x3FB8];
	_ =	sdelay $0x3  }
0x33: {  	p0 =	seq.s32 s10, $0x1;
	s10 =	sld [smem:$0x3FBA];
	_ =	sdelay $0x3  }
0x34: {  	[smem:$0x3FBA] =	sst s10  }
0x35: {  	s10 =	sld [smem:$0x3FB9];
	_ =	sdelay $0x3  }
0x36: {  	p1 =	seq.s32 s10, $0x1;
	s10 =	sld [smem:$0x3FBA];
	_ =	sdelay $0x3  }
0x37: {  	[smem:$0x3FBA] =	sst s10  }
0x38: {  	s10 =	sld [smem:$0x3FBB]  }
0x39: {  	_ = 	snop;
	(pc) =	sbr.ind lr, $3  }
0x3a: {  	_ = 	snop  }
0x3b: {  	_ = 	snop  }
0x3c: {  	p2 =	seq.s32 s10, $0x1;
	s10 =	sld [smem:$0x3FBA]  }
0x3d: {  	_ =	shalt  }
0x3e: {  	_ =	shalt  }
0x3f: {  	_ =	shalt  }
0x40: {  	_ =	shalt  }
0x41: {  	_ =	shalt  }
0x42: {  	_ =	shalt  }
0x43: {  	_ =	shalt  }
0x44: {  	_ =	shalt  }
0x45: {  	_ =	shalt  }
0x46: {  	_ =	shalt  }
0x47: {  	_ =	shalt  }
0x48: {  	_ =	shalt  }
0x49: {  	_ =	shalt  }
0x4a: {  	_ =	shalt  }
0x4b: {  	_ =	shalt  }
0x4c: {  	_ =	shalt  }
0x4d: {  	_ =	shalt  }
0x4e: {  	_ =	shalt  }
0x4f: {  	_ =	shalt  }
0x50: {  	_ =	shalt  }
0x51: {  	_ =	shalt  }
0x52: {  	_ =	shalt  }
0x53: {  	_ =	shalt  }
0x54: {  	_ =	shalt  }
0x55: {  	_ =	shalt  }
0x56: {  	_ =	shalt  }
0x57: {  	_ =	shalt  }
0x58: {  	_ =	shalt  }
0x59: {  	_ =	shalt  }
0x5a: {  	_ =	shalt  }
0x5b: {  	_ =	shalt  }
0x5c: {  	_ =	shalt  }
0x5d: {  	_ =	shalt  }
0x5e: {  	_ =	shalt  }
0x5f: {  	_ =	shalt  }
0x60: {  	_ =	shalt  }
0x61: {  	_ =	shalt  }
0x62: {  	_ =	shalt  }
0x63: {  	_ =	shalt  }
0x64: {  	_ =	shalt  }
0x65: {  	_ =	shalt  }
0x66: {  	_ =	shalt  }
0x67: {  	_ =	shalt  }
0x68: {  	_ =	shalt  }
0x69: {  	_ =	shalt  }
0x6a: {  	_ =	shalt  }
0x6b: {  	_ =	shalt  }
0x6c: {  	_ =	shalt  }
0x6d: {  	_ =	shalt  }
0x6e: {  	_ =	shalt  }
0x6f: {  	_ =	shalt  }
0x70: {  	_ =	shalt  }
0x71: {  	_ =	shalt  }
0x72: {  	_ =	shalt  }
0x73: {  	_ =	shalt  }
0x74: {  	_ =	shalt  }
0x75: {  	_ =	shalt  }
0x76: {  	_ =	shalt  }
0x77: {  	_ =	shalt  }
0x78: {  	_ =	shalt  }
0x79: {  	_ =	shalt  }
0x7a: {  	_ =	shalt  }
0x7b: {  	_ =	shalt  }
0x7c: {  	_ =	shalt  }
0x7d: {  	_ =	shalt  }
0x7e: {  	_ =	shalt  }
0x7f: {  	_ =	shalt  }
0x80: {  	_ =	shalt  }
0x81: {  	_ =	shalt  }
0x82: {  	_ =	shalt  }
0x83: {  	_ =	shalt  }
0x84: {  	_ =	shalt  }
0x85: {  	_ =	shalt  }
0x86: {  	_ =	shalt  }
0x87: {  	_ =	shalt  }
.Lfunc_end0:
.L_simem_size_0:
called_computation_lowered:
.L_overlay_start_0:
0x88: {  	s2 =	sld [smem:$0x3FD9]  }
0x89: {  	s3 =	sld [smem:$0x3FFE];
	_ =	sdelay $0x1  }
0x8a: {  	s1 =	srdreg.scid  }
0x8b: {  	s0 =	sand.u32 $0x1, s1  }
0x8c: {  	s17 =	sshll.u32 s0, $0xA;
	s2 =	sadd.s32 s3, s2  }
0x8d: {  	s2 =	sadd.s32 s2, s17  }
0x8e: {  	[smem:$0x3FC6] =	sst s2  }
0x8f: {  	_ = 	snop  }
0x90: {  	s2 =	sld [smem:$0x3FC8];
	(tm) =	ssettm $0x1  }
0x91: {  	s18 =	sld [smem:$0x3FFB];
	_ =	sdelay $0x3  }
0x92: {  	_ =	strace s18  }
0x93: {  	s3 =	sld [smem:$0x3FFC];
	_ =	sdelay $0x3  }
0x94: {  	_ =	strace s3  }
0x95: {  	s3 =	sld [smem:$0x3FFD];
	_ =	sdelay $0x3  }
0x96: {  	_ =	strace s3  }
0x97: {  	_ =	strace $0x8FFFFFFF  }
0x98: {  	s19 =	sld [smem:$0x3FDB];
	_ =	sdelay $0x1  }
0x99: {  	s4 =	simm.s32 $_scs_section_size  }
0x9a: {  	s5 =	simm.s32 $_size__tile_overlayer_lowered;
	s6 =	simm.s32 $_tile_overlayer_lowered  }
0x9b: {  	s22 =	simm.s32 $0x1BFF;
	s21 =	sshll.u32 s6, $0x1;
	s3 =	sadd.s32 s4, s19  }
0x9c: {  	s7 =	simm.s32 $0x0;
	s20 =	sshll.u32 s5, $0x1;
	s5 =	sadd.s32 s21, s3  }
0x9d: {  	[timem:s7], [sflag:s22] =	dma.local [hbm:s5], s20  }
0x9e: {  	_ =	swait.ge [sflag:s22], s20  }
0x9f: {  	s4 =	ssub.s32 $0x0, s20;
	[sflag:s22] =	ssyncset.done $0x0  }
0xa0: {  	[sflag:s22] =	ssyncadd.s32 s4;
	_ =	sdelay $0x1  }
0xa1: {  	s23 =	simm.s32 $0x1B8B  }
0xa2: {  	_ =	swait.ge [sflag:s23], $0x1  }
0xa3: {  	[sflag:s23] =	ssyncset.done $0x0  }
0xa4: {  	s25 =	simm.s32 $0x1B8E;
	s24 =	sld [smem:$0x3FFE];
	[sflag:s23] =	ssyncadd.s32 $0xFFFFFFFF  }
0xa5: {  	s26 =	simm.s32 $execute0_lowered;
	[smem:$0x3FD2] =	sst s25  }
0xa6: {  	s5 =	sshll.u32 s26, $0x1;
	_ =	strace $0x80000046;
	[dreg:$0x1] =	wrdreg $0xFFFFFFFF  }
0xa7: {  	s28 =	simm.s32 $_size_execute0_lowered;
	s3 =	sadd.s32 s3, s5;
	[dreg:$0x0] =	wrdreg $0x0  }
0xa8: {  	s5 =	sshll.u32 s28, $0x1;
	[dreg:$0x2] =	wrdreg s3  }
0xa9: {  	[dreg:$0x3] =	wrdreg s5  }
0xaa: {  	[dreg:$0x4] =	wrdreg $0xC0  }
0xab: {  	_ =	task [dreg:s7], $0x5FFFF  }
0xac: {  	[dreg:$0x1] =	wrdreg $0xFFFFFFFF  }
0xad: {  	[dreg:$0x0] =	wrdreg $0x60  }
0xae: {  	[dreg:$0x2] =	wrdreg s24  }
0xaf: {  	[dreg:$0x3] =	wrdreg s2  }
0xb0: {  	[dreg:$0x4] =	wrdreg $0x9  }
0xb1: {  	_ =	task.clear_ibuf [dreg:s7], $0x5FFFF;
	_ =	strace $0x90000046  }
0xb2: {  	s29 =	simm.s32 $0x9;
	_ =	strace $0x80000048  }
0xb3: {  	_ =	swait.ge [sflag:s29], $0x1  }
0xb4: {  	[sflag:s29] =	ssyncadd.s32 $0xFFFFFFFF  }
0xb5: {  	_ =	strace $0x90000048  }
0xb6: {  	_ =	sfence  }
0xb7: {  	s30 =	sld [smem:$0x0];
	_ =	sdelay $0x2  }
0xb8: {  	s31 =	sshll.u32 s1, $0xD;
	s1 =	sshrl.u32 s1, $0x2  }
0xb9: {  	s3 =	sand.u32 $0x4000, s31;
	s1 =	sadd.s32 s1, s30  }
0xba: {  	s0 =	sor.u32 s3, s0;
	s1 =	sshll.u32 s1, $0x11  }
0xbb: {  	s0 =	sor.u32 s1, s0  }
0xbc: {  	s0 =	sadd.s32 $0x8F2B, s0  }
0xbd: {  	[sflag:s0] =	ssyncadd.remote.s32 $0x1  }
0xbe: {  	_ =	sfence.sel $0xFFFF  }
0xbf: {  	[dreg:$0x0] =	wrdreg $0xFFFFFFFF;
	(pc) =	sbr.abs _section_cstart, $3  }
0xc0: {  	[dreg:$0x1] =	wrdreg $0xFFFFFFFF  }
0xc1: {  	_ =	task.clear_ibuf [dreg:s7], $0x2FFFF;
	_ =	strace $0x9FFFFFFF  }
0xc2: {  	(tm) =	ssettm $0x7FFFFFFF  }
0xc3: {  	_ =	shalt  }
tec
execute0_lowered:
.L_overlay_start_1:
0x0: {  	(tag) =	ssettag $0x1  }
0x1: {  	v0 =	vimm.s32 $0xB80;
	vm0 =	vcmask $0x300;
	v1 =	vimm.s32 $0x1B80  }
0x2: {  	vm1 =	vcmask $0x704;
	v0 =	vsel vm0, $0x0, v0;
	v1 =	vsel vm0, $0x1000, v1  }
0x3: {  	vm15 =	vcmask $0xB08;
	v0 =	vsel vm1, $0x80, v0;
	v1 =	vsel vm1, $0x1080, v1  }
0x4: {  	s3 =	rddreg [dreg:$0x0];
	s1 =	srdreg.scid;
	vm4 =	vcmask $0xF0C;
	v0 =	vsel vm15, $0x100, v0;
	v1 =	vsel vm15, $0x1100, v1  }
0x5: {  	s0 =	stileid.u32;
	s4 =	rddreg [dreg:$0x1];
	vm5 =	vcmask $0x1310;
	s2 =	simm.s32 $0x0;
	v0 =	vsel vm4, $0x180, v0;
	v1 =	vsel vm4, $0x1180, v1  }
0x6: {  	vm6 =	vcmask $0x1714;
	s14 =	simm.s32 $0x4000;
	s15 =	simm.s32 $0x3;
	s16 =	simm.s32 $0x2000;
	v0 =	vsel vm5, $0x200, v0;
	v1 =	vsel vm5, $0x1200, v1  }
0x7: {  	vm7 =	vcmask $0x1B18;
	s17 =	simm.s32 $0x1;
	s18 =	simm.s32 $0x2;
	s19 =	simm.s32 $0x4400;
	v0 =	vsel vm6, $0x280, v0;
	v1 =	vsel vm6, $0x1280, v1  }
0x8: {  	vm8 =	vcmask $0x1F1C;
	s5 =	sand.u32 $0x1, s1;
	s6 =	sshll.u32 s0, $0x1;
	s1 =	rddreg [dreg:$0x2];
	v0 =	vsel vm7, $0x300, v0;
	v1 =	vsel vm7, $0x1300, v1  }
0x9: {  	vm9 =	vcmask $0x2320;
	s20 =	simm.s32 $0x0;
	[smem:$0x7FF] =	sst s2;
	s6 =	sor.u32 s5, s6;
	v0 =	vsel vm8, $0x380, v0;
	v1 =	vsel vm8, $0x1380, v1  }
0xa: {  	vm10 =	vcmask $0x2724;
	_ =	strace $0x80000047;
	s5 =	ssub.s32 $0x2, s5;
	s7 =	sshll.u32 s6, $0x7;
	v0 =	vsel vm9, $0x800, v0;
	v1 =	vsel vm9, $0x1800, v1  }
0xb: {  	vm11 =	vcmask $0x2B28;
	s8 =	sshll.u32 s6, $0x2;
	s9 =	sshrl.u32 s5, $0x1;
	s6 =	sshll.u32 s6, $0xA;
	v0 =	vsel vm10, $0x880, v0;
	v1 =	vsel vm10, $0x1880, v1  }
0xc: {  	vm12 =	vcmask $0x2F2C;
	s7 =	sadd.s32 s7, s3;
	s12 =	sadd.s32 s8, s3;
	s11 =	sadd.s32 s6, s4;
	v0 =	vsel vm11, $0x900, v0;
	v1 =	vsel vm11, $0x1900, v1  }
0xd: {  	vm13 =	vcmask $0x3330;
	s13 =	ssub.s32 s5, s9;
	s3 =	sadd.s32 $0x600, s7;
	s4 =	sadd.s32 $0x78000, s11;
	v0 =	vsel vm12, $0x980, v0;
	v1 =	vsel vm12, $0x1980, v1  }
0xe: {  	vm14 =	vcmask $0x3734;
	s5 =	sadd.s32 $0xF8000, s11;
	s6 =	sadd.s32 $0x178000, s11;
	s7 =	sadd.s32 $0x1F8000, s11;
	v0 =	vsel vm13, $0xA00, v0;
	v1 =	vsel vm13, $0x1A00, v1  }
0xf: {  	vm15 =	vcmask $0x3B38;
	s8 =	sadd.s32 $0x278000, s11;
	s9 =	sadd.s32 $0x2F8000, s11;
	s10 =	sadd.s32 $0x378000, s11;
	v2 =	vsel vm14, $0xA80, v0;
	v3 =	vsel vm14, $0x1A80, v1  }
0x10: {  	s11 =	sadd.s32 $0x3F8000, s11;
	s12 =	sadd.s32 $0x1600, s12;
	s13 =	smax.u32 s13, $0x1;
	v0 =	vlaneseq.u32;
	v1 =	vsel vm15, $0xB00, v2;
	v2 =	vsel vm15, $0x1B00, v3  }
.LBB2_1:
0x11: {  	s21 =	simm.s32 $0x6;
	v4 =	vadd.s32 s2, v0;
	s22 =	simm.s32 $0x7;
	s30 =	simm.s32 $0x3  }
0x12: {  	s23 =	simm.s32 $0x4;
	s31 =	simm.s32 $0x5;
	s24 =	simm.s32 $0x2;
	v5 =	vadd.s32 s21, v0;
	v6 =	vadd.s32 s22, v0;
	v7 =	vadd.s32 s30, v0  }
0x13: {  	v8 =	vadd.s32 s23, v0;
	v9 =	vadd.s32 s31, v0;
	s22 =	simm.s32 $0x1;
	v10 =	vadd.s32 s24, v0  }
0x14: {  	[tilespmem:s14], [sflag:$0x3] =	stream.linear.gather [hbm4b:s3+s2], $0x400, $0x38;
	v11 =	vand.u32 $0x7F, v4;
	v4 =	vshll.u32 v4, $0x3;
	v12 =	vadd.s32 s22, v0;
	[tilespmem:$0x4480] =	vst v63  }
0x15: {  	_ =	swait.ge [sflag:s15], $0x400;
	v13 =	vand.u32 $0x7F, v6;
	v14 =	vand.u32 $0x7F, v5;
	v5 =	vshll.u32 v5, $0x3  }
0x16: {  	[sflag:s15] =	ssyncset.done $0x0;
	v4 =	vand.u32 $0x400, v4;
	v6 =	vshll.u32 v6, $0x3;
	v15 =	vand.u32 $0x7F, v12  }
0x17: {  	[sflag:s15] =	ssyncadd.s32 $0xFFFFFC00;
	v4 =	vor.u32 v11, v4;
	v11 =	vshll.u32 v12, $0x3;
	v6 =	vand.u32 $0x400, v6  }
0x18: {  	v5 =	vand.u32 $0x400, v5;
	[tilespmem:s2], [sflag:$0x1] =	stream.linear.gather [hbm4b:s4+s2], $0x2000, $0x38;
	v12 =	vor.u32 v1, v4;
	v6 =	vor.u32 v13, v6;
	[tilespmem:$0x4480] =	vst v63  }
0x19: {  	v4 =	vor.u32 v2, v4;
	v11 =	vand.u32 $0x400, v11;
	v5 =	vor.u32 v14, v5  }
0x1a: {  	v14 =	vshll.u32 v10, $0x3;
	v10 =	vand.u32 $0x7F, v10;
	v11 =	vor.u32 v15, v11;
	[tilespmem:s16], [sflag:$0x2] =	stream.linear.gather [hbm4b:s5+s2], $0x2000, $0x38;
	[tilespmem:$0x4480] =	vst v63  }
0x1b: {  	v14 =	vand.u32 $0x400, v14;
	v16 =	vor.u32 v1, v11;
	v11 =	vor.u32 v2, v11;
	_ =	swait.ge [sflag:s17], $0x2000  }
0x1c: {  	v10 =	vor.u32 v10, v14;
	v14 =	vshll.u32 v7, $0x3;
	v7 =	vand.u32 $0x7F, v7;
	[sflag:s17] =	ssyncset.done $0x0  }
0x1d: {  	v17 =	vor.u32 v1, v10;
	v14 =	vand.u32 $0x400, v14;
	v10 =	vor.u32 v2, v10;
	[sflag:s17] =	ssyncadd.s32 $0xFFFFE000  }
0x1e: {  	v7 =	vor.u32 v7, v14;
	v14 =	vshll.u32 v8, $0x3;
	v8 =	vand.u32 $0x7F, v8;
	v12 =	vld.idx.msk [tilespmem:v12+s2+$0x0], $0xffff  }
0x1f: {  	v18 =	vor.u32 v1, v7;
	v14 =	vand.u32 $0x400, v14;
	v7 =	vor.u32 v2, v7;
	v4 =	vld.idx.msk [tilespmem:v4+s2+$0x0], $0xffff  }
0x20: {  	v8 =	vor.u32 v8, v14;
	v14 =	vshll.u32 v9, $0x3;
	v9 =	vand.u32 $0x7F, v9;
	v16 =	vld.idx.msk [tilespmem:v16+s2+$0x0], $0xffff  }
0x21: {  	v19 =	vor.u32 v1, v8;
	v14 =	vand.u32 $0x400, v14;
	v11 =	vld.idx.msk [tilespmem:v11+s2+$0x0], $0xffff;
	v8 =	vor.u32 v2, v8  }
0x22: {  	v13 =	vor.u32 v1, v6;
	v9 =	vor.u32 v9, v14;
	v10 =	vld.idx.msk [tilespmem:v10+s2+$0x0], $0xffff  }
0x23: {  	v15 =	vor.u32 v1, v5;
	v6 =	vor.u32 v2, v6;
	v14 =	vld.idx.msk [tilespmem:v17+s2+$0x0], $0xffff;
	v17 =	vor.u32 v1, v9  }
0x24: {  	v5 =	vor.u32 v2, v5;
	v9 =	vor.u32 v2, v9;
	v7 =	vld.idx.msk [tilespmem:v7+s2+$0x0], $0xffff;
	v12 =	vmin.f32 v12, $8.000000000e+01  }
0x25: {  	v18 =	vld.idx.msk [tilespmem:v18+s2+$0x0], $0xffff;
	v4 =	vmin.f32 v4, $8.000000000e+01;
	v12 =	vmul.f32 $1.442695020e+00, v12;
	v16 =	vmin.f32 v16, $8.000000000e+01  }
0x26: {  	v4 =	vmul.f32 $1.442695020e+00, v4;
	v11 =	vmin.f32 v11, $8.000000000e+01;
	v8 =	vld.idx.msk [tilespmem:v8+s2+$0x0], $0xffff;
	v16 =	vmul.f32 $1.442695020e+00, v16  }
0x27: {  	v19 =	vld.idx.msk [tilespmem:v19+s2+$0x0], $0xffff;
	v11 =	vmul.f32 $1.442695020e+00, v11;
	v10 =	vmin.f32 v10, $8.000000000e+01;
	(erf) = vpow2.f32 v12  }
0x28: {  	v12 =	vmin.f32 v14, $8.000000000e+01;
	v10 =	vmul.f32 $1.442695020e+00, v10;
	(erf) = vpow2.f32 v4;
	v4 =	vld.idx.msk [tilespmem:v17+s2+$0x0], $0xffff  }
0x29: {  	v9 =	vld.idx.msk [tilespmem:v9+s2+$0x0], $0xffff;
	v12 =	vmul.f32 $1.442695020e+00, v12;
	v7 =	vmin.f32 v7, $8.000000000e+01;
	(erf) = vpow2.f32 v16  }
0x2a: {  	v13 =	vld.idx.msk [tilespmem:v13+s2+$0x0], $0xffff;
	v14 =	vmin.f32 v18, $8.000000000e+01;
	v7 =	vmul.f32 $1.442695020e+00, v7;
	(erf) = vpow2.f32 v11  }
0x2b: {  	v15 =	vld.idx.msk [tilespmem:v15+s2+$0x0], $0xffff;
	v11 =	vmul.f32 $1.442695020e+00, v14;
	v8 =	vmin.f32 v8, $8.000000000e+01;
	(erf) = vpow2.f32 v12  }
0x2c: {  	v5 =	vld.idx.msk [tilespmem:v5+s2+$0x0], $0xffff;
	v12 =	vmin.f32 v19, $8.000000000e+01;
	v8 =	vmul.f32 $1.442695020e+00, v8;
	(erf) = vpow2.f32 v10  }
0x2d: {  	v10 =	vmul.f32 $1.442695020e+00, v12;
	(erf) = vpow2.f32 v11;
	v4 =	vmin.f32 v4, $8.000000000e+01  }
0x2e: {  	v6 =	vld.idx.msk [tilespmem:v6+s2+$0x0], $0xffff;
	(erf) = vpow2.f32 v7;
	v4 =	vmul.f32 $1.442695020e+00, v4;
	v7 =	vmin.f32 v9, $8.000000000e+01  }
0x2f: {  	(erf) = vpow2.f32 v10;
	v7 =	vmul.f32 $1.442695020e+00, v7  }
0x30: {  	v3 =	vimm.f32 $0.0e+00;
	v13 =	vmin.f32 v13, $8.000000000e+01;
	v9 =	vpop (erf);
	(erf) = vpow2.f32 v8  }
0x31: {  	v15 =	vmin.f32 v15, $8.000000000e+01;
	v5 =	vmin.f32 v5, $8.000000000e+01;
	v8 =	vpop (erf);
	(erf) = vpow2.f32 v4  }
0x32: {  	v4 =	vadd.f32 v9, v3;
	v3 =	vadd.f32 v8, v3;
	v8 =	vpop (erf);
	(erf) = vpow2.f32 v7  }
0x33: {  	v6 =	vmin.f32 v6, $8.000000000e+01;
	v15 =	vmul.f32 $1.442695020e+00, v15;
	v13 =	vmul.f32 $1.442695020e+00, v13;
	v7 =	vpop (erf)  }
0x34: {  	v5 =	vmul.f32 $1.442695020e+00, v5;
	v4 =	vadd.f32 v8, v4;
	v3 =	vadd.f32 v7, v3;
	v7 =	vpop (erf)  }
0x35: {  	v6 =	vmul.f32 $1.442695020e+00, v6;
	(erf) = vpow2.f32 v15;
	v8 =	vpop (erf)  }
0x36: {  	s23 =	simm.s32 $0x8;
	(erf) = vpow2.f32 v5;
	v11 =	vadd.f32 v7, v4;
	v8 =	vadd.f32 v8, v3;
	v12 =	vpop (erf)  }
0x37: {  	v9 =	vadd.s32 s23, v0;
	(erf) = vpow2.f32 v13;
	v13 =	vpop (erf)  }
0x38: {  	s25 =	simm.s32 $0xF;
	(erf) = vpow2.f32 v6;
	v11 =	vadd.f32 v12, v11;
	v8 =	vadd.f32 v13, v8;
	v12 =	vpop (erf)  }
0x39: {  	s24 =	simm.s32 $0xE;
	v10 =	vadd.s32 s25, v0;
	v16 =	vand.u32 $0x7F, v9;
	v14 =	vshll.u32 v9, $0x3;
	v13 =	vpop (erf)  }
0x3a: {  	s31 =	simm.s32 $0x9;
	v5 =	vadd.s32 s24, v0;
	v11 =	vadd.f32 v12, v11;
	v12 =	vadd.f32 v13, v8;
	v17 =	vpop (erf)  }
0x3b: {  	v9 =	vand.u32 $0x7F, v10;
	v15 =	vadd.s32 s31, v0;
	v8 =	vand.u32 $0x7F, v5;
	v18 =	vpop (erf)  }
0x3c: {  	s26 =	simm.s32 $0xB;
	s28 =	simm.s32 $0xC;
	s30 =	simm.s32 $0xA;
	v13 =	vshll.u32 v5, $0x3;
	v5 =	vshll.u32 v10, $0x3;
	v12 =	vadd.f32 v18, v12  }
0x3d: {  	s29 =	simm.s32 $0xD;
	v4 =	vadd.s32 s28, v0;
	v7 =	vadd.s32 s30, v0;
	v6 =	vadd.s32 s26, v0  }
0x3e: {  	v3 =	vadd.s32 s29, v0;
	v10 =	vand.u32 $0x7F, v15;
	v11 =	vadd.f32 v17, v11;
	v17 =	vpop (erf)  }
0x3f: {  	v18 =	vand.u32 $0x400, v14;
	v14 =	vshll.u32 v15, $0x3;
	v15 =	vand.u32 $0x400, v5;
	v5 =	vpop (erf)  }
0x40: {  	s21 =	simm.s32 $0x10;
	v16 =	vor.u32 v16, v18;
	v11 =	vadd.f32 v17, v11;
	v5 =	vadd.f32 v5, v12;
	v12 =	vpop (erf)  }
.LBB2_2:
0x41: {  	p0 =	slt.u32 s21, $0xF8;
	v17 =	vor.u32 v1, v16;
	v13 =	vand.u32 $0x400, v13;
	v9 =	vor.u32 v9, v15;
	v15 =	vpop (erf)  }
0x42: {  	v16 =	vor.u32 v2, v16;
	v11 =	vadd.f32 v12, v11;
	v5 =	vadd.f32 v15, v5  }
0x43: {  	v12 =	vand.u32 $0x400, v14;
	v8 =	vor.u32 v8, v13;
	v13 =	vor.u32 v1, v9  }
0x44: {  	v10 =	vor.u32 v10, v12;
	v12 =	vshll.u32 v7, $0x3;
	v14 =	vor.u32 v1, v8  }
0x45: {  	v7 =	vand.u32 $0x7F, v7;
	v15 =	vor.u32 v1, v10;
	v12 =	vand.u32 $0x400, v12  }
0x46: {  	v10 =	vor.u32 v2, v10;
	v7 =	vor.u32 v7, v12;
	v12 =	vshll.u32 v6, $0x3;
	v17 =	vld.idx.msk [tilespmem:v17+s2+$0x0], $0xffff  }
0x47: {  	v6 =	vand.u32 $0x7F, v6;
	v18 =	vor.u32 v1, v7;
	v12 =	vand.u32 $0x400, v12;
	v16 =	vld.idx.msk [tilespmem:v16+s2+$0x0], $0xffff  }
0x48: {  	v7 =	vor.u32 v2, v7;
	v6 =	vor.u32 v6, v12;
	v12 =	vshll.u32 v4, $0x3;
	v13 =	vld.idx.msk [tilespmem:v13+s2+$0x0], $0xffff  }
0x49: {  	v4 =	vand.u32 $0x7F, v4;
	v19 =	vor.u32 v1, v6;
	v12 =	vand.u32 $0x400, v12;
	v14 =	vld.idx.msk [tilespmem:v14+s2+$0x0], $0xffff  }
0x4a: {  	v6 =	vor.u32 v2, v6;
	v4 =	vor.u32 v4, v12;
	v12 =	vshll.u32 v3, $0x3;
	v15 =	vld.idx.msk [tilespmem:v15+s2+$0x0], $0xffff  }
0x4b: {  	v3 =	vand.u32 $0x7F, v3;
	v20 =	vor.u32 v1, v4;
	v12 =	vand.u32 $0x400, v12;
	v10 =	vld.idx.msk [tilespmem:v10+s2+$0x0], $0xffff  }
0x4c: {  	v9 =	vor.u32 v2, v9;
	v4 =	vor.u32 v2, v4;
	v3 =	vor.u32 v3, v12;
	v18 =	vld.idx.msk [tilespmem:v18+s2+$0x0], $0xffff  }
0x4d: {  	v8 =	vor.u32 v2, v8;
	v12 =	vor.u32 v1, v3;
	v3 =	vor.u32 v2, v3;
	v7 =	vld.idx.msk [tilespmem:v7+s2+$0x0], $0xffff  }
0x4e: {  	v17 =	vmin.f32 v17, $8.000000000e+01;
	v16 =	vmin.f32 v16, $8.000000000e+01;
	v13 =	vmin.f32 v13, $8.000000000e+01;
	v19 =	vld.idx.msk [tilespmem:v19+s2+$0x0], $0xffff  }
0x4f: {  	v17 =	vmul.f32 $1.442695020e+00, v17;
	v16 =	vmul.f32 $1.442695020e+00, v16;
	v14 =	vmin.f32 v14, $8.000000000e+01;
	v6 =	vld.idx.msk [tilespmem:v6+s2+$0x0], $0xffff  }
0x50: {  	v13 =	vmul.f32 $1.442695020e+00, v13;
	v15 =	vmin.f32 v15, $8.000000000e+01;
	v14 =	vmul.f32 $1.442695020e+00, v14;
	v20 =	vld.idx.msk [tilespmem:v20+s2+$0x0], $0xffff  }
0x51: {  	v15 =	vmul.f32 $1.442695020e+00, v15;
	v10 =	vmin.f32 v10, $8.000000000e+01;
	v4 =	vld.idx.msk [tilespmem:v4+s2+$0x0], $0xffff;
	(erf) = vpow2.f32 v17  }
0x52: {  	v10 =	vmul.f32 $1.442695020e+00, v10;
	v17 =	vmin.f32 v18, $8.000000000e+01;
	v12 =	vld.idx.msk [tilespmem:v12+s2+$0x0], $0xffff;
	(erf) = vpow2.f32 v16  }
0x53: {  	v16 =	vmul.f32 $1.442695020e+00, v17;
	v7 =	vmin.f32 v7, $8.000000000e+01;
	v3 =	vld.idx.msk [tilespmem:v3+s2+$0x0], $0xffff;
	(erf) = vpow2.f32 v15  }
0x54: {  	v7 =	vmul.f32 $1.442695020e+00, v7;
	v15 =	vmin.f32 v19, $8.000000000e+01;
	v8 =	vld.idx.msk [tilespmem:v8+s2+$0x0], $0xffff;
	(erf) = vpow2.f32 v10  }
0x55: {  	v10 =	vmul.f32 $1.442695020e+00, v15;
	v6 =	vmin.f32 v6, $8.000000000e+01;
	v9 =	vld.idx.msk [tilespmem:v9+s2+$0x0], $0xffff;
	(erf) = vpow2.f32 v16  }
0x56: {  	v6 =	vmul.f32 $1.442695020e+00, v6;
	v15 =	vmin.f32 v20, $8.000000000e+01;
	(erf) = vpow2.f32 v7  }
0x57: {  	v7 =	vmul.f32 $1.442695020e+00, v15;
	v4 =	vmin.f32 v4, $8.000000000e+01;
	(erf) = vpow2.f32 v10  }
0x58: {  	v4 =	vmul.f32 $1.442695020e+00, v4;
	v10 =	vmin.f32 v12, $8.000000000e+01;
	(erf) = vpow2.f32 v6  }
0x59: {  	v6 =	vmul.f32 $1.442695020e+00, v10;
	v3 =	vmin.f32 v3, $8.000000000e+01;
	(erf) = vpow2.f32 v7  }
0x5a: {  	v3 =	vmul.f32 $1.442695020e+00, v3;
	v7 =	vmin.f32 v8, $8.000000000e+01;
	v8 =	vpop (erf);
	(erf) = vpow2.f32 v4  }
0x5b: {  	v4 =	vmul.f32 $1.442695020e+00, v7;
	v10 =	vmin.f32 v9, $8.000000000e+01;
	v9 =	vpop (erf);
	(erf) = vpow2.f32 v6  }
0x5c: {  	v6 =	vadd.f32 v8, v11;
	v5 =	vadd.f32 v9, v5;
	v8 =	vpop (erf);
	(erf) = vpow2.f32 v3  }
0x5d: {  	v9 =	vadd.s32 s21, v0;
	v3 =	vmul.f32 $1.442695020e+00, v10;
	v7 =	vpop (erf);
	(erf) = vpow2.f32 v14  }
0x5e: {  	s22 =	sadd.s32 $0x6, s21;
	s23 =	sadd.s32 $0x7, s21;
	v6 =	vadd.f32 v8, v6;
	v5 =	vadd.f32 v7, v5;
	v7 =	vpop (erf);
	(erf) = vpow2.f32 v4  }
0x5f: {  	v11 =	vadd.s32 s23, v0;
	v10 =	vadd.s32 s22, v0;
	v4 =	vpop (erf);
	(erf) = vpow2.f32 v13  }
0x60: {  	s24 =	sadd.s32 $0x5, s21;
	s23 =	sadd.s32 $0x4, s21;
	s22 =	sadd.s32 $0x3, s21;
	v8 =	vadd.f32 v7, v6;
	v5 =	vadd.f32 v4, v5;
	v12 =	vpop (erf);
	(erf) = vpow2.f32 v3  }
0x61: {  	s25 =	sadd.s32 $0x2, s21;
	v6 =	vadd.s32 s22, v0;
	v4 =	vadd.s32 s23, v0;
	v3 =	vadd.s32 s24, v0;
	v13 =	vpop (erf)  }
0x62: {  	s22 =	sadd.s32 $0x1, s21;
	v7 =	vadd.s32 s25, v0;
	v8 =	vadd.f32 v12, v8;
	v5 =	vadd.f32 v13, v5;
	v12 =	vpop (erf)  }
0x63: {  	v16 =	vand.u32 $0x7F, v9;
	v14 =	vshll.u32 v9, $0x3;
	v15 =	vadd.s32 s22, v0;
	v13 =	vpop (erf)  }
.Ltmp0:
0x64: {  	v9 =	vand.u32 $0x7F, v11;
	v12 =	vadd.f32 v12, v8;
	v5 =	vadd.f32 v13, v5;
	v17 =	vpop (erf);
	(pc) =	sbr.rel @p0 .LBB2_2-.Ltmp0, $4  }
0x65: {  	v11 =	vshll.u32 v11, $0x3;
	v8 =	vand.u32 $0x7F, v10;
	v13 =	vshll.u32 v10, $0x3;
	v18 =	vpop (erf)  }
0x66: {  	v10 =	vand.u32 $0x7F, v15;
	v20 =	vadd.f32 v17, v12;
	v5 =	vadd.f32 v18, v5;
	v17 =	vpop (erf)  }
0x67: {  	v18 =	vand.u32 $0x400, v14;
	v14 =	vshll.u32 v15, $0x3;
	v15 =	vand.u32 $0x400, v11;
	v19 =	vpop (erf)  }
0x68: {  	s21 =	sadd.s32 $0x8, s21;
	v16 =	vor.u32 v16, v18;
	v11 =	vadd.f32 v17, v20;
	v5 =	vadd.f32 v19, v5;
	v12 =	vpop (erf)  }
0x69: {  	v17 =	vor.u32 v1, v16;
	v13 =	vand.u32 $0x400, v13  }
0x6a: {  	v9 =	vor.u32 v9, v15;
	v15 =	vor.u32 v2, v16;
	v14 =	vand.u32 $0x400, v14  }
0x6b: {  	v8 =	vor.u32 v8, v13;
	v10 =	vor.u32 v10, v14;
	v13 =	vshll.u32 v7, $0x3  }
0x6c: {  	v7 =	vand.u32 $0x7F, v7;
	v16 =	vor.u32 v1, v10;
	v13 =	vand.u32 $0x400, v13  }
0x6d: {  	v18 =	vshll.u32 v6, $0x3;
	v10 =	vor.u32 v2, v10;
	v7 =	vor.u32 v7, v13  }
0x6e: {  	v6 =	vand.u32 $0x7F, v6;
	v13 =	vand.u32 $0x400, v18;
	v18 =	vor.u32 v1, v7  }
0x6f: {  	v7 =	vor.u32 v2, v7;
	v6 =	vor.u32 v6, v13;
	v13 =	vld.idx.msk [tilespmem:v15+s2+$0x0], $0xffff;
	v15 =	vshll.u32 v4, $0x3  }
0x70: {  	v17 =	vld.idx.msk [tilespmem:v17+s2+$0x0], $0xffff;
	v19 =	vor.u32 v1, v6;
	v4 =	vand.u32 $0x7F, v4;
	v15 =	vand.u32 $0x400, v15  }
0x71: {  	v20 =	vshll.u32 v3, $0x3;
	v6 =	vor.u32 v2, v6;
	v16 =	vld.idx.msk [tilespmem:v16+s2+$0x0], $0xffff;
	v4 =	vor.u32 v4, v15  }
0x72: {  	v3 =	vand.u32 $0x7F, v3;
	v11 =	vadd.f32 v12, v11;
	v10 =	vld.idx.msk [tilespmem:v10+s2+$0x0], $0xffff;
	v12 =	vor.u32 v1, v4  }
0x73: {  	v14 =	vor.u32 v1, v8;
	v8 =	vor.u32 v2, v8;
	v15 =	vand.u32 $0x400, v20;
	v18 =	vld.idx.msk [tilespmem:v18+s2+$0x0], $0xffff  }
0x74: {  	v3 =	vor.u32 v3, v15;
	v15 =	vor.u32 v1, v9;
	v4 =	vor.u32 v2, v4;
	v7 =	vld.idx.msk [tilespmem:v7+s2+$0x0], $0xffff  }
0x75: {  	v63 =	vor.u32 v1, v3;
	v3 =	vor.u32 v2, v3;
	v17 =	vmin.f32 v17, $8.000000000e+01;
	v19 =	vld.idx.msk [tilespmem:v19+s2+$0x0], $0xffff  }
0x76: {  	v13 =	vmin.f32 v13, $8.000000000e+01;
	v6 =	vld.idx.msk [tilespmem:v6+s2+$0x0], $0xffff;
	v17 =	vmul.f32 $1.442695020e+00, v17;
	v16 =	vmin.f32 v16, $8.000000000e+01  }
0x77: {  	v13 =	vmul.f32 $1.442695020e+00, v13;
	v10 =	vmin.f32 v10, $8.000000000e+01;
	v12 =	vld.idx.msk [tilespmem:v12+s2+$0x0], $0xffff;
	v16 =	vmul.f32 $1.442695020e+00, v16  }
0x78: {  	v14 =	vld.idx.msk [tilespmem:v14+s2+$0x0], $0xffff;
	(erf) = vpow2.f32 v17;
	v10 =	vmul.f32 $1.442695020e+00, v10;
	v17 =	vmin.f32 v18, $8.000000000e+01  }
0x79: {  	v4 =	vld.idx.msk [tilespmem:v4+s2+$0x0], $0xffff;
	(erf) = vpow2.f32 v13;
	v7 =	vmin.f32 v7, $8.000000000e+01;
	v17 =	vmul.f32 $1.442695020e+00, v17  }
0x7a: {  	v13 =	vld.idx.msk [tilespmem:v63+s2+$0x0], $0xffff;
	(erf) = vpow2.f32 v16;
	v7 =	vmul.f32 $1.442695020e+00, v7;
	v16 =	vmin.f32 v19, $8.000000000e+01  }
0x7b: {  	v3 =	vld.idx.msk [tilespmem:v3+s2+$0x0], $0xffff;
	v6 =	vmin.f32 v6, $8.000000000e+01;
	(erf) = vpow2.f32 v10;
	v10 =	vmul.f32 $1.442695020e+00, v16  }
0x7c: {  	v8 =	vld.idx.msk [tilespmem:v8+s2+$0x0], $0xffff;
	v6 =	vmul.f32 $1.442695020e+00, v6;
	(erf) = vpow2.f32 v17;
	v12 =	vmin.f32 v12, $8.000000000e+01  }
0x7d: {  	(erf) = vpow2.f32 v7;
	v7 =	vld.idx.msk [tilespmem:v15+s2+$0x0], $0xffff;
	v12 =	vmul.f32 $1.442695020e+00, v12  }
0x7e: {  	v14 =	vmin.f32 v14, $8.000000000e+01;
	v4 =	vmin.f32 v4, $8.000000000e+01;
	(erf) = vpow2.f32 v10  }
0x7f: {  	v4 =	vmul.f32 $1.442695020e+00, v4;
	v10 =	vmin.f32 v13, $8.000000000e+01;
	(erf) = vpow2.f32 v6  }
0x80: {  	v3 =	vmin.f32 v3, $8.000000000e+01;
	v6 =	vpop (erf);
	v10 =	vmul.f32 $1.442695020e+00, v10;
	(erf) = vpow2.f32 v12  }
0x81: {  	v3 =	vmul.f32 $1.442695020e+00, v3;
	v12 =	vpop (erf);
	(erf) = vpow2.f32 v4;
	v4 =	vmin.f32 v8, $8.000000000e+01  }
0x82: {  	v7 =	vmin.f32 v7, $8.000000000e+01;
	v8 =	vpop (erf);
	(erf) = vpow2.f32 v10;
	v10 =	vadd.f32 v12, v11  }
0x83: {  	v14 =	vmul.f32 $1.442695020e+00, v14;
	v4 =	vmul.f32 $1.442695020e+00, v4;
	v11 =	vpop (erf)  }
0x84: {  	(erf) = vpow2.f32 v3;
	v10 =	vadd.f32 v11, v10  }
0x85: {  	v9 =	vor.u32 v2, v9;
	v3 =	vmul.f32 $1.442695020e+00, v7;
	v7 =	vpop (erf);
	(erf) = vpow2.f32 v14  }
0x86: {  	v11 =	vpop (erf);
	(erf) = vpow2.f32 v4  }
0x87: {  	v4 =	vpop (erf);
	(erf) = vpow2.f32 v3;
	v3 =	vadd.f32 v11, v10  }
0x88: {  	v10 =	vpop (erf)  }
0x89: {  	v11 =	vpop (erf);
	v3 =	vadd.f32 v10, v3  }
0x8a: {  	v9 =	vld.idx.msk [tilespmem:v9+s2+$0x0], $0xffff;
	v10 =	vpop (erf)  }
0x8b: {  	v12 =	vpop (erf);
	v3 =	vadd.f32 v10, v3  }
0x8c: {  	v5 =	vadd.f32 v6, v5;
	v6 =	vpop (erf)  }
0x8d: {  	v10 =	vpop (erf);
	v3 =	vadd.f32 v6, v3  }
0x8e: {  	v5 =	vadd.f32 v8, v5;
	v6 =	vpop (erf)  }
0x8f: {  	v8 =	vmin.f32 v9, $8.000000000e+01;
	v9 =	vpop (erf);
	v3 =	vadd.f32 v6, v3  }
0x90: {  	v5 =	vadd.f32 v7, v5;
	v6 =	vmul.f32 $1.442695020e+00, v8;
	v7 =	vpop (erf)  }
0x91: {  	v3 =	vadd.f32 v7, v3  }
0x92: {  	v4 =	vadd.f32 v4, v5;
	(erf) = vpow2.f32 v6  }
0x93: {  	v5 =	vand.u32 $0x7FFFFF, v3  }
0x94: {  	v4 =	vadd.f32 v11, v4;
	v5 =	vor.u32 $0x3F800000, v5  }
0x95: {  	v5 =	vadd.f32 $-1.000000000e+00, v5  }
0x96: {  	v4 =	vadd.f32 v12, v4  }
0x97: {  	v6 =	vmul.f32 $3.010262550e-02, v5  }
0x98: {  	v4 =	vadd.f32 v10, v4  }
0x99: {  	v6 =	vadd.f32 $-1.301194130e-01, v6  }
0x9a: {  	v4 =	vadd.f32 v9, v4  }
0x9b: {  	v7 =	vpop (erf);
	v6 =	vmul.f32 v6, v5  }
0x9c: {  	v4 =	vadd.f32 v7, v4;
	v7 =	vld [tilespmem:$0x4000]  }
0x9d: {  	v6 =	vadd.f32 $2.833043340e-01, v6  }
0x9e: {  	v8 =	vand.u32 $0x7FFFFF, v4  }
0x9f: {  	v8 =	vor.u32 $0x3F800000, v8;
	v6 =	vmul.f32 v6, v5  }
0xa0: {  	v8 =	vadd.f32 $-1.000000000e+00, v8  }
0xa1: {  	v9 =	vshll.u32 v7, $0x3;
	v6 =	vadd.f32 $-4.891568420e-01, v6  }
0xa2: {  	v7 =	vand.u32 $0x7F, v7;
	v9 =	vand.u32 $0xFFFFFC00, v9;
	v10 =	vmul.f32 $3.010262550e-02, v8  }
0xa3: {  	v7 =	vor.u32 v7, v9;
	v6 =	vmul.f32 v6, v5  }
0xa4: {  	v3 =	vshrl.u32 v3, $0x17;
	v7 =	vadd.s32 v1, v7;
	v9 =	vadd.f32 $-1.301194130e-01, v10  }
0xa5: {  	v3 =	vand.u32 $0xFF, v3;
	v6 =	vadd.f32 $9.990104430e-01, v6  }
0xa6: {  	v3 =	vadd.s32 $0xFFFFFF81, v3;
	v10 =	vld [tilespmem:$0x4010];
	v9 =	vmul.f32 v9, v8  }
0xa7: {  	v3 =	vcvt.s32.f32 v3;
	v5 =	vmul.f32 v6, v5  }
0xa8: {  	s21 =	simm.s32 $0x0;
	v6 =	vadd.f32 $2.833043340e-01, v9  }
0xa9: {  	v3 =	vmul.f32 $6.931471820e-01, v3;
	v7 =	vld.idx.msk [tilespmem:v7+s21+$0x0], $0xffff;
	v5 =	vadd.f32 $2.211703030e-05, v5  }
0xaa: {  	v6 =	vmul.f32 v6, v8  }
0xab: {  	v3 =	vadd.f32 v5, v3;
	v5 =	vshll.u32 v10, $0x3  }
0xac: {  	v9 =	vand.u32 $0x7F, v10;
	v6 =	vadd.f32 $-4.891568420e-01, v6;
	v5 =	vand.u32 $0xFFFFFC00, v5  }
0xad: {  	v5 =	vor.u32 v9, v5  }
0xae: {  	v3 =	vsub.f32 v7, v3;
	v6 =	vmul.f32 v6, v8;
	v5 =	vadd.s32 v2, v5  }
0xaf: {  	v4 =	vshrl.u32 v4, $0x17  }
0xb0: {  	v4 =	vand.u32 $0xFF, v4;
	v3 =	vadd.f32 $4.436141970e+01, v3;
	v6 =	vadd.f32 $9.990104430e-01, v6  }
0xb1: {  	v4 =	vadd.s32 $0xFFFFFF81, v4  }
0xb2: {  	v4 =	vcvt.s32.f32 v4;
	[tilespmem:$0x4400] =	vst v3;
	v3 =	vmul.f32 v6, v8  }
0xb3: {  	s31 =	simm.s32 $0x1;
	v5 =	vld.idx.msk [tilespmem:v5+s21+$0x0], $0xffff  }
0xb4: {  	v13 =	vadd.s32 s31, v0;
	v4 =	vmul.f32 $6.931471820e-01, v4;
	v3 =	vadd.f32 $2.211703030e-05, v3  }
0xb5: {  	s23 =	simm.s32 $0x7;
	s30 =	simm.s32 $0x2;
	v16 =	vand.u32 $0x7F, v13  }
0xb6: {  	s24 =	simm.s32 $0x4;
	s29 =	simm.s32 $0x5;
	v11 =	vadd.s32 s30, v0;
	v7 =	vadd.s32 s23, v0;
	v3 =	vadd.f32 v3, v4  }
0xb7: {  	v10 =	vadd.s32 s29, v0;
	v9 =	vadd.s32 s24, v0;
	v14 =	vand.u32 $0x7F, v7  }
0xb8: {  	v7 =	vshll.u32 v7, $0x3;
	v3 =	vsub.f32 v5, v3;
	v5 =	vadd.s32 s21, v0  }
0xb9: {  	s22 =	simm.s32 $0x6;
	s28 =	simm.s32 $0x3;
	v7 =	vand.u32 $0x400, v7;
	v12 =	vand.u32 $0x7F, v5;
	v5 =	vshll.u32 v5, $0x3  }
0xba: {  	v6 =	vadd.s32 s22, v0;
	v8 =	vadd.s32 s28, v0;
	v5 =	vand.u32 $0x400, v5  }
0xbb: {  	v15 =	vand.u32 $0x7F, v6;
	v4 =	vadd.f32 $4.436141970e+01, v3;
	v5 =	vor.u32 v12, v5  }
0xbc: {  	v6 =	vshll.u32 v6, $0x3;
	v12 =	vshll.u32 v13, $0x3;
	v13 =	vor.u32 v1, v5  }
0xbd: {  	[tilespmem:$0x4410] =	vst v4;
	v4 =	vand.u32 $0x400, v6;
	v6 =	vor.u32 v14, v7;
	v5 =	vor.u32 v2, v5  }
0xbe: {  	v7 =	vand.u32 $0x400, v12;
	v14 =	vshll.u32 v11, $0x3;
	v11 =	vand.u32 $0x7F, v11;
	[tilespmem:s21], [sflag:$0x1] =	stream.linear.gather [hbm4b:s6+s21], $0x2000, $0x38;
	[tilespmem:$0x4480] =	vst v63  }
0xbf: {  	v4 =	vor.u32 v15, v4;
	v12 =	vor.u32 v1, v6;
	v7 =	vor.u32 v16, v7;
	_ =	swait.ge [sflag:s18], $0x2000  }
0xc0: {  	v14 =	vand.u32 $0x400, v14;
	v6 =	vor.u32 v2, v6;
	v16 =	vor.u32 v1, v7;
	[sflag:s18] =	ssyncset.done $0x0  }
0xc1: {  	v7 =	vor.u32 v2, v7;
	v11 =	vor.u32 v11, v14;
	v14 =	vshll.u32 v8, $0x3;
	[sflag:s18] =	ssyncadd.s32 $0xFFFFE000  }
0xc2: {  	v8 =	vand.u32 $0x7F, v8;
	v17 =	vor.u32 v1, v11;
	v14 =	vand.u32 $0x400, v14;
	v13 =	vld.idx.msk [tilespmem:v13+s16+$0x0], $0xffff  }
0xc3: {  	v11 =	vor.u32 v2, v11;
	v8 =	vor.u32 v8, v14;
	v14 =	vshll.u32 v9, $0x3;
	v5 =	vld.idx.msk [tilespmem:v5+s16+$0x0], $0xffff  }
0xc4: {  	v9 =	vand.u32 $0x7F, v9;
	v18 =	vor.u32 v1, v8;
	v14 =	vand.u32 $0x400, v14;
	v12 =	vld.idx.msk [tilespmem:v12+s16+$0x0], $0xffff  }
0xc5: {  	v8 =	vor.u32 v2, v8;
	v9 =	vor.u32 v9, v14;
	v14 =	vshll.u32 v10, $0x3;
	v16 =	vld.idx.msk [tilespmem:v16+s16+$0x0], $0xffff  }
0xc6: {  	v10 =	vand.u32 $0x7F, v10;
	v19 =	vor.u32 v1, v9;
	v14 =	vand.u32 $0x400, v14;
	v7 =	vld.idx.msk [tilespmem:v7+s16+$0x0], $0xffff  }
0xc7: {  	v15 =	vor.u32 v1, v4;
	v9 =	vor.u32 v2, v9;
	v10 =	vor.u32 v10, v14;
	v14 =	vld.idx.msk [tilespmem:v17+s16+$0x0], $0xffff  }
0xc8: {  	v4 =	vor.u32 v2, v4;
	v11 =	vld.idx.msk [tilespmem:v11+s16+$0x0], $0xffff;
	v17 =	vor.u32 v1, v10;
	v10 =	vor.u32 v2, v10  }
0xc9: {  	v13 =	vmin.f32 v13, $8.000000000e+01;
	v5 =	vmin.f32 v5, $8.000000000e+01;
	v18 =	vld.idx.msk [tilespmem:v18+s16+$0x0], $0xffff;
	v12 =	vmin.f32 v12, $8.000000000e+01  }
0xca: {  	v8 =	vld.idx.msk [tilespmem:v8+s16+$0x0], $0xffff;
	v13 =	vmul.f32 $1.442695020e+00, v13;
	v5 =	vmul.f32 $1.442695020e+00, v5;
	v16 =	vmin.f32 v16, $8.000000000e+01  }
0xcb: {  	v12 =	vmul.f32 $1.442695020e+00, v12;
	v19 =	vld.idx.msk [tilespmem:v19+s16+$0x0], $0xffff;
	v7 =	vmin.f32 v7, $8.000000000e+01;
	v16 =	vmul.f32 $1.442695020e+00, v16  }
0xcc: {  	v9 =	vld.idx.msk [tilespmem:v9+s16+$0x0], $0xffff;
	(erf) = vpow2.f32 v13;
	v7 =	vmul.f32 $1.442695020e+00, v7;
	v13 =	vmin.f32 v14, $8.000000000e+01  }
0xcd: {  	v15 =	vld.idx.msk [tilespmem:v15+s16+$0x0], $0xffff;
	v11 =	vmin.f32 v11, $8.000000000e+01;
	(erf) = vpow2.f32 v5;
	v13 =	vmul.f32 $1.442695020e+00, v13  }
0xce: {  	v5 =	vld.idx.msk [tilespmem:v17+s16+$0x0], $0xffff;
	v11 =	vmul.f32 $1.442695020e+00, v11;
	(erf) = vpow2.f32 v16;
	v14 =	vmin.f32 v18, $8.000000000e+01  }
0xcf: {  	v10 =	vld.idx.msk [tilespmem:v10+s16+$0x0], $0xffff;
	v8 =	vmin.f32 v8, $8.000000000e+01;
	(erf) = vpow2.f32 v7;
	v7 =	vmul.f32 $1.442695020e+00, v14  }
0xd0: {  	v4 =	vld.idx.msk [tilespmem:v4+s16+$0x0], $0xffff;
	v8 =	vmul.f32 $1.442695020e+00, v8;
	(erf) = vpow2.f32 v13;
	v13 =	vmin.f32 v19, $8.000000000e+01  }
0xd1: {  	v9 =	vmin.f32 v9, $8.000000000e+01;
	(erf) = vpow2.f32 v11;
	v11 =	vmul.f32 $1.442695020e+00, v13  }
0xd2: {  	v15 =	vmin.f32 v15, $8.000000000e+01;
	(erf) = vpow2.f32 v7;
	v7 =	vmul.f32 $1.442695020e+00, v9  }
0xd3: {  	v6 =	vld.idx.msk [tilespmem:v6+s16+$0x0], $0xffff;
	v15 =	vmul.f32 $1.442695020e+00, v15;
	v5 =	vmin.f32 v5, $8.000000000e+01;
	(erf) = vpow2.f32 v8  }
0xd4: {  	v5 =	vmul.f32 $1.442695020e+00, v5;
	v8 =	vmin.f32 v10, $8.000000000e+01;
	(erf) = vpow2.f32 v11  }
0xd5: {  	v4 =	vmin.f32 v4, $8.000000000e+01;
	v8 =	vmul.f32 $1.442695020e+00, v8;
	v9 =	vpop (erf);
	(erf) = vpow2.f32 v7  }
0xd6: {  	v3 =	vimm.f32 $0.0e+00;
	v4 =	vmul.f32 $1.442695020e+00, v4;
	v7 =	vpop (erf);
	(erf) = vpow2.f32 v5  }
0xd7: {  	v5 =	vadd.f32 v9, v3;
	v3 =	vadd.f32 v7, v3;
	v7 =	vpop (erf);
	(erf) = vpow2.f32 v8  }
0xd8: {  	v6 =	vmin.f32 v6, $8.000000000e+01;
	v9 =	vpop (erf)  }
0xd9: {  	s23 =	simm.s32 $0x8;
	(erf) = vpow2.f32 v15;
	v5 =	vadd.f32 v7, v5;
	v3 =	vadd.f32 v9, v3;
	v7 =	vpop (erf)  }
0xda: {  	v6 =	vmul.f32 $1.442695020e+00, v6;
	v8 =	vadd.s32 s23, v0;
	(erf) = vpow2.f32 v4;
	v4 =	vpop (erf)  }
0xdb: {  	(erf) = vpow2.f32 v12;
	v5 =	vadd.f32 v7, v5;
	v9 =	vadd.f32 v4, v3;
	v12 =	vpop (erf)  }
0xdc: {  	v13 =	vpop (erf)  }
0xdd: {  	s24 =	simm.s32 $0xE;
	(erf) = vpow2.f32 v6;
	v5 =	vadd.f32 v12, v5;
	v12 =	vadd.f32 v13, v9;
	v13 =	vpop (erf)  }
0xde: {  	s25 =	simm.s32 $0xF;
	s31 =	simm.s32 $0x9;
	v10 =	vadd.s32 s24, v0;
	v16 =	vand.u32 $0x7F, v8;
	v14 =	vshll.u32 v8, $0x3;
	v8 =	vpop (erf)  }
0xdf: {  	s26 =	simm.s32 $0xB;
	s30 =	simm.s32 $0xA;
	s28 =	simm.s32 $0xC;
	v11 =	vadd.s32 s25, v0;
	v15 =	vadd.s32 s31, v0;
	v12 =	vadd.f32 v8, v12;
	v17 =	vpop (erf)  }
0xe0: {  	s29 =	simm.s32 $0xD;
	v7 =	vadd.s32 s30, v0;
	v6 =	vadd.s32 s26, v0;
	v4 =	vadd.s32 s28, v0;
	v18 =	vpop (erf)  }
0xe1: {  	v3 =	vadd.s32 s29, v0;
	v5 =	vadd.f32 v13, v5;
	v12 =	vadd.f32 v18, v12  }
0xe2: {  	v9 =	vand.u32 $0x7F, v11;
	v11 =	vshll.u32 v11, $0x3;
	v13 =	vshll.u32 v10, $0x3  }
0xe3: {  	v8 =	vand.u32 $0x7F, v10;
	v10 =	vand.u32 $0x7F, v15;
	v5 =	vadd.f32 v17, v5;
	v17 =	vpop (erf)  }
0xe4: {  	v18 =	vand.u32 $0x400, v14;
	v14 =	vshll.u32 v15, $0x3;
	v15 =	vand.u32 $0x400, v11;
	v19 =	vpop (erf)  }
0xe5: {  	s21 =	simm.s32 $0x10;
	v16 =	vor.u32 v16, v18;
	v11 =	vadd.f32 v17, v5;
	v5 =	vadd.f32 v19, v12;
	v12 =	vpop (erf)  }
.LBB2_4:
0xe6: {  	p0 =	slt.u32 s21, $0xF8;
	v17 =	vor.u32 v1, v16;
	v13 =	vand.u32 $0x400, v13;
	v9 =	vor.u32 v9, v15;
	v15 =	vpop (erf)  }
0xe7: {  	v16 =	vor.u32 v2, v16;
	v11 =	vadd.f32 v12, v11;
	v5 =	vadd.f32 v15, v5  }
0xe8: {  	v12 =	vand.u32 $0x400, v14;
	v8 =	vor.u32 v8, v13;
	v13 =	vor.u32 v1, v9  }
0xe9: {  	v10 =	vor.u32 v10, v12;
	v12 =	vshll.u32 v7, $0x3;
	v14 =	vor.u32 v1, v8  }
0xea: {  	v7 =	vand.u32 $0x7F, v7;
	v15 =	vor.u32 v1, v10;
	v12 =	vand.u32 $0x400, v12  }
0xeb: {  	v10 =	vor.u32 v2, v10;
	v7 =	vor.u32 v7, v12;
	v12 =	vshll.u32 v6, $0x3;
	v17 =	vld.idx.msk [tilespmem:v17+s16+$0x0], $0xffff  }
0xec: {  	v6 =	vand.u32 $0x7F, v6;
	v18 =	vor.u32 v1, v7;
	v12 =	vand.u32 $0x400, v12;
	v16 =	vld.idx.msk [tilespmem:v16+s16+$0x0], $0xffff  }
0xed: {  	v7 =	vor.u32 v2, v7;
	v6 =	vor.u32 v6, v12;
	v12 =	vshll.u32 v4, $0x3;
	v13 =	vld.idx.msk [tilespmem:v13+s16+$0x0], $0xffff  }
0xee: {  	v4 =	vand.u32 $0x7F, v4;
	v19 =	vor.u32 v1, v6;
	v12 =	vand.u32 $0x400, v12;
	v14 =	vld.idx.msk [tilespmem:v14+s16+$0x0], $0xffff  }
0xef: {  	v6 =	vor.u32 v2, v6;
	v4 =	vor.u32 v4, v12;
	v12 =	vshll.u32 v3, $0x3;
	v15 =	vld.idx.msk [tilespmem:v15+s16+$0x0], $0xffff  }
0xf0: {  	v3 =	vand.u32 $0x7F, v3;
	v20 =	vor.u32 v1, v4;
	v12 =	vand.u32 $0x400, v12;
	v10 =	vld.idx.msk [tilespmem:v10+s16+$0x0], $0xffff  }
0xf1: {  	v9 =	vor.u32 v2, v9;
	v4 =	vor.u32 v2, v4;
	v3 =	vor.u32 v3, v12;
	v18 =	vld.idx.msk [tilespmem:v18+s16+$0x0], $0xffff  }
0xf2: {  	v8 =	vor.u32 v2, v8;
	v12 =	vor.u32 v1, v3;
	v3 =	vor.u32 v2, v3;
	v7 =	vld.idx.msk [tilespmem:v7+s16+$0x0], $0xffff  }
0xf3: {  	v17 =	vmin.f32 v17, $8.000000000e+01;
	v16 =	vmin.f32 v16, $8.000000000e+01;
	v13 =	vmin.f32 v13, $8.000000000e+01;
	v19 =	vld.idx.msk [tilespmem:v19+s16+$0x0], $0xffff  }
0xf4: {  	v17 =	vmul.f32 $1.442695020e+00, v17;
	v16 =	vmul.f32 $1.442695020e+00, v16;
	v14 =	vmin.f32 v14, $8.000000000e+01;
	v6 =	vld.idx.msk [tilespmem:v6+s16+$0x0], $0xffff  }
0xf5: {  	v13 =	vmul.f32 $1.442695020e+00, v13;
	v15 =	vmin.f32 v15, $8.000000000e+01;
	v14 =	vmul.f32 $1.442695020e+00, v14;
	v20 =	vld.idx.msk [tilespmem:v20+s16+$0x0], $0xffff  }
0xf6: {  	v15 =	vmul.f32 $1.442695020e+00, v15;
	v10 =	vmin.f32 v10, $8.000000000e+01;
	v4 =	vld.idx.msk [tilespmem:v4+s16+$0x0], $0xffff;
	(erf) = vpow2.f32 v17  }
0xf7: {  	v10 =	vmul.f32 $1.442695020e+00, v10;
	v17 =	vmin.f32 v18, $8.000000000e+01;
	v12 =	vld.idx.msk [tilespmem:v12+s16+$0x0], $0xffff;
	(erf) = vpow2.f32 v16  }
0xf8: {  	v16 =	vmul.f32 $1.442695020e+00, v17;
	v7 =	vmin.f32 v7, $8.000000000e+01;
	v3 =	vld.idx.msk [tilespmem:v3+s16+$0x0], $0xffff;
	(erf) = vpow2.f32 v15  }
0xf9: {  	v7 =	vmul.f32 $1.442695020e+00, v7;
	v15 =	vmin.f32 v19, $8.000000000e+01;
	v8 =	vld.idx.msk [tilespmem:v8+s16+$0x0], $0xffff;
	(erf) = vpow2.f32 v10  }
0xfa: {  	v10 =	vmul.f32 $1.442695020e+00, v15;
	v6 =	vmin.f32 v6, $8.000000000e+01;
	v9 =	vld.idx.msk [tilespmem:v9+s16+$0x0], $0xffff;
	(erf) = vpow2.f32 v16  }
0xfb: {  	v6 =	vmul.f32 $1.442695020e+00, v6;
	v15 =	vmin.f32 v20, $8.000000000e+01;
	(erf) = vpow2.f32 v7  }
0xfc: {  	v7 =	vmul.f32 $1.442695020e+00, v15;
	v4 =	vmin.f32 v4, $8.000000000e+01;
	(erf) = vpow2.f32 v10  }
0xfd: {  	v4 =	vmul.f32 $1.442695020e+00, v4;
	v10 =	vmin.f32 v12, $8.000000000e+01;
	(erf) = vpow2.f32 v6  }
0xfe: {  	v6 =	vmul.f32 $1.442695020e+00, v10;
	v3 =	vmin.f32 v3, $8.000000000e+01;
	(erf) = vpow2.f32 v7  }
0xff: {  	v3 =	vmul.f32 $1.442695020e+00, v3;
	v7 =	vmin.f32 v8, $8.000000000e+01;
	v8 =	vpop (erf);
	(erf) = vpow2.f32 v4  }
0x100: {  	v4 =	vmul.f32 $1.442695020e+00, v7;
	v10 =	vmin.f32 v9, $8.000000000e+01;
	v9 =	vpop (erf);
	(erf) = vpow2.f32 v6  }
0x101: {  	v6 =	vadd.f32 v8, v11;
	v5 =	vadd.f32 v9, v5;
	v8 =	vpop (erf);
	(erf) = vpow2.f32 v3  }
0x102: {  	v9 =	vadd.s32 s21, v0;
	v3 =	vmul.f32 $1.442695020e+00, v10;
	v7 =	vpop (erf);
	(erf) = vpow2.f32 v14  }
0x103: {  	s22 =	sadd.s32 $0x6, s21;
	s23 =	sadd.s32 $0x7, s21;
	v6 =	vadd.f32 v8, v6;
	v5 =	vadd.f32 v7, v5;
	v7 =	vpop (erf);
	(erf) = vpow2.f32 v4  }
0x104: {  	v11 =	vadd.s32 s23, v0;
	v10 =	vadd.s32 s22, v0;
	v4 =	vpop (erf);
	(erf) = vpow2.f32 v13  }
0x105: {  	s24 =	sadd.s32 $0x5, s21;
	s23 =	sadd.s32 $0x4, s21;
	s22 =	sadd.s32 $0x3, s21;
	v8 =	vadd.f32 v7, v6;
	v5 =	vadd.f32 v4, v5;
	v12 =	vpop (erf);
	(erf) = vpow2.f32 v3  }
0x106: {  	s25 =	sadd.s32 $0x2, s21;
	v6 =	vadd.s32 s22, v0;
	v4 =	vadd.s32 s23, v0;
	v3 =	vadd.s32 s24, v0;
	v13 =	vpop (erf)  }
0x107: {  	s22 =	sadd.s32 $0x1, s21;
	v7 =	vadd.s32 s25, v0;
	v8 =	vadd.f32 v12, v8;
	v5 =	vadd.f32 v13, v5;
	v12 =	vpop (erf)  }
0x108: {  	v16 =	vand.u32 $0x7F, v9;
	v14 =	vshll.u32 v9, $0x3;
	v15 =	vadd.s32 s22, v0;
	v13 =	vpop (erf)  }
.Ltmp1:
0x109: {  	v9 =	vand.u32 $0x7F, v11;
	v12 =	vadd.f32 v12, v8;
	v5 =	vadd.f32 v13, v5;
	v17 =	vpop (erf);
	(pc) =	sbr.rel @p0 .LBB2_4-.Ltmp1, $4  }
0x10a: {  	v11 =	vshll.u32 v11, $0x3;
	v8 =	vand.u32 $0x7F, v10;
	v13 =	vshll.u32 v10, $0x3;
	v18 =	vpop (erf)  }
0x10b: {  	v10 =	vand.u32 $0x7F, v15;
	v20 =	vadd.f32 v17, v12;
	v5 =	vadd.f32 v18, v5;
	v17 =	vpop (erf)  }
0x10c: {  	v18 =	vand.u32 $0x400, v14;
	v14 =	vshll.u32 v15, $0x3;
	v15 =	vand.u32 $0x400, v11;
	v19 =	vpop (erf)  }
0x10d: {  	s21 =	sadd.s32 $0x8, s21;
	v16 =	vor.u32 v16, v18;
	v11 =	vadd.f32 v17, v20;
	v5 =	vadd.f32 v19, v5;
	v12 =	vpop (erf)  }
0x10e: {  	v17 =	vor.u32 v1, v16;
	v13 =	vand.u32 $0x400, v13  }
0x10f: {  	v9 =	vor.u32 v9, v15;
	v15 =	vor.u32 v2, v16;
	v14 =	vand.u32 $0x400, v14  }
0x110: {  	v8 =	vor.u32 v8, v13;
	v10 =	vor.u32 v10, v14;
	v13 =	vshll.u32 v7, $0x3  }
0x111: {  	v7 =	vand.u32 $0x7F, v7;
	v16 =	vor.u32 v1, v10;
	v13 =	vand.u32 $0x400, v13  }
0x112: {  	v18 =	vshll.u32 v6, $0x3;
	v10 =	vor.u32 v2, v10;
	v7 =	vor.u32 v7, v13  }
0x113: {  	v6 =	vand.u32 $0x7F, v6;
	v13 =	vand.u32 $0x400, v18;
	v18 =	vor.u32 v1, v7  }
0x114: {  	v7 =	vor.u32 v2, v7;
	v6 =	vor.u32 v6, v13;
	v13 =	vld.idx.msk [tilespmem:v15+s16+$0x0], $0xffff;
	v15 =	vshll.u32 v4, $0x3  }
0x115: {  	v17 =	vld.idx.msk [tilespmem:v17+s16+$0x0], $0xffff;
	v19 =	vor.u32 v1, v6;
	v4 =	vand.u32 $0x7F, v4;
	v15 =	vand.u32 $0x400, v15  }
0x116: {  	v20 =	vshll.u32 v3, $0x3;
	v6 =	vor.u32 v2, v6;
	v16 =	vld.idx.msk [tilespmem:v16+s16+$0x0], $0xffff;
	v4 =	vor.u32 v4, v15  }
0x117: {  	v3 =	vand.u32 $0x7F, v3;
	v11 =	vadd.f32 v12, v11;
	v10 =	vld.idx.msk [tilespmem:v10+s16+$0x0], $0xffff;
	v12 =	vor.u32 v1, v4  }
0x118: {  	v14 =	vor.u32 v1, v8;
	v8 =	vor.u32 v2, v8;
	v15 =	vand.u32 $0x400, v20;
	v18 =	vld.idx.msk [tilespmem:v18+s16+$0x0], $0xffff  }
0x119: {  	v3 =	vor.u32 v3, v15;
	v15 =	vor.u32 v1, v9;
	v4 =	vor.u32 v2, v4;
	v7 =	vld.idx.msk [tilespmem:v7+s16+$0x0], $0xffff  }
0x11a: {  	v63 =	vor.u32 v1, v3;
	v3 =	vor.u32 v2, v3;
	v17 =	vmin.f32 v17, $8.000000000e+01;
	v19 =	vld.idx.msk [tilespmem:v19+s16+$0x0], $0xffff  }
0x11b: {  	v13 =	vmin.f32 v13, $8.000000000e+01;
	v6 =	vld.idx.msk [tilespmem:v6+s16+$0x0], $0xffff;
	v17 =	vmul.f32 $1.442695020e+00, v17;
	v16 =	vmin.f32 v16, $8.000000000e+01  }
0x11c: {  	v13 =	vmul.f32 $1.442695020e+00, v13;
	v10 =	vmin.f32 v10, $8.000000000e+01;
	v12 =	vld.idx.msk [tilespmem:v12+s16+$0x0], $0xffff;
	v16 =	vmul.f32 $1.442695020e+00, v16  }
0x11d: {  	v14 =	vld.idx.msk [tilespmem:v14+s16+$0x0], $0xffff;
	(erf) = vpow2.f32 v17;
	v10 =	vmul.f32 $1.442695020e+00, v10;
	v17 =	vmin.f32 v18, $8.000000000e+01  }
0x11e: {  	v4 =	vld.idx.msk [tilespmem:v4+s16+$0x0], $0xffff;
	(erf) = vpow2.f32 v13;
	v7 =	vmin.f32 v7, $8.000000000e+01;
	v17 =	vmul.f32 $1.442695020e+00, v17  }
0x11f: {  	v13 =	vld.idx.msk [tilespmem:v63+s16+$0x0], $0xffff;
	(erf) = vpow2.f32 v16;
	v7 =	vmul.f32 $1.442695020e+00, v7;
	v16 =	vmin.f32 v19, $8.000000000e+01  }
0x120: {  	v3 =	vld.idx.msk [tilespmem:v3+s16+$0x0], $0xffff;
	v6 =	vmin.f32 v6, $8.000000000e+01;
	(erf) = vpow2.f32 v10;
	v10 =	vmul.f32 $1.442695020e+00, v16  }
0x121: {  	v8 =	vld.idx.msk [tilespmem:v8+s16+$0x0], $0xffff;
	v6 =	vmul.f32 $1.442695020e+00, v6;
	(erf) = vpow2.f32 v17;
	v12 =	vmin.f32 v12, $8.000000000e+01  }
0x122: {  	(erf) = vpow2.f32 v7;
	v7 =	vld.idx.msk [tilespmem:v15+s16+$0x0], $0xffff;
	v12 =	vmul.f32 $1.442695020e+00, v12  }
0x123: {  	v14 =	vmin.f32 v14, $8.000000000e+01;
	v4 =	vmin.f32 v4, $8.000000000e+01;
	(erf) = vpow2.f32 v10  }
0x124: {  	v4 =	vmul.f32 $1.442695020e+00, v4;
	v10 =	vmin.f32 v13, $8.000000000e+01;
	(erf) = vpow2.f32 v6  }
0x125: {  	v3 =	vmin.f32 v3, $8.000000000e+01;
	v6 =	vpop (erf);
	v10 =	vmul.f32 $1.442695020e+00, v10;
	(erf) = vpow2.f32 v12  }
0x126: {  	v3 =	vmul.f32 $1.442695020e+00, v3;
	v12 =	vpop (erf);
	(erf) = vpow2.f32 v4;
	v4 =	vmin.f32 v8, $8.000000000e+01  }
0x127: {  	v7 =	vmin.f32 v7, $8.000000000e+01;
	v8 =	vpop (erf);
	(erf) = vpow2.f32 v10;
	v10 =	vadd.f32 v12, v11  }
0x128: {  	v14 =	vmul.f32 $1.442695020e+00, v14;
	v11 =	vpop (erf)  }
0x129: {  	v4 =	vmul.f32 $1.442695020e+00, v4;
	(erf) = vpow2.f32 v3;
	v10 =	vadd.f32 v11, v10  }
0x12a: {  	v3 =	vmul.f32 $1.442695020e+00, v7;
	v7 =	vpop (erf);
	(erf) = vpow2.f32 v14  }
0x12b: {  	v11 =	vpop (erf);
	(erf) = vpow2.f32 v4;
	v4 =	vor.u32 v2, v9  }
0x12c: {  	v9 =	vpop (erf);
	(erf) = vpow2.f32 v3;
	v3 =	vadd.f32 v11, v10  }
0x12d: {  	v10 =	vpop (erf)  }
0x12e: {  	v11 =	vpop (erf);
	v3 =	vadd.f32 v10, v3  }
0x12f: {  	v10 =	vpop (erf)  }
0x130: {  	v4 =	vld.idx.msk [tilespmem:v4+s16+$0x0], $0xffff;
	v12 =	vpop (erf);
	v3 =	vadd.f32 v10, v3  }
0x131: {  	v10 =	vpop (erf)  }
0x132: {  	v5 =	vadd.f32 v6, v5;
	v13 =	vpop (erf);
	v3 =	vadd.f32 v10, v3  }
0x133: {  	v6 =	vpop (erf)  }
0x134: {  	v5 =	vadd.f32 v8, v5;
	v10 =	vpop (erf);
	v3 =	vadd.f32 v6, v3  }
0x135: {  	v4 =	vmin.f32 v4, $8.000000000e+01;
	v6 =	vpop (erf)  }
0x136: {  	v5 =	vadd.f32 v7, v5;
	v4 =	vmul.f32 $1.442695020e+00, v4;
	v3 =	vadd.f32 v6, v3;
	_ =	sdelay $0x1  }
0x137: {  	v5 =	vadd.f32 v9, v5;
	(erf) = vpow2.f32 v4;
	v6 =	vand.u32 $0x7FFFFF, v3  }
0x138: {  	v4 =	vor.u32 $0x3F800000, v6  }
0x139: {  	v5 =	vadd.f32 v11, v5;
	v4 =	vadd.f32 $-1.000000000e+00, v4;
	_ =	sdelay $0x1  }
0x13a: {  	v5 =	vadd.f32 v12, v5;
	v6 =	vmul.f32 $3.010262550e-02, v4;
	_ =	sdelay $0x1  }
0x13b: {  	v7 =	vld [tilespmem:$0x4080];
	v5 =	vadd.f32 v13, v5;
	v6 =	vadd.f32 $-1.301194130e-01, v6;
	_ =	sdelay $0x1  }
0x13c: {  	v5 =	vadd.f32 v10, v5;
	v6 =	vmul.f32 v6, v4  }
0x13d: {  	v8 =	vpop (erf)  }
0x13e: {  	v5 =	vadd.f32 v8, v5;
	v6 =	vadd.f32 $2.833043340e-01, v6  }
0x13f: {  	v8 =	vshll.u32 v7, $0x3;
	v7 =	vand.u32 $0x7F, v7  }
0x140: {  	v8 =	vand.u32 $0xFFFFFC00, v8;
	v9 =	vand.u32 $0x7FFFFF, v5;
	v6 =	vmul.f32 v6, v4  }
0x141: {  	v7 =	vor.u32 v7, v8;
	v8 =	vor.u32 $0x3F800000, v9  }
0x142: {  	v7 =	vadd.s32 v1, v7;
	v8 =	vadd.f32 $-1.000000000e+00, v8;
	v6 =	vadd.f32 $-4.891568420e-01, v6;
	_ =	sdelay $0x1  }
0x143: {  	v9 =	vmul.f32 $3.010262550e-02, v8;
	v6 =	vmul.f32 v6, v4  }
0x144: {  	v10 =	vld [tilespmem:$0x4090]  }
0x145: {  	v3 =	vshrl.u32 v3, $0x17;
	v9 =	vadd.f32 $-1.301194130e-01, v9;
	v6 =	vadd.f32 $9.990104430e-01, v6  }
0x146: {  	v3 =	vand.u32 $0xFF, v3;
	v7 =	vld.idx.msk [tilespmem:v7+s16+$0x0], $0xffff  }
0x147: {  	v3 =	vadd.s32 $0xFFFFFF81, v3;
	v9 =	vmul.f32 v9, v8;
	v4 =	vmul.f32 v6, v4;
	v6 =	vld [tilespmem:$0x4400]  }
0x148: {  	v3 =	vcvt.s32.f32 v3  }
0x149: {  	v11 =	vshll.u32 v10, $0x3;
	v10 =	vand.u32 $0x7F, v10;
	v9 =	vadd.f32 $2.833043340e-01, v9  }
0x14a: {  	v11 =	vand.u32 $0xFFFFFC00, v11;
	v3 =	vmul.f32 $6.931471820e-01, v3;
	v4 =	vadd.f32 $2.211703030e-05, v4  }
0x14b: {  	v10 =	vor.u32 v10, v11;
	v9 =	vmul.f32 v9, v8  }
0x14c: {  	v3 =	vadd.f32 v4, v3;
	v4 =	vadd.f32 v6, v7;
	v6 =	vadd.s32 v2, v10  }
0x14d: {  	v7 =	vadd.f32 $-4.891568420e-01, v9  }
0x14e: {  	v3 =	vsub.f32 v4, v3  }
0x14f: {  	v4 =	vmul.f32 v7, v8  }
0x150: {  	[tilespmem:$0x4400] =	vst v3;
	v3 =	vshrl.u32 v5, $0x17  }
0x151: {  	v4 =	vadd.f32 $9.990104430e-01, v4;
	v3 =	vand.u32 $0xFF, v3;
	v5 =	vld.idx.msk [tilespmem:v6+s16+$0x0], $0xffff  }
0x152: {  	s31 =	simm.s32 $0x1;
	v6 =	vld [tilespmem:$0x4410];
	v3 =	vadd.s32 $0xFFFFFF81, v3  }
0x153: {  	s24 =	simm.s32 $0x4;
	s30 =	simm.s32 $0x2;
	v13 =	vadd.s32 s31, v0;
	v4 =	vmul.f32 v4, v8;
	v3 =	vcvt.s32.f32 v3  }
0x154: {  	s23 =	simm.s32 $0x7;
	v16 =	vand.u32 $0x7F, v13;
	v11 =	vadd.s32 s30, v0;
	v9 =	vadd.s32 s24, v0  }
0x155: {  	s29 =	simm.s32 $0x5;
	v7 =	vadd.s32 s23, v0;
	v4 =	vadd.f32 $2.211703030e-05, v4;
	v3 =	vmul.f32 $6.931471820e-01, v3  }
0x156: {  	s21 =	simm.s32 $0x0;
	v10 =	vadd.s32 s29, v0;
	v14 =	vand.u32 $0x7F, v7;
	v7 =	vshll.u32 v7, $0x3  }
0x157: {  	v3 =	vadd.f32 v4, v3;
	v4 =	vadd.f32 v6, v5;
	v5 =	vadd.s32 s21, v0  }
0x158: {  	s22 =	simm.s32 $0x6;
	s28 =	simm.s32 $0x3;
	v7 =	vand.u32 $0x400, v7;
	v12 =	vand.u32 $0x7F, v5;
	v5 =	vshll.u32 v5, $0x3  }
0x159: {  	v8 =	vadd.s32 s28, v0;
	v6 =	vadd.s32 s22, v0;
	v5 =	vand.u32 $0x400, v5  }
0x15a: {  	v15 =	vand.u32 $0x7F, v6;
	v4 =	vsub.f32 v4, v3;
	v5 =	vor.u32 v12, v5  }
0x15b: {  	v6 =	vshll.u32 v6, $0x3;
	v12 =	vshll.u32 v13, $0x3;
	v13 =	vor.u32 v1, v5  }
0x15c: {  	[tilespmem:$0x4410] =	vst v4;
	v4 =	vand.u32 $0x400, v6;
	v6 =	vor.u32 v14, v7;
	v5 =	vor.u32 v2, v5  }
0x15d: {  	v7 =	vand.u32 $0x400, v12;
	v14 =	vshll.u32 v11, $0x3;
	v11 =	vand.u32 $0x7F, v11;
	[tilespmem:s16], [sflag:$0x2] =	stream.linear.gather [hbm4b:s7+s21], $0x2000, $0x38;
	[tilespmem:$0x4480] =	vst v63  }
0x15e: {  	v4 =	vor.u32 v15, v4;
	v12 =	vor.u32 v1, v6;
	v7 =	vor.u32 v16, v7;
	_ =	swait.ge [sflag:s17], $0x2000  }
0x15f: {  	v14 =	vand.u32 $0x400, v14;
	v6 =	vor.u32 v2, v6;
	v16 =	vor.u32 v1, v7;
	[sflag:s17] =	ssyncset.done $0x0  }
0x160: {  	v7 =	vor.u32 v2, v7;
	v11 =	vor.u32 v11, v14;
	v14 =	vshll.u32 v8, $0x3;
	[sflag:s17] =	ssyncadd.s32 $0xFFFFE000  }
0x161: {  	v8 =	vand.u32 $0x7F, v8;
	v17 =	vor.u32 v1, v11;
	v14 =	vand.u32 $0x400, v14;
	v13 =	vld.idx.msk [tilespmem:v13+s2+$0x0], $0xffff  }
0x162: {  	v11 =	vor.u32 v2, v11;
	v8 =	vor.u32 v8, v14;
	v14 =	vshll.u32 v9, $0x3;
	v5 =	vld.idx.msk [tilespmem:v5+s2+$0x0], $0xffff  }
0x163: {  	v9 =	vand.u32 $0x7F, v9;
	v18 =	vor.u32 v1, v8;
	v14 =	vand.u32 $0x400, v14;
	v12 =	vld.idx.msk [tilespmem:v12+s2+$0x0], $0xffff  }
0x164: {  	v8 =	vor.u32 v2, v8;
	v9 =	vor.u32 v9, v14;
	v14 =	vshll.u32 v10, $0x3;
	v16 =	vld.idx.msk [tilespmem:v16+s2+$0x0], $0xffff  }
0x165: {  	v10 =	vand.u32 $0x7F, v10;
	v19 =	vor.u32 v1, v9;
	v14 =	vand.u32 $0x400, v14;
	v7 =	vld.idx.msk [tilespmem:v7+s2+$0x0], $0xffff  }
0x166: {  	v15 =	vor.u32 v1, v4;
	v9 =	vor.u32 v2, v9;
	v10 =	vor.u32 v10, v14;
	v14 =	vld.idx.msk [tilespmem:v17+s2+$0x0], $0xffff  }
0x167: {  	v4 =	vor.u32 v2, v4;
	v11 =	vld.idx.msk [tilespmem:v11+s2+$0x0], $0xffff;
	v17 =	vor.u32 v1, v10;
	v10 =	vor.u32 v2, v10  }
0x168: {  	v13 =	vmin.f32 v13, $8.000000000e+01;
	v5 =	vmin.f32 v5, $8.000000000e+01;
	v18 =	vld.idx.msk [tilespmem:v18+s2+$0x0], $0xffff;
	v12 =	vmin.f32 v12, $8.000000000e+01  }
0x169: {  	v8 =	vld.idx.msk [tilespmem:v8+s2+$0x0], $0xffff;
	v13 =	vmul.f32 $1.442695020e+00, v13;
	v5 =	vmul.f32 $1.442695020e+00, v5;
	v16 =	vmin.f32 v16, $8.000000000e+01  }
0x16a: {  	v12 =	vmul.f32 $1.442695020e+00, v12;
	v19 =	vld.idx.msk [tilespmem:v19+s2+$0x0], $0xffff;
	v7 =	vmin.f32 v7, $8.000000000e+01;
	v16 =	vmul.f32 $1.442695020e+00, v16  }
0x16b: {  	v9 =	vld.idx.msk [tilespmem:v9+s2+$0x0], $0xffff;
	(erf) = vpow2.f32 v13;
	v7 =	vmul.f32 $1.442695020e+00, v7;
	v13 =	vmin.f32 v14, $8.000000000e+01  }
0x16c: {  	v15 =	vld.idx.msk [tilespmem:v15+s2+$0x0], $0xffff;
	v11 =	vmin.f32 v11, $8.000000000e+01;
	(erf) = vpow2.f32 v5;
	v13 =	vmul.f32 $1.442695020e+00, v13  }
0x16d: {  	v5 =	vld.idx.msk [tilespmem:v17+s2+$0x0], $0xffff;
	v11 =	vmul.f32 $1.442695020e+00, v11;
	(erf) = vpow2.f32 v16;
	v14 =	vmin.f32 v18, $8.000000000e+01  }
0x16e: {  	v10 =	vld.idx.msk [tilespmem:v10+s2+$0x0], $0xffff;
	v8 =	vmin.f32 v8, $8.000000000e+01;
	(erf) = vpow2.f32 v7;
	v7 =	vmul.f32 $1.442695020e+00, v14  }
0x16f: {  	v4 =	vld.idx.msk [tilespmem:v4+s2+$0x0], $0xffff;
	v8 =	vmul.f32 $1.442695020e+00, v8;
	(erf) = vpow2.f32 v13;
	v13 =	vmin.f32 v19, $8.000000000e+01  }
0x170: {  	v9 =	vmin.f32 v9, $8.000000000e+01;
	(erf) = vpow2.f32 v11;
	v11 =	vmul.f32 $1.442695020e+00, v13  }
0x171: {  	v15 =	vmin.f32 v15, $8.000000000e+01;
	(erf) = vpow2.f32 v7;
	v7 =	vmul.f32 $1.442695020e+00, v9  }
0x172: {  	v6 =	vld.idx.msk [tilespmem:v6+s2+$0x0], $0xffff;
	v15 =	vmul.f32 $1.442695020e+00, v15;
	v5 =	vmin.f32 v5, $8.000000000e+01;
	(erf) = vpow2.f32 v8  }
0x173: {  	v5 =	vmul.f32 $1.442695020e+00, v5;
	v8 =	vmin.f32 v10, $8.000000000e+01;
	(erf) = vpow2.f32 v11  }
0x174: {  	v4 =	vmin.f32 v4, $8.000000000e+01;
	v8 =	vmul.f32 $1.442695020e+00, v8;
	v9 =	vpop (erf);
	(erf) = vpow2.f32 v7  }
0x175: {  	v3 =	vimm.f32 $0.0e+00;
	v4 =	vmul.f32 $1.442695020e+00, v4;
	v7 =	vpop (erf);
	(erf) = vpow2.f32 v5  }
0x176: {  	v5 =	vadd.f32 v9, v3;
	v3 =	vadd.f32 v7, v3;
	v7 =	vpop (erf);
	(erf) = vpow2.f32 v8  }
0x177: {  	v6 =	vmin.f32 v6, $8.000000000e+01;
	v9 =	vpop (erf)  }
0x178: {  	s23 =	simm.s32 $0x8;
	(erf) = vpow2.f32 v15;
	v5 =	vadd.f32 v7, v5;
	v3 =	vadd.f32 v9, v3;
	v7 =	vpop (erf)  }
0x179: {  	v6 =	vmul.f32 $1.442695020e+00, v6;
	v8 =	vadd.s32 s23, v0;
	(erf) = vpow2.f32 v4;
	v4 =	vpop (erf)  }
0x17a: {  	(erf) = vpow2.f32 v12;
	v5 =	vadd.f32 v7, v5;
	v9 =	vadd.f32 v4, v3;
	v12 =	vpop (erf)  }
0x17b: {  	v13 =	vpop (erf)  }
0x17c: {  	s24 =	simm.s32 $0xE;
	(erf) = vpow2.f32 v6;
	v5 =	vadd.f32 v12, v5;
	v12 =	vadd.f32 v13, v9;
	v13 =	vpop (erf)  }
0x17d: {  	s25 =	simm.s32 $0xF;
	s31 =	simm.s32 $0x9;
	v10 =	vadd.s32 s24, v0;
	v16 =	vand.u32 $0x7F, v8;
	v14 =	vshll.u32 v8, $0x3;
	v8 =	vpop (erf)  }
0x17e: {  	s26 =	simm.s32 $0xB;
	s30 =	simm.s32 $0xA;
	s28 =	simm.s32 $0xC;
	v11 =	vadd.s32 s25, v0;
	v15 =	vadd.s32 s31, v0;
	v12 =	vadd.f32 v8, v12;
	v17 =	vpop (erf)  }
0x17f: {  	s29 =	simm.s32 $0xD;
	v7 =	vadd.s32 s30, v0;
	v6 =	vadd.s32 s26, v0;
	v4 =	vadd.s32 s28, v0;
	v18 =	vpop (erf)  }
0x180: {  	v3 =	vadd.s32 s29, v0;
	v5 =	vadd.f32 v13, v5;
	v12 =	vadd.f32 v18, v12  }
0x181: {  	v9 =	vand.u32 $0x7F, v11;
	v11 =	vshll.u32 v11, $0x3;
	v13 =	vshll.u32 v10, $0x3  }
0x182: {  	v8 =	vand.u32 $0x7F, v10;
	v10 =	vand.u32 $0x7F, v15;
	v5 =	vadd.f32 v17, v5;
	v17 =	vpop (erf)  }
0x183: {  	v18 =	vand.u32 $0x400, v14;
	v14 =	vshll.u32 v15, $0x3;
	v15 =	vand.u32 $0x400, v11;
	v19 =	vpop (erf)  }
0x184: {  	s21 =	simm.s32 $0x10;
	v16 =	vor.u32 v16, v18;
	v11 =	vadd.f32 v17, v5;
	v5 =	vadd.f32 v19, v12;
	v12 =	vpop (erf)  }
.LBB2_6:
0x185: {  	p0 =	slt.u32 s21, $0xF8;
	v17 =	vor.u32 v1, v16;
	v13 =	vand.u32 $0x400, v13;
	v9 =	vor.u32 v9, v15;
	v15 =	vpop (erf)  }
0x186: {  	v16 =	vor.u32 v2, v16;
	v11 =	vadd.f32 v12, v11;
	v5 =	vadd.f32 v15, v5  }
0x187: {  	v12 =	vand.u32 $0x400, v14;
	v8 =	vor.u32 v8, v13;
	v13 =	vor.u32 v1, v9  }
0x188: {  	v10 =	vor.u32 v10, v12;
	v12 =	vshll.u32 v7, $0x3;
	v14 =	vor.u32 v1, v8  }
0x189: {  	v7 =	vand.u32 $0x7F, v7;
	v15 =	vor.u32 v1, v10;
	v12 =	vand.u32 $0x400, v12  }
0x18a: {  	v10 =	vor.u32 v2, v10;
	v7 =	vor.u32 v7, v12;
	v12 =	vshll.u32 v6, $0x3;
	v17 =	vld.idx.msk [tilespmem:v17+s2+$0x0], $0xffff  }
0x18b: {  	v6 =	vand.u32 $0x7F, v6;
	v18 =	vor.u32 v1, v7;
	v12 =	vand.u32 $0x400, v12;
	v16 =	vld.idx.msk [tilespmem:v16+s2+$0x0], $0xffff  }
0x18c: {  	v7 =	vor.u32 v2, v7;
	v6 =	vor.u32 v6, v12;
	v12 =	vshll.u32 v4, $0x3;
	v13 =	vld.idx.msk [tilespmem:v13+s2+$0x0], $0xffff  }
0x18d: {  	v4 =	vand.u32 $0x7F, v4;
	v19 =	vor.u32 v1, v6;
	v12 =	vand.u32 $0x400, v12;
	v14 =	vld.idx.msk [tilespmem:v14+s2+$0x0], $0xffff  }
0x18e: {  	v6 =	vor.u32 v2, v6;
	v4 =	vor.u32 v4, v12;
	v12 =	vshll.u32 v3, $0x3;
	v15 =	vld.idx.msk [tilespmem:v15+s2+$0x0], $0xffff  }
0x18f: {  	v3 =	vand.u32 $0x7F, v3;
	v20 =	vor.u32 v1, v4;
	v12 =	vand.u32 $0x400, v12;
	v10 =	vld.idx.msk [tilespmem:v10+s2+$0x0], $0xffff  }
0x190: {  	v9 =	vor.u32 v2, v9;
	v4 =	vor.u32 v2, v4;
	v3 =	vor.u32 v3, v12;
	v18 =	vld.idx.msk [tilespmem:v18+s2+$0x0], $0xffff  }
0x191: {  	v8 =	vor.u32 v2, v8;
	v12 =	vor.u32 v1, v3;
	v3 =	vor.u32 v2, v3;
	v7 =	vld.idx.msk [tilespmem:v7+s2+$0x0], $0xffff  }
0x192: {  	v17 =	vmin.f32 v17, $8.000000000e+01;
	v16 =	vmin.f32 v16, $8.000000000e+01;
	v13 =	vmin.f32 v13, $8.000000000e+01;
	v19 =	vld.idx.msk [tilespmem:v19+s2+$0x0], $0xffff  }
0x193: {  	v17 =	vmul.f32 $1.442695020e+00, v17;
	v16 =	vmul.f32 $1.442695020e+00, v16;
	v14 =	vmin.f32 v14, $8.000000000e+01;
	v6 =	vld.idx.msk [tilespmem:v6+s2+$0x0], $0xffff  }
0x194: {  	v13 =	vmul.f32 $1.442695020e+00, v13;
	v15 =	vmin.f32 v15, $8.000000000e+01;
	v14 =	vmul.f32 $1.442695020e+00, v14;
	v20 =	vld.idx.msk [tilespmem:v20+s2+$0x0], $0xffff  }
0x195: {  	v15 =	vmul.f32 $1.442695020e+00, v15;
	v10 =	vmin.f32 v10, $8.000000000e+01;
	v4 =	vld.idx.msk [tilespmem:v4+s2+$0x0], $0xffff;
	(erf) = vpow2.f32 v17  }
0x196: {  	v10 =	vmul.f32 $1.442695020e+00, v10;
	v17 =	vmin.f32 v18, $8.000000000e+01;
	v12 =	vld.idx.msk [tilespmem:v12+s2+$0x0], $0xffff;
	(erf) = vpow2.f32 v16  }
0x197: {  	v16 =	vmul.f32 $1.442695020e+00, v17;
	v7 =	vmin.f32 v7, $8.000000000e+01;
	v3 =	vld.idx.msk [tilespmem:v3+s2+$0x0], $0xffff;
	(erf) = vpow2.f32 v15  }
0x198: {  	v7 =	vmul.f32 $1.442695020e+00, v7;
	v15 =	vmin.f32 v19, $8.000000000e+01;
	v8 =	vld.idx.msk [tilespmem:v8+s2+$0x0], $0xffff;
	(erf) = vpow2.f32 v10  }
0x199: {  	v10 =	vmul.f32 $1.442695020e+00, v15;
	v6 =	vmin.f32 v6, $8.000000000e+01;
	v9 =	vld.idx.msk [tilespmem:v9+s2+$0x0], $0xffff;
	(erf) = vpow2.f32 v16  }
0x19a: {  	v6 =	vmul.f32 $1.442695020e+00, v6;
	v15 =	vmin.f32 v20, $8.000000000e+01;
	(erf) = vpow2.f32 v7  }
0x19b: {  	v7 =	vmul.f32 $1.442695020e+00, v15;
	v4 =	vmin.f32 v4, $8.000000000e+01;
	(erf) = vpow2.f32 v10  }
0x19c: {  	v4 =	vmul.f32 $1.442695020e+00, v4;
	v10 =	vmin.f32 v12, $8.000000000e+01;
	(erf) = vpow2.f32 v6  }
0x19d: {  	v6 =	vmul.f32 $1.442695020e+00, v10;
	v3 =	vmin.f32 v3, $8.000000000e+01;
	(erf) = vpow2.f32 v7  }
0x19e: {  	v3 =	vmul.f32 $1.442695020e+00, v3;
	v7 =	vmin.f32 v8, $8.000000000e+01;
	v8 =	vpop (erf);
	(erf) = vpow2.f32 v4  }
0x19f: {  	v4 =	vmul.f32 $1.442695020e+00, v7;
	v10 =	vmin.f32 v9, $8.000000000e+01;
	v9 =	vpop (erf);
	(erf) = vpow2.f32 v6  }
0x1a0: {  	v6 =	vadd.f32 v8, v11;
	v5 =	vadd.f32 v9, v5;
	v8 =	vpop (erf);
	(erf) = vpow2.f32 v3  }
0x1a1: {  	v9 =	vadd.s32 s21, v0;
	v3 =	vmul.f32 $1.442695020e+00, v10;
	v7 =	vpop (erf);
	(erf) = vpow2.f32 v14  }
0x1a2: {  	s22 =	sadd.s32 $0x6, s21;
	s23 =	sadd.s32 $0x7, s21;
	v6 =	vadd.f32 v8, v6;
	v5 =	vadd.f32 v7, v5;
	v7 =	vpop (erf);
	(erf) = vpow2.f32 v4  }
0x1a3: {  	v11 =	vadd.s32 s23, v0;
	v10 =	vadd.s32 s22, v0;
	v4 =	vpop (erf);
	(erf) = vpow2.f32 v13  }
0x1a4: {  	s24 =	sadd.s32 $0x5, s21;
	s23 =	sadd.s32 $0x4, s21;
	s22 =	sadd.s32 $0x3, s21;
	v8 =	vadd.f32 v7, v6;
	v5 =	vadd.f32 v4, v5;
	v12 =	vpop (erf);
	(erf) = vpow2.f32 v3  }
0x1a5: {  	s25 =	sadd.s32 $0x2, s21;
	v6 =	vadd.s32 s22, v0;
	v4 =	vadd.s32 s23, v0;
	v3 =	vadd.s32 s24, v0;
	v13 =	vpop (erf)  }
0x1a6: {  	s22 =	sadd.s32 $0x1, s21;
	v7 =	vadd.s32 s25, v0;
	v8 =	vadd.f32 v12, v8;
	v5 =	vadd.f32 v13, v5;
	v12 =	vpop (erf)  }
0x1a7: {  	v16 =	vand.u32 $0x7F, v9;
	v14 =	vshll.u32 v9, $0x3;
	v15 =	vadd.s32 s22, v0;
	v13 =	vpop (erf)  }
.Ltmp2:
0x1a8: {  	v9 =	vand.u32 $0x7F, v11;
	v12 =	vadd.f32 v12, v8;
	v5 =	vadd.f32 v13, v5;
	v17 =	vpop (erf);
	(pc) =	sbr.rel @p0 .LBB2_6-.Ltmp2, $4  }
0x1a9: {  	v11 =	vshll.u32 v11, $0x3;
	v8 =	vand.u32 $0x7F, v10;
	v13 =	vshll.u32 v10, $0x3;
	v18 =	vpop (erf)  }
0x1aa: {  	v10 =	vand.u32 $0x7F, v15;
	v20 =	vadd.f32 v17, v12;
	v5 =	vadd.f32 v18, v5;
	v17 =	vpop (erf)  }
0x1ab: {  	v18 =	vand.u32 $0x400, v14;
	v14 =	vshll.u32 v15, $0x3;
	v15 =	vand.u32 $0x400, v11;
	v19 =	vpop (erf)  }
0x1ac: {  	s21 =	sadd.s32 $0x8, s21;
	v16 =	vor.u32 v16, v18;
	v11 =	vadd.f32 v17, v20;
	v5 =	vadd.f32 v19, v5;
	v12 =	vpop (erf)  }
0x1ad: {  	v17 =	vor.u32 v1, v16;
	v13 =	vand.u32 $0x400, v13  }
0x1ae: {  	v9 =	vor.u32 v9, v15;
	v15 =	vor.u32 v2, v16;
	v14 =	vand.u32 $0x400, v14  }
0x1af: {  	v8 =	vor.u32 v8, v13;
	v10 =	vor.u32 v10, v14;
	v13 =	vshll.u32 v7, $0x3  }
0x1b0: {  	v7 =	vand.u32 $0x7F, v7;
	v16 =	vor.u32 v1, v10;
	v13 =	vand.u32 $0x400, v13  }
0x1b1: {  	v18 =	vshll.u32 v6, $0x3;
	v10 =	vor.u32 v2, v10;
	v7 =	vor.u32 v7, v13  }
0x1b2: {  	v6 =	vand.u32 $0x7F, v6;
	v13 =	vand.u32 $0x400, v18;
	v18 =	vor.u32 v1, v7  }
0x1b3: {  	v7 =	vor.u32 v2, v7;
	v6 =	vor.u32 v6, v13;
	v13 =	vld.idx.msk [tilespmem:v15+s2+$0x0], $0xffff;
	v15 =	vshll.u32 v4, $0x3  }
0x1b4: {  	v17 =	vld.idx.msk [tilespmem:v17+s2+$0x0], $0xffff;
	v19 =	vor.u32 v1, v6;
	v4 =	vand.u32 $0x7F, v4;
	v15 =	vand.u32 $0x400, v15  }
0x1b5: {  	v20 =	vshll.u32 v3, $0x3;
	v6 =	vor.u32 v2, v6;
	v16 =	vld.idx.msk [tilespmem:v16+s2+$0x0], $0xffff;
	v4 =	vor.u32 v4, v15  }
0x1b6: {  	v3 =	vand.u32 $0x7F, v3;
	v11 =	vadd.f32 v12, v11;
	v10 =	vld.idx.msk [tilespmem:v10+s2+$0x0], $0xffff;
	v12 =	vor.u32 v1, v4  }
0x1b7: {  	v14 =	vor.u32 v1, v8;
	v8 =	vor.u32 v2, v8;
	v15 =	vand.u32 $0x400, v20;
	v18 =	vld.idx.msk [tilespmem:v18+s2+$0x0], $0xffff  }
0x1b8: {  	v3 =	vor.u32 v3, v15;
	v15 =	vor.u32 v1, v9;
	v4 =	vor.u32 v2, v4;
	v7 =	vld.idx.msk [tilespmem:v7+s2+$0x0], $0xffff  }
0x1b9: {  	v63 =	vor.u32 v1, v3;
	v3 =	vor.u32 v2, v3;
	v17 =	vmin.f32 v17, $8.000000000e+01;
	v19 =	vld.idx.msk [tilespmem:v19+s2+$0x0], $0xffff  }
0x1ba: {  	v13 =	vmin.f32 v13, $8.000000000e+01;
	v6 =	vld.idx.msk [tilespmem:v6+s2+$0x0], $0xffff;
	v17 =	vmul.f32 $1.442695020e+00, v17;
	v16 =	vmin.f32 v16, $8.000000000e+01  }
0x1bb: {  	v13 =	vmul.f32 $1.442695020e+00, v13;
	v10 =	vmin.f32 v10, $8.000000000e+01;
	v12 =	vld.idx.msk [tilespmem:v12+s2+$0x0], $0xffff;
	v16 =	vmul.f32 $1.442695020e+00, v16  }
0x1bc: {  	v14 =	vld.idx.msk [tilespmem:v14+s2+$0x0], $0xffff;
	(erf) = vpow2.f32 v17;
	v10 =	vmul.f32 $1.442695020e+00, v10;
	v17 =	vmin.f32 v18, $8.000000000e+01  }
0x1bd: {  	v4 =	vld.idx.msk [tilespmem:v4+s2+$0x0], $0xffff;
	(erf) = vpow2.f32 v13;
	v7 =	vmin.f32 v7, $8.000000000e+01;
	v17 =	vmul.f32 $1.442695020e+00, v17  }
0x1be: {  	v13 =	vld.idx.msk [tilespmem:v63+s2+$0x0], $0xffff;
	(erf) = vpow2.f32 v16;
	v7 =	vmul.f32 $1.442695020e+00, v7;
	v16 =	vmin.f32 v19, $8.000000000e+01  }
0x1bf: {  	v3 =	vld.idx.msk [tilespmem:v3+s2+$0x0], $0xffff;
	v6 =	vmin.f32 v6, $8.000000000e+01;
	(erf) = vpow2.f32 v10;
	v10 =	vmul.f32 $1.442695020e+00, v16  }
0x1c0: {  	v8 =	vld.idx.msk [tilespmem:v8+s2+$0x0], $0xffff;
	v6 =	vmul.f32 $1.442695020e+00, v6;
	(erf) = vpow2.f32 v17;
	v12 =	vmin.f32 v12, $8.000000000e+01  }
0x1c1: {  	(erf) = vpow2.f32 v7;
	v7 =	vld.idx.msk [tilespmem:v15+s2+$0x0], $0xffff;
	v12 =	vmul.f32 $1.442695020e+00, v12  }
0x1c2: {  	v14 =	vmin.f32 v14, $8.000000000e+01;
	v4 =	vmin.f32 v4, $8.000000000e+01;
	(erf) = vpow2.f32 v10  }
0x1c3: {  	v4 =	vmul.f32 $1.442695020e+00, v4;
	v10 =	vmin.f32 v13, $8.000000000e+01;
	(erf) = vpow2.f32 v6  }
0x1c4: {  	v3 =	vmin.f32 v3, $8.000000000e+01;
	v6 =	vpop (erf);
	v10 =	vmul.f32 $1.442695020e+00, v10;
	(erf) = vpow2.f32 v12  }
0x1c5: {  	v3 =	vmul.f32 $1.442695020e+00, v3;
	v12 =	vpop (erf);
	(erf) = vpow2.f32 v4;
	v4 =	vmin.f32 v8, $8.000000000e+01  }
0x1c6: {  	v7 =	vmin.f32 v7, $8.000000000e+01;
	v8 =	vpop (erf);
	(erf) = vpow2.f32 v10;
	v10 =	vadd.f32 v12, v11  }
0x1c7: {  	v14 =	vmul.f32 $1.442695020e+00, v14;
	v11 =	vpop (erf)  }
0x1c8: {  	v4 =	vmul.f32 $1.442695020e+00, v4;
	(erf) = vpow2.f32 v3;
	v10 =	vadd.f32 v11, v10  }
0x1c9: {  	v3 =	vmul.f32 $1.442695020e+00, v7;
	v7 =	vpop (erf);
	(erf) = vpow2.f32 v14  }
0x1ca: {  	v11 =	vpop (erf);
	(erf) = vpow2.f32 v4;
	v4 =	vor.u32 v2, v9  }
0x1cb: {  	v9 =	vpop (erf);
	(erf) = vpow2.f32 v3;
	v3 =	vadd.f32 v11, v10  }
0x1cc: {  	v10 =	vpop (erf)  }
0x1cd: {  	v11 =	vpop (erf);
	v3 =	vadd.f32 v10, v3  }
0x1ce: {  	v10 =	vpop (erf)  }
0x1cf: {  	v4 =	vld.idx.msk [tilespmem:v4+s2+$0x0], $0xffff;
	v12 =	vpop (erf);
	v3 =	vadd.f32 v10, v3  }
0x1d0: {  	v10 =	vpop (erf)  }
0x1d1: {  	v5 =	vadd.f32 v6, v5;
	v13 =	vpop (erf);
	v3 =	vadd.f32 v10, v3  }
0x1d2: {  	v6 =	vpop (erf)  }
0x1d3: {  	v5 =	vadd.f32 v8, v5;
	v10 =	vpop (erf);
	v3 =	vadd.f32 v6, v3  }
0x1d4: {  	v4 =	vmin.f32 v4, $8.000000000e+01;
	v6 =	vpop (erf)  }
0x1d5: {  	v5 =	vadd.f32 v7, v5;
	v4 =	vmul.f32 $1.442695020e+00, v4;
	v3 =	vadd.f32 v6, v3;
	_ =	sdelay $0x1  }
0x1d6: {  	v5 =	vadd.f32 v9, v5;
	(erf) = vpow2.f32 v4;
	v6 =	vand.u32 $0x7FFFFF, v3  }
0x1d7: {  	v4 =	vor.u32 $0x3F800000, v6  }
0x1d8: {  	v5 =	vadd.f32 v11, v5;
	v4 =	vadd.f32 $-1.000000000e+00, v4;
	_ =	sdelay $0x1  }
0x1d9: {  	v5 =	vadd.f32 v12, v5;
	v6 =	vmul.f32 $3.010262550e-02, v4;
	_ =	sdelay $0x1  }
0x1da: {  	v7 =	vld [tilespmem:$0x4100];
	v5 =	vadd.f32 v13, v5;
	v6 =	vadd.f32 $-1.301194130e-01, v6;
	_ =	sdelay $0x1  }
0x1db: {  	v5 =	vadd.f32 v10, v5;
	v6 =	vmul.f32 v6, v4  }
0x1dc: {  	v8 =	vpop (erf)  }
0x1dd: {  	v5 =	vadd.f32 v8, v5;
	v6 =	vadd.f32 $2.833043340e-01, v6  }
0x1de: {  	v8 =	vshll.u32 v7, $0x3;
	v7 =	vand.u32 $0x7F, v7  }
0x1df: {  	v8 =	vand.u32 $0xFFFFFC00, v8;
	v9 =	vand.u32 $0x7FFFFF, v5;
	v6 =	vmul.f32 v6, v4  }
0x1e0: {  	v7 =	vor.u32 v7, v8;
	v8 =	vor.u32 $0x3F800000, v9  }
0x1e1: {  	v7 =	vadd.s32 v1, v7;
	v8 =	vadd.f32 $-1.000000000e+00, v8;
	v6 =	vadd.f32 $-4.891568420e-01, v6;
	_ =	sdelay $0x1  }
0x1e2: {  	v9 =	vmul.f32 $3.010262550e-02, v8;
	v6 =	vmul.f32 v6, v4  }
0x1e3: {  	v10 =	vld [tilespmem:$0x4110]  }
0x1e4: {  	s21 =	simm.s32 $0x0;
	v3 =	vshrl.u32 v3, $0x17;
	v9 =	vadd.f32 $-1.301194130e-01, v9;
	v6 =	vadd.f32 $9.990104430e-01, v6  }
0x1e5: {  	v3 =	vand.u32 $0xFF, v3;
	v7 =	vld.idx.msk [tilespmem:v7+s21+$0x0], $0xffff  }
0x1e6: {  	v3 =	vadd.s32 $0xFFFFFF81, v3;
	v9 =	vmul.f32 v9, v8;
	v4 =	vmul.f32 v6, v4;
	v6 =	vld [tilespmem:$0x4400]  }
0x1e7: {  	v3 =	vcvt.s32.f32 v3  }
0x1e8: {  	v11 =	vshll.u32 v10, $0x3;
	v10 =	vand.u32 $0x7F, v10;
	v9 =	vadd.f32 $2.833043340e-01, v9  }
0x1e9: {  	v11 =	vand.u32 $0xFFFFFC00, v11;
	v3 =	vmul.f32 $6.931471820e-01, v3;
	v4 =	vadd.f32 $2.211703030e-05, v4  }
0x1ea: {  	v10 =	vor.u32 v10, v11;
	v9 =	vmul.f32 v9, v8  }
0x1eb: {  	v3 =	vadd.f32 v4, v3;
	v4 =	vadd.f32 v6, v7;
	v6 =	vadd.s32 v2, v10  }
0x1ec: {  	v7 =	vadd.f32 $-4.891568420e-01, v9  }
0x1ed: {  	v3 =	vsub.f32 v4, v3  }
0x1ee: {  	v4 =	vmul.f32 v7, v8  }
0x1ef: {  	[tilespmem:$0x4400] =	vst v3;
	v3 =	vshrl.u32 v5, $0x17  }
0x1f0: {  	v4 =	vadd.f32 $9.990104430e-01, v4;
	v3 =	vand.u32 $0xFF, v3;
	v5 =	vld.idx.msk [tilespmem:v6+s21+$0x0], $0xffff  }
0x1f1: {  	s31 =	simm.s32 $0x1;
	v6 =	vld [tilespmem:$0x4410];
	v3 =	vadd.s32 $0xFFFFFF81, v3  }
0x1f2: {  	s24 =	simm.s32 $0x4;
	s30 =	simm.s32 $0x2;
	v13 =	vadd.s32 s31, v0;
	v4 =	vmul.f32 v4, v8;
	v3 =	vcvt.s32.f32 v3  }
0x1f3: {  	s23 =	simm.s32 $0x7;
	v16 =	vand.u32 $0x7F, v13;
	v11 =	vadd.s32 s30, v0;
	v9 =	vadd.s32 s24, v0  }
0x1f4: {  	s29 =	simm.s32 $0x5;
	v7 =	vadd.s32 s23, v0;
	v4 =	vadd.f32 $2.211703030e-05, v4;
	v3 =	vmul.f32 $6.931471820e-01, v3  }
0x1f5: {  	v10 =	vadd.s32 s29, v0;
	v14 =	vand.u32 $0x7F, v7;
	v7 =	vshll.u32 v7, $0x3  }
0x1f6: {  	v3 =	vadd.f32 v4, v3;
	v4 =	vadd.f32 v6, v5;
	v5 =	vadd.s32 s21, v0  }
0x1f7: {  	s22 =	simm.s32 $0x6;
	s28 =	simm.s32 $0x3;
	v7 =	vand.u32 $0x400, v7;
	v12 =	vand.u32 $0x7F, v5;
	v5 =	vshll.u32 v5, $0x3  }
0x1f8: {  	v8 =	vadd.s32 s28, v0;
	v6 =	vadd.s32 s22, v0;
	v5 =	vand.u32 $0x400, v5  }
0x1f9: {  	v15 =	vand.u32 $0x7F, v6;
	v4 =	vsub.f32 v4, v3;
	v5 =	vor.u32 v12, v5  }
0x1fa: {  	v6 =	vshll.u32 v6, $0x3;
	v12 =	vshll.u32 v13, $0x3;
	v13 =	vor.u32 v1, v5  }
0x1fb: {  	[tilespmem:$0x4410] =	vst v4;
	v4 =	vand.u32 $0x400, v6;
	v6 =	vor.u32 v14, v7;
	v5 =	vor.u32 v2, v5  }
0x1fc: {  	v7 =	vand.u32 $0x400, v12;
	v14 =	vshll.u32 v11, $0x3;
	v11 =	vand.u32 $0x7F, v11;
	[tilespmem:s21], [sflag:$0x1] =	stream.linear.gather [hbm4b:s8+s21], $0x2000, $0x38;
	[tilespmem:$0x4480] =	vst v63  }
0x1fd: {  	v4 =	vor.u32 v15, v4;
	v12 =	vor.u32 v1, v6;
	v7 =	vor.u32 v16, v7;
	_ =	swait.ge [sflag:s18], $0x2000  }
0x1fe: {  	v14 =	vand.u32 $0x400, v14;
	v6 =	vor.u32 v2, v6;
	v16 =	vor.u32 v1, v7;
	[sflag:s18] =	ssyncset.done $0x0  }
0x1ff: {  	v7 =	vor.u32 v2, v7;
	v11 =	vor.u32 v11, v14;
	v14 =	vshll.u32 v8, $0x3;
	[sflag:s18] =	ssyncadd.s32 $0xFFFFE000  }
0x200: {  	v8 =	vand.u32 $0x7F, v8;
	v17 =	vor.u32 v1, v11;
	v14 =	vand.u32 $0x400, v14;
	v13 =	vld.idx.msk [tilespmem:v13+s16+$0x0], $0xffff  }
0x201: {  	v11 =	vor.u32 v2, v11;
	v8 =	vor.u32 v8, v14;
	v14 =	vshll.u32 v9, $0x3;
	v5 =	vld.idx.msk [tilespmem:v5+s16+$0x0], $0xffff  }
0x202: {  	v9 =	vand.u32 $0x7F, v9;
	v18 =	vor.u32 v1, v8;
	v14 =	vand.u32 $0x400, v14;
	v12 =	vld.idx.msk [tilespmem:v12+s16+$0x0], $0xffff  }
0x203: {  	v8 =	vor.u32 v2, v8;
	v9 =	vor.u32 v9, v14;
	v14 =	vshll.u32 v10, $0x3;
	v16 =	vld.idx.msk [tilespmem:v16+s16+$0x0], $0xffff  }
0x204: {  	v10 =	vand.u32 $0x7F, v10;
	v19 =	vor.u32 v1, v9;
	v14 =	vand.u32 $0x400, v14;
	v7 =	vld.idx.msk [tilespmem:v7+s16+$0x0], $0xffff  }
0x205: {  	v15 =	vor.u32 v1, v4;
	v9 =	vor.u32 v2, v9;
	v10 =	vor.u32 v10, v14;
	v14 =	vld.idx.msk [tilespmem:v17+s16+$0x0], $0xffff  }
0x206: {  	v4 =	vor.u32 v2, v4;
	v11 =	vld.idx.msk [tilespmem:v11+s16+$0x0], $0xffff;
	v17 =	vor.u32 v1, v10;
	v10 =	vor.u32 v2, v10  }
0x207: {  	v13 =	vmin.f32 v13, $8.000000000e+01;
	v5 =	vmin.f32 v5, $8.000000000e+01;
	v18 =	vld.idx.msk [tilespmem:v18+s16+$0x0], $0xffff;
	v12 =	vmin.f32 v12, $8.000000000e+01  }
0x208: {  	v8 =	vld.idx.msk [tilespmem:v8+s16+$0x0], $0xffff;
	v13 =	vmul.f32 $1.442695020e+00, v13;
	v5 =	vmul.f32 $1.442695020e+00, v5;
	v16 =	vmin.f32 v16, $8.000000000e+01  }
0x209: {  	v12 =	vmul.f32 $1.442695020e+00, v12;
	v19 =	vld.idx.msk [tilespmem:v19+s16+$0x0], $0xffff;
	v7 =	vmin.f32 v7, $8.000000000e+01;
	v16 =	vmul.f32 $1.442695020e+00, v16  }
0x20a: {  	v9 =	vld.idx.msk [tilespmem:v9+s16+$0x0], $0xffff;
	(erf) = vpow2.f32 v13;
	v7 =	vmul.f32 $1.442695020e+00, v7;
	v13 =	vmin.f32 v14, $8.000000000e+01  }
0x20b: {  	v15 =	vld.idx.msk [tilespmem:v15+s16+$0x0], $0xffff;
	v11 =	vmin.f32 v11, $8.000000000e+01;
	(erf) = vpow2.f32 v5;
	v13 =	vmul.f32 $1.442695020e+00, v13  }
0x20c: {  	v5 =	vld.idx.msk [tilespmem:v17+s16+$0x0], $0xffff;
	v11 =	vmul.f32 $1.442695020e+00, v11;
	(erf) = vpow2.f32 v16;
	v14 =	vmin.f32 v18, $8.000000000e+01  }
0x20d: {  	v10 =	vld.idx.msk [tilespmem:v10+s16+$0x0], $0xffff;
	v8 =	vmin.f32 v8, $8.000000000e+01;
	(erf) = vpow2.f32 v7;
	v7 =	vmul.f32 $1.442695020e+00, v14  }
0x20e: {  	v4 =	vld.idx.msk [tilespmem:v4+s16+$0x0], $0xffff;
	v8 =	vmul.f32 $1.442695020e+00, v8;
	(erf) = vpow2.f32 v13;
	v13 =	vmin.f32 v19, $8.000000000e+01  }
0x20f: {  	v9 =	vmin.f32 v9, $8.000000000e+01;
	(erf) = vpow2.f32 v11;
	v11 =	vmul.f32 $1.442695020e+00, v13  }
0x210: {  	v15 =	vmin.f32 v15, $8.000000000e+01;
	(erf) = vpow2.f32 v7;
	v7 =	vmul.f32 $1.442695020e+00, v9  }
0x211: {  	v6 =	vld.idx.msk [tilespmem:v6+s16+$0x0], $0xffff;
	v15 =	vmul.f32 $1.442695020e+00, v15;
	v5 =	vmin.f32 v5, $8.000000000e+01;
	(erf) = vpow2.f32 v8  }
0x212: {  	v5 =	vmul.f32 $1.442695020e+00, v5;
	v8 =	vmin.f32 v10, $8.000000000e+01;
	(erf) = vpow2.f32 v11  }
0x213: {  	v4 =	vmin.f32 v4, $8.000000000e+01;
	v8 =	vmul.f32 $1.442695020e+00, v8;
	v9 =	vpop (erf);
	(erf) = vpow2.f32 v7  }
0x214: {  	v3 =	vimm.f32 $0.0e+00;
	v4 =	vmul.f32 $1.442695020e+00, v4;
	v7 =	vpop (erf);
	(erf) = vpow2.f32 v5  }
0x215: {  	v5 =	vadd.f32 v9, v3;
	v3 =	vadd.f32 v7, v3;
	v7 =	vpop (erf);
	(erf) = vpow2.f32 v8  }
0x216: {  	v6 =	vmin.f32 v6, $8.000000000e+01;
	v9 =	vpop (erf)  }
0x217: {  	s23 =	simm.s32 $0x8;
	(erf) = vpow2.f32 v15;
	v5 =	vadd.f32 v7, v5;
	v3 =	vadd.f32 v9, v3;
	v7 =	vpop (erf)  }
0x218: {  	v6 =	vmul.f32 $1.442695020e+00, v6;
	v8 =	vadd.s32 s23, v0;
	(erf) = vpow2.f32 v4;
	v4 =	vpop (erf)  }
0x219: {  	(erf) = vpow2.f32 v12;
	v5 =	vadd.f32 v7, v5;
	v9 =	vadd.f32 v4, v3;
	v12 =	vpop (erf)  }
0x21a: {  	v13 =	vpop (erf)  }
0x21b: {  	s24 =	simm.s32 $0xE;
	(erf) = vpow2.f32 v6;
	v5 =	vadd.f32 v12, v5;
	v12 =	vadd.f32 v13, v9;
	v13 =	vpop (erf)  }
0x21c: {  	s25 =	simm.s32 $0xF;
	s31 =	simm.s32 $0x9;
	v10 =	vadd.s32 s24, v0;
	v16 =	vand.u32 $0x7F, v8;
	v14 =	vshll.u32 v8, $0x3;
	v8 =	vpop (erf)  }
0x21d: {  	s26 =	simm.s32 $0xB;
	s30 =	simm.s32 $0xA;
	s28 =	simm.s32 $0xC;
	v11 =	vadd.s32 s25, v0;
	v15 =	vadd.s32 s31, v0;
	v12 =	vadd.f32 v8, v12;
	v17 =	vpop (erf)  }
0x21e: {  	s29 =	simm.s32 $0xD;
	v7 =	vadd.s32 s30, v0;
	v6 =	vadd.s32 s26, v0;
	v4 =	vadd.s32 s28, v0;
	v18 =	vpop (erf)  }
0x21f: {  	v3 =	vadd.s32 s29, v0;
	v5 =	vadd.f32 v13, v5;
	v12 =	vadd.f32 v18, v12  }
0x220: {  	v9 =	vand.u32 $0x7F, v11;
	v11 =	vshll.u32 v11, $0x3;
	v13 =	vshll.u32 v10, $0x3  }
0x221: {  	v8 =	vand.u32 $0x7F, v10;
	v10 =	vand.u32 $0x7F, v15;
	v5 =	vadd.f32 v17, v5;
	v17 =	vpop (erf)  }
0x222: {  	v18 =	vand.u32 $0x400, v14;
	v14 =	vshll.u32 v15, $0x3;
	v15 =	vand.u32 $0x400, v11;
	v19 =	vpop (erf)  }
0x223: {  	s21 =	simm.s32 $0x10;
	v16 =	vor.u32 v16, v18;
	v11 =	vadd.f32 v17, v5;
	v5 =	vadd.f32 v19, v12;
	v12 =	vpop (erf)  }
.LBB2_8:
0x224: {  	p0 =	slt.u32 s21, $0xF8;
	v17 =	vor.u32 v1, v16;
	v13 =	vand.u32 $0x400, v13;
	v9 =	vor.u32 v9, v15;
	v15 =	vpop (erf)  }
0x225: {  	v16 =	vor.u32 v2, v16;
	v11 =	vadd.f32 v12, v11;
	v5 =	vadd.f32 v15, v5  }
0x226: {  	v12 =	vand.u32 $0x400, v14;
	v8 =	vor.u32 v8, v13;
	v13 =	vor.u32 v1, v9  }
0x227: {  	v10 =	vor.u32 v10, v12;
	v12 =	vshll.u32 v7, $0x3;
	v14 =	vor.u32 v1, v8  }
0x228: {  	v7 =	vand.u32 $0x7F, v7;
	v15 =	vor.u32 v1, v10;
	v12 =	vand.u32 $0x400, v12  }
0x229: {  	v10 =	vor.u32 v2, v10;
	v7 =	vor.u32 v7, v12;
	v12 =	vshll.u32 v6, $0x3;
	v17 =	vld.idx.msk [tilespmem:v17+s16+$0x0], $0xffff  }
0x22a: {  	v6 =	vand.u32 $0x7F, v6;
	v18 =	vor.u32 v1, v7;
	v12 =	vand.u32 $0x400, v12;
	v16 =	vld.idx.msk [tilespmem:v16+s16+$0x0], $0xffff  }
0x22b: {  	v7 =	vor.u32 v2, v7;
	v6 =	vor.u32 v6, v12;
	v12 =	vshll.u32 v4, $0x3;
	v13 =	vld.idx.msk [tilespmem:v13+s16+$0x0], $0xffff  }
0x22c: {  	v4 =	vand.u32 $0x7F, v4;
	v19 =	vor.u32 v1, v6;
	v12 =	vand.u32 $0x400, v12;
	v14 =	vld.idx.msk [tilespmem:v14+s16+$0x0], $0xffff  }
0x22d: {  	v6 =	vor.u32 v2, v6;
	v4 =	vor.u32 v4, v12;
	v12 =	vshll.u32 v3, $0x3;
	v15 =	vld.idx.msk [tilespmem:v15+s16+$0x0], $0xffff  }
0x22e: {  	v3 =	vand.u32 $0x7F, v3;
	v20 =	vor.u32 v1, v4;
	v12 =	vand.u32 $0x400, v12;
	v10 =	vld.idx.msk [tilespmem:v10+s16+$0x0], $0xffff  }
0x22f: {  	v9 =	vor.u32 v2, v9;
	v4 =	vor.u32 v2, v4;
	v3 =	vor.u32 v3, v12;
	v18 =	vld.idx.msk [tilespmem:v18+s16+$0x0], $0xffff  }
0x230: {  	v8 =	vor.u32 v2, v8;
	v12 =	vor.u32 v1, v3;
	v3 =	vor.u32 v2, v3;
	v7 =	vld.idx.msk [tilespmem:v7+s16+$0x0], $0xffff  }
0x231: {  	v17 =	vmin.f32 v17, $8.000000000e+01;
	v16 =	vmin.f32 v16, $8.000000000e+01;
	v13 =	vmin.f32 v13, $8.000000000e+01;
	v19 =	vld.idx.msk [tilespmem:v19+s16+$0x0], $0xffff  }
0x232: {  	v17 =	vmul.f32 $1.442695020e+00, v17;
	v16 =	vmul.f32 $1.442695020e+00, v16;
	v14 =	vmin.f32 v14, $8.000000000e+01;
	v6 =	vld.idx.msk [tilespmem:v6+s16+$0x0], $0xffff  }
0x233: {  	v13 =	vmul.f32 $1.442695020e+00, v13;
	v15 =	vmin.f32 v15, $8.000000000e+01;
	v14 =	vmul.f32 $1.442695020e+00, v14;
	v20 =	vld.idx.msk [tilespmem:v20+s16+$0x0], $0xffff  }
0x234: {  	v15 =	vmul.f32 $1.442695020e+00, v15;
	v10 =	vmin.f32 v10, $8.000000000e+01;
	v4 =	vld.idx.msk [tilespmem:v4+s16+$0x0], $0xffff;
	(erf) = vpow2.f32 v17  }
0x235: {  	v10 =	vmul.f32 $1.442695020e+00, v10;
	v17 =	vmin.f32 v18, $8.000000000e+01;
	v12 =	vld.idx.msk [tilespmem:v12+s16+$0x0], $0xffff;
	(erf) = vpow2.f32 v16  }
0x236: {  	v16 =	vmul.f32 $1.442695020e+00, v17;
	v7 =	vmin.f32 v7, $8.000000000e+01;
	v3 =	vld.idx.msk [tilespmem:v3+s16+$0x0], $0xffff;
	(erf) = vpow2.f32 v15  }
0x237: {  	v7 =	vmul.f32 $1.442695020e+00, v7;
	v15 =	vmin.f32 v19, $8.000000000e+01;
	v8 =	vld.idx.msk [tilespmem:v8+s16+$0x0], $0xffff;
	(erf) = vpow2.f32 v10  }
0x238: {  	v10 =	vmul.f32 $1.442695020e+00, v15;
	v6 =	vmin.f32 v6, $8.000000000e+01;
	v9 =	vld.idx.msk [tilespmem:v9+s16+$0x0], $0xffff;
	(erf) = vpow2.f32 v16  }
0x239: {  	v6 =	vmul.f32 $1.442695020e+00, v6;
	v15 =	vmin.f32 v20, $8.000000000e+01;
	(erf) = vpow2.f32 v7  }
0x23a: {  	v7 =	vmul.f32 $1.442695020e+00, v15;
	v4 =	vmin.f32 v4, $8.000000000e+01;
	(erf) = vpow2.f32 v10  }
0x23b: {  	v4 =	vmul.f32 $1.442695020e+00, v4;
	v10 =	vmin.f32 v12, $8.000000000e+01;
	(erf) = vpow2.f32 v6  }
0x23c: {  	v6 =	vmul.f32 $1.442695020e+00, v10;
	v3 =	vmin.f32 v3, $8.000000000e+01;
	(erf) = vpow2.f32 v7  }
0x23d: {  	v3 =	vmul.f32 $1.442695020e+00, v3;
	v7 =	vmin.f32 v8, $8.000000000e+01;
	v8 =	vpop (erf);
	(erf) = vpow2.f32 v4  }
0x23e: {  	v4 =	vmul.f32 $1.442695020e+00, v7;
	v10 =	vmin.f32 v9, $8.000000000e+01;
	v9 =	vpop (erf);
	(erf) = vpow2.f32 v6  }
0x23f: {  	v6 =	vadd.f32 v8, v11;
	v5 =	vadd.f32 v9, v5;
	v8 =	vpop (erf);
	(erf) = vpow2.f32 v3  }
0x240: {  	v9 =	vadd.s32 s21, v0;
	v3 =	vmul.f32 $1.442695020e+00, v10;
	v7 =	vpop (erf);
	(erf) = vpow2.f32 v14  }
0x241: {  	s22 =	sadd.s32 $0x6, s21;
	s23 =	sadd.s32 $0x7, s21;
	v6 =	vadd.f32 v8, v6;
	v5 =	vadd.f32 v7, v5;
	v7 =	vpop (erf);
	(erf) = vpow2.f32 v4  }
0x242: {  	v11 =	vadd.s32 s23, v0;
	v10 =	vadd.s32 s22, v0;
	v4 =	vpop (erf);
	(erf) = vpow2.f32 v13  }
0x243: {  	s24 =	sadd.s32 $0x5, s21;
	s23 =	sadd.s32 $0x4, s21;
	s22 =	sadd.s32 $0x3, s21;
	v8 =	vadd.f32 v7, v6;
	v5 =	vadd.f32 v4, v5;
	v12 =	vpop (erf);
	(erf) = vpow2.f32 v3  }
0x244: {  	s25 =	sadd.s32 $0x2, s21;
	v6 =	vadd.s32 s22, v0;
	v4 =	vadd.s32 s23, v0;
	v3 =	vadd.s32 s24, v0;
	v13 =	vpop (erf)  }
0x245: {  	s22 =	sadd.s32 $0x1, s21;
	v7 =	vadd.s32 s25, v0;
	v8 =	vadd.f32 v12, v8;
	v5 =	vadd.f32 v13, v5;
	v12 =	vpop (erf)  }
0x246: {  	v16 =	vand.u32 $0x7F, v9;
	v14 =	vshll.u32 v9, $0x3;
	v15 =	vadd.s32 s22, v0;
	v13 =	vpop (erf)  }
.Ltmp3:
0x247: {  	v9 =	vand.u32 $0x7F, v11;
	v12 =	vadd.f32 v12, v8;
	v5 =	vadd.f32 v13, v5;
	v17 =	vpop (erf);
	(pc) =	sbr.rel @p0 .LBB2_8-.Ltmp3, $4  }
0x248: {  	v11 =	vshll.u32 v11, $0x3;
	v8 =	vand.u32 $0x7F, v10;
	v13 =	vshll.u32 v10, $0x3;
	v18 =	vpop (erf)  }
0x249: {  	v10 =	vand.u32 $0x7F, v15;
	v20 =	vadd.f32 v17, v12;
	v5 =	vadd.f32 v18, v5;
	v17 =	vpop (erf)  }
0x24a: {  	v18 =	vand.u32 $0x400, v14;
	v14 =	vshll.u32 v15, $0x3;
	v15 =	vand.u32 $0x400, v11;
	v19 =	vpop (erf)  }
0x24b: {  	s21 =	sadd.s32 $0x8, s21;
	v16 =	vor.u32 v16, v18;
	v11 =	vadd.f32 v17, v20;
	v5 =	vadd.f32 v19, v5;
	v12 =	vpop (erf)  }
0x24c: {  	v17 =	vor.u32 v1, v16;
	v13 =	vand.u32 $0x400, v13  }
0x24d: {  	v9 =	vor.u32 v9, v15;
	v15 =	vor.u32 v2, v16;
	v14 =	vand.u32 $0x400, v14  }
0x24e: {  	v8 =	vor.u32 v8, v13;
	v10 =	vor.u32 v10, v14;
	v13 =	vshll.u32 v7, $0x3  }
0x24f: {  	v7 =	vand.u32 $0x7F, v7;
	v16 =	vor.u32 v1, v10;
	v13 =	vand.u32 $0x400, v13  }
0x250: {  	v18 =	vshll.u32 v6, $0x3;
	v10 =	vor.u32 v2, v10;
	v7 =	vor.u32 v7, v13  }
0x251: {  	v6 =	vand.u32 $0x7F, v6;
	v13 =	vand.u32 $0x400, v18;
	v18 =	vor.u32 v1, v7  }
0x252: {  	v7 =	vor.u32 v2, v7;
	v6 =	vor.u32 v6, v13;
	v13 =	vld.idx.msk [tilespmem:v15+s16+$0x0], $0xffff;
	v15 =	vshll.u32 v4, $0x3  }
0x253: {  	v17 =	vld.idx.msk [tilespmem:v17+s16+$0x0], $0xffff;
	v19 =	vor.u32 v1, v6;
	v4 =	vand.u32 $0x7F, v4;
	v15 =	vand.u32 $0x400, v15  }
0x254: {  	v20 =	vshll.u32 v3, $0x3;
	v6 =	vor.u32 v2, v6;
	v16 =	vld.idx.msk [tilespmem:v16+s16+$0x0], $0xffff;
	v4 =	vor.u32 v4, v15  }
0x255: {  	v3 =	vand.u32 $0x7F, v3;
	v11 =	vadd.f32 v12, v11;
	v10 =	vld.idx.msk [tilespmem:v10+s16+$0x0], $0xffff;
	v12 =	vor.u32 v1, v4  }
0x256: {  	v14 =	vor.u32 v1, v8;
	v8 =	vor.u32 v2, v8;
	v15 =	vand.u32 $0x400, v20;
	v18 =	vld.idx.msk [tilespmem:v18+s16+$0x0], $0xffff  }
0x257: {  	v3 =	vor.u32 v3, v15;
	v15 =	vor.u32 v1, v9;
	v4 =	vor.u32 v2, v4;
	v7 =	vld.idx.msk [tilespmem:v7+s16+$0x0], $0xffff  }
0x258: {  	v63 =	vor.u32 v1, v3;
	v3 =	vor.u32 v2, v3;
	v17 =	vmin.f32 v17, $8.000000000e+01;
	v19 =	vld.idx.msk [tilespmem:v19+s16+$0x0], $0xffff  }
0x259: {  	v13 =	vmin.f32 v13, $8.000000000e+01;
	v6 =	vld.idx.msk [tilespmem:v6+s16+$0x0], $0xffff;
	v17 =	vmul.f32 $1.442695020e+00, v17;
	v16 =	vmin.f32 v16, $8.000000000e+01  }
0x25a: {  	v13 =	vmul.f32 $1.442695020e+00, v13;
	v10 =	vmin.f32 v10, $8.000000000e+01;
	v12 =	vld.idx.msk [tilespmem:v12+s16+$0x0], $0xffff;
	v16 =	vmul.f32 $1.442695020e+00, v16  }
0x25b: {  	v14 =	vld.idx.msk [tilespmem:v14+s16+$0x0], $0xffff;
	(erf) = vpow2.f32 v17;
	v10 =	vmul.f32 $1.442695020e+00, v10;
	v17 =	vmin.f32 v18, $8.000000000e+01  }
0x25c: {  	v4 =	vld.idx.msk [tilespmem:v4+s16+$0x0], $0xffff;
	(erf) = vpow2.f32 v13;
	v7 =	vmin.f32 v7, $8.000000000e+01;
	v17 =	vmul.f32 $1.442695020e+00, v17  }
0x25d: {  	v13 =	vld.idx.msk [tilespmem:v63+s16+$0x0], $0xffff;
	(erf) = vpow2.f32 v16;
	v7 =	vmul.f32 $1.442695020e+00, v7;
	v16 =	vmin.f32 v19, $8.000000000e+01  }
0x25e: {  	v3 =	vld.idx.msk [tilespmem:v3+s16+$0x0], $0xffff;
	v6 =	vmin.f32 v6, $8.000000000e+01;
	(erf) = vpow2.f32 v10;
	v10 =	vmul.f32 $1.442695020e+00, v16  }
0x25f: {  	v8 =	vld.idx.msk [tilespmem:v8+s16+$0x0], $0xffff;
	v6 =	vmul.f32 $1.442695020e+00, v6;
	(erf) = vpow2.f32 v17;
	v12 =	vmin.f32 v12, $8.000000000e+01  }
0x260: {  	(erf) = vpow2.f32 v7;
	v7 =	vld.idx.msk [tilespmem:v15+s16+$0x0], $0xffff;
	v12 =	vmul.f32 $1.442695020e+00, v12  }
0x261: {  	v14 =	vmin.f32 v14, $8.000000000e+01;
	v4 =	vmin.f32 v4, $8.000000000e+01;
	(erf) = vpow2.f32 v10  }
0x262: {  	v4 =	vmul.f32 $1.442695020e+00, v4;
	v10 =	vmin.f32 v13, $8.000000000e+01;
	(erf) = vpow2.f32 v6  }
0x263: {  	v3 =	vmin.f32 v3, $8.000000000e+01;
	v6 =	vpop (erf);
	v10 =	vmul.f32 $1.442695020e+00, v10;
	(erf) = vpow2.f32 v12  }
0x264: {  	v3 =	vmul.f32 $1.442695020e+00, v3;
	v12 =	vpop (erf);
	(erf) = vpow2.f32 v4;
	v4 =	vmin.f32 v8, $8.000000000e+01  }
0x265: {  	v7 =	vmin.f32 v7, $8.000000000e+01;
	v8 =	vpop (erf);
	(erf) = vpow2.f32 v10;
	v10 =	vadd.f32 v12, v11  }
0x266: {  	v14 =	vmul.f32 $1.442695020e+00, v14;
	v11 =	vpop (erf)  }
0x267: {  	v4 =	vmul.f32 $1.442695020e+00, v4;
	(erf) = vpow2.f32 v3;
	v10 =	vadd.f32 v11, v10  }
0x268: {  	v3 =	vmul.f32 $1.442695020e+00, v7;
	v7 =	vpop (erf);
	(erf) = vpow2.f32 v14  }
0x269: {  	v11 =	vpop (erf);
	(erf) = vpow2.f32 v4;
	v4 =	vor.u32 v2, v9  }
0x26a: {  	v9 =	vpop (erf);
	(erf) = vpow2.f32 v3;
	v3 =	vadd.f32 v11, v10  }
0x26b: {  	v10 =	vpop (erf)  }
0x26c: {  	v11 =	vpop (erf);
	v3 =	vadd.f32 v10, v3  }
0x26d: {  	v10 =	vpop (erf)  }
0x26e: {  	v4 =	vld.idx.msk [tilespmem:v4+s16+$0x0], $0xffff;
	v12 =	vpop (erf);
	v3 =	vadd.f32 v10, v3  }
0x26f: {  	v10 =	vpop (erf)  }
0x270: {  	v5 =	vadd.f32 v6, v5;
	v13 =	vpop (erf);
	v3 =	vadd.f32 v10, v3  }
0x271: {  	v6 =	vpop (erf)  }
0x272: {  	v5 =	vadd.f32 v8, v5;
	v10 =	vpop (erf);
	v3 =	vadd.f32 v6, v3  }
0x273: {  	v4 =	vmin.f32 v4, $8.000000000e+01;
	v6 =	vpop (erf)  }
0x274: {  	v5 =	vadd.f32 v7, v5;
	v4 =	vmul.f32 $1.442695020e+00, v4;
	v3 =	vadd.f32 v6, v3;
	_ =	sdelay $0x1  }
0x275: {  	v5 =	vadd.f32 v9, v5;
	(erf) = vpow2.f32 v4;
	v6 =	vand.u32 $0x7FFFFF, v3  }
0x276: {  	v4 =	vor.u32 $0x3F800000, v6  }
0x277: {  	v5 =	vadd.f32 v11, v5;
	v4 =	vadd.f32 $-1.000000000e+00, v4;
	_ =	sdelay $0x1  }
0x278: {  	v5 =	vadd.f32 v12, v5;
	v6 =	vmul.f32 $3.010262550e-02, v4;
	_ =	sdelay $0x1  }
0x279: {  	v7 =	vld [tilespmem:$0x4180];
	v5 =	vadd.f32 v13, v5;
	v6 =	vadd.f32 $-1.301194130e-01, v6;
	_ =	sdelay $0x1  }
0x27a: {  	v5 =	vadd.f32 v10, v5;
	v6 =	vmul.f32 v6, v4  }
0x27b: {  	v8 =	vpop (erf)  }
0x27c: {  	v5 =	vadd.f32 v8, v5;
	v6 =	vadd.f32 $2.833043340e-01, v6  }
0x27d: {  	v8 =	vshll.u32 v7, $0x3;
	v7 =	vand.u32 $0x7F, v7  }
0x27e: {  	v8 =	vand.u32 $0xFFFFFC00, v8;
	v9 =	vand.u32 $0x7FFFFF, v5;
	v6 =	vmul.f32 v6, v4  }
0x27f: {  	v7 =	vor.u32 v7, v8;
	v8 =	vor.u32 $0x3F800000, v9  }
0x280: {  	v7 =	vadd.s32 v1, v7;
	v8 =	vadd.f32 $-1.000000000e+00, v8;
	v6 =	vadd.f32 $-4.891568420e-01, v6;
	_ =	sdelay $0x1  }
0x281: {  	v9 =	vmul.f32 $3.010262550e-02, v8;
	v6 =	vmul.f32 v6, v4  }
0x282: {  	v10 =	vld [tilespmem:$0x4190]  }
0x283: {  	v3 =	vshrl.u32 v3, $0x17;
	v9 =	vadd.f32 $-1.301194130e-01, v9;
	v6 =	vadd.f32 $9.990104430e-01, v6  }
0x284: {  	v3 =	vand.u32 $0xFF, v3;
	v7 =	vld.idx.msk [tilespmem:v7+s16+$0x0], $0xffff  }
0x285: {  	v3 =	vadd.s32 $0xFFFFFF81, v3;
	v9 =	vmul.f32 v9, v8;
	v4 =	vmul.f32 v6, v4;
	v6 =	vld [tilespmem:$0x4400]  }
0x286: {  	v3 =	vcvt.s32.f32 v3  }
0x287: {  	v11 =	vshll.u32 v10, $0x3;
	v10 =	vand.u32 $0x7F, v10;
	v9 =	vadd.f32 $2.833043340e-01, v9  }
0x288: {  	v11 =	vand.u32 $0xFFFFFC00, v11;
	v3 =	vmul.f32 $6.931471820e-01, v3;
	v4 =	vadd.f32 $2.211703030e-05, v4  }
0x289: {  	v10 =	vor.u32 v10, v11;
	v9 =	vmul.f32 v9, v8  }
0x28a: {  	v3 =	vadd.f32 v4, v3;
	v4 =	vadd.f32 v6, v7;
	v6 =	vadd.s32 v2, v10  }
0x28b: {  	v7 =	vadd.f32 $-4.891568420e-01, v9  }
0x28c: {  	v3 =	vsub.f32 v4, v3  }
0x28d: {  	v4 =	vmul.f32 v7, v8  }
0x28e: {  	[tilespmem:$0x4400] =	vst v3;
	v3 =	vshrl.u32 v5, $0x17  }
0x28f: {  	v4 =	vadd.f32 $9.990104430e-01, v4;
	v3 =	vand.u32 $0xFF, v3;
	v5 =	vld.idx.msk [tilespmem:v6+s16+$0x0], $0xffff  }
0x290: {  	s31 =	simm.s32 $0x1;
	v6 =	vld [tilespmem:$0x4410];
	v3 =	vadd.s32 $0xFFFFFF81, v3  }
0x291: {  	s24 =	simm.s32 $0x4;
	s30 =	simm.s32 $0x2;
	v13 =	vadd.s32 s31, v0;
	v4 =	vmul.f32 v4, v8;
	v3 =	vcvt.s32.f32 v3  }
0x292: {  	s23 =	simm.s32 $0x7;
	v16 =	vand.u32 $0x7F, v13;
	v11 =	vadd.s32 s30, v0;
	v9 =	vadd.s32 s24, v0  }
0x293: {  	s29 =	simm.s32 $0x5;
	v7 =	vadd.s32 s23, v0;
	v4 =	vadd.f32 $2.211703030e-05, v4;
	v3 =	vmul.f32 $6.931471820e-01, v3  }
0x294: {  	s21 =	simm.s32 $0x0;
	v10 =	vadd.s32 s29, v0;
	v14 =	vand.u32 $0x7F, v7;
	v7 =	vshll.u32 v7, $0x3  }
0x295: {  	v3 =	vadd.f32 v4, v3;
	v4 =	vadd.f32 v6, v5;
	v5 =	vadd.s32 s21, v0  }
0x296: {  	s22 =	simm.s32 $0x6;
	s28 =	simm.s32 $0x3;
	v7 =	vand.u32 $0x400, v7;
	v12 =	vand.u32 $0x7F, v5;
	v5 =	vshll.u32 v5, $0x3  }
0x297: {  	v8 =	vadd.s32 s28, v0;
	v6 =	vadd.s32 s22, v0;
	v5 =	vand.u32 $0x400, v5  }
0x298: {  	v15 =	vand.u32 $0x7F, v6;
	v4 =	vsub.f32 v4, v3;
	v5 =	vor.u32 v12, v5  }
0x299: {  	v6 =	vshll.u32 v6, $0x3;
	v12 =	vshll.u32 v13, $0x3;
	v13 =	vor.u32 v1, v5  }
0x29a: {  	[tilespmem:$0x4410] =	vst v4;
	v4 =	vand.u32 $0x400, v6;
	v6 =	vor.u32 v14, v7;
	v5 =	vor.u32 v2, v5  }
0x29b: {  	v7 =	vand.u32 $0x400, v12;
	v14 =	vshll.u32 v11, $0x3;
	v11 =	vand.u32 $0x7F, v11;
	[tilespmem:s16], [sflag:$0x2] =	stream.linear.gather [hbm4b:s9+s21], $0x2000, $0x38;
	[tilespmem:$0x4480] =	vst v63  }
0x29c: {  	v4 =	vor.u32 v15, v4;
	v12 =	vor.u32 v1, v6;
	v7 =	vor.u32 v16, v7;
	_ =	swait.ge [sflag:s17], $0x2000  }
0x29d: {  	v14 =	vand.u32 $0x400, v14;
	v6 =	vor.u32 v2, v6;
	v16 =	vor.u32 v1, v7;
	[sflag:s17] =	ssyncset.done $0x0  }
0x29e: {  	v7 =	vor.u32 v2, v7;
	v11 =	vor.u32 v11, v14;
	v14 =	vshll.u32 v8, $0x3;
	[sflag:s17] =	ssyncadd.s32 $0xFFFFE000  }
0x29f: {  	v8 =	vand.u32 $0x7F, v8;
	v17 =	vor.u32 v1, v11;
	v14 =	vand.u32 $0x400, v14;
	v13 =	vld.idx.msk [tilespmem:v13+s2+$0x0], $0xffff  }
0x2a0: {  	v11 =	vor.u32 v2, v11;
	v8 =	vor.u32 v8, v14;
	v14 =	vshll.u32 v9, $0x3;
	v5 =	vld.idx.msk [tilespmem:v5+s2+$0x0], $0xffff  }
0x2a1: {  	v9 =	vand.u32 $0x7F, v9;
	v18 =	vor.u32 v1, v8;
	v14 =	vand.u32 $0x400, v14;
	v12 =	vld.idx.msk [tilespmem:v12+s2+$0x0], $0xffff  }
0x2a2: {  	v8 =	vor.u32 v2, v8;
	v9 =	vor.u32 v9, v14;
	v14 =	vshll.u32 v10, $0x3;
	v16 =	vld.idx.msk [tilespmem:v16+s2+$0x0], $0xffff  }
0x2a3: {  	v10 =	vand.u32 $0x7F, v10;
	v19 =	vor.u32 v1, v9;
	v14 =	vand.u32 $0x400, v14;
	v7 =	vld.idx.msk [tilespmem:v7+s2+$0x0], $0xffff  }
0x2a4: {  	v15 =	vor.u32 v1, v4;
	v9 =	vor.u32 v2, v9;
	v10 =	vor.u32 v10, v14;
	v14 =	vld.idx.msk [tilespmem:v17+s2+$0x0], $0xffff  }
0x2a5: {  	v4 =	vor.u32 v2, v4;
	v11 =	vld.idx.msk [tilespmem:v11+s2+$0x0], $0xffff;
	v17 =	vor.u32 v1, v10;
	v10 =	vor.u32 v2, v10  }
0x2a6: {  	v13 =	vmin.f32 v13, $8.000000000e+01;
	v5 =	vmin.f32 v5, $8.000000000e+01;
	v18 =	vld.idx.msk [tilespmem:v18+s2+$0x0], $0xffff;
	v12 =	vmin.f32 v12, $8.000000000e+01  }
0x2a7: {  	v8 =	vld.idx.msk [tilespmem:v8+s2+$0x0], $0xffff;
	v13 =	vmul.f32 $1.442695020e+00, v13;
	v5 =	vmul.f32 $1.442695020e+00, v5;
	v16 =	vmin.f32 v16, $8.000000000e+01  }
0x2a8: {  	v12 =	vmul.f32 $1.442695020e+00, v12;
	v19 =	vld.idx.msk [tilespmem:v19+s2+$0x0], $0xffff;
	v7 =	vmin.f32 v7, $8.000000000e+01;
	v16 =	vmul.f32 $1.442695020e+00, v16  }
0x2a9: {  	v9 =	vld.idx.msk [tilespmem:v9+s2+$0x0], $0xffff;
	(erf) = vpow2.f32 v13;
	v7 =	vmul.f32 $1.442695020e+00, v7;
	v13 =	vmin.f32 v14, $8.000000000e+01  }
0x2aa: {  	v15 =	vld.idx.msk [tilespmem:v15+s2+$0x0], $0xffff;
	v11 =	vmin.f32 v11, $8.000000000e+01;
	(erf) = vpow2.f32 v5;
	v13 =	vmul.f32 $1.442695020e+00, v13  }
0x2ab: {  	v5 =	vld.idx.msk [tilespmem:v17+s2+$0x0], $0xffff;
	v11 =	vmul.f32 $1.442695020e+00, v11;
	(erf) = vpow2.f32 v16;
	v14 =	vmin.f32 v18, $8.000000000e+01  }
0x2ac: {  	v10 =	vld.idx.msk [tilespmem:v10+s2+$0x0], $0xffff;
	v8 =	vmin.f32 v8, $8.000000000e+01;
	(erf) = vpow2.f32 v7;
	v7 =	vmul.f32 $1.442695020e+00, v14  }
0x2ad: {  	v4 =	vld.idx.msk [tilespmem:v4+s2+$0x0], $0xffff;
	v8 =	vmul.f32 $1.442695020e+00, v8;
	(erf) = vpow2.f32 v13;
	v13 =	vmin.f32 v19, $8.000000000e+01  }
0x2ae: {  	v9 =	vmin.f32 v9, $8.000000000e+01;
	(erf) = vpow2.f32 v11;
	v11 =	vmul.f32 $1.442695020e+00, v13  }
0x2af: {  	v15 =	vmin.f32 v15, $8.000000000e+01;
	(erf) = vpow2.f32 v7;
	v7 =	vmul.f32 $1.442695020e+00, v9  }
0x2b0: {  	v6 =	vld.idx.msk [tilespmem:v6+s2+$0x0], $0xffff;
	v15 =	vmul.f32 $1.442695020e+00, v15;
	v5 =	vmin.f32 v5, $8.000000000e+01;
	(erf) = vpow2.f32 v8  }
0x2b1: {  	v5 =	vmul.f32 $1.442695020e+00, v5;
	v8 =	vmin.f32 v10, $8.000000000e+01;
	(erf) = vpow2.f32 v11  }
0x2b2: {  	v4 =	vmin.f32 v4, $8.000000000e+01;
	v8 =	vmul.f32 $1.442695020e+00, v8;
	v9 =	vpop (erf);
	(erf) = vpow2.f32 v7  }
0x2b3: {  	v3 =	vimm.f32 $0.0e+00;
	v4 =	vmul.f32 $1.442695020e+00, v4;
	v7 =	vpop (erf);
	(erf) = vpow2.f32 v5  }
0x2b4: {  	v5 =	vadd.f32 v9, v3;
	v3 =	vadd.f32 v7, v3;
	v7 =	vpop (erf);
	(erf) = vpow2.f32 v8  }
0x2b5: {  	v6 =	vmin.f32 v6, $8.000000000e+01;
	v9 =	vpop (erf)  }
0x2b6: {  	s23 =	simm.s32 $0x8;
	(erf) = vpow2.f32 v15;
	v5 =	vadd.f32 v7, v5;
	v3 =	vadd.f32 v9, v3;
	v7 =	vpop (erf)  }
0x2b7: {  	v6 =	vmul.f32 $1.442695020e+00, v6;
	v8 =	vadd.s32 s23, v0;
	(erf) = vpow2.f32 v4;
	v4 =	vpop (erf)  }
0x2b8: {  	(erf) = vpow2.f32 v12;
	v5 =	vadd.f32 v7, v5;
	v9 =	vadd.f32 v4, v3;
	v12 =	vpop (erf)  }
0x2b9: {  	v13 =	vpop (erf)  }
0x2ba: {  	s24 =	simm.s32 $0xE;
	(erf) = vpow2.f32 v6;
	v5 =	vadd.f32 v12, v5;
	v12 =	vadd.f32 v13, v9;
	v13 =	vpop (erf)  }
0x2bb: {  	s25 =	simm.s32 $0xF;
	s31 =	simm.s32 $0x9;
	v10 =	vadd.s32 s24, v0;
	v16 =	vand.u32 $0x7F, v8;
	v14 =	vshll.u32 v8, $0x3;
	v8 =	vpop (erf)  }
0x2bc: {  	s26 =	simm.s32 $0xB;
	s30 =	simm.s32 $0xA;
	s28 =	simm.s32 $0xC;
	v11 =	vadd.s32 s25, v0;
	v15 =	vadd.s32 s31, v0;
	v12 =	vadd.f32 v8, v12;
	v17 =	vpop (erf)  }
0x2bd: {  	s29 =	simm.s32 $0xD;
	v7 =	vadd.s32 s30, v0;
	v6 =	vadd.s32 s26, v0;
	v4 =	vadd.s32 s28, v0;
	v18 =	vpop (erf)  }
0x2be: {  	v3 =	vadd.s32 s29, v0;
	v5 =	vadd.f32 v13, v5;
	v12 =	vadd.f32 v18, v12  }
0x2bf: {  	v9 =	vand.u32 $0x7F, v11;
	v11 =	vshll.u32 v11, $0x3;
	v13 =	vshll.u32 v10, $0x3  }
0x2c0: {  	v8 =	vand.u32 $0x7F, v10;
	v10 =	vand.u32 $0x7F, v15;
	v5 =	vadd.f32 v17, v5;
	v17 =	vpop (erf)  }
0x2c1: {  	v18 =	vand.u32 $0x400, v14;
	v14 =	vshll.u32 v15, $0x3;
	v15 =	vand.u32 $0x400, v11;
	v19 =	vpop (erf)  }
0x2c2: {  	s21 =	simm.s32 $0x10;
	v16 =	vor.u32 v16, v18;
	v11 =	vadd.f32 v17, v5;
	v5 =	vadd.f32 v19, v12;
	v12 =	vpop (erf)  }
.LBB2_10:
0x2c3: {  	p0 =	slt.u32 s21, $0xF8;
	v17 =	vor.u32 v1, v16;
	v13 =	vand.u32 $0x400, v13;
	v9 =	vor.u32 v9, v15;
	v15 =	vpop (erf)  }
0x2c4: {  	v16 =	vor.u32 v2, v16;
	v11 =	vadd.f32 v12, v11;
	v5 =	vadd.f32 v15, v5  }
0x2c5: {  	v12 =	vand.u32 $0x400, v14;
	v8 =	vor.u32 v8, v13;
	v13 =	vor.u32 v1, v9  }
0x2c6: {  	v10 =	vor.u32 v10, v12;
	v12 =	vshll.u32 v7, $0x3;
	v14 =	vor.u32 v1, v8  }
0x2c7: {  	v7 =	vand.u32 $0x7F, v7;
	v15 =	vor.u32 v1, v10;
	v12 =	vand.u32 $0x400, v12  }
0x2c8: {  	v10 =	vor.u32 v2, v10;
	v7 =	vor.u32 v7, v12;
	v12 =	vshll.u32 v6, $0x3;
	v17 =	vld.idx.msk [tilespmem:v17+s2+$0x0], $0xffff  }
0x2c9: {  	v6 =	vand.u32 $0x7F, v6;
	v18 =	vor.u32 v1, v7;
	v12 =	vand.u32 $0x400, v12;
	v16 =	vld.idx.msk [tilespmem:v16+s2+$0x0], $0xffff  }
0x2ca: {  	v7 =	vor.u32 v2, v7;
	v6 =	vor.u32 v6, v12;
	v12 =	vshll.u32 v4, $0x3;
	v13 =	vld.idx.msk [tilespmem:v13+s2+$0x0], $0xffff  }
0x2cb: {  	v4 =	vand.u32 $0x7F, v4;
	v19 =	vor.u32 v1, v6;
	v12 =	vand.u32 $0x400, v12;
	v14 =	vld.idx.msk [tilespmem:v14+s2+$0x0], $0xffff  }
0x2cc: {  	v6 =	vor.u32 v2, v6;
	v4 =	vor.u32 v4, v12;
	v12 =	vshll.u32 v3, $0x3;
	v15 =	vld.idx.msk [tilespmem:v15+s2+$0x0], $0xffff  }
0x2cd: {  	v3 =	vand.u32 $0x7F, v3;
	v20 =	vor.u32 v1, v4;
	v12 =	vand.u32 $0x400, v12;
	v10 =	vld.idx.msk [tilespmem:v10+s2+$0x0], $0xffff  }
0x2ce: {  	v9 =	vor.u32 v2, v9;
	v4 =	vor.u32 v2, v4;
	v3 =	vor.u32 v3, v12;
	v18 =	vld.idx.msk [tilespmem:v18+s2+$0x0], $0xffff  }
0x2cf: {  	v8 =	vor.u32 v2, v8;
	v12 =	vor.u32 v1, v3;
	v3 =	vor.u32 v2, v3;
	v7 =	vld.idx.msk [tilespmem:v7+s2+$0x0], $0xffff  }
0x2d0: {  	v17 =	vmin.f32 v17, $8.000000000e+01;
	v16 =	vmin.f32 v16, $8.000000000e+01;
	v13 =	vmin.f32 v13, $8.000000000e+01;
	v19 =	vld.idx.msk [tilespmem:v19+s2+$0x0], $0xffff  }
0x2d1: {  	v17 =	vmul.f32 $1.442695020e+00, v17;
	v16 =	vmul.f32 $1.442695020e+00, v16;
	v14 =	vmin.f32 v14, $8.000000000e+01;
	v6 =	vld.idx.msk [tilespmem:v6+s2+$0x0], $0xffff  }
0x2d2: {  	v13 =	vmul.f32 $1.442695020e+00, v13;
	v15 =	vmin.f32 v15, $8.000000000e+01;
	v14 =	vmul.f32 $1.442695020e+00, v14;
	v20 =	vld.idx.msk [tilespmem:v20+s2+$0x0], $0xffff  }
0x2d3: {  	v15 =	vmul.f32 $1.442695020e+00, v15;
	v10 =	vmin.f32 v10, $8.000000000e+01;
	v4 =	vld.idx.msk [tilespmem:v4+s2+$0x0], $0xffff;
	(erf) = vpow2.f32 v17  }
0x2d4: {  	v10 =	vmul.f32 $1.442695020e+00, v10;
	v17 =	vmin.f32 v18, $8.000000000e+01;
	v12 =	vld.idx.msk [tilespmem:v12+s2+$0x0], $0xffff;
	(erf) = vpow2.f32 v16  }
0x2d5: {  	v16 =	vmul.f32 $1.442695020e+00, v17;
	v7 =	vmin.f32 v7, $8.000000000e+01;
	v3 =	vld.idx.msk [tilespmem:v3+s2+$0x0], $0xffff;
	(erf) = vpow2.f32 v15  }
0x2d6: {  	v7 =	vmul.f32 $1.442695020e+00, v7;
	v15 =	vmin.f32 v19, $8.000000000e+01;
	v8 =	vld.idx.msk [tilespmem:v8+s2+$0x0], $0xffff;
	(erf) = vpow2.f32 v10  }
0x2d7: {  	v10 =	vmul.f32 $1.442695020e+00, v15;
	v6 =	vmin.f32 v6, $8.000000000e+01;
	v9 =	vld.idx.msk [tilespmem:v9+s2+$0x0], $0xffff;
	(erf) = vpow2.f32 v16  }
0x2d8: {  	v6 =	vmul.f32 $1.442695020e+00, v6;
	v15 =	vmin.f32 v20, $8.000000000e+01;
	(erf) = vpow2.f32 v7  }
0x2d9: {  	v7 =	vmul.f32 $1.442695020e+00, v15;
	v4 =	vmin.f32 v4, $8.000000000e+01;
	(erf) = vpow2.f32 v10  }
0x2da: {  	v4 =	vmul.f32 $1.442695020e+00, v4;
	v10 =	vmin.f32 v12, $8.000000000e+01;
	(erf) = vpow2.f32 v6  }
0x2db: {  	v6 =	vmul.f32 $1.442695020e+00, v10;
	v3 =	vmin.f32 v3, $8.000000000e+01;
	(erf) = vpow2.f32 v7  }
0x2dc: {  	v3 =	vmul.f32 $1.442695020e+00, v3;
	v7 =	vmin.f32 v8, $8.000000000e+01;
	v8 =	vpop (erf);
	(erf) = vpow2.f32 v4  }
0x2dd: {  	v4 =	vmul.f32 $1.442695020e+00, v7;
	v10 =	vmin.f32 v9, $8.000000000e+01;
	v9 =	vpop (erf);
	(erf) = vpow2.f32 v6  }
0x2de: {  	v6 =	vadd.f32 v8, v11;
	v5 =	vadd.f32 v9, v5;
	v8 =	vpop (erf);
	(erf) = vpow2.f32 v3  }
0x2df: {  	v9 =	vadd.s32 s21, v0;
	v3 =	vmul.f32 $1.442695020e+00, v10;
	v7 =	vpop (erf);
	(erf) = vpow2.f32 v14  }
0x2e0: {  	s22 =	sadd.s32 $0x6, s21;
	s23 =	sadd.s32 $0x7, s21;
	v6 =	vadd.f32 v8, v6;
	v5 =	vadd.f32 v7, v5;
	v7 =	vpop (erf);
	(erf) = vpow2.f32 v4  }
0x2e1: {  	v11 =	vadd.s32 s23, v0;
	v10 =	vadd.s32 s22, v0;
	v4 =	vpop (erf);
	(erf) = vpow2.f32 v13  }
0x2e2: {  	s24 =	sadd.s32 $0x5, s21;
	s23 =	sadd.s32 $0x4, s21;
	s22 =	sadd.s32 $0x3, s21;
	v8 =	vadd.f32 v7, v6;
	v5 =	vadd.f32 v4, v5;
	v12 =	vpop (erf);
	(erf) = vpow2.f32 v3  }
0x2e3: {  	s25 =	sadd.s32 $0x2, s21;
	v6 =	vadd.s32 s22, v0;
	v4 =	vadd.s32 s23, v0;
	v3 =	vadd.s32 s24, v0;
	v13 =	vpop (erf)  }
0x2e4: {  	s22 =	sadd.s32 $0x1, s21;
	v7 =	vadd.s32 s25, v0;
	v8 =	vadd.f32 v12, v8;
	v5 =	vadd.f32 v13, v5;
	v12 =	vpop (erf)  }
0x2e5: {  	v16 =	vand.u32 $0x7F, v9;
	v14 =	vshll.u32 v9, $0x3;
	v15 =	vadd.s32 s22, v0;
	v13 =	vpop (erf)  }
.Ltmp4:
0x2e6: {  	v9 =	vand.u32 $0x7F, v11;
	v12 =	vadd.f32 v12, v8;
	v5 =	vadd.f32 v13, v5;
	v17 =	vpop (erf);
	(pc) =	sbr.rel @p0 .LBB2_10-.Ltmp4, $4  }
0x2e7: {  	v11 =	vshll.u32 v11, $0x3;
	v8 =	vand.u32 $0x7F, v10;
	v13 =	vshll.u32 v10, $0x3;
	v18 =	vpop (erf)  }
0x2e8: {  	v10 =	vand.u32 $0x7F, v15;
	v20 =	vadd.f32 v17, v12;
	v5 =	vadd.f32 v18, v5;
	v17 =	vpop (erf)  }
0x2e9: {  	v18 =	vand.u32 $0x400, v14;
	v14 =	vshll.u32 v15, $0x3;
	v15 =	vand.u32 $0x400, v11;
	v19 =	vpop (erf)  }
0x2ea: {  	s21 =	sadd.s32 $0x8, s21;
	v16 =	vor.u32 v16, v18;
	v11 =	vadd.f32 v17, v20;
	v5 =	vadd.f32 v19, v5;
	v12 =	vpop (erf)  }
0x2eb: {  	v17 =	vor.u32 v1, v16;
	v13 =	vand.u32 $0x400, v13  }
0x2ec: {  	v9 =	vor.u32 v9, v15;
	v15 =	vor.u32 v2, v16;
	v14 =	vand.u32 $0x400, v14  }
0x2ed: {  	v8 =	vor.u32 v8, v13;
	v10 =	vor.u32 v10, v14;
	v13 =	vshll.u32 v7, $0x3  }
0x2ee: {  	v7 =	vand.u32 $0x7F, v7;
	v16 =	vor.u32 v1, v10;
	v13 =	vand.u32 $0x400, v13  }
0x2ef: {  	v18 =	vshll.u32 v6, $0x3;
	v10 =	vor.u32 v2, v10;
	v7 =	vor.u32 v7, v13  }
0x2f0: {  	v6 =	vand.u32 $0x7F, v6;
	v13 =	vand.u32 $0x400, v18;
	v18 =	vor.u32 v1, v7  }
0x2f1: {  	v7 =	vor.u32 v2, v7;
	v6 =	vor.u32 v6, v13;
	v13 =	vld.idx.msk [tilespmem:v15+s2+$0x0], $0xffff;
	v15 =	vshll.u32 v4, $0x3  }
0x2f2: {  	v17 =	vld.idx.msk [tilespmem:v17+s2+$0x0], $0xffff;
	v19 =	vor.u32 v1, v6;
	v4 =	vand.u32 $0x7F, v4;
	v15 =	vand.u32 $0x400, v15  }
0x2f3: {  	v20 =	vshll.u32 v3, $0x3;
	v6 =	vor.u32 v2, v6;
	v16 =	vld.idx.msk [tilespmem:v16+s2+$0x0], $0xffff;
	v4 =	vor.u32 v4, v15  }
0x2f4: {  	v3 =	vand.u32 $0x7F, v3;
	v11 =	vadd.f32 v12, v11;
	v10 =	vld.idx.msk [tilespmem:v10+s2+$0x0], $0xffff;
	v12 =	vor.u32 v1, v4  }
0x2f5: {  	v14 =	vor.u32 v1, v8;
	v8 =	vor.u32 v2, v8;
	v15 =	vand.u32 $0x400, v20;
	v18 =	vld.idx.msk [tilespmem:v18+s2+$0x0], $0xffff  }
0x2f6: {  	v3 =	vor.u32 v3, v15;
	v15 =	vor.u32 v1, v9;
	v4 =	vor.u32 v2, v4;
	v7 =	vld.idx.msk [tilespmem:v7+s2+$0x0], $0xffff  }
0x2f7: {  	v63 =	vor.u32 v1, v3;
	v3 =	vor.u32 v2, v3;
	v17 =	vmin.f32 v17, $8.000000000e+01;
	v19 =	vld.idx.msk [tilespmem:v19+s2+$0x0], $0xffff  }
0x2f8: {  	v13 =	vmin.f32 v13, $8.000000000e+01;
	v6 =	vld.idx.msk [tilespmem:v6+s2+$0x0], $0xffff;
	v17 =	vmul.f32 $1.442695020e+00, v17;
	v16 =	vmin.f32 v16, $8.000000000e+01  }
0x2f9: {  	v13 =	vmul.f32 $1.442695020e+00, v13;
	v10 =	vmin.f32 v10, $8.000000000e+01;
	v12 =	vld.idx.msk [tilespmem:v12+s2+$0x0], $0xffff;
	v16 =	vmul.f32 $1.442695020e+00, v16  }
0x2fa: {  	v14 =	vld.idx.msk [tilespmem:v14+s2+$0x0], $0xffff;
	(erf) = vpow2.f32 v17;
	v10 =	vmul.f32 $1.442695020e+00, v10;
	v17 =	vmin.f32 v18, $8.000000000e+01  }
0x2fb: {  	v4 =	vld.idx.msk [tilespmem:v4+s2+$0x0], $0xffff;
	(erf) = vpow2.f32 v13;
	v7 =	vmin.f32 v7, $8.000000000e+01;
	v17 =	vmul.f32 $1.442695020e+00, v17  }
0x2fc: {  	v13 =	vld.idx.msk [tilespmem:v63+s2+$0x0], $0xffff;
	(erf) = vpow2.f32 v16;
	v7 =	vmul.f32 $1.442695020e+00, v7;
	v16 =	vmin.f32 v19, $8.000000000e+01  }
0x2fd: {  	v3 =	vld.idx.msk [tilespmem:v3+s2+$0x0], $0xffff;
	v6 =	vmin.f32 v6, $8.000000000e+01;
	(erf) = vpow2.f32 v10;
	v10 =	vmul.f32 $1.442695020e+00, v16  }
0x2fe: {  	v8 =	vld.idx.msk [tilespmem:v8+s2+$0x0], $0xffff;
	v6 =	vmul.f32 $1.442695020e+00, v6;
	(erf) = vpow2.f32 v17;
	v12 =	vmin.f32 v12, $8.000000000e+01  }
0x2ff: {  	(erf) = vpow2.f32 v7;
	v7 =	vld.idx.msk [tilespmem:v15+s2+$0x0], $0xffff;
	v12 =	vmul.f32 $1.442695020e+00, v12  }
0x300: {  	v14 =	vmin.f32 v14, $8.000000000e+01;
	v4 =	vmin.f32 v4, $8.000000000e+01;
	(erf) = vpow2.f32 v10  }
0x301: {  	v4 =	vmul.f32 $1.442695020e+00, v4;
	v10 =	vmin.f32 v13, $8.000000000e+01;
	(erf) = vpow2.f32 v6  }
0x302: {  	v3 =	vmin.f32 v3, $8.000000000e+01;
	v6 =	vpop (erf);
	v10 =	vmul.f32 $1.442695020e+00, v10;
	(erf) = vpow2.f32 v12  }
0x303: {  	v3 =	vmul.f32 $1.442695020e+00, v3;
	v12 =	vpop (erf);
	(erf) = vpow2.f32 v4;
	v4 =	vmin.f32 v8, $8.000000000e+01  }
0x304: {  	v7 =	vmin.f32 v7, $8.000000000e+01;
	v8 =	vpop (erf);
	(erf) = vpow2.f32 v10;
	v10 =	vadd.f32 v12, v11  }
0x305: {  	v14 =	vmul.f32 $1.442695020e+00, v14;
	v11 =	vpop (erf)  }
0x306: {  	v4 =	vmul.f32 $1.442695020e+00, v4;
	(erf) = vpow2.f32 v3;
	v10 =	vadd.f32 v11, v10  }
0x307: {  	v3 =	vmul.f32 $1.442695020e+00, v7;
	v7 =	vpop (erf);
	(erf) = vpow2.f32 v14  }
0x308: {  	v11 =	vpop (erf);
	(erf) = vpow2.f32 v4;
	v4 =	vor.u32 v2, v9  }
0x309: {  	v9 =	vpop (erf);
	(erf) = vpow2.f32 v3;
	v3 =	vadd.f32 v11, v10  }
0x30a: {  	v10 =	vpop (erf)  }
0x30b: {  	v11 =	vpop (erf);
	v3 =	vadd.f32 v10, v3  }
0x30c: {  	v10 =	vpop (erf)  }
0x30d: {  	v4 =	vld.idx.msk [tilespmem:v4+s2+$0x0], $0xffff;
	v12 =	vpop (erf);
	v3 =	vadd.f32 v10, v3  }
0x30e: {  	v10 =	vpop (erf)  }
0x30f: {  	v5 =	vadd.f32 v6, v5;
	v13 =	vpop (erf);
	v3 =	vadd.f32 v10, v3  }
0x310: {  	v6 =	vpop (erf)  }
0x311: {  	v5 =	vadd.f32 v8, v5;
	v10 =	vpop (erf);
	v3 =	vadd.f32 v6, v3  }
0x312: {  	v4 =	vmin.f32 v4, $8.000000000e+01;
	v6 =	vpop (erf)  }
0x313: {  	v5 =	vadd.f32 v7, v5;
	v4 =	vmul.f32 $1.442695020e+00, v4;
	v3 =	vadd.f32 v6, v3;
	_ =	sdelay $0x1  }
0x314: {  	v5 =	vadd.f32 v9, v5;
	(erf) = vpow2.f32 v4;
	v6 =	vand.u32 $0x7FFFFF, v3  }
0x315: {  	v4 =	vor.u32 $0x3F800000, v6  }
0x316: {  	v5 =	vadd.f32 v11, v5;
	v4 =	vadd.f32 $-1.000000000e+00, v4;
	_ =	sdelay $0x1  }
0x317: {  	v5 =	vadd.f32 v12, v5;
	v6 =	vmul.f32 $3.010262550e-02, v4;
	_ =	sdelay $0x1  }
0x318: {  	v7 =	vld [tilespmem:$0x4200];
	v5 =	vadd.f32 v13, v5;
	v6 =	vadd.f32 $-1.301194130e-01, v6;
	_ =	sdelay $0x1  }
0x319: {  	v5 =	vadd.f32 v10, v5;
	v6 =	vmul.f32 v6, v4  }
0x31a: {  	v8 =	vpop (erf)  }
0x31b: {  	v5 =	vadd.f32 v8, v5;
	v6 =	vadd.f32 $2.833043340e-01, v6  }
0x31c: {  	v8 =	vshll.u32 v7, $0x3;
	v7 =	vand.u32 $0x7F, v7  }
0x31d: {  	v8 =	vand.u32 $0xFFFFFC00, v8;
	v9 =	vand.u32 $0x7FFFFF, v5;
	v6 =	vmul.f32 v6, v4  }
0x31e: {  	v7 =	vor.u32 v7, v8;
	v8 =	vor.u32 $0x3F800000, v9  }
0x31f: {  	v7 =	vadd.s32 v1, v7;
	v8 =	vadd.f32 $-1.000000000e+00, v8;
	v6 =	vadd.f32 $-4.891568420e-01, v6;
	_ =	sdelay $0x1  }
0x320: {  	v9 =	vmul.f32 $3.010262550e-02, v8;
	v6 =	vmul.f32 v6, v4  }
0x321: {  	v10 =	vld [tilespmem:$0x4210]  }
0x322: {  	s21 =	simm.s32 $0x0;
	v3 =	vshrl.u32 v3, $0x17;
	v9 =	vadd.f32 $-1.301194130e-01, v9;
	v6 =	vadd.f32 $9.990104430e-01, v6  }
0x323: {  	v3 =	vand.u32 $0xFF, v3;
	v7 =	vld.idx.msk [tilespmem:v7+s21+$0x0], $0xffff  }
0x324: {  	v3 =	vadd.s32 $0xFFFFFF81, v3;
	v9 =	vmul.f32 v9, v8;
	v4 =	vmul.f32 v6, v4;
	v6 =	vld [tilespmem:$0x4400]  }
0x325: {  	v3 =	vcvt.s32.f32 v3  }
0x326: {  	v11 =	vshll.u32 v10, $0x3;
	v10 =	vand.u32 $0x7F, v10;
	v9 =	vadd.f32 $2.833043340e-01, v9  }
0x327: {  	v11 =	vand.u32 $0xFFFFFC00, v11;
	v3 =	vmul.f32 $6.931471820e-01, v3;
	v4 =	vadd.f32 $2.211703030e-05, v4  }
0x328: {  	v10 =	vor.u32 v10, v11;
	v9 =	vmul.f32 v9, v8  }
0x329: {  	v3 =	vadd.f32 v4, v3;
	v4 =	vadd.f32 v6, v7;
	v6 =	vadd.s32 v2, v10  }
0x32a: {  	v7 =	vadd.f32 $-4.891568420e-01, v9  }
0x32b: {  	v3 =	vsub.f32 v4, v3  }
0x32c: {  	v4 =	vmul.f32 v7, v8  }
0x32d: {  	[tilespmem:$0x4400] =	vst v3;
	v3 =	vshrl.u32 v5, $0x17  }
0x32e: {  	v4 =	vadd.f32 $9.990104430e-01, v4;
	v3 =	vand.u32 $0xFF, v3;
	v5 =	vld.idx.msk [tilespmem:v6+s21+$0x0], $0xffff  }
0x32f: {  	s31 =	simm.s32 $0x1;
	v6 =	vld [tilespmem:$0x4410];
	v3 =	vadd.s32 $0xFFFFFF81, v3  }
0x330: {  	s24 =	simm.s32 $0x4;
	s30 =	simm.s32 $0x2;
	v13 =	vadd.s32 s31, v0;
	v4 =	vmul.f32 v4, v8;
	v3 =	vcvt.s32.f32 v3  }
0x331: {  	s23 =	simm.s32 $0x7;
	v16 =	vand.u32 $0x7F, v13;
	v11 =	vadd.s32 s30, v0;
	v9 =	vadd.s32 s24, v0  }
0x332: {  	s29 =	simm.s32 $0x5;
	v7 =	vadd.s32 s23, v0;
	v4 =	vadd.f32 $2.211703030e-05, v4;
	v3 =	vmul.f32 $6.931471820e-01, v3  }
0x333: {  	v10 =	vadd.s32 s29, v0;
	v14 =	vand.u32 $0x7F, v7;
	v7 =	vshll.u32 v7, $0x3  }
0x334: {  	v3 =	vadd.f32 v4, v3;
	v4 =	vadd.f32 v6, v5;
	v5 =	vadd.s32 s21, v0  }
0x335: {  	s22 =	simm.s32 $0x6;
	s28 =	simm.s32 $0x3;
	v7 =	vand.u32 $0x400, v7;
	v12 =	vand.u32 $0x7F, v5;
	v5 =	vshll.u32 v5, $0x3  }
0x336: {  	v8 =	vadd.s32 s28, v0;
	v6 =	vadd.s32 s22, v0;
	v5 =	vand.u32 $0x400, v5  }
0x337: {  	v15 =	vand.u32 $0x7F, v6;
	v4 =	vsub.f32 v4, v3;
	v5 =	vor.u32 v12, v5  }
0x338: {  	v6 =	vshll.u32 v6, $0x3;
	v12 =	vshll.u32 v13, $0x3;
	v13 =	vor.u32 v1, v5  }
0x339: {  	[tilespmem:$0x4410] =	vst v4;
	v4 =	vand.u32 $0x400, v6;
	v6 =	vor.u32 v14, v7;
	v5 =	vor.u32 v2, v5  }
0x33a: {  	v7 =	vand.u32 $0x400, v12;
	v14 =	vshll.u32 v11, $0x3;
	v11 =	vand.u32 $0x7F, v11;
	[tilespmem:s21], [sflag:$0x1] =	stream.linear.gather [hbm4b:s10+s21], $0x2000, $0x38;
	[tilespmem:$0x4480] =	vst v63  }
0x33b: {  	v4 =	vor.u32 v15, v4;
	v12 =	vor.u32 v1, v6;
	v7 =	vor.u32 v16, v7;
	_ =	swait.ge [sflag:s18], $0x2000  }
0x33c: {  	v14 =	vand.u32 $0x400, v14;
	v6 =	vor.u32 v2, v6;
	v16 =	vor.u32 v1, v7;
	[sflag:s18] =	ssyncset.done $0x0  }
0x33d: {  	v7 =	vor.u32 v2, v7;
	v11 =	vor.u32 v11, v14;
	v14 =	vshll.u32 v8, $0x3;
	[sflag:s18] =	ssyncadd.s32 $0xFFFFE000  }
0x33e: {  	v8 =	vand.u32 $0x7F, v8;
	v17 =	vor.u32 v1, v11;
	v14 =	vand.u32 $0x400, v14;
	v13 =	vld.idx.msk [tilespmem:v13+s16+$0x0], $0xffff  }
0x33f: {  	v11 =	vor.u32 v2, v11;
	v8 =	vor.u32 v8, v14;
	v14 =	vshll.u32 v9, $0x3;
	v5 =	vld.idx.msk [tilespmem:v5+s16+$0x0], $0xffff  }
0x340: {  	v9 =	vand.u32 $0x7F, v9;
	v18 =	vor.u32 v1, v8;
	v14 =	vand.u32 $0x400, v14;
	v12 =	vld.idx.msk [tilespmem:v12+s16+$0x0], $0xffff  }
0x341: {  	v8 =	vor.u32 v2, v8;
	v9 =	vor.u32 v9, v14;
	v14 =	vshll.u32 v10, $0x3;
	v16 =	vld.idx.msk [tilespmem:v16+s16+$0x0], $0xffff  }
0x342: {  	v10 =	vand.u32 $0x7F, v10;
	v19 =	vor.u32 v1, v9;
	v14 =	vand.u32 $0x400, v14;
	v7 =	vld.idx.msk [tilespmem:v7+s16+$0x0], $0xffff  }
0x343: {  	v15 =	vor.u32 v1, v4;
	v9 =	vor.u32 v2, v9;
	v10 =	vor.u32 v10, v14;
	v14 =	vld.idx.msk [tilespmem:v17+s16+$0x0], $0xffff  }
0x344: {  	v4 =	vor.u32 v2, v4;
	v11 =	vld.idx.msk [tilespmem:v11+s16+$0x0], $0xffff;
	v17 =	vor.u32 v1, v10;
	v10 =	vor.u32 v2, v10  }
0x345: {  	v13 =	vmin.f32 v13, $8.000000000e+01;
	v5 =	vmin.f32 v5, $8.000000000e+01;
	v18 =	vld.idx.msk [tilespmem:v18+s16+$0x0], $0xffff;
	v12 =	vmin.f32 v12, $8.000000000e+01  }
0x346: {  	v8 =	vld.idx.msk [tilespmem:v8+s16+$0x0], $0xffff;
	v13 =	vmul.f32 $1.442695020e+00, v13;
	v5 =	vmul.f32 $1.442695020e+00, v5;
	v16 =	vmin.f32 v16, $8.000000000e+01  }
0x347: {  	v12 =	vmul.f32 $1.442695020e+00, v12;
	v19 =	vld.idx.msk [tilespmem:v19+s16+$0x0], $0xffff;
	v7 =	vmin.f32 v7, $8.000000000e+01;
	v16 =	vmul.f32 $1.442695020e+00, v16  }
0x348: {  	v9 =	vld.idx.msk [tilespmem:v9+s16+$0x0], $0xffff;
	(erf) = vpow2.f32 v13;
	v7 =	vmul.f32 $1.442695020e+00, v7;
	v13 =	vmin.f32 v14, $8.000000000e+01  }
0x349: {  	v15 =	vld.idx.msk [tilespmem:v15+s16+$0x0], $0xffff;
	v11 =	vmin.f32 v11, $8.000000000e+01;
	(erf) = vpow2.f32 v5;
	v13 =	vmul.f32 $1.442695020e+00, v13  }
0x34a: {  	v5 =	vld.idx.msk [tilespmem:v17+s16+$0x0], $0xffff;
	v11 =	vmul.f32 $1.442695020e+00, v11;
	(erf) = vpow2.f32 v16;
	v14 =	vmin.f32 v18, $8.000000000e+01  }
0x34b: {  	v10 =	vld.idx.msk [tilespmem:v10+s16+$0x0], $0xffff;
	v8 =	vmin.f32 v8, $8.000000000e+01;
	(erf) = vpow2.f32 v7;
	v7 =	vmul.f32 $1.442695020e+00, v14  }
0x34c: {  	v4 =	vld.idx.msk [tilespmem:v4+s16+$0x0], $0xffff;
	v8 =	vmul.f32 $1.442695020e+00, v8;
	(erf) = vpow2.f32 v13;
	v13 =	vmin.f32 v19, $8.000000000e+01  }
0x34d: {  	v9 =	vmin.f32 v9, $8.000000000e+01;
	(erf) = vpow2.f32 v11;
	v11 =	vmul.f32 $1.442695020e+00, v13  }
0x34e: {  	v15 =	vmin.f32 v15, $8.000000000e+01;
	(erf) = vpow2.f32 v7;
	v7 =	vmul.f32 $1.442695020e+00, v9  }
0x34f: {  	v6 =	vld.idx.msk [tilespmem:v6+s16+$0x0], $0xffff;
	v15 =	vmul.f32 $1.442695020e+00, v15;
	v5 =	vmin.f32 v5, $8.000000000e+01;
	(erf) = vpow2.f32 v8  }
0x350: {  	v5 =	vmul.f32 $1.442695020e+00, v5;
	v8 =	vmin.f32 v10, $8.000000000e+01;
	(erf) = vpow2.f32 v11  }
0x351: {  	v4 =	vmin.f32 v4, $8.000000000e+01;
	v8 =	vmul.f32 $1.442695020e+00, v8;
	v9 =	vpop (erf);
	(erf) = vpow2.f32 v7  }
0x352: {  	v3 =	vimm.f32 $0.0e+00;
	v4 =	vmul.f32 $1.442695020e+00, v4;
	v7 =	vpop (erf);
	(erf) = vpow2.f32 v5  }
0x353: {  	v5 =	vadd.f32 v9, v3;
	v3 =	vadd.f32 v7, v3;
	v7 =	vpop (erf);
	(erf) = vpow2.f32 v8  }
0x354: {  	v6 =	vmin.f32 v6, $8.000000000e+01;
	v9 =	vpop (erf)  }
0x355: {  	s23 =	simm.s32 $0x8;
	(erf) = vpow2.f32 v15;
	v5 =	vadd.f32 v7, v5;
	v3 =	vadd.f32 v9, v3;
	v7 =	vpop (erf)  }
0x356: {  	v6 =	vmul.f32 $1.442695020e+00, v6;
	v8 =	vadd.s32 s23, v0;
	(erf) = vpow2.f32 v4;
	v4 =	vpop (erf)  }
0x357: {  	(erf) = vpow2.f32 v12;
	v5 =	vadd.f32 v7, v5;
	v9 =	vadd.f32 v4, v3;
	v12 =	vpop (erf)  }
0x358: {  	v13 =	vpop (erf)  }
0x359: {  	s24 =	simm.s32 $0xE;
	(erf) = vpow2.f32 v6;
	v5 =	vadd.f32 v12, v5;
	v12 =	vadd.f32 v13, v9;
	v13 =	vpop (erf)  }
0x35a: {  	s25 =	simm.s32 $0xF;
	s31 =	simm.s32 $0x9;
	v10 =	vadd.s32 s24, v0;
	v16 =	vand.u32 $0x7F, v8;
	v14 =	vshll.u32 v8, $0x3;
	v8 =	vpop (erf)  }
0x35b: {  	s26 =	simm.s32 $0xB;
	s30 =	simm.s32 $0xA;
	s28 =	simm.s32 $0xC;
	v11 =	vadd.s32 s25, v0;
	v15 =	vadd.s32 s31, v0;
	v12 =	vadd.f32 v8, v12;
	v17 =	vpop (erf)  }
0x35c: {  	s29 =	simm.s32 $0xD;
	v7 =	vadd.s32 s30, v0;
	v6 =	vadd.s32 s26, v0;
	v4 =	vadd.s32 s28, v0;
	v18 =	vpop (erf)  }
0x35d: {  	v3 =	vadd.s32 s29, v0;
	v5 =	vadd.f32 v13, v5;
	v12 =	vadd.f32 v18, v12  }
0x35e: {  	v9 =	vand.u32 $0x7F, v11;
	v11 =	vshll.u32 v11, $0x3;
	v13 =	vshll.u32 v10, $0x3  }
0x35f: {  	v8 =	vand.u32 $0x7F, v10;
	v10 =	vand.u32 $0x7F, v15;
	v5 =	vadd.f32 v17, v5;
	v17 =	vpop (erf)  }
0x360: {  	v18 =	vand.u32 $0x400, v14;
	v14 =	vshll.u32 v15, $0x3;
	v15 =	vand.u32 $0x400, v11;
	v19 =	vpop (erf)  }
0x361: {  	s21 =	simm.s32 $0x10;
	v16 =	vor.u32 v16, v18;
	v11 =	vadd.f32 v17, v5;
	v5 =	vadd.f32 v19, v12;
	v12 =	vpop (erf)  }
.LBB2_12:
0x362: {  	p0 =	slt.u32 s21, $0xF8;
	v17 =	vor.u32 v1, v16;
	v13 =	vand.u32 $0x400, v13;
	v9 =	vor.u32 v9, v15;
	v15 =	vpop (erf)  }
0x363: {  	v16 =	vor.u32 v2, v16;
	v11 =	vadd.f32 v12, v11;
	v5 =	vadd.f32 v15, v5  }
0x364: {  	v12 =	vand.u32 $0x400, v14;
	v8 =	vor.u32 v8, v13;
	v13 =	vor.u32 v1, v9  }
0x365: {  	v10 =	vor.u32 v10, v12;
	v12 =	vshll.u32 v7, $0x3;
	v14 =	vor.u32 v1, v8  }
0x366: {  	v7 =	vand.u32 $0x7F, v7;
	v15 =	vor.u32 v1, v10;
	v12 =	vand.u32 $0x400, v12  }
0x367: {  	v10 =	vor.u32 v2, v10;
	v7 =	vor.u32 v7, v12;
	v12 =	vshll.u32 v6, $0x3;
	v17 =	vld.idx.msk [tilespmem:v17+s16+$0x0], $0xffff  }
0x368: {  	v6 =	vand.u32 $0x7F, v6;
	v18 =	vor.u32 v1, v7;
	v12 =	vand.u32 $0x400, v12;
	v16 =	vld.idx.msk [tilespmem:v16+s16+$0x0], $0xffff  }
0x369: {  	v7 =	vor.u32 v2, v7;
	v6 =	vor.u32 v6, v12;
	v12 =	vshll.u32 v4, $0x3;
	v13 =	vld.idx.msk [tilespmem:v13+s16+$0x0], $0xffff  }
0x36a: {  	v4 =	vand.u32 $0x7F, v4;
	v19 =	vor.u32 v1, v6;
	v12 =	vand.u32 $0x400, v12;
	v14 =	vld.idx.msk [tilespmem:v14+s16+$0x0], $0xffff  }
0x36b: {  	v6 =	vor.u32 v2, v6;
	v4 =	vor.u32 v4, v12;
	v12 =	vshll.u32 v3, $0x3;
	v15 =	vld.idx.msk [tilespmem:v15+s16+$0x0], $0xffff  }
0x36c: {  	v3 =	vand.u32 $0x7F, v3;
	v20 =	vor.u32 v1, v4;
	v12 =	vand.u32 $0x400, v12;
	v10 =	vld.idx.msk [tilespmem:v10+s16+$0x0], $0xffff  }
0x36d: {  	v9 =	vor.u32 v2, v9;
	v4 =	vor.u32 v2, v4;
	v3 =	vor.u32 v3, v12;
	v18 =	vld.idx.msk [tilespmem:v18+s16+$0x0], $0xffff  }
0x36e: {  	v8 =	vor.u32 v2, v8;
	v12 =	vor.u32 v1, v3;
	v3 =	vor.u32 v2, v3;
	v7 =	vld.idx.msk [tilespmem:v7+s16+$0x0], $0xffff  }
0x36f: {  	v17 =	vmin.f32 v17, $8.000000000e+01;
	v16 =	vmin.f32 v16, $8.000000000e+01;
	v13 =	vmin.f32 v13, $8.000000000e+01;
	v19 =	vld.idx.msk [tilespmem:v19+s16+$0x0], $0xffff  }
0x370: {  	v17 =	vmul.f32 $1.442695020e+00, v17;
	v16 =	vmul.f32 $1.442695020e+00, v16;
	v14 =	vmin.f32 v14, $8.000000000e+01;
	v6 =	vld.idx.msk [tilespmem:v6+s16+$0x0], $0xffff  }
0x371: {  	v13 =	vmul.f32 $1.442695020e+00, v13;
	v15 =	vmin.f32 v15, $8.000000000e+01;
	v14 =	vmul.f32 $1.442695020e+00, v14;
	v20 =	vld.idx.msk [tilespmem:v20+s16+$0x0], $0xffff  }
0x372: {  	v15 =	vmul.f32 $1.442695020e+00, v15;
	v10 =	vmin.f32 v10, $8.000000000e+01;
	v4 =	vld.idx.msk [tilespmem:v4+s16+$0x0], $0xffff;
	(erf) = vpow2.f32 v17  }
0x373: {  	v10 =	vmul.f32 $1.442695020e+00, v10;
	v17 =	vmin.f32 v18, $8.000000000e+01;
	v12 =	vld.idx.msk [tilespmem:v12+s16+$0x0], $0xffff;
	(erf) = vpow2.f32 v16  }
0x374: {  	v16 =	vmul.f32 $1.442695020e+00, v17;
	v7 =	vmin.f32 v7, $8.000000000e+01;
	v3 =	vld.idx.msk [tilespmem:v3+s16+$0x0], $0xffff;
	(erf) = vpow2.f32 v15  }
0x375: {  	v7 =	vmul.f32 $1.442695020e+00, v7;
	v15 =	vmin.f32 v19, $8.000000000e+01;
	v8 =	vld.idx.msk [tilespmem:v8+s16+$0x0], $0xffff;
	(erf) = vpow2.f32 v10  }
0x376: {  	v10 =	vmul.f32 $1.442695020e+00, v15;
	v6 =	vmin.f32 v6, $8.000000000e+01;
	v9 =	vld.idx.msk [tilespmem:v9+s16+$0x0], $0xffff;
	(erf) = vpow2.f32 v16  }
0x377: {  	v6 =	vmul.f32 $1.442695020e+00, v6;
	v15 =	vmin.f32 v20, $8.000000000e+01;
	(erf) = vpow2.f32 v7  }
0x378: {  	v7 =	vmul.f32 $1.442695020e+00, v15;
	v4 =	vmin.f32 v4, $8.000000000e+01;
	(erf) = vpow2.f32 v10  }
0x379: {  	v4 =	vmul.f32 $1.442695020e+00, v4;
	v10 =	vmin.f32 v12, $8.000000000e+01;
	(erf) = vpow2.f32 v6  }
0x37a: {  	v6 =	vmul.f32 $1.442695020e+00, v10;
	v3 =	vmin.f32 v3, $8.000000000e+01;
	(erf) = vpow2.f32 v7  }
0x37b: {  	v3 =	vmul.f32 $1.442695020e+00, v3;
	v7 =	vmin.f32 v8, $8.000000000e+01;
	v8 =	vpop (erf);
	(erf) = vpow2.f32 v4  }
0x37c: {  	v4 =	vmul.f32 $1.442695020e+00, v7;
	v10 =	vmin.f32 v9, $8.000000000e+01;
	v9 =	vpop (erf);
	(erf) = vpow2.f32 v6  }
0x37d: {  	v6 =	vadd.f32 v8, v11;
	v5 =	vadd.f32 v9, v5;
	v8 =	vpop (erf);
	(erf) = vpow2.f32 v3  }
0x37e: {  	v9 =	vadd.s32 s21, v0;
	v3 =	vmul.f32 $1.442695020e+00, v10;
	v7 =	vpop (erf);
	(erf) = vpow2.f32 v14  }
0x37f: {  	s22 =	sadd.s32 $0x6, s21;
	s23 =	sadd.s32 $0x7, s21;
	v6 =	vadd.f32 v8, v6;
	v5 =	vadd.f32 v7, v5;
	v7 =	vpop (erf);
	(erf) = vpow2.f32 v4  }
0x380: {  	v11 =	vadd.s32 s23, v0;
	v10 =	vadd.s32 s22, v0;
	v4 =	vpop (erf);
	(erf) = vpow2.f32 v13  }
0x381: {  	s24 =	sadd.s32 $0x5, s21;
	s23 =	sadd.s32 $0x4, s21;
	s22 =	sadd.s32 $0x3, s21;
	v8 =	vadd.f32 v7, v6;
	v5 =	vadd.f32 v4, v5;
	v12 =	vpop (erf);
	(erf) = vpow2.f32 v3  }
0x382: {  	s25 =	sadd.s32 $0x2, s21;
	v6 =	vadd.s32 s22, v0;
	v4 =	vadd.s32 s23, v0;
	v3 =	vadd.s32 s24, v0;
	v13 =	vpop (erf)  }
0x383: {  	s22 =	sadd.s32 $0x1, s21;
	v7 =	vadd.s32 s25, v0;
	v8 =	vadd.f32 v12, v8;
	v5 =	vadd.f32 v13, v5;
	v12 =	vpop (erf)  }
0x384: {  	v16 =	vand.u32 $0x7F, v9;
	v14 =	vshll.u32 v9, $0x3;
	v15 =	vadd.s32 s22, v0;
	v13 =	vpop (erf)  }
.Ltmp5:
0x385: {  	v9 =	vand.u32 $0x7F, v11;
	v12 =	vadd.f32 v12, v8;
	v5 =	vadd.f32 v13, v5;
	v17 =	vpop (erf);
	(pc) =	sbr.rel @p0 .LBB2_12-.Ltmp5, $4  }
0x386: {  	v11 =	vshll.u32 v11, $0x3;
	v8 =	vand.u32 $0x7F, v10;
	v13 =	vshll.u32 v10, $0x3;
	v18 =	vpop (erf)  }
0x387: {  	v10 =	vand.u32 $0x7F, v15;
	v20 =	vadd.f32 v17, v12;
	v5 =	vadd.f32 v18, v5;
	v17 =	vpop (erf)  }
0x388: {  	v18 =	vand.u32 $0x400, v14;
	v14 =	vshll.u32 v15, $0x3;
	v15 =	vand.u32 $0x400, v11;
	v19 =	vpop (erf)  }
0x389: {  	s21 =	sadd.s32 $0x8, s21;
	v16 =	vor.u32 v16, v18;
	v11 =	vadd.f32 v17, v20;
	v5 =	vadd.f32 v19, v5;
	v12 =	vpop (erf)  }
0x38a: {  	v17 =	vor.u32 v1, v16;
	v13 =	vand.u32 $0x400, v13  }
0x38b: {  	v9 =	vor.u32 v9, v15;
	v15 =	vor.u32 v2, v16;
	v14 =	vand.u32 $0x400, v14  }
0x38c: {  	v8 =	vor.u32 v8, v13;
	v10 =	vor.u32 v10, v14;
	v13 =	vshll.u32 v7, $0x3  }
0x38d: {  	v7 =	vand.u32 $0x7F, v7;
	v16 =	vor.u32 v1, v10;
	v13 =	vand.u32 $0x400, v13  }
0x38e: {  	v18 =	vshll.u32 v6, $0x3;
	v10 =	vor.u32 v2, v10;
	v7 =	vor.u32 v7, v13  }
0x38f: {  	v6 =	vand.u32 $0x7F, v6;
	v13 =	vand.u32 $0x400, v18;
	v18 =	vor.u32 v1, v7  }
0x390: {  	v7 =	vor.u32 v2, v7;
	v6 =	vor.u32 v6, v13;
	v13 =	vld.idx.msk [tilespmem:v15+s16+$0x0], $0xffff;
	v15 =	vshll.u32 v4, $0x3  }
0x391: {  	v17 =	vld.idx.msk [tilespmem:v17+s16+$0x0], $0xffff;
	v19 =	vor.u32 v1, v6;
	v4 =	vand.u32 $0x7F, v4;
	v15 =	vand.u32 $0x400, v15  }
0x392: {  	v20 =	vshll.u32 v3, $0x3;
	v6 =	vor.u32 v2, v6;
	v16 =	vld.idx.msk [tilespmem:v16+s16+$0x0], $0xffff;
	v4 =	vor.u32 v4, v15  }
0x393: {  	v3 =	vand.u32 $0x7F, v3;
	v11 =	vadd.f32 v12, v11;
	v10 =	vld.idx.msk [tilespmem:v10+s16+$0x0], $0xffff;
	v12 =	vor.u32 v1, v4  }
0x394: {  	v14 =	vor.u32 v1, v8;
	v8 =	vor.u32 v2, v8;
	v15 =	vand.u32 $0x400, v20;
	v18 =	vld.idx.msk [tilespmem:v18+s16+$0x0], $0xffff  }
0x395: {  	v3 =	vor.u32 v3, v15;
	v15 =	vor.u32 v1, v9;
	v4 =	vor.u32 v2, v4;
	v7 =	vld.idx.msk [tilespmem:v7+s16+$0x0], $0xffff  }
0x396: {  	v63 =	vor.u32 v1, v3;
	v3 =	vor.u32 v2, v3;
	v17 =	vmin.f32 v17, $8.000000000e+01;
	v19 =	vld.idx.msk [tilespmem:v19+s16+$0x0], $0xffff  }
0x397: {  	v13 =	vmin.f32 v13, $8.000000000e+01;
	v6 =	vld.idx.msk [tilespmem:v6+s16+$0x0], $0xffff;
	v17 =	vmul.f32 $1.442695020e+00, v17;
	v16 =	vmin.f32 v16, $8.000000000e+01  }
0x398: {  	v13 =	vmul.f32 $1.442695020e+00, v13;
	v10 =	vmin.f32 v10, $8.000000000e+01;
	v12 =	vld.idx.msk [tilespmem:v12+s16+$0x0], $0xffff;
	v16 =	vmul.f32 $1.442695020e+00, v16  }
0x399: {  	v14 =	vld.idx.msk [tilespmem:v14+s16+$0x0], $0xffff;
	(erf) = vpow2.f32 v17;
	v10 =	vmul.f32 $1.442695020e+00, v10;
	v17 =	vmin.f32 v18, $8.000000000e+01  }
0x39a: {  	v4 =	vld.idx.msk [tilespmem:v4+s16+$0x0], $0xffff;
	(erf) = vpow2.f32 v13;
	v7 =	vmin.f32 v7, $8.000000000e+01;
	v17 =	vmul.f32 $1.442695020e+00, v17  }
0x39b: {  	v13 =	vld.idx.msk [tilespmem:v63+s16+$0x0], $0xffff;
	(erf) = vpow2.f32 v16;
	v7 =	vmul.f32 $1.442695020e+00, v7;
	v16 =	vmin.f32 v19, $8.000000000e+01  }
0x39c: {  	v3 =	vld.idx.msk [tilespmem:v3+s16+$0x0], $0xffff;
	v6 =	vmin.f32 v6, $8.000000000e+01;
	(erf) = vpow2.f32 v10;
	v10 =	vmul.f32 $1.442695020e+00, v16  }
0x39d: {  	v8 =	vld.idx.msk [tilespmem:v8+s16+$0x0], $0xffff;
	v6 =	vmul.f32 $1.442695020e+00, v6;
	(erf) = vpow2.f32 v17;
	v12 =	vmin.f32 v12, $8.000000000e+01  }
0x39e: {  	(erf) = vpow2.f32 v7;
	v7 =	vld.idx.msk [tilespmem:v15+s16+$0x0], $0xffff;
	v12 =	vmul.f32 $1.442695020e+00, v12  }
0x39f: {  	v14 =	vmin.f32 v14, $8.000000000e+01;
	v4 =	vmin.f32 v4, $8.000000000e+01;
	(erf) = vpow2.f32 v10  }
0x3a0: {  	v4 =	vmul.f32 $1.442695020e+00, v4;
	v10 =	vmin.f32 v13, $8.000000000e+01;
	(erf) = vpow2.f32 v6  }
0x3a1: {  	v3 =	vmin.f32 v3, $8.000000000e+01;
	v6 =	vpop (erf);
	v10 =	vmul.f32 $1.442695020e+00, v10;
	(erf) = vpow2.f32 v12  }
0x3a2: {  	v3 =	vmul.f32 $1.442695020e+00, v3;
	v12 =	vpop (erf);
	(erf) = vpow2.f32 v4;
	v4 =	vmin.f32 v8, $8.000000000e+01  }
0x3a3: {  	v7 =	vmin.f32 v7, $8.000000000e+01;
	v8 =	vpop (erf);
	(erf) = vpow2.f32 v10;
	v10 =	vadd.f32 v12, v11  }
0x3a4: {  	v14 =	vmul.f32 $1.442695020e+00, v14;
	v11 =	vpop (erf)  }
0x3a5: {  	v4 =	vmul.f32 $1.442695020e+00, v4;
	(erf) = vpow2.f32 v3;
	v10 =	vadd.f32 v11, v10  }
0x3a6: {  	v3 =	vmul.f32 $1.442695020e+00, v7;
	v7 =	vpop (erf);
	(erf) = vpow2.f32 v14  }
0x3a7: {  	v11 =	vpop (erf);
	(erf) = vpow2.f32 v4;
	v4 =	vor.u32 v2, v9  }
0x3a8: {  	v9 =	vpop (erf);
	(erf) = vpow2.f32 v3;
	v3 =	vadd.f32 v11, v10  }
0x3a9: {  	v10 =	vpop (erf)  }
0x3aa: {  	v11 =	vpop (erf);
	v3 =	vadd.f32 v10, v3  }
0x3ab: {  	v10 =	vpop (erf)  }
0x3ac: {  	v4 =	vld.idx.msk [tilespmem:v4+s16+$0x0], $0xffff;
	v12 =	vpop (erf);
	v3 =	vadd.f32 v10, v3  }
0x3ad: {  	v10 =	vpop (erf)  }
0x3ae: {  	v5 =	vadd.f32 v6, v5;
	v13 =	vpop (erf);
	v3 =	vadd.f32 v10, v3  }
0x3af: {  	v6 =	vpop (erf)  }
0x3b0: {  	v5 =	vadd.f32 v8, v5;
	v10 =	vpop (erf);
	v3 =	vadd.f32 v6, v3  }
0x3b1: {  	v4 =	vmin.f32 v4, $8.000000000e+01;
	v6 =	vpop (erf)  }
0x3b2: {  	v5 =	vadd.f32 v7, v5;
	v4 =	vmul.f32 $1.442695020e+00, v4;
	v3 =	vadd.f32 v6, v3;
	_ =	sdelay $0x1  }
0x3b3: {  	v5 =	vadd.f32 v9, v5;
	(erf) = vpow2.f32 v4;
	v6 =	vand.u32 $0x7FFFFF, v3  }
0x3b4: {  	v4 =	vor.u32 $0x3F800000, v6  }
0x3b5: {  	v5 =	vadd.f32 v11, v5;
	v4 =	vadd.f32 $-1.000000000e+00, v4;
	_ =	sdelay $0x1  }
0x3b6: {  	v5 =	vadd.f32 v12, v5;
	v6 =	vmul.f32 $3.010262550e-02, v4;
	_ =	sdelay $0x1  }
0x3b7: {  	v7 =	vld [tilespmem:$0x4280];
	v5 =	vadd.f32 v13, v5;
	v6 =	vadd.f32 $-1.301194130e-01, v6;
	_ =	sdelay $0x1  }
0x3b8: {  	v5 =	vadd.f32 v10, v5;
	v6 =	vmul.f32 v6, v4  }
0x3b9: {  	v8 =	vpop (erf)  }
0x3ba: {  	v5 =	vadd.f32 v8, v5;
	v6 =	vadd.f32 $2.833043340e-01, v6  }
0x3bb: {  	v8 =	vshll.u32 v7, $0x3;
	v7 =	vand.u32 $0x7F, v7  }
0x3bc: {  	v8 =	vand.u32 $0xFFFFFC00, v8;
	v9 =	vand.u32 $0x7FFFFF, v5;
	v6 =	vmul.f32 v6, v4  }
0x3bd: {  	v7 =	vor.u32 v7, v8;
	v8 =	vor.u32 $0x3F800000, v9  }
0x3be: {  	v7 =	vadd.s32 v1, v7;
	v8 =	vadd.f32 $-1.000000000e+00, v8;
	v6 =	vadd.f32 $-4.891568420e-01, v6;
	_ =	sdelay $0x1  }
0x3bf: {  	v9 =	vmul.f32 $3.010262550e-02, v8;
	v6 =	vmul.f32 v6, v4  }
0x3c0: {  	v10 =	vld [tilespmem:$0x4290]  }
0x3c1: {  	v3 =	vshrl.u32 v3, $0x17;
	v9 =	vadd.f32 $-1.301194130e-01, v9;
	v6 =	vadd.f32 $9.990104430e-01, v6  }
0x3c2: {  	v3 =	vand.u32 $0xFF, v3;
	v7 =	vld.idx.msk [tilespmem:v7+s16+$0x0], $0xffff  }
0x3c3: {  	v3 =	vadd.s32 $0xFFFFFF81, v3;
	v9 =	vmul.f32 v9, v8;
	v4 =	vmul.f32 v6, v4;
	v6 =	vld [tilespmem:$0x4400]  }
0x3c4: {  	v3 =	vcvt.s32.f32 v3  }
0x3c5: {  	v11 =	vshll.u32 v10, $0x3;
	v10 =	vand.u32 $0x7F, v10;
	v9 =	vadd.f32 $2.833043340e-01, v9  }
0x3c6: {  	v11 =	vand.u32 $0xFFFFFC00, v11;
	v3 =	vmul.f32 $6.931471820e-01, v3;
	v4 =	vadd.f32 $2.211703030e-05, v4  }
0x3c7: {  	v10 =	vor.u32 v10, v11;
	v9 =	vmul.f32 v9, v8  }
0x3c8: {  	v3 =	vadd.f32 v4, v3;
	v4 =	vadd.f32 v6, v7;
	v6 =	vadd.s32 v2, v10  }
0x3c9: {  	v7 =	vadd.f32 $-4.891568420e-01, v9  }
0x3ca: {  	v3 =	vsub.f32 v4, v3  }
0x3cb: {  	v4 =	vmul.f32 v7, v8  }
0x3cc: {  	[tilespmem:$0x4400] =	vst v3;
	v3 =	vshrl.u32 v5, $0x17  }
0x3cd: {  	v4 =	vadd.f32 $9.990104430e-01, v4;
	v3 =	vand.u32 $0xFF, v3;
	v5 =	vld.idx.msk [tilespmem:v6+s16+$0x0], $0xffff  }
0x3ce: {  	s31 =	simm.s32 $0x1;
	v6 =	vld [tilespmem:$0x4410];
	v3 =	vadd.s32 $0xFFFFFF81, v3  }
0x3cf: {  	s24 =	simm.s32 $0x4;
	s30 =	simm.s32 $0x2;
	v13 =	vadd.s32 s31, v0;
	v4 =	vmul.f32 v4, v8;
	v3 =	vcvt.s32.f32 v3  }
0x3d0: {  	s23 =	simm.s32 $0x7;
	v16 =	vand.u32 $0x7F, v13;
	v11 =	vadd.s32 s30, v0;
	v9 =	vadd.s32 s24, v0  }
0x3d1: {  	s29 =	simm.s32 $0x5;
	v7 =	vadd.s32 s23, v0;
	v4 =	vadd.f32 $2.211703030e-05, v4;
	v3 =	vmul.f32 $6.931471820e-01, v3  }
0x3d2: {  	s21 =	simm.s32 $0x0;
	v10 =	vadd.s32 s29, v0;
	v14 =	vand.u32 $0x7F, v7;
	v7 =	vshll.u32 v7, $0x3  }
0x3d3: {  	v3 =	vadd.f32 v4, v3;
	v4 =	vadd.f32 v6, v5;
	v5 =	vadd.s32 s21, v0  }
0x3d4: {  	s22 =	simm.s32 $0x6;
	s28 =	simm.s32 $0x3;
	v7 =	vand.u32 $0x400, v7;
	v12 =	vand.u32 $0x7F, v5;
	v5 =	vshll.u32 v5, $0x3  }
0x3d5: {  	v8 =	vadd.s32 s28, v0;
	v6 =	vadd.s32 s22, v0;
	v5 =	vand.u32 $0x400, v5  }
0x3d6: {  	v15 =	vand.u32 $0x7F, v6;
	v4 =	vsub.f32 v4, v3;
	v5 =	vor.u32 v12, v5  }
0x3d7: {  	v6 =	vshll.u32 v6, $0x3;
	v12 =	vshll.u32 v13, $0x3;
	v13 =	vor.u32 v1, v5  }
0x3d8: {  	[tilespmem:$0x4410] =	vst v4;
	v4 =	vand.u32 $0x400, v6;
	v6 =	vor.u32 v14, v7;
	v5 =	vor.u32 v2, v5  }
0x3d9: {  	v7 =	vand.u32 $0x400, v12;
	v14 =	vshll.u32 v11, $0x3;
	v11 =	vand.u32 $0x7F, v11;
	[tilespmem:s16], [sflag:$0x2] =	stream.linear.gather [hbm4b:s11+s21], $0x2000, $0x38;
	[tilespmem:$0x4480] =	vst v63  }
0x3da: {  	v4 =	vor.u32 v15, v4;
	v12 =	vor.u32 v1, v6;
	v7 =	vor.u32 v16, v7;
	_ =	swait.ge [sflag:s17], $0x2000  }
0x3db: {  	v14 =	vand.u32 $0x400, v14;
	v6 =	vor.u32 v2, v6;
	v16 =	vor.u32 v1, v7;
	[sflag:s17] =	ssyncset.done $0x0  }
0x3dc: {  	v7 =	vor.u32 v2, v7;
	v11 =	vor.u32 v11, v14;
	v14 =	vshll.u32 v8, $0x3;
	[sflag:s17] =	ssyncadd.s32 $0xFFFFE000  }
0x3dd: {  	v8 =	vand.u32 $0x7F, v8;
	v17 =	vor.u32 v1, v11;
	v14 =	vand.u32 $0x400, v14;
	v13 =	vld.idx.msk [tilespmem:v13+s2+$0x0], $0xffff  }
0x3de: {  	v11 =	vor.u32 v2, v11;
	v8 =	vor.u32 v8, v14;
	v14 =	vshll.u32 v9, $0x3;
	v5 =	vld.idx.msk [tilespmem:v5+s2+$0x0], $0xffff  }
0x3df: {  	v9 =	vand.u32 $0x7F, v9;
	v18 =	vor.u32 v1, v8;
	v14 =	vand.u32 $0x400, v14;
	v12 =	vld.idx.msk [tilespmem:v12+s2+$0x0], $0xffff  }
0x3e0: {  	v8 =	vor.u32 v2, v8;
	v9 =	vor.u32 v9, v14;
	v14 =	vshll.u32 v10, $0x3;
	v16 =	vld.idx.msk [tilespmem:v16+s2+$0x0], $0xffff  }
0x3e1: {  	v10 =	vand.u32 $0x7F, v10;
	v19 =	vor.u32 v1, v9;
	v14 =	vand.u32 $0x400, v14;
	v7 =	vld.idx.msk [tilespmem:v7+s2+$0x0], $0xffff  }
0x3e2: {  	v15 =	vor.u32 v1, v4;
	v9 =	vor.u32 v2, v9;
	v10 =	vor.u32 v10, v14;
	v14 =	vld.idx.msk [tilespmem:v17+s2+$0x0], $0xffff  }
0x3e3: {  	v4 =	vor.u32 v2, v4;
	v11 =	vld.idx.msk [tilespmem:v11+s2+$0x0], $0xffff;
	v17 =	vor.u32 v1, v10;
	v10 =	vor.u32 v2, v10  }
0x3e4: {  	v13 =	vmin.f32 v13, $8.000000000e+01;
	v5 =	vmin.f32 v5, $8.000000000e+01;
	v18 =	vld.idx.msk [tilespmem:v18+s2+$0x0], $0xffff;
	v12 =	vmin.f32 v12, $8.000000000e+01  }
0x3e5: {  	v8 =	vld.idx.msk [tilespmem:v8+s2+$0x0], $0xffff;
	v13 =	vmul.f32 $1.442695020e+00, v13;
	v5 =	vmul.f32 $1.442695020e+00, v5;
	v16 =	vmin.f32 v16, $8.000000000e+01  }
0x3e6: {  	v12 =	vmul.f32 $1.442695020e+00, v12;
	v19 =	vld.idx.msk [tilespmem:v19+s2+$0x0], $0xffff;
	v7 =	vmin.f32 v7, $8.000000000e+01;
	v16 =	vmul.f32 $1.442695020e+00, v16  }
0x3e7: {  	v9 =	vld.idx.msk [tilespmem:v9+s2+$0x0], $0xffff;
	(erf) = vpow2.f32 v13;
	v7 =	vmul.f32 $1.442695020e+00, v7;
	v13 =	vmin.f32 v14, $8.000000000e+01  }
0x3e8: {  	v15 =	vld.idx.msk [tilespmem:v15+s2+$0x0], $0xffff;
	v11 =	vmin.f32 v11, $8.000000000e+01;
	(erf) = vpow2.f32 v5;
	v13 =	vmul.f32 $1.442695020e+00, v13  }
0x3e9: {  	v5 =	vld.idx.msk [tilespmem:v17+s2+$0x0], $0xffff;
	v11 =	vmul.f32 $1.442695020e+00, v11;
	(erf) = vpow2.f32 v16;
	v14 =	vmin.f32 v18, $8.000000000e+01  }
0x3ea: {  	v10 =	vld.idx.msk [tilespmem:v10+s2+$0x0], $0xffff;
	v8 =	vmin.f32 v8, $8.000000000e+01;
	(erf) = vpow2.f32 v7;
	v7 =	vmul.f32 $1.442695020e+00, v14  }
0x3eb: {  	v4 =	vld.idx.msk [tilespmem:v4+s2+$0x0], $0xffff;
	v8 =	vmul.f32 $1.442695020e+00, v8;
	(erf) = vpow2.f32 v13;
	v13 =	vmin.f32 v19, $8.000000000e+01  }
0x3ec: {  	v9 =	vmin.f32 v9, $8.000000000e+01;
	(erf) = vpow2.f32 v11;
	v11 =	vmul.f32 $1.442695020e+00, v13  }
0x3ed: {  	v15 =	vmin.f32 v15, $8.000000000e+01;
	(erf) = vpow2.f32 v7;
	v7 =	vmul.f32 $1.442695020e+00, v9  }
0x3ee: {  	v6 =	vld.idx.msk [tilespmem:v6+s2+$0x0], $0xffff;
	v15 =	vmul.f32 $1.442695020e+00, v15;
	v5 =	vmin.f32 v5, $8.000000000e+01;
	(erf) = vpow2.f32 v8  }
0x3ef: {  	v5 =	vmul.f32 $1.442695020e+00, v5;
	v8 =	vmin.f32 v10, $8.000000000e+01;
	(erf) = vpow2.f32 v11  }
0x3f0: {  	v4 =	vmin.f32 v4, $8.000000000e+01;
	v8 =	vmul.f32 $1.442695020e+00, v8;
	v9 =	vpop (erf);
	(erf) = vpow2.f32 v7  }
0x3f1: {  	v3 =	vimm.f32 $0.0e+00;
	v4 =	vmul.f32 $1.442695020e+00, v4;
	v7 =	vpop (erf);
	(erf) = vpow2.f32 v5  }
0x3f2: {  	v5 =	vadd.f32 v9, v3;
	v3 =	vadd.f32 v7, v3;
	v7 =	vpop (erf);
	(erf) = vpow2.f32 v8  }
0x3f3: {  	v6 =	vmin.f32 v6, $8.000000000e+01;
	v9 =	vpop (erf)  }
0x3f4: {  	s23 =	simm.s32 $0x8;
	(erf) = vpow2.f32 v15;
	v5 =	vadd.f32 v7, v5;
	v3 =	vadd.f32 v9, v3;
	v7 =	vpop (erf)  }
0x3f5: {  	v6 =	vmul.f32 $1.442695020e+00, v6;
	v8 =	vadd.s32 s23, v0;
	(erf) = vpow2.f32 v4;
	v4 =	vpop (erf)  }
0x3f6: {  	(erf) = vpow2.f32 v12;
	v5 =	vadd.f32 v7, v5;
	v9 =	vadd.f32 v4, v3;
	v12 =	vpop (erf)  }
0x3f7: {  	v13 =	vpop (erf)  }
0x3f8: {  	s24 =	simm.s32 $0xE;
	(erf) = vpow2.f32 v6;
	v5 =	vadd.f32 v12, v5;
	v12 =	vadd.f32 v13, v9;
	v13 =	vpop (erf)  }
0x3f9: {  	s25 =	simm.s32 $0xF;
	s31 =	simm.s32 $0x9;
	v10 =	vadd.s32 s24, v0;
	v16 =	vand.u32 $0x7F, v8;
	v14 =	vshll.u32 v8, $0x3;
	v8 =	vpop (erf)  }
0x3fa: {  	s26 =	simm.s32 $0xB;
	s30 =	simm.s32 $0xA;
	s28 =	simm.s32 $0xC;
	v11 =	vadd.s32 s25, v0;
	v15 =	vadd.s32 s31, v0;
	v12 =	vadd.f32 v8, v12;
	v17 =	vpop (erf)  }
0x3fb: {  	s29 =	simm.s32 $0xD;
	v7 =	vadd.s32 s30, v0;
	v6 =	vadd.s32 s26, v0;
	v4 =	vadd.s32 s28, v0;
	v18 =	vpop (erf)  }
0x3fc: {  	v3 =	vadd.s32 s29, v0;
	v5 =	vadd.f32 v13, v5;
	v12 =	vadd.f32 v18, v12  }
0x3fd: {  	v9 =	vand.u32 $0x7F, v11;
	v11 =	vshll.u32 v11, $0x3;
	v13 =	vshll.u32 v10, $0x3  }
0x3fe: {  	v8 =	vand.u32 $0x7F, v10;
	v10 =	vand.u32 $0x7F, v15;
	v5 =	vadd.f32 v17, v5;
	v17 =	vpop (erf)  }
0x3ff: {  	v18 =	vand.u32 $0x400, v14;
	v14 =	vshll.u32 v15, $0x3;
	v15 =	vand.u32 $0x400, v11;
	v19 =	vpop (erf)  }
0x400: {  	s21 =	simm.s32 $0x10;
	v16 =	vor.u32 v16, v18;
	v11 =	vadd.f32 v17, v5;
	v5 =	vadd.f32 v19, v12;
	v12 =	vpop (erf)  }
.LBB2_14:
0x401: {  	p0 =	slt.u32 s21, $0xF8;
	v17 =	vor.u32 v1, v16;
	v13 =	vand.u32 $0x400, v13;
	v9 =	vor.u32 v9, v15;
	v15 =	vpop (erf)  }
0x402: {  	v16 =	vor.u32 v2, v16;
	v11 =	vadd.f32 v12, v11;
	v5 =	vadd.f32 v15, v5  }
0x403: {  	v12 =	vand.u32 $0x400, v14;
	v8 =	vor.u32 v8, v13;
	v13 =	vor.u32 v1, v9  }
0x404: {  	v10 =	vor.u32 v10, v12;
	v12 =	vshll.u32 v7, $0x3;
	v14 =	vor.u32 v1, v8  }
0x405: {  	v7 =	vand.u32 $0x7F, v7;
	v15 =	vor.u32 v1, v10;
	v12 =	vand.u32 $0x400, v12  }
0x406: {  	v10 =	vor.u32 v2, v10;
	v7 =	vor.u32 v7, v12;
	v12 =	vshll.u32 v6, $0x3;
	v17 =	vld.idx.msk [tilespmem:v17+s2+$0x0], $0xffff  }
0x407: {  	v6 =	vand.u32 $0x7F, v6;
	v18 =	vor.u32 v1, v7;
	v12 =	vand.u32 $0x400, v12;
	v16 =	vld.idx.msk [tilespmem:v16+s2+$0x0], $0xffff  }
0x408: {  	v7 =	vor.u32 v2, v7;
	v6 =	vor.u32 v6, v12;
	v12 =	vshll.u32 v4, $0x3;
	v13 =	vld.idx.msk [tilespmem:v13+s2+$0x0], $0xffff  }
0x409: {  	v4 =	vand.u32 $0x7F, v4;
	v19 =	vor.u32 v1, v6;
	v12 =	vand.u32 $0x400, v12;
	v14 =	vld.idx.msk [tilespmem:v14+s2+$0x0], $0xffff  }
0x40a: {  	v6 =	vor.u32 v2, v6;
	v4 =	vor.u32 v4, v12;
	v12 =	vshll.u32 v3, $0x3;
	v15 =	vld.idx.msk [tilespmem:v15+s2+$0x0], $0xffff  }
0x40b: {  	v3 =	vand.u32 $0x7F, v3;
	v20 =	vor.u32 v1, v4;
	v12 =	vand.u32 $0x400, v12;
	v10 =	vld.idx.msk [tilespmem:v10+s2+$0x0], $0xffff  }
0x40c: {  	v9 =	vor.u32 v2, v9;
	v4 =	vor.u32 v2, v4;
	v3 =	vor.u32 v3, v12;
	v18 =	vld.idx.msk [tilespmem:v18+s2+$0x0], $0xffff  }
0x40d: {  	v8 =	vor.u32 v2, v8;
	v12 =	vor.u32 v1, v3;
	v3 =	vor.u32 v2, v3;
	v7 =	vld.idx.msk [tilespmem:v7+s2+$0x0], $0xffff  }
0x40e: {  	v17 =	vmin.f32 v17, $8.000000000e+01;
	v16 =	vmin.f32 v16, $8.000000000e+01;
	v13 =	vmin.f32 v13, $8.000000000e+01;
	v19 =	vld.idx.msk [tilespmem:v19+s2+$0x0], $0xffff  }
0x40f: {  	v17 =	vmul.f32 $1.442695020e+00, v17;
	v16 =	vmul.f32 $1.442695020e+00, v16;
	v14 =	vmin.f32 v14, $8.000000000e+01;
	v6 =	vld.idx.msk [tilespmem:v6+s2+$0x0], $0xffff  }
0x410: {  	v13 =	vmul.f32 $1.442695020e+00, v13;
	v15 =	vmin.f32 v15, $8.000000000e+01;
	v14 =	vmul.f32 $1.442695020e+00, v14;
	v20 =	vld.idx.msk [tilespmem:v20+s2+$0x0], $0xffff  }
0x411: {  	v15 =	vmul.f32 $1.442695020e+00, v15;
	v10 =	vmin.f32 v10, $8.000000000e+01;
	v4 =	vld.idx.msk [tilespmem:v4+s2+$0x0], $0xffff;
	(erf) = vpow2.f32 v17  }
0x412: {  	v10 =	vmul.f32 $1.442695020e+00, v10;
	v17 =	vmin.f32 v18, $8.000000000e+01;
	v12 =	vld.idx.msk [tilespmem:v12+s2+$0x0], $0xffff;
	(erf) = vpow2.f32 v16  }
0x413: {  	v16 =	vmul.f32 $1.442695020e+00, v17;
	v7 =	vmin.f32 v7, $8.000000000e+01;
	v3 =	vld.idx.msk [tilespmem:v3+s2+$0x0], $0xffff;
	(erf) = vpow2.f32 v15  }
0x414: {  	v7 =	vmul.f32 $1.442695020e+00, v7;
	v15 =	vmin.f32 v19, $8.000000000e+01;
	v8 =	vld.idx.msk [tilespmem:v8+s2+$0x0], $0xffff;
	(erf) = vpow2.f32 v10  }
0x415: {  	v10 =	vmul.f32 $1.442695020e+00, v15;
	v6 =	vmin.f32 v6, $8.000000000e+01;
	v9 =	vld.idx.msk [tilespmem:v9+s2+$0x0], $0xffff;
	(erf) = vpow2.f32 v16  }
0x416: {  	v6 =	vmul.f32 $1.442695020e+00, v6;
	v15 =	vmin.f32 v20, $8.000000000e+01;
	(erf) = vpow2.f32 v7  }
0x417: {  	v7 =	vmul.f32 $1.442695020e+00, v15;
	v4 =	vmin.f32 v4, $8.000000000e+01;
	(erf) = vpow2.f32 v10  }
0x418: {  	v4 =	vmul.f32 $1.442695020e+00, v4;
	v10 =	vmin.f32 v12, $8.000000000e+01;
	(erf) = vpow2.f32 v6  }
0x419: {  	v6 =	vmul.f32 $1.442695020e+00, v10;
	v3 =	vmin.f32 v3, $8.000000000e+01;
	(erf) = vpow2.f32 v7  }
0x41a: {  	v3 =	vmul.f32 $1.442695020e+00, v3;
	v7 =	vmin.f32 v8, $8.000000000e+01;
	v8 =	vpop (erf);
	(erf) = vpow2.f32 v4  }
0x41b: {  	v4 =	vmul.f32 $1.442695020e+00, v7;
	v10 =	vmin.f32 v9, $8.000000000e+01;
	v9 =	vpop (erf);
	(erf) = vpow2.f32 v6  }
0x41c: {  	v6 =	vadd.f32 v8, v11;
	v5 =	vadd.f32 v9, v5;
	v8 =	vpop (erf);
	(erf) = vpow2.f32 v3  }
0x41d: {  	v9 =	vadd.s32 s21, v0;
	v3 =	vmul.f32 $1.442695020e+00, v10;
	v7 =	vpop (erf);
	(erf) = vpow2.f32 v14  }
0x41e: {  	s22 =	sadd.s32 $0x6, s21;
	s23 =	sadd.s32 $0x7, s21;
	v6 =	vadd.f32 v8, v6;
	v5 =	vadd.f32 v7, v5;
	v7 =	vpop (erf);
	(erf) = vpow2.f32 v4  }
0x41f: {  	v11 =	vadd.s32 s23, v0;
	v10 =	vadd.s32 s22, v0;
	v4 =	vpop (erf);
	(erf) = vpow2.f32 v13  }
0x420: {  	s24 =	sadd.s32 $0x5, s21;
	s23 =	sadd.s32 $0x4, s21;
	s22 =	sadd.s32 $0x3, s21;
	v8 =	vadd.f32 v7, v6;
	v5 =	vadd.f32 v4, v5;
	v12 =	vpop (erf);
	(erf) = vpow2.f32 v3  }
0x421: {  	s25 =	sadd.s32 $0x2, s21;
	v6 =	vadd.s32 s22, v0;
	v4 =	vadd.s32 s23, v0;
	v3 =	vadd.s32 s24, v0;
	v13 =	vpop (erf)  }
0x422: {  	s22 =	sadd.s32 $0x1, s21;
	v7 =	vadd.s32 s25, v0;
	v8 =	vadd.f32 v12, v8;
	v5 =	vadd.f32 v13, v5;
	v12 =	vpop (erf)  }
0x423: {  	v16 =	vand.u32 $0x7F, v9;
	v14 =	vshll.u32 v9, $0x3;
	v15 =	vadd.s32 s22, v0;
	v13 =	vpop (erf)  }
.Ltmp6:
0x424: {  	v9 =	vand.u32 $0x7F, v11;
	v12 =	vadd.f32 v12, v8;
	v5 =	vadd.f32 v13, v5;
	v17 =	vpop (erf);
	(pc) =	sbr.rel @p0 .LBB2_14-.Ltmp6, $4  }
0x425: {  	v11 =	vshll.u32 v11, $0x3;
	v8 =	vand.u32 $0x7F, v10;
	v13 =	vshll.u32 v10, $0x3;
	v18 =	vpop (erf)  }
0x426: {  	v10 =	vand.u32 $0x7F, v15;
	v20 =	vadd.f32 v17, v12;
	v5 =	vadd.f32 v18, v5;
	v17 =	vpop (erf)  }
0x427: {  	v18 =	vand.u32 $0x400, v14;
	v14 =	vshll.u32 v15, $0x3;
	v15 =	vand.u32 $0x400, v11;
	v19 =	vpop (erf)  }
0x428: {  	s21 =	sadd.s32 $0x8, s21;
	v16 =	vor.u32 v16, v18;
	v11 =	vadd.f32 v17, v20;
	v5 =	vadd.f32 v19, v5;
	v12 =	vpop (erf)  }
0x429: {  	v17 =	vor.u32 v1, v16;
	v13 =	vand.u32 $0x400, v13;
	v9 =	vor.u32 v9, v15  }
0x42a: {  	v15 =	vor.u32 v2, v16;
	v14 =	vand.u32 $0x400, v14;
	v18 =	vshll.u32 v6, $0x3  }
0x42b: {  	v8 =	vor.u32 v8, v13;
	v10 =	vor.u32 v10, v14;
	v13 =	vshll.u32 v7, $0x3  }
0x42c: {  	v7 =	vand.u32 $0x7F, v7;
	v16 =	vor.u32 v1, v10;
	v13 =	vand.u32 $0x400, v13  }
0x42d: {  	v6 =	vand.u32 $0x7F, v6;
	v10 =	vor.u32 v2, v10;
	v7 =	vor.u32 v7, v13  }
0x42e: {  	v20 =	vshll.u32 v3, $0x3;
	v13 =	vand.u32 $0x400, v18;
	v18 =	vor.u32 v1, v7;
	v17 =	vld.idx.msk [tilespmem:v17+s2+$0x0], $0xffff  }
0x42f: {  	v7 =	vor.u32 v2, v7;
	v6 =	vor.u32 v6, v13;
	v13 =	vld.idx.msk [tilespmem:v15+s2+$0x0], $0xffff;
	v15 =	vshll.u32 v4, $0x3  }
0x430: {  	v19 =	vor.u32 v1, v6;
	v4 =	vand.u32 $0x7F, v4;
	v15 =	vand.u32 $0x400, v15  }
0x431: {  	v3 =	vand.u32 $0x7F, v3;
	v6 =	vor.u32 v2, v6;
	v16 =	vld.idx.msk [tilespmem:v16+s2+$0x0], $0xffff;
	v4 =	vor.u32 v4, v15  }
0x432: {  	v11 =	vadd.f32 v12, v11;
	v15 =	vand.u32 $0x400, v20;
	v10 =	vld.idx.msk [tilespmem:v10+s2+$0x0], $0xffff;
	v12 =	vor.u32 v1, v4  }
0x433: {  	v14 =	vor.u32 v1, v8;
	v8 =	vor.u32 v2, v8;
	v3 =	vor.u32 v3, v15;
	v18 =	vld.idx.msk [tilespmem:v18+s2+$0x0], $0xffff  }
0x434: {  	v15 =	vor.u32 v1, v9;
	v4 =	vor.u32 v2, v4;
	v7 =	vld.idx.msk [tilespmem:v7+s2+$0x0], $0xffff;
	v17 =	vmin.f32 v17, $8.000000000e+01  }
0x435: {  	v20 =	vor.u32 v1, v3;
	v13 =	vmin.f32 v13, $8.000000000e+01;
	v19 =	vld.idx.msk [tilespmem:v19+s2+$0x0], $0xffff;
	v17 =	vmul.f32 $1.442695020e+00, v17  }
0x436: {  	v3 =	vor.u32 v2, v3;
	v6 =	vld.idx.msk [tilespmem:v6+s2+$0x0], $0xffff;
	v13 =	vmul.f32 $1.442695020e+00, v13;
	v16 =	vmin.f32 v16, $8.000000000e+01  }
0x437: {  	v10 =	vmin.f32 v10, $8.000000000e+01;
	v12 =	vld.idx.msk [tilespmem:v12+s2+$0x0], $0xffff;
	v16 =	vmul.f32 $1.442695020e+00, v16;
	(erf) = vpow2.f32 v17  }
0x438: {  	v14 =	vld.idx.msk [tilespmem:v14+s2+$0x0], $0xffff;
	v10 =	vmul.f32 $1.442695020e+00, v10;
	v17 =	vmin.f32 v18, $8.000000000e+01;
	(erf) = vpow2.f32 v13  }
0x439: {  	v4 =	vld.idx.msk [tilespmem:v4+s2+$0x0], $0xffff;
	v7 =	vmin.f32 v7, $8.000000000e+01;
	v17 =	vmul.f32 $1.442695020e+00, v17;
	(erf) = vpow2.f32 v16  }
0x43a: {  	v13 =	vld.idx.msk [tilespmem:v20+s2+$0x0], $0xffff;
	v7 =	vmul.f32 $1.442695020e+00, v7;
	v16 =	vmin.f32 v19, $8.000000000e+01;
	(erf) = vpow2.f32 v10  }
0x43b: {  	v3 =	vld.idx.msk [tilespmem:v3+s2+$0x0], $0xffff;
	v6 =	vmin.f32 v6, $8.000000000e+01;
	v10 =	vmul.f32 $1.442695020e+00, v16;
	(erf) = vpow2.f32 v17  }
0x43c: {  	v6 =	vmul.f32 $1.442695020e+00, v6;
	v12 =	vmin.f32 v12, $8.000000000e+01;
	(erf) = vpow2.f32 v7;
	v7 =	vld.idx.msk [tilespmem:v15+s2+$0x0], $0xffff  }
0x43d: {  	v8 =	vld.idx.msk [tilespmem:v8+s2+$0x0], $0xffff;
	v14 =	vmin.f32 v14, $8.000000000e+01;
	v12 =	vmul.f32 $1.442695020e+00, v12  }
0x43e: {  	v14 =	vmul.f32 $1.442695020e+00, v14;
	v4 =	vmin.f32 v4, $8.000000000e+01;
	(erf) = vpow2.f32 v10  }
0x43f: {  	v4 =	vmul.f32 $1.442695020e+00, v4;
	v10 =	vmin.f32 v13, $8.000000000e+01;
	(erf) = vpow2.f32 v6  }
0x440: {  	v3 =	vmin.f32 v3, $8.000000000e+01;
	v6 =	vpop (erf);
	v10 =	vmul.f32 $1.442695020e+00, v10;
	(erf) = vpow2.f32 v12  }
0x441: {  	v3 =	vmul.f32 $1.442695020e+00, v3;
	v12 =	vpop (erf);
	(erf) = vpow2.f32 v4;
	v7 =	vmin.f32 v7, $8.000000000e+01  }
0x442: {  	v4 =	vmin.f32 v8, $8.000000000e+01;
	v8 =	vpop (erf);
	(erf) = vpow2.f32 v10;
	v10 =	vadd.f32 v12, v11  }
0x443: {  	v4 =	vmul.f32 $1.442695020e+00, v4;
	v11 =	vpop (erf);
	(erf) = vpow2.f32 v3  }
0x444: {  	v3 =	vmul.f32 $1.442695020e+00, v7;
	v7 =	vpop (erf);
	(erf) = vpow2.f32 v14;
	v10 =	vadd.f32 v11, v10  }
0x445: {  	v11 =	vpop (erf);
	(erf) = vpow2.f32 v4;
	v4 =	vor.u32 v2, v9;
	_ =	sdelay $0x1  }
0x446: {  	v9 =	vpop (erf);
	(erf) = vpow2.f32 v3;
	v3 =	vadd.f32 v11, v10  }
0x447: {  	v10 =	vpop (erf)  }
0x448: {  	v11 =	vpop (erf);
	v3 =	vadd.f32 v10, v3  }
0x449: {  	v10 =	vpop (erf);
	v4 =	vld.idx.msk [tilespmem:v4+s2+$0x0], $0xffff  }
0x44a: {  	v12 =	vpop (erf);
	v3 =	vadd.f32 v10, v3  }
0x44b: {  	v5 =	vadd.f32 v6, v5;
	v10 =	vpop (erf)  }
0x44c: {  	v13 =	vpop (erf);
	v3 =	vadd.f32 v10, v3  }
0x44d: {  	v5 =	vadd.f32 v8, v5;
	v6 =	vpop (erf)  }
0x44e: {  	v10 =	vpop (erf);
	v3 =	vadd.f32 v6, v3;
	v4 =	vmin.f32 v4, $8.000000000e+01  }
0x44f: {  	v5 =	vadd.f32 v7, v5;
	v6 =	vpop (erf);
	v4 =	vmul.f32 $1.442695020e+00, v4  }
0x450: {  	v3 =	vadd.f32 v6, v3  }
0x451: {  	v5 =	vadd.f32 v9, v5;
	(erf) = vpow2.f32 v4  }
0x452: {  	v6 =	vand.u32 $0x7FFFFF, v3  }
0x453: {  	v5 =	vadd.f32 v11, v5;
	v4 =	vor.u32 $0x3F800000, v6  }
0x454: {  	v4 =	vadd.f32 $-1.000000000e+00, v4  }
0x455: {  	v5 =	vadd.f32 v12, v5  }
0x456: {  	v6 =	vmul.f32 $3.010262550e-02, v4  }
0x457: {  	v7 =	vld [tilespmem:$0x4300];
	v5 =	vadd.f32 v13, v5  }
0x458: {  	v6 =	vadd.f32 $-1.301194130e-01, v6  }
0x459: {  	v5 =	vadd.f32 v10, v5  }
0x45a: {  	v6 =	vmul.f32 v6, v4;
	v8 =	vpop (erf)  }
0x45b: {  	v5 =	vadd.f32 v8, v5  }
0x45c: {  	v8 =	vshll.u32 v7, $0x3;
	v6 =	vadd.f32 $2.833043340e-01, v6  }
0x45d: {  	v7 =	vand.u32 $0x7F, v7;
	v8 =	vand.u32 $0xFFFFFC00, v8;
	v9 =	vand.u32 $0x7FFFFF, v5  }
0x45e: {  	v7 =	vor.u32 v7, v8;
	v6 =	vmul.f32 v6, v4;
	v8 =	vor.u32 $0x3F800000, v9  }
0x45f: {  	v8 =	vadd.f32 $-1.000000000e+00, v8  }
0x460: {  	v7 =	vadd.s32 v1, v7;
	v6 =	vadd.f32 $-4.891568420e-01, v6  }
0x461: {  	v9 =	vmul.f32 $3.010262550e-02, v8  }
0x462: {  	v6 =	vmul.f32 v6, v4  }
0x463: {  	v10 =	vld [tilespmem:$0x4310];
	v3 =	vshrl.u32 v3, $0x17;
	v9 =	vadd.f32 $-1.301194130e-01, v9  }
0x464: {  	s21 =	simm.s32 $0x0;
	v3 =	vand.u32 $0xFF, v3;
	v6 =	vadd.f32 $9.990104430e-01, v6  }
0x465: {  	v3 =	vadd.s32 $0xFFFFFF81, v3;
	v7 =	vld.idx.msk [tilespmem:v7+s21+$0x0], $0xffff;
	v9 =	vmul.f32 v9, v8  }
0x466: {  	v3 =	vcvt.s32.f32 v3;
	v4 =	vmul.f32 v6, v4;
	v6 =	vld [tilespmem:$0x4400]  }
0x467: {  	v9 =	vadd.f32 $2.833043340e-01, v9  }
0x468: {  	v11 =	vshll.u32 v10, $0x3;
	v3 =	vmul.f32 $6.931471820e-01, v3;
	v4 =	vadd.f32 $2.211703030e-05, v4  }
0x469: {  	v10 =	vand.u32 $0x7F, v10;
	v11 =	vand.u32 $0xFFFFFC00, v11;
	v9 =	vmul.f32 v9, v8  }
0x46a: {  	v10 =	vor.u32 v10, v11;
	v3 =	vadd.f32 v4, v3  }
0x46b: {  	v4 =	vadd.f32 v6, v7;
	v6 =	vadd.s32 v2, v10;
	v7 =	vadd.f32 $-4.891568420e-01, v9;
	_ =	sdelay $0x1  }
0x46c: {  	v5 =	vshrl.u32 v5, $0x17;
	v4 =	vsub.f32 v4, v3;
	v3 =	vmul.f32 v7, v8  }
0x46d: {  	v5 =	vand.u32 $0xFF, v5  }
0x46e: {  	v5 =	vadd.s32 $0xFFFFFF81, v5;
	v7 =	vld [tilespmem:$0x4410];
	[tilespmem:$0x4400] =	vst v4;
	v3 =	vadd.f32 $9.990104430e-01, v3  }
0x46f: {  	v5 =	vcvt.s32.f32 v5;
	v6 =	vld.idx.msk [tilespmem:v6+s21+$0x0], $0xffff  }
0x470: {  	s31 =	simm.s32 $0x5;
	s24 =	simm.s32 $0x2;
	v3 =	vmul.f32 v3, v8  }
0x471: {  	s29 =	simm.s32 $0x7;
	s30 =	simm.s32 $0x3;
	v12 =	vadd.s32 s24, v0;
	v11 =	vadd.s32 s31, v0;
	v5 =	vmul.f32 $6.931471820e-01, v5  }
0x472: {  	s23 =	simm.s32 $0x4;
	v9 =	vadd.s32 s30, v0;
	v8 =	vadd.s32 s29, v0;
	v3 =	vadd.f32 $2.211703030e-05, v3  }
0x473: {  	v10 =	vadd.s32 s23, v0;
	v15 =	vand.u32 $0x7F, v8;
	v8 =	vshll.u32 v8, $0x3  }
0x474: {  	s22 =	simm.s32 $0x6;
	v3 =	vadd.f32 v3, v5;
	v5 =	vadd.f32 v7, v6;
	v6 =	vadd.s32 s21, v0  }
0x475: {  	v8 =	vand.u32 $0x400, v8;
	v7 =	vadd.s32 s22, v0;
	s22 =	simm.s32 $0x1;
	v13 =	vand.u32 $0x7F, v6  }
0x476: {  	v6 =	vshll.u32 v6, $0x3;
	v14 =	vadd.s32 s22, v0;
	v16 =	vand.u32 $0x7F, v7  }
0x477: {  	v7 =	vshll.u32 v7, $0x3;
	v3 =	vsub.f32 v5, v3;
	v6 =	vand.u32 $0x400, v6  }
0x478: {  	v17 =	vand.u32 $0x7F, v14;
	v7 =	vand.u32 $0x400, v7;
	v6 =	vor.u32 v13, v6  }
0x479: {  	v13 =	vshll.u32 v14, $0x3;
	v7 =	vor.u32 v16, v7;
	v16 =	vshll.u32 v12, $0x3  }
0x47a: {  	v12 =	vand.u32 $0x7F, v12;
	v14 =	vor.u32 v1, v6;
	v13 =	vand.u32 $0x400, v13  }
0x47b: {  	v6 =	vor.u32 v2, v6;
	[tilespmem:$0x4410] =	vst v3;
	v16 =	vand.u32 $0x400, v16;
	v13 =	vor.u32 v17, v13  }
0x47c: {  	v8 =	vor.u32 v15, v8;
	_ =	swait.ge [sflag:s18], $0x2000;
	v12 =	vor.u32 v12, v16;
	v18 =	vor.u32 v1, v13  }
0x47d: {  	v16 =	vshll.u32 v9, $0x3;
	v9 =	vand.u32 $0x7F, v9;
	[sflag:s18] =	ssyncset.done $0x0;
	v13 =	vor.u32 v2, v13  }
0x47e: {  	v19 =	vor.u32 v1, v12;
	v16 =	vand.u32 $0x400, v16;
	v12 =	vor.u32 v2, v12;
	[sflag:s18] =	ssyncadd.s32 $0xFFFFE000  }
0x47f: {  	v9 =	vor.u32 v9, v16;
	v16 =	vshll.u32 v10, $0x3;
	v10 =	vand.u32 $0x7F, v10;
	v14 =	vld.idx.msk [tilespmem:v14+s16+$0x0], $0xffff  }
0x480: {  	v20 =	vor.u32 v1, v9;
	v16 =	vand.u32 $0x400, v16;
	v9 =	vor.u32 v2, v9;
	v6 =	vld.idx.msk [tilespmem:v6+s16+$0x0], $0xffff  }
0x481: {  	v10 =	vor.u32 v10, v16;
	v16 =	vshll.u32 v11, $0x3;
	v11 =	vand.u32 $0x7F, v11;
	v18 =	vld.idx.msk [tilespmem:v18+s16+$0x0], $0xffff  }
0x482: {  	v21 =	vor.u32 v1, v10;
	v16 =	vand.u32 $0x400, v16;
	v10 =	vor.u32 v2, v10;
	v13 =	vld.idx.msk [tilespmem:v13+s16+$0x0], $0xffff  }
0x483: {  	v15 =	vor.u32 v1, v8;
	v11 =	vor.u32 v11, v16;
	v12 =	vld.idx.msk [tilespmem:v12+s16+$0x0], $0xffff  }
0x484: {  	v8 =	vor.u32 v2, v8;
	v17 =	vor.u32 v1, v7;
	v16 =	vld.idx.msk [tilespmem:v19+s16+$0x0], $0xffff;
	v19 =	vor.u32 v1, v11  }
0x485: {  	v7 =	vor.u32 v2, v7;
	v11 =	vor.u32 v2, v11;
	v9 =	vld.idx.msk [tilespmem:v9+s16+$0x0], $0xffff;
	v14 =	vmin.f32 v14, $8.000000000e+01  }
0x486: {  	v20 =	vld.idx.msk [tilespmem:v20+s16+$0x0], $0xffff;
	v6 =	vmin.f32 v6, $8.000000000e+01;
	v14 =	vmul.f32 $1.442695020e+00, v14;
	v18 =	vmin.f32 v18, $8.000000000e+01  }
0x487: {  	v6 =	vmul.f32 $1.442695020e+00, v6;
	v10 =	vld.idx.msk [tilespmem:v10+s16+$0x0], $0xffff;
	v13 =	vmin.f32 v13, $8.000000000e+01;
	v18 =	vmul.f32 $1.442695020e+00, v18  }
0x488: {  	v21 =	vld.idx.msk [tilespmem:v21+s16+$0x0], $0xffff;
	v12 =	vmin.f32 v12, $8.000000000e+01;
	(erf) = vpow2.f32 v14;
	v13 =	vmul.f32 $1.442695020e+00, v13  }
0x489: {  	v14 =	vmin.f32 v16, $8.000000000e+01;
	v12 =	vmul.f32 $1.442695020e+00, v12;
	(erf) = vpow2.f32 v6;
	v6 =	vld.idx.msk [tilespmem:v19+s16+$0x0], $0xffff  }
0x48a: {  	v11 =	vld.idx.msk [tilespmem:v11+s16+$0x0], $0xffff;
	v14 =	vmul.f32 $1.442695020e+00, v14;
	v9 =	vmin.f32 v9, $8.000000000e+01;
	(erf) = vpow2.f32 v18  }
0x48b: {  	v15 =	vld.idx.msk [tilespmem:v15+s16+$0x0], $0xffff;
	v16 =	vmin.f32 v20, $8.000000000e+01;
	v9 =	vmul.f32 $1.442695020e+00, v9;
	(erf) = vpow2.f32 v13  }
0x48c: {  	v8 =	vld.idx.msk [tilespmem:v8+s16+$0x0], $0xffff;
	v13 =	vmul.f32 $1.442695020e+00, v16;
	v10 =	vmin.f32 v10, $8.000000000e+01;
	(erf) = vpow2.f32 v14  }
0x48d: {  	v17 =	vld.idx.msk [tilespmem:v17+s16+$0x0], $0xffff;
	v14 =	vmin.f32 v21, $8.000000000e+01;
	v10 =	vmul.f32 $1.442695020e+00, v10;
	(erf) = vpow2.f32 v12  }
0x48e: {  	v12 =	vmul.f32 $1.442695020e+00, v14;
	(erf) = vpow2.f32 v13;
	v6 =	vmin.f32 v6, $8.000000000e+01  }
0x48f: {  	v7 =	vld.idx.msk [tilespmem:v7+s16+$0x0], $0xffff;
	(erf) = vpow2.f32 v9;
	v6 =	vmul.f32 $1.442695020e+00, v6;
	v9 =	vmin.f32 v11, $8.000000000e+01  }
0x490: {  	(erf) = vpow2.f32 v12;
	v9 =	vmul.f32 $1.442695020e+00, v9  }
0x491: {  	v5 =	vimm.f32 $0.0e+00;
	v15 =	vmin.f32 v15, $8.000000000e+01;
	v11 =	vpop (erf);
	(erf) = vpow2.f32 v10  }
0x492: {  	v8 =	vmin.f32 v8, $8.000000000e+01;
	v17 =	vmin.f32 v17, $8.000000000e+01;
	v10 =	vpop (erf);
	(erf) = vpow2.f32 v6  }
0x493: {  	v6 =	vadd.f32 v11, v5;
	v5 =	vadd.f32 v10, v5;
	v10 =	vpop (erf);
	(erf) = vpow2.f32 v9  }
0x494: {  	v15 =	vmul.f32 $1.442695020e+00, v15;
	v7 =	vmin.f32 v7, $8.000000000e+01;
	v17 =	vmul.f32 $1.442695020e+00, v17;
	v9 =	vpop (erf)  }
0x495: {  	v7 =	vmul.f32 $1.442695020e+00, v7;
	v6 =	vadd.f32 v10, v6;
	v5 =	vadd.f32 v9, v5;
	v9 =	vpop (erf)  }
0x496: {  	v8 =	vmul.f32 $1.442695020e+00, v8;
	(erf) = vpow2.f32 v17;
	v10 =	vpop (erf)  }
0x497: {  	s23 =	simm.s32 $0x8;
	(erf) = vpow2.f32 v7;
	v13 =	vadd.f32 v9, v6;
	v10 =	vadd.f32 v10, v5;
	v14 =	vpop (erf)  }
0x498: {  	v11 =	vadd.s32 s23, v0;
	(erf) = vpow2.f32 v15;
	v15 =	vpop (erf)  }
0x499: {  	s25 =	simm.s32 $0xF;
	(erf) = vpow2.f32 v8;
	v13 =	vadd.f32 v14, v13;
	v10 =	vadd.f32 v15, v10;
	v14 =	vpop (erf)  }
0x49a: {  	s24 =	simm.s32 $0xE;
	v12 =	vadd.s32 s25, v0;
	v18 =	vand.u32 $0x7F, v11;
	v16 =	vshll.u32 v11, $0x3;
	v15 =	vpop (erf)  }
0x49b: {  	s31 =	simm.s32 $0x9;
	v7 =	vadd.s32 s24, v0;
	v13 =	vadd.f32 v14, v13;
	v14 =	vadd.f32 v15, v10;
	v19 =	vpop (erf)  }
0x49c: {  	v11 =	vand.u32 $0x7F, v12;
	v17 =	vadd.s32 s31, v0;
	v10 =	vand.u32 $0x7F, v7;
	v20 =	vpop (erf)  }
0x49d: {  	s26 =	simm.s32 $0xB;
	s28 =	simm.s32 $0xC;
	s30 =	simm.s32 $0xA;
	v15 =	vshll.u32 v7, $0x3;
	v7 =	vshll.u32 v12, $0x3;
	v14 =	vadd.f32 v20, v14  }
0x49e: {  	s29 =	simm.s32 $0xD;
	v6 =	vadd.s32 s28, v0;
	v9 =	vadd.s32 s30, v0;
	v8 =	vadd.s32 s26, v0  }
0x49f: {  	v5 =	vadd.s32 s29, v0;
	v12 =	vand.u32 $0x7F, v17;
	v13 =	vadd.f32 v19, v13;
	v19 =	vpop (erf)  }
0x4a0: {  	v20 =	vand.u32 $0x400, v16;
	v16 =	vshll.u32 v17, $0x3;
	v17 =	vand.u32 $0x400, v7;
	v7 =	vpop (erf)  }
0x4a1: {  	s21 =	simm.s32 $0x10;
	v18 =	vor.u32 v18, v20;
	v13 =	vadd.f32 v19, v13;
	v7 =	vadd.f32 v7, v14;
	v14 =	vpop (erf)  }
.LBB2_16:
0x4a2: {  	p0 =	slt.u32 s21, $0xF8;
	v19 =	vor.u32 v1, v18;
	v15 =	vand.u32 $0x400, v15;
	v11 =	vor.u32 v11, v17;
	v17 =	vpop (erf)  }
0x4a3: {  	v18 =	vor.u32 v2, v18;
	v13 =	vadd.f32 v14, v13;
	v7 =	vadd.f32 v17, v7  }
0x4a4: {  	v14 =	vand.u32 $0x400, v16;
	v10 =	vor.u32 v10, v15;
	v15 =	vor.u32 v1, v11  }
0x4a5: {  	v12 =	vor.u32 v12, v14;
	v14 =	vshll.u32 v9, $0x3;
	v16 =	vor.u32 v1, v10  }
0x4a6: {  	v9 =	vand.u32 $0x7F, v9;
	v17 =	vor.u32 v1, v12;
	v14 =	vand.u32 $0x400, v14  }
0x4a7: {  	v12 =	vor.u32 v2, v12;
	v9 =	vor.u32 v9, v14;
	v14 =	vshll.u32 v8, $0x3;
	v19 =	vld.idx.msk [tilespmem:v19+s16+$0x0], $0xffff  }
0x4a8: {  	v8 =	vand.u32 $0x7F, v8;
	v20 =	vor.u32 v1, v9;
	v14 =	vand.u32 $0x400, v14;
	v18 =	vld.idx.msk [tilespmem:v18+s16+$0x0], $0xffff  }
0x4a9: {  	v9 =	vor.u32 v2, v9;
	v8 =	vor.u32 v8, v14;
	v14 =	vshll.u32 v6, $0x3;
	v15 =	vld.idx.msk [tilespmem:v15+s16+$0x0], $0xffff  }
0x4aa: {  	v6 =	vand.u32 $0x7F, v6;
	v21 =	vor.u32 v1, v8;
	v14 =	vand.u32 $0x400, v14;
	v16 =	vld.idx.msk [tilespmem:v16+s16+$0x0], $0xffff  }
0x4ab: {  	v8 =	vor.u32 v2, v8;
	v6 =	vor.u32 v6, v14;
	v14 =	vshll.u32 v5, $0x3;
	v17 =	vld.idx.msk [tilespmem:v17+s16+$0x0], $0xffff  }
0x4ac: {  	v5 =	vand.u32 $0x7F, v5;
	v22 =	vor.u32 v1, v6;
	v14 =	vand.u32 $0x400, v14;
	v12 =	vld.idx.msk [tilespmem:v12+s16+$0x0], $0xffff  }
0x4ad: {  	v11 =	vor.u32 v2, v11;
	v6 =	vor.u32 v2, v6;
	v5 =	vor.u32 v5, v14;
	v20 =	vld.idx.msk [tilespmem:v20+s16+$0x0], $0xffff  }
0x4ae: {  	v10 =	vor.u32 v2, v10;
	v14 =	vor.u32 v1, v5;
	v5 =	vor.u32 v2, v5;
	v9 =	vld.idx.msk [tilespmem:v9+s16+$0x0], $0xffff  }
0x4af: {  	v19 =	vmin.f32 v19, $8.000000000e+01;
	v18 =	vmin.f32 v18, $8.000000000e+01;
	v15 =	vmin.f32 v15, $8.000000000e+01;
	v21 =	vld.idx.msk [tilespmem:v21+s16+$0x0], $0xffff  }
0x4b0: {  	v19 =	vmul.f32 $1.442695020e+00, v19;
	v18 =	vmul.f32 $1.442695020e+00, v18;
	v16 =	vmin.f32 v16, $8.000000000e+01;
	v8 =	vld.idx.msk [tilespmem:v8+s16+$0x0], $0xffff  }
0x4b1: {  	v15 =	vmul.f32 $1.442695020e+00, v15;
	v17 =	vmin.f32 v17, $8.000000000e+01;
	v16 =	vmul.f32 $1.442695020e+00, v16;
	v22 =	vld.idx.msk [tilespmem:v22+s16+$0x0], $0xffff  }
0x4b2: {  	v17 =	vmul.f32 $1.442695020e+00, v17;
	v12 =	vmin.f32 v12, $8.000000000e+01;
	v6 =	vld.idx.msk [tilespmem:v6+s16+$0x0], $0xffff;
	(erf) = vpow2.f32 v19  }
0x4b3: {  	v12 =	vmul.f32 $1.442695020e+00, v12;
	v19 =	vmin.f32 v20, $8.000000000e+01;
	v14 =	vld.idx.msk [tilespmem:v14+s16+$0x0], $0xffff;
	(erf) = vpow2.f32 v18  }
0x4b4: {  	v18 =	vmul.f32 $1.442695020e+00, v19;
	v9 =	vmin.f32 v9, $8.000000000e+01;
	v5 =	vld.idx.msk [tilespmem:v5+s16+$0x0], $0xffff;
	(erf) = vpow2.f32 v17  }
0x4b5: {  	v9 =	vmul.f32 $1.442695020e+00, v9;
	v17 =	vmin.f32 v21, $8.000000000e+01;
	v10 =	vld.idx.msk [tilespmem:v10+s16+$0x0], $0xffff;
	(erf) = vpow2.f32 v12  }
0x4b6: {  	v12 =	vmul.f32 $1.442695020e+00, v17;
	v8 =	vmin.f32 v8, $8.000000000e+01;
	v11 =	vld.idx.msk [tilespmem:v11+s16+$0x0], $0xffff;
	(erf) = vpow2.f32 v18  }
0x4b7: {  	v8 =	vmul.f32 $1.442695020e+00, v8;
	v17 =	vmin.f32 v22, $8.000000000e+01;
	(erf) = vpow2.f32 v9  }
0x4b8: {  	v9 =	vmul.f32 $1.442695020e+00, v17;
	v6 =	vmin.f32 v6, $8.000000000e+01;
	(erf) = vpow2.f32 v12  }
0x4b9: {  	v6 =	vmul.f32 $1.442695020e+00, v6;
	v12 =	vmin.f32 v14, $8.000000000e+01;
	(erf) = vpow2.f32 v8  }
0x4ba: {  	v8 =	vmul.f32 $1.442695020e+00, v12;
	v5 =	vmin.f32 v5, $8.000000000e+01;
	(erf) = vpow2.f32 v9  }
0x4bb: {  	v5 =	vmul.f32 $1.442695020e+00, v5;
	v9 =	vmin.f32 v10, $8.000000000e+01;
	v10 =	vpop (erf);
	(erf) = vpow2.f32 v6  }
0x4bc: {  	v6 =	vmul.f32 $1.442695020e+00, v9;
	v12 =	vmin.f32 v11, $8.000000000e+01;
	v11 =	vpop (erf);
	(erf) = vpow2.f32 v8  }
0x4bd: {  	v8 =	vadd.f32 v10, v13;
	v7 =	vadd.f32 v11, v7;
	v10 =	vpop (erf);
	(erf) = vpow2.f32 v5  }
0x4be: {  	v11 =	vadd.s32 s21, v0;
	v5 =	vmul.f32 $1.442695020e+00, v12;
	v9 =	vpop (erf);
	(erf) = vpow2.f32 v16  }
0x4bf: {  	s22 =	sadd.s32 $0x6, s21;
	s23 =	sadd.s32 $0x7, s21;
	v8 =	vadd.f32 v10, v8;
	v7 =	vadd.f32 v9, v7;
	v9 =	vpop (erf);
	(erf) = vpow2.f32 v6  }
0x4c0: {  	v13 =	vadd.s32 s23, v0;
	v12 =	vadd.s32 s22, v0;
	v6 =	vpop (erf);
	(erf) = vpow2.f32 v15  }
0x4c1: {  	s24 =	sadd.s32 $0x5, s21;
	s23 =	sadd.s32 $0x4, s21;
	s22 =	sadd.s32 $0x3, s21;
	v10 =	vadd.f32 v9, v8;
	v7 =	vadd.f32 v6, v7;
	v14 =	vpop (erf);
	(erf) = vpow2.f32 v5  }
0x4c2: {  	s25 =	sadd.s32 $0x2, s21;
	v8 =	vadd.s32 s22, v0;
	v6 =	vadd.s32 s23, v0;
	v5 =	vadd.s32 s24, v0;
	v15 =	vpop (erf)  }
0x4c3: {  	s22 =	sadd.s32 $0x1, s21;
	v9 =	vadd.s32 s25, v0;
	v10 =	vadd.f32 v14, v10;
	v7 =	vadd.f32 v15, v7;
	v14 =	vpop (erf)  }
0x4c4: {  	v18 =	vand.u32 $0x7F, v11;
	v16 =	vshll.u32 v11, $0x3;
	v17 =	vadd.s32 s22, v0;
	v15 =	vpop (erf)  }
.Ltmp7:
0x4c5: {  	v11 =	vand.u32 $0x7F, v13;
	v14 =	vadd.f32 v14, v10;
	v7 =	vadd.f32 v15, v7;
	v19 =	vpop (erf);
	(pc) =	sbr.rel @p0 .LBB2_16-.Ltmp7, $4  }
0x4c6: {  	v13 =	vshll.u32 v13, $0x3;
	v10 =	vand.u32 $0x7F, v12;
	v15 =	vshll.u32 v12, $0x3;
	v20 =	vpop (erf)  }
0x4c7: {  	v12 =	vand.u32 $0x7F, v17;
	v22 =	vadd.f32 v19, v14;
	v7 =	vadd.f32 v20, v7;
	v19 =	vpop (erf)  }
0x4c8: {  	v20 =	vand.u32 $0x400, v16;
	v16 =	vshll.u32 v17, $0x3;
	v17 =	vand.u32 $0x400, v13;
	v21 =	vpop (erf)  }
0x4c9: {  	s21 =	sadd.s32 $0x8, s21;
	v18 =	vor.u32 v18, v20;
	v13 =	vadd.f32 v19, v22;
	v7 =	vadd.f32 v21, v7;
	v14 =	vpop (erf)  }
0x4ca: {  	v19 =	vor.u32 v1, v18;
	v15 =	vand.u32 $0x400, v15  }
0x4cb: {  	v11 =	vor.u32 v11, v17;
	v47 =	vor.u32 v2, v18;
	v16 =	vand.u32 $0x400, v16  }
0x4cc: {  	v48 =	vshll.u32 v9, $0x3;
	v51 =	vand.u32 $0x7F, v9;
	v10 =	vor.u32 v10, v15  }
0x4cd: {  	v20 =	vshll.u32 v8, $0x3;
	v12 =	vor.u32 v12, v16;
	v49 =	vor.u32 v1, v10  }
0x4ce: {  	v52 =	vand.u32 $0x7F, v8;
	v15 =	vand.u32 $0x400, v48;
	v50 =	vor.u32 v1, v12  }
0x4cf: {  	v56 =	vshll.u32 v6, $0x3;
	v12 =	vor.u32 v2, v12;
	v9 =	vor.u32 v51, v15  }
0x4d0: {  	v57 =	vand.u32 $0x7F, v6;
	v53 =	vand.u32 $0x400, v20;
	v54 =	vor.u32 v1, v9;
	v19 =	vld.idx.msk [tilespmem:v19+s16+$0x0], $0xffff  }
0x4d1: {  	v22 =	vshll.u32 v5, $0x3;
	v8 =	vor.u32 v52, v53;
	v9 =	vor.u32 v2, v9;
	v55 =	vld.idx.msk [tilespmem:v47+s16+$0x0], $0xffff  }
0x4d2: {  	v58 =	vand.u32 $0x7F, v5;
	v17 =	vand.u32 $0x400, v56;
	v21 =	vor.u32 v1, v8;
	v16 =	vld.idx.msk [tilespmem:v49+s16+$0x0], $0xffff  }
0x4d3: {  	v59 =	vand.u32 $0x400, v22;
	v6 =	vor.u32 v57, v17;
	v8 =	vor.u32 v2, v8;
	v18 =	vld.idx.msk [tilespmem:v50+s16+$0x0], $0xffff  }
0x4d4: {  	v13 =	vadd.f32 v14, v13;
	v61 =	vor.u32 v1, v11;
	v60 =	vor.u32 v1, v6;
	v12 =	vld.idx.msk [tilespmem:v12+s16+$0x0], $0xffff  }
0x4d5: {  	v11 =	vor.u32 v2, v11;
	v5 =	vor.u32 v58, v59;
	v6 =	vor.u32 v2, v6;
	v20 =	vld.idx.msk [tilespmem:v54+s16+$0x0], $0xffff  }
0x4d6: {  	v10 =	vor.u32 v2, v10;
	v62 =	vor.u32 v1, v5;
	v9 =	vld.idx.msk [tilespmem:v9+s16+$0x0], $0xffff;
	v19 =	vmin.f32 v19, $8.000000000e+01  }
0x4d7: {  	v5 =	vor.u32 v2, v5;
	v21 =	vld.idx.msk [tilespmem:v21+s16+$0x0], $0xffff;
	v15 =	vmin.f32 v55, $8.000000000e+01;
	v19 =	vmul.f32 $1.442695020e+00, v19  }
0x4d8: {  	v8 =	vld.idx.msk [tilespmem:v8+s16+$0x0], $0xffff;
	v15 =	vmul.f32 $1.442695020e+00, v15;
	v16 =	vmin.f32 v16, $8.000000000e+01;
	v18 =	vmin.f32 v18, $8.000000000e+01  }
0x4d9: {  	v14 =	vld.idx.msk [tilespmem:v60+s16+$0x0], $0xffff;
	v12 =	vmin.f32 v12, $8.000000000e+01;
	v18 =	vmul.f32 $1.442695020e+00, v18;
	(erf) = vpow2.f32 v19  }
0x4da: {  	v6 =	vld.idx.msk [tilespmem:v6+s16+$0x0], $0xffff;
	v12 =	vmul.f32 $1.442695020e+00, v12;
	v63 =	vmin.f32 v20, $8.000000000e+01;
	(erf) = vpow2.f32 v15  }
0x4db: {  	v22 =	vld.idx.msk [tilespmem:v62+s16+$0x0], $0xffff;
	v9 =	vmin.f32 v9, $8.000000000e+01;
	v19 =	vmul.f32 $1.442695020e+00, v63;
	(erf) = vpow2.f32 v18  }
0x4dc: {  	v5 =	vld.idx.msk [tilespmem:v5+s16+$0x0], $0xffff;
	v23 =	vmin.f32 v21, $8.000000000e+01;
	v9 =	vmul.f32 $1.442695020e+00, v9;
	(erf) = vpow2.f32 v12  }
0x4dd: {  	v10 =	vld.idx.msk [tilespmem:v10+s16+$0x0], $0xffff;
	v8 =	vmin.f32 v8, $8.000000000e+01;
	v24 =	vmul.f32 $1.442695020e+00, v23;
	(erf) = vpow2.f32 v19  }
0x4de: {  	v14 =	vmin.f32 v14, $8.000000000e+01;
	v8 =	vmul.f32 $1.442695020e+00, v8;
	(erf) = vpow2.f32 v9  }
0x4df: {  	v25 =	vld.idx.msk [tilespmem:v61+s16+$0x0], $0xffff;
	v6 =	vmin.f32 v6, $8.000000000e+01;
	v14 =	vmul.f32 $1.442695020e+00, v14;
	(erf) = vpow2.f32 v24  }
0x4e0: {  	v26 =	vmin.f32 v22, $8.000000000e+01;
	v6 =	vmul.f32 $1.442695020e+00, v6;
	(erf) = vpow2.f32 v8  }
0x4e1: {  	v27 =	vpop (erf);
	v5 =	vmin.f32 v5, $8.000000000e+01;
	v12 =	vmul.f32 $1.442695020e+00, v26;
	(erf) = vpow2.f32 v14  }
0x4e2: {  	v29 =	vmin.f32 v10, $8.000000000e+01;
	v5 =	vmul.f32 $1.442695020e+00, v5;
	v28 =	vpop (erf);
	(erf) = vpow2.f32 v6  }
0x4e3: {  	v16 =	vmul.f32 $1.442695020e+00, v16;
	v30 =	vpop (erf);
	(erf) = vpow2.f32 v12;
	v31 =	vadd.f32 v28, v13  }
0x4e4: {  	v9 =	vmin.f32 v25, $8.000000000e+01;
	v6 =	vmul.f32 $1.442695020e+00, v29;
	v32 =	vpop (erf);
	(erf) = vpow2.f32 v5  }
0x4e5: {  	v33 =	vmul.f32 $1.442695020e+00, v9;
	v34 =	vpop (erf);
	(erf) = vpow2.f32 v16;
	v12 =	vadd.f32 v32, v31  }
0x4e6: {  	v35 =	vpop (erf);
	(erf) = vpow2.f32 v6  }
0x4e7: {  	v36 =	vpop (erf);
	(erf) = vpow2.f32 v33;
	v37 =	vadd.f32 v35, v12  }
0x4e8: {  	v38 =	vpop (erf)  }
0x4e9: {  	v11 =	vld.idx.msk [tilespmem:v11+s16+$0x0], $0xffff;
	v39 =	vpop (erf);
	v5 =	vadd.f32 v38, v37  }
0x4ea: {  	v40 =	vpop (erf)  }
0x4eb: {  	v7 =	vadd.f32 v27, v7;
	v41 =	vpop (erf);
	v5 =	vadd.f32 v40, v5  }
0x4ec: {  	v42 =	vpop (erf)  }
0x4ed: {  	v7 =	vadd.f32 v30, v7;
	v43 =	vpop (erf);
	v5 =	vadd.f32 v42, v5  }
0x4ee: {  	v45 =	vmin.f32 v11, $8.000000000e+01;
	v44 =	vpop (erf)  }
0x4ef: {  	v47 =	vmul.f32 $1.442695020e+00, v45;
	v7 =	vadd.f32 v34, v7;
	v46 =	vpop (erf);
	v5 =	vadd.f32 v44, v5  }
0x4f0: {  	v48 =	vpop (erf)  }
0x4f1: {  	v6 =	vadd.f32 v36, v7;
	(erf) = vpow2.f32 v47;
	v5 =	vadd.f32 v48, v5;
	_ =	sdelay $0x1  }
0x4f2: {  	v6 =	vadd.f32 v39, v6;
	v49 =	vand.u32 $0x7FFFFF, v5  }
0x4f3: {  	v7 =	vor.u32 $0x3F800000, v49  }
0x4f4: {  	v6 =	vadd.f32 v41, v6;
	v7 =	vadd.f32 $-1.000000000e+00, v7;
	_ =	sdelay $0x1  }
0x4f5: {  	v6 =	vadd.f32 v43, v6;
	v50 =	vmul.f32 $3.010262550e-02, v7  }
0x4f6: {  	v51 =	vld [tilespmem:$0x4380]  }
0x4f7: {  	v6 =	vadd.f32 v46, v6;
	v8 =	vadd.f32 $-1.301194130e-01, v50  }
0x4f8: {  	v52 =	vpop (erf)  }
0x4f9: {  	v6 =	vadd.f32 v52, v6;
	v8 =	vmul.f32 v8, v7;
	_ =	sdelay $0x1  }
0x4fa: {  	v53 =	vshll.u32 v51, $0x3;
	v10 =	vand.u32 $0x7FFFFF, v6;
	v8 =	vadd.f32 $2.833043340e-01, v8  }
0x4fb: {  	v11 =	vand.u32 $0xFFFFFC00, v53;
	v9 =	vand.u32 $0x7F, v51;
	v10 =	vor.u32 $0x3F800000, v10  }
0x4fc: {  	v9 =	vor.u32 v9, v11;
	v10 =	vadd.f32 $-1.000000000e+00, v10;
	v8 =	vmul.f32 v8, v7  }
0x4fd: {  	v9 =	vadd.s32 v1, v9  }
0x4fe: {  	v54 =	vmul.f32 $3.010262550e-02, v10;
	v8 =	vadd.f32 $-4.891568420e-01, v8;
	_ =	sdelay $0x1  }
0x4ff: {  	v55 =	vld [tilespmem:$0x4390];
	v5 =	vshrl.u32 v5, $0x17;
	v11 =	vadd.f32 $-1.301194130e-01, v54;
	v8 =	vmul.f32 v8, v7  }
0x500: {  	v5 =	vand.u32 $0xFF, v5  }
0x501: {  	v56 =	vld.idx.msk [tilespmem:v9+s16+$0x0], $0xffff;
	v5 =	vadd.s32 $0xFFFFFF81, v5;
	v11 =	vmul.f32 v11, v10;
	v8 =	vadd.f32 $9.990104430e-01, v8  }
0x502: {  	v5 =	vcvt.s32.f32 v5  }
0x503: {  	v57 =	vadd.f32 $2.833043340e-01, v11;
	v7 =	vmul.f32 v8, v7  }
0x504: {  	v58 =	vshll.u32 v55, $0x3;
	v12 =	vand.u32 $0x7F, v55;
	v5 =	vmul.f32 $6.931471820e-01, v5  }
0x505: {  	v11 =	vand.u32 $0xFFFFFC00, v58;
	v9 =	vmul.f32 v57, v10;
	v7 =	vadd.f32 $2.211703030e-05, v7  }
0x506: {  	v4 =	vadd.f32 v56, v4;
	v59 =	vor.u32 v12, v11  }
0x507: {  	v60 =	vadd.f32 $-4.891568420e-01, v9;
	v5 =	vadd.f32 v7, v5;
	v7 =	vadd.s32 v2, v59;
	_ =	sdelay $0x1  }
0x508: {  	v61 =	vmul.f32 v60, v10;
	v4 =	vsub.f32 v4, v5  }
0x509: {  	v6 =	vshrl.u32 v6, $0x17  }
0x50a: {  	v62 =	vand.u32 $0xFF, v6;
	v5 =	vadd.f32 $9.990104430e-01, v61;
	[tilespmem:$0x4400] =	vst v4  }
0x50b: {  	v4 =	vadd.s32 $0xFFFFFF81, v62;
	v63 =	vld.idx.msk [tilespmem:v7+s16+$0x0], $0xffff  }
0x50c: {  	v5 =	vmul.f32 v5, v10;
	v4 =	vcvt.s32.f32 v4;
	_ =	sdelay $0x1  }
0x50d: {  	v5 =	vadd.f32 $2.211703030e-05, v5;
	v4 =	vmul.f32 $6.931471820e-01, v4;
	_ =	sdelay $0x1  }
0x50e: {  	v4 =	vadd.f32 v5, v4;
	v3 =	vadd.f32 v63, v3;
	_ =	sdelay $0x1  }
0x50f: {  	s20 =	sadd.s32 $0x1, s20;
	v3 =	vsub.f32 v3, v4  }
0x510: {  	p0 =	sne.s32 s20, s13  }
.Ltmp8:
0x511: {  	[tilespmem:$0x4410] =	vst v3;
	(pc) =	sbr.rel @p0 .LBB2_1-.Ltmp8, $4  }
0x512: {  	[hbm4b:s12+s2] =	stream.linear.scatter [tilespmem:s19], [sflag:$0x3], $0x20, $0x38;
	[tilespmem:$0x4480] =	vst v63  }
0x513: {  	_ =	swait.ge [sflag:s15], $0x20  }
0x514: {  	[sflag:s15] =	ssyncset.done $0x0  }
0x515: {  	[sflag:s15] =	ssyncadd.s32 $0xFFFFFFE0  }
0x516: {  	_ =	sfence.sel $0x180000  }
0x517: {  	[bflag:$0x0] =	sbarrier.arrive $0xFFFF  }
0x518: {  	p0 =	sne.s32 s0, $0x0;
	_ =	strace $0x90000047  }
0x519: {  	s0 =	sadd.s32 @!p0 $0x100000, s1;
	[bflag:$0x2] =	sbarrier.arrive $0xFFFF  }
0x51a: {  	[sflag:s0] =	ssyncadd.tile.s32 @!p0 $0x1;
	_ =	shalt  }
.Lfunc_end2:
_tile_overlayer_lowered:
.L_overlay_start_2:
0x51b: {  	(tag) =	ssettag $0x2  }
0x51c: {  	s0 =	rddreg [dreg:$0x0];
	s2 =	stileid.u32  }
0x51d: {  	s1 =	rddreg [dreg:$0x1];
	p0 =	sne.s32 s2, $0x0  }
0x51e: {  	s3 =	rddreg [dreg:$0x2];
	[bflag:$0x3] =	sbarrier.arrive $0xFFFF;
	s2 =	simm.s32 @!p0 $0x1C03  }
0x51f: {  	[timem:s3], [sflag:s2] =	dma.local @!p0 [hbm:s0], s1  }
0x520: {  	s0 =	simm.s32 @!p0 $0x3  }
0x521: {  	_ =	swait.ge @!p0 [sflag:s0], s1  }
0x522: {  	s1 =	ssub.s32 @!p0 $0x0, s1;
	[sflag:s0] =	ssyncset.done @!p0 $0x0  }
0x523: {  	[sflag:s0] =	ssyncadd.s32 @!p0 s1  }
0x524: {  	[bflag:$0x3] =	sbarrier.arrive $0xFFFF  }
0x525: {  	_ =	shalt  }

</sc_bundles>
